<compile_context>
chip_gen: v7x
topology: tpu7x:2x2x1
jax: 0.10.2.dev20260603
libtpu: 0.0.44.dev20260713+nightly
codegen_flags: <defaults>
</compile_context>

<pallas_src>
import jax
import jax.numpy as jnp
import numpy as np
from jax import lax
from jax.experimental import pallas as pl
from jax.experimental.pallas import tpu as pltpu
from jax.experimental.pallas import tpu_sc as plsc

_H = 224
_W = 224
_N = _H * _W
_B = 64
_L = 128
_LANE = 16

_IDX_NP = np.linspace(0, _N - 1, _L).astype(np.int64)
_SEG = tuple(int(s) for s in (_IDX_NP // _LANE) * _LANE)
_OFF16 = tuple(int(o) for o in (_IDX_NP % _LANE))
_PACK = 128 // _LANE
_AUX_ROWS = _L // _PACK

_NC = 2
_NS = 16
_NW = _NC * _NS
_ROWS_PER_TILE = _B // _NW

_ROWS_PER_STEP = 8


def _stats_body(x_ref, glob_ref, aux_ref, stats_ref):
    x = x_ref[...].reshape(_ROWS_PER_STEP, _H, _W)
    flat = x.reshape(_ROWS_PER_STEP, _N)
    glob_ref[...] = flat
    for j in range(_L):
        aux_ref[:, j // _PACK, (j % _PACK) * _LANE:(j % _PACK + 1) * _LANE] = (
            flat[:, _SEG[j]:_SEG[j] + _LANE])
    s = jnp.sum(flat, axis=1, keepdims=True)
    ss = jnp.sum(flat * flat, axis=1, keepdims=True)
    inv_n = np.float32(1.0 / _N)
    mean = s * inv_n
    energy = ss * inv_n
    var = (ss - s * s * inv_n) * np.float32(1.0 / (_N - 1))
    std = jnp.sqrt(var)
    stats_ref[...] = jnp.concatenate([mean, std, energy], axis=1)


_stats_call = pl.pallas_call(
    _stats_body,
    grid=(_B // _ROWS_PER_STEP,),
    in_specs=[pl.BlockSpec((_ROWS_PER_STEP, 1, _H, _W), lambda i: (i, 0, 0, 0))],
    out_specs=[
        pl.BlockSpec((_ROWS_PER_STEP, _N), lambda i: (i, 0)),
        pl.BlockSpec((_ROWS_PER_STEP, _AUX_ROWS, 128), lambda i: (i, 0, 0)),
        pl.BlockSpec((_ROWS_PER_STEP, 3), lambda i: (i, 0)),
    ],
    out_shape=[
        jax.ShapeDtypeStruct((_B, _N), jnp.float32),
        jax.ShapeDtypeStruct((_B, _AUX_ROWS, 128), jnp.float32),
        jax.ShapeDtypeStruct((_B, 3), jnp.float32),
    ],
)


def _gather_body(aux_ref, out_ref, rows_v, out_v):
    wid = lax.axis_index("s") * _NC + lax.axis_index("c")
    lane = lax.iota(jnp.int32, _LANE)
    for r in range(_ROWS_PER_TILE):
        b = wid * _ROWS_PER_TILE + r
        pltpu.sync_copy(aux_ref.at[pl.ds(b * _AUX_ROWS, _AUX_ROWS)], rows_v)
        for k in range(_L // _LANE):
            acc = jnp.zeros((_LANE,), jnp.float32)
            for i in range(_LANE):
                j = k * _LANE + i
                v = rows_v[j // _PACK, pl.ds((j % _PACK) * _LANE, _LANE)]
                s = v[_OFF16[j]]
                acc = jnp.where(lane == i, s, acc)
            out_v[pl.ds(k * _LANE, _LANE)] = acc
        pltpu.sync_copy(out_v, out_ref.at[b])


_SC_GATHER_CACHE = []


def _sc_gather_fn():
    if not _SC_GATHER_CACHE:
        _SC_GATHER_CACHE.append(pl.kernel(
            _gather_body,
            out_type=jax.ShapeDtypeStruct((_B, _L), jnp.float32),
            mesh=plsc.VectorSubcoreMesh(core_axis_name="c", subcore_axis_name="s"),
            scratch_types=[
                pltpu.VMEM((_AUX_ROWS, 128), jnp.float32),
                pltpu.VMEM((_L,), jnp.float32),
            ],
        ))
    return _SC_GATHER_CACHE[0]


def kernel(u):
    u_global, aux, u_stats = _stats_call(u)
    u_local = _sc_gather_fn()(aux.reshape(_B * _AUX_ROWS, 128))
    return (u_global, u_local, u_stats)

# --- scband reference (transcript-rebuilt; emitter-appended) ---
"""Pipeline reference for scband-deep-onet-feature-extractor2-d-87127706567065 (READ-ONLY COPY).

The authoritative reference and input builder live on the scoring server;
editing this copy changes nothing except your own understanding.
"""

import jax, jax.numpy as jnp
import numpy as np

H = 224
W = 224
N = H * W
L = 128
IDX = jnp.asarray(np.linspace(0, N - 1, L).astype(np.int64))


def setup_inputs(seed: int = 0) -> dict:
    key = jax.random.key(seed)
    u = jax.random.normal(key, (64, 1, H, W), dtype=jnp.float32)
    return {"u": u}


def reference(u):
    B = u.shape[0]
    u_flat = u.reshape(B, -1)
    u_global = u_flat
    u_local = jnp.take(u_flat, IDX, axis=1)
    mean = jnp.mean(u_flat, axis=1, keepdims=True)
    std = jnp.std(u_flat, axis=1, ddof=1, keepdims=True)
    energy = jnp.mean(u_flat ** 2, axis=1, keepdims=True)
    u_stats = jnp.concatenate([mean, std, energy], axis=1)
    return (u_global, u_local, u_stats)

if __name__ == "__main__":
    import jax
    _d = setup_inputs()
    print(jax.jit(kernel)(*tuple(_d.values())))

</pallas_src>

<mosaic_0001>
#map = affine_map<(d0, d1) -> (0, 0)>
module attributes {stable_mosaic.version = 14 : i64} {
  func.func @_gather_body(%arg0: i32, %arg1: i32, %arg2: memref<1024x128xf32, #tpu.memory_space<hbm>>, %arg3: memref<64x128xf32, #tpu.memory_space<hbm>>, %arg4: memref<16x128xf32, #tpu.memory_space<vmem>>, %arg5: memref<128xf32, #tpu.memory_space<vmem>>) attributes {dimension_semantics = [#tpu.dimension_semantics<core_parallel>, #tpu.dimension_semantics<subcore_parallel>], iteration_bounds = array<i64: 2, 16>, scalar_prefetch = 0 : i64, scratch_operands = 2 : i64, tpu.core_type = #tpu.core_type<sc_vector_subcore>, window_params = [{transform_indices = #map}, {transform_indices = #map}]} {
    %mul3A = arith.constant 2 : i32
    %mul3A_0 = arith.muli %arg1, %mul3A : i32
    %add3A = arith.addi %mul3A_0, %arg0 : i32
    %iota3A = tpu.iota {dimensions = array<i32: 0>} : vector<16xi32>
    %mul3A_1 = arith.constant 2 : i32
    %mul3A_2 = arith.muli %add3A, %mul3A_1 : i32
    %add3A_3 = arith.constant 0 : i32
    %add3A_4 = arith.addi %mul3A_2, %add3A_3 : i32
    %mul3A_5 = arith.constant 16 : i32
    %mul3A_6 = arith.muli %add3A_4, %mul3A_5 : i32
    "tpu.region"() ({
      %run_scoped3A = tpu.sem_alloc : memref<!tpu.dma_semaphore, #tpu.memory_space<semaphore_mem>>
      %dma_start3A = arith.constant 0 : i32
      %dma_start3A_3174 = tpu.memref_slice %arg2[%mul3A_6, %dma_start3A] : memref<1024x128xf32, #tpu.memory_space<hbm>> -> memref<16x128xf32, #tpu.memory_space<hbm>>
      %dma_start3A_3175 = arith.constant 0 : i32
      %dma_start3A_3176 = tpu.memref_slice %arg2[%mul3A_6, %dma_start3A_3175] : memref<1024x128xf32, #tpu.memory_space<hbm>> -> memref<16x128xf32, #tpu.memory_space<hbm>>
      tpu.enqueue_dma source(%dma_start3A_3176 : memref<16x128xf32, #tpu.memory_space<hbm>>) target(%arg4 : memref<16x128xf32, #tpu.memory_space<vmem>>) target_semaphore(%run_scoped3A : memref<!tpu.dma_semaphore, #tpu.memory_space<semaphore_mem>>)
      %dma_wait3A = arith.constant 0 : i32
      %dma_wait3A_3177 = tpu.memref_slice %arg2[%mul3A_6, %dma_wait3A] : memref<1024x128xf32, #tpu.memory_space<hbm>> -> memref<16x128xf32, #tpu.memory_space<hbm>>
      %dma_wait3A_3178 = arith.constant 0 : i32
      %dma_wait3A_3179 = tpu.memref_slice %arg2[%mul3A_6, %dma_wait3A_3178] : memref<1024x128xf32, #tpu.memory_space<hbm>> -> memref<16x128xf32, #tpu.memory_space<hbm>>
      tpu.wait_dma2 semaphore(%run_scoped3A : memref<!tpu.dma_semaphore, #tpu.memory_space<semaphore_mem>>) src(%dma_wait3A_3179 : memref<16x128xf32, #tpu.memory_space<hbm>>) dst(%arg4 : memref<16x128xf32, #tpu.memory_space<vmem>>)
      tpu.yield
    }) : () -> ()
    %broadcast_in_dim3A = arith.constant 0.000000e+00 : f32
    %broadcast_in_dim3A_7 = vector.broadcast %broadcast_in_dim3A : f32 to vector<16xf32>
    %get3A = arith.constant 0 : i32
    %get3A_8 = arith.index_cast %get3A : i32 to index
    %get3A_9 = arith.constant 0 : index
    %get3A_10 = tpu.vector_load %arg4[%get3A_8, %get3A_9] {strides = array<i32>} : memref<16x128xf32, #tpu.memory_space<vmem>>, vector<1x16xf32>,
    %get3A_11 = vector.shape_cast %get3A_10 : vector<1x16xf32> to vector<16xf32>
    %slice3A = vector.extract_strided_slice %get3A_11 {offsets = [0], sizes = [1], strides = [1]} : vector<16xf32> to vector<1xf32>
    %squeeze3A = vector.extract %slice3A[0] : f32 from vector<1xf32>
    %eq3A = arith.constant 0 : i32
    %eq3A_12 = vector.broadcast %eq3A : i32 to vector<16xi32>
    %eq3A_13 = arith.cmpi eq, %iota3A, %eq3A_12 : vector<16xi32>
    %broadcast_in_dim3A_14 = vector.broadcast %squeeze3A : f32 to vector<16xf32>
    %select_n3A = arith.select %eq3A_13, %broadcast_in_dim3A_14, %broadcast_in_dim3A_7 : vector<16xi1>, vector<16xf32>
    %get3A_15 = arith.constant 0 : i32
    %get3A_16 = arith.index_cast %get3A_15 : i32 to index
    %get3A_17 = arith.constant 16 : index
    %get3A_18 = tpu.vector_load %arg4[%get3A_16, %get3A_17] {strides = array<i32>} : memref<16x128xf32, #tpu.memory_space<vmem>>, vector<1x16xf32>,
    %get3A_19 = vector.shape_cast %get3A_18 : vector<1x16xf32> to vector<16xf32>
    %slice3A_20 = vector.extract_strided_slice %get3A_19 {offsets = [11], sizes = [1], strides = [1]} : vector<16xf32> to vector<1xf32>
    %squeeze3A_21 = vector.extract %slice3A_20[0] : f32 from vector<1xf32>
    %eq3A_22 = arith.constant 1 : i32
    %eq3A_23 = vector.broadcast %eq3A_22 : i32 to vector<16xi32>
    %eq3A_24 = arith.cmpi eq, %iota3A, %eq3A_23 : vector<16xi32>
    %broadcast_in_dim3A_25 = vector.broadcast %squeeze3A_21 : f32 to vector<16xf32>
    %select_n3A_26 = arith.select %eq3A_24, %broadcast_in_dim3A_25, %select_n3A : vector<16xi1>, vector<16xf32>
    %get3A_27 = arith.constant 0 : i32
    %get3A_28 = arith.index_cast %get3A_27 : i32 to index
    %get3A_29 = arith.constant 32 : index
    %get3A_30 = tpu.vector_load %arg4[%get3A_28, %get3A_29] {strides = array<i32>} : memref<16x128xf32, #tpu.memory_space<vmem>>, vector<1x16xf32>,
    %get3A_31 = vector.shape_cast %get3A_30 : vector<1x16xf32> to vector<16xf32>
    %slice3A_32 = vector.extract_strided_slice %get3A_31 {offsets = [6], sizes = [1], strides = [1]} : vector<16xf32> to vector<1xf32>
    %squeeze3A_33 = vector.extract %slice3A_32[0] : f32 from vector<1xf32>
    %eq3A_34 = arith.constant 2 : i32
    %eq3A_35 = vector.broadcast %eq3A_34 : i32 to vector<16xi32>
    %eq3A_36 = arith.cmpi eq, %iota3A, %eq3A_35 : vector<16xi32>
    %broadcast_in_dim3A_37 = vector.broadcast %squeeze3A_33 : f32 to vector<16xf32>
    %select_n3A_38 = arith.select %eq3A_36, %broadcast_in_dim3A_37, %select_n3A_26 : vector<16xi1>, vector<16xf32>
    %get3A_39 = arith.constant 0 : i32
    %get3A_40 = arith.index_cast %get3A_39 : i32 to index
    %get3A_41 = arith.constant 48 : index
    %get3A_42 = tpu.vector_load %arg4[%get3A_40, %get3A_41] {strides = array<i32>} : memref<16x128xf32, #tpu.memory_space<vmem>>, vector<1x16xf32>,
    %get3A_43 = vector.shape_cast %get3A_42 : vector<1x16xf32> to vector<16xf32>
    %slice3A_44 = vector.extract_strided_slice %get3A_43 {offsets = [1], sizes = [1], strides = [1]} : vector<16xf32> to vector<1xf32>
    %squeeze3A_45 = vector.extract %slice3A_44[0] : f32 from vector<1xf32>
    %eq3A_46 = arith.constant 3 : i32
    %eq3A_47 = vector.broadcast %eq3A_46 : i32 to vector<16xi32>
    %eq3A_48 = arith.cmpi eq, %iota3A, %eq3A_47 : vector<16xi32>
    %broadcast_in_dim3A_49 = vector.broadcast %squeeze3A_45 : f32 to vector<16xf32>
    %select_n3A_50 = arith.select %eq3A_48, %broadcast_in_dim3A_49, %select_n3A_38 : vector<16xi1>, vector<16xf32>
    %get3A_51 = arith.constant 0 : i32
    %get3A_52 = arith.index_cast %get3A_51 : i32 to index
    %get3A_53 = arith.constant 64 : index
    %get3A_54 = tpu.vector_load %arg4[%get3A_52, %get3A_53] {strides = array<i32>} : memref<16x128xf32, #tpu.memory_space<vmem>>, vector<1x16xf32>,
    %get3A_55 = vector.shape_cast %get3A_54 : vector<1x16xf32> to vector<16xf32>
    %slice3A_56 = vector.extract_strided_slice %get3A_55 {offsets = [12], sizes = [1], strides = [1]} : vector<16xf32> to vector<1xf32>
    %squeeze3A_57 = vector.extract %slice3A_56[0] : f32 from vector<1xf32>
    %eq3A_58 = arith.constant 4 : i32
    %eq3A_59 = vector.broadcast %eq3A_58 : i32 to vector<16xi32>
    %eq3A_60 = arith.cmpi eq, %iota3A, %eq3A_59 : vector<16xi32>
    %broadcast_in_dim3A_61 = vector.broadcast %squeeze3A_57 : f32 to vector<16xf32>
    %select_n3A_62 = arith.select %eq3A_60, %broadcast_in_dim3A_61, %select_n3A_50 : vector<16xi1>, vector<16xf32>
    %get3A_63 = arith.constant 0 : i32
    %get3A_64 = arith.index_cast %get3A_63 : i32 to index
    %get3A_65 = arith.constant 80 : index
    %get3A_66 = tpu.vector_load %arg4[%get3A_64, %get3A_65] {strides = array<i32>} : memref<16x128xf32, #tpu.memory_space<vmem>>, vector<1x16xf32>,
    %get3A_67 = vector.shape_cast %get3A_66 : vector<1x16xf32> to vector<16xf32>
    %slice3A_68 = vector.extract_strided_slice %get3A_67 {offsets = [7], sizes = [1], strides = [1]} : vector<16xf32> to vector<1xf32>
    %squeeze3A_69 = vector.extract %slice3A_68[0] : f32 from vector<1xf32>
    %eq3A_70 = arith.constant 5 : i32
    %eq3A_71 = vector.broadcast %eq3A_70 : i32 to vector<16xi32>
    %eq3A_72 = arith.cmpi eq, %iota3A, %eq3A_71 : vector<16xi32>
    %broadcast_in_dim3A_73 = vector.broadcast %squeeze3A_69 : f32 to vector<16xf32>
    %select_n3A_74 = arith.select %eq3A_72, %broadcast_in_dim3A_73, %select_n3A_62 : vector<16xi1>, vector<16xf32>
    %get3A_75 = arith.constant 0 : i32
    %get3A_76 = arith.index_cast %get3A_75 : i32 to index
    %get3A_77 = arith.constant 96 : index
    %get3A_78 = tpu.vector_load %arg4[%get3A_76, %get3A_77] {strides = array<i32>} : memref<16x128xf32, #tpu.memory_space<vmem>>, vector<1x16xf32>,
    %get3A_79 = vector.shape_cast %get3A_78 : vector<1x16xf32> to vector<16xf32>
    %slice3A_80 = vector.extract_strided_slice %get3A_79 {offsets = [2], sizes = [1], strides = [1]} : vector<16xf32> to vector<1xf32>
    %squeeze3A_81 = vector.extract %slice3A_80[0] : f32 from vector<1xf32>
    %eq3A_82 = arith.constant 6 : i32
    %eq3A_83 = vector.broadcast %eq3A_82 : i32 to vector<16xi32>
    %eq3A_84 = arith.cmpi eq, %iota3A, %eq3A_83 : vector<16xi32>
    %broadcast_in_dim3A_85 = vector.broadcast %squeeze3A_81 : f32 to vector<16xf32>
    %select_n3A_86 = arith.select %eq3A_84, %broadcast_in_dim3A_85, %select_n3A_74 : vector<16xi1>, vector<16xf32>
    %get3A_87 = arith.constant 0 : i32
    %get3A_88 = arith.index_cast %get3A_87 : i32 to index
    %get3A_89 = arith.constant 112 : index
    %get3A_90 = tpu.vector_load %arg4[%get3A_88, %get3A_89] {strides = array<i32>} : memref<16x128xf32, #tpu.memory_space<vmem>>, vector<1x16xf32>,
    %get3A_91 = vector.shape_cast %get3A_90 : vector<1x16xf32> to vector<16xf32>
    %slice3A_92 = vector.extract_strided_slice %get3A_91 {offsets = [13], sizes = [1], strides = [1]} : vector<16xf32> to vector<1xf32>
    %squeeze3A_93 = vector.extract %slice3A_92[0] : f32 from vector<1xf32>
    %eq3A_94 = arith.constant 7 : i32
    %eq3A_95 = vector.broadcast %eq3A_94 : i32 to vector<16xi32>
    %eq3A_96 = arith.cmpi eq, %iota3A, %eq3A_95 : vector<16xi32>
    %broadcast_in_dim3A_97 = vector.broadcast %squeeze3A_93 : f32 to vector<16xf32>
    %select_n3A_98 = arith.select %eq3A_96, %broadcast_in_dim3A_97, %select_n3A_86 : vector<16xi1>, vector<16xf32>
    %get3A_99 = arith.constant 1 : i32
    %get3A_100 = arith.index_cast %get3A_99 : i32 to index
    %get3A_101 = arith.constant 0 : index
    %get3A_102 = tpu.vector_load %arg4[%get3A_100, %get3A_101] {strides = array<i32>} : memref<16x128xf32, #tpu.memory_space<vmem>>, vector<1x16xf32>,
    %get3A_103 = vector.shape_cast %get3A_102 : vector<1x16xf32> to vector<16xf32>
    %slice3A_104 = vector.extract_strided_slice %get3A_103 {offsets = [8], sizes = [1], strides = [1]} : vector<16xf32> to vector<1xf32>
    %squeeze3A_105 = vector.extract %slice3A_104[0] : f32 from vector<1xf32>
    %eq3A_106 = arith.constant 8 : i32
    %eq3A_107 = vector.broadcast %eq3A_106 : i32 to vector<16xi32>
    %eq3A_108 = arith.cmpi eq, %iota3A, %eq3A_107 : vector<16xi32>
    %broadcast_in_dim3A_109 = vector.broadcast %squeeze3A_105 : f32 to vector<16xf32>
    %select_n3A_110 = arith.select %eq3A_108, %broadcast_in_dim3A_109, %select_n3A_98 : vector<16xi1>, vector<16xf32>
    %get3A_111 = arith.constant 1 : i32
    %get3A_112 = arith.index_cast %get3A_111 : i32 to index
    %get3A_113 = arith.constant 16 : index
    %get3A_114 = tpu.vector_load %arg4[%get3A_112, %get3A_113] {strides = array<i32>} : memref<16x128xf32, #tpu.memory_space<vmem>>, vector<1x16xf32>,
    %get3A_115 = vector.shape_cast %get3A_114 : vector<1x16xf32> to vector<16xf32>
    %slice3A_116 = vector.extract_strided_slice %get3A_115 {offsets = [3], sizes = [1], strides = [1]} : vector<16xf32> to vector<1xf32>
    %squeeze3A_117 = vector.extract %slice3A_116[0] : f32 from vector<1xf32>
    %eq3A_118 = arith.constant 9 : i32
    %eq3A_119 = vector.broadcast %eq3A_118 : i32 to vector<16xi32>
    %eq3A_120 = arith.cmpi eq, %iota3A, %eq3A_119 : vector<16xi32>
    %broadcast_in_dim3A_121 = vector.broadcast %squeeze3A_117 : f32 to vector<16xf32>
    %select_n3A_122 = arith.select %eq3A_120, %broadcast_in_dim3A_121, %select_n3A_110 : vector<16xi1>, vector<16xf32>
    %get3A_123 = arith.constant 1 : i32
    %get3A_124 = arith.index_cast %get3A_123 : i32 to index
    %get3A_125 = arith.constant 32 : index
    %get3A_126 = tpu.vector_load %arg4[%get3A_124, %get3A_125] {strides = array<i32>} : memref<16x128xf32, #tpu.memory_space<vmem>>, vector<1x16xf32>,
    %get3A_127 = vector.shape_cast %get3A_126 : vector<1x16xf32> to vector<16xf32>
    %slice3A_128 = vector.extract_strided_slice %get3A_127 {offsets = [14], sizes = [1], strides = [1]} : vector<16xf32> to vector<1xf32>
    %squeeze3A_129 = vector.extract %slice3A_128[0] : f32 from vector<1xf32>
    %eq3A_130 = arith.constant 10 : i32
    %eq3A_131 = vector.broadcast %eq3A_130 : i32 to vector<16xi32>
    %eq3A_132 = arith.cmpi eq, %iota3A, %eq3A_131 : vector<16xi32>
    %broadcast_in_dim3A_133 = vector.broadcast %squeeze3A_129 : f32 to vector<16xf32>
    %select_n3A_134 = arith.select %eq3A_132, %broadcast_in_dim3A_133, %select_n3A_122 : vector<16xi1>, vector<16xf32>
    %get3A_135 = arith.constant 1 : i32
    %get3A_136 = arith.index_cast %get3A_135 : i32 to index
    %get3A_137 = arith.constant 48 : index
    %get3A_138 = tpu.vector_load %arg4[%get3A_136, %get3A_137] {strides = array<i32>} : memref<16x128xf32, #tpu.memory_space<vmem>>, vector<1x16xf32>,
    %get3A_139 = vector.shape_cast %get3A_138 : vector<1x16xf32> to vector<16xf32>
    %slice3A_140 = vector.extract_strided_slice %get3A_139 {offsets = [9], sizes = [1], strides = [1]} : vector<16xf32> to vector<1xf32>
    %squeeze3A_141 = vector.extract %slice3A_140[0] : f32 from vector<1xf32>
    %eq3A_142 = arith.constant 11 : i32
    %eq3A_143 = vector.broadcast %eq3A_142 : i32 to vector<16xi32>
    %eq3A_144 = arith.cmpi eq, %iota3A, %eq3A_143 : vector<16xi32>
    %broadcast_in_dim3A_145 = vector.broadcast %squeeze3A_141 : f32 to vector<16xf32>
    %select_n3A_146 = arith.select %eq3A_144, %broadcast_in_dim3A_145, %select_n3A_134 : vector<16xi1>, vector<16xf32>
    %get3A_147 = arith.constant 1 : i32
    %get3A_148 = arith.index_cast %get3A_147 : i32 to index
    %get3A_149 = arith.constant 64 : index
    %get3A_150 = tpu.vector_load %arg4[%get3A_148, %get3A_149] {strides = array<i32>} : memref<16x128xf32, #tpu.memory_space<vmem>>, vector<1x16xf32>,
    %get3A_151 = vector.shape_cast %get3A_150 : vector<1x16xf32> to vector<16xf32>
    %slice3A_152 = vector.extract_strided_slice %get3A_151 {offsets = [4], sizes = [1], strides = [1]} : vector<16xf32> to vector<1xf32>
    %squeeze3A_153 = vector.extract %slice3A_152[0] : f32 from vector<1xf32>
    %eq3A_154 = arith.constant 12 : i32
    %eq3A_155 = vector.broadcast %eq3A_154 : i32 to vector<16xi32>
    %eq3A_156 = arith.cmpi eq, %iota3A, %eq3A_155 : vector<16xi32>
    %broadcast_in_dim3A_157 = vector.broadcast %squeeze3A_153 : f32 to vector<16xf32>
    %select_n3A_158 = arith.select %eq3A_156, %broadcast_in_dim3A_157, %select_n3A_146 : vector<16xi1>, vector<16xf32>
    %get3A_159 = arith.constant 1 : i32
    %get3A_160 = arith.index_cast %get3A_159 : i32 to index
    %get3A_161 = arith.constant 80 : index
    %get3A_162 = tpu.vector_load %arg4[%get3A_160, %get3A_161] {strides = array<i32>} : memref<16x128xf32, #tpu.memory_space<vmem>>, vector<1x16xf32>,
    %get3A_163 = vector.shape_cast %get3A_162 : vector<1x16xf32> to vector<16xf32>
    %slice3A_164 = vector.extract_strided_slice %get3A_163 {offsets = [0], sizes = [1], strides = [1]} : vector<16xf32> to vector<1xf32>
    %squeeze3A_165 = vector.extract %slice3A_164[0] : f32 from vector<1xf32>
    %eq3A_166 = arith.constant 13 : i32
    %eq3A_167 = vector.broadcast %eq3A_166 : i32 to vector<16xi32>
    %eq3A_168 = arith.cmpi eq, %iota3A, %eq3A_167 : vector<16xi32>
    %broadcast_in_dim3A_169 = vector.broadcast %squeeze3A_165 : f32 to vector<16xf32>
    %select_n3A_170 = arith.select %eq3A_168, %broadcast_in_dim3A_169, %select_n3A_158 : vector<16xi1>, vector<16xf32>
    %get3A_171 = arith.constant 1 : i32
    %get3A_172 = arith.index_cast %get3A_171 : i32 to index
    %get3A_173 = arith.constant 96 : index
    %get3A_174 = tpu.vector_load %arg4[%get3A_172, %get3A_173] {strides = array<i32>} : memref<16x128xf32, #tpu.memory_space<vmem>>, vector<1x16xf32>,
    %get3A_175 = vector.shape_cast %get3A_174 : vector<1x16xf32> to vector<16xf32>
    %slice3A_176 = vector.extract_strided_slice %get3A_175 {offsets = [11], sizes = [1], strides = [1]} : vector<16xf32> to vector<1xf32>
    %squeeze3A_177 = vector.extract %slice3A_176[0] : f32 from vector<1xf32>
    %eq3A_178 = arith.constant 14 : i32
    %eq3A_179 = vector.broadcast %eq3A_178 : i32 to vector<16xi32>
    %eq3A_180 = arith.cmpi eq, %iota3A, %eq3A_179 : vector<16xi32>
    %broadcast_in_dim3A_181 = vector.broadcast %squeeze3A_177 : f32 to vector<16xf32>
    %select_n3A_182 = arith.select %eq3A_180, %broadcast_in_dim3A_181, %select_n3A_170 : vector<16xi1>, vector<16xf32>
    %get3A_183 = arith.constant 1 : i32
    %get3A_184 = arith.index_cast %get3A_183 : i32 to index
    %get3A_185 = arith.constant 112 : index
    %get3A_186 = tpu.vector_load %arg4[%get3A_184, %get3A_185] {strides = array<i32>} : memref<16x128xf32, #tpu.memory_space<vmem>>, vector<1x16xf32>,
    %get3A_187 = vector.shape_cast %get3A_186 : vector<1x16xf32> to vector<16xf32>
    %slice3A_188 = vector.extract_strided_slice %get3A_187 {offsets = [6], sizes = [1], strides = [1]} : vector<16xf32> to vector<1xf32>
    %squeeze3A_189 = vector.extract %slice3A_188[0] : f32 from vector<1xf32>
    %eq3A_190 = arith.constant 15 : i32
    %eq3A_191 = vector.broadcast %eq3A_190 : i32 to vector<16xi32>
    %eq3A_192 = arith.cmpi eq, %iota3A, %eq3A_191 : vector<16xi32>
    %broadcast_in_dim3A_193 = vector.broadcast %squeeze3A_189 : f32 to vector<16xf32>
    %select_n3A_194 = arith.select %eq3A_192, %broadcast_in_dim3A_193, %select_n3A_182 : vector<16xi1>, vector<16xf32>
    %swap3A = arith.constant 0 : index
    %swap3A_195 = tpu.vector_load %arg5[%swap3A] {strides = array<i32>} : memref<128xf32, #tpu.memory_space<vmem>>, vector<16xf32>,
    %swap3A_196 = vector.shape_cast %swap3A_195 : vector<16xf32> to vector<16xf32>
    %swap3A_197 = vector.shape_cast %select_n3A_194 : vector<16xf32> to vector<16xf32>
    tpu.vector_store %arg5[%swap3A], %swap3A_197 {strides = array<i32>} : memref<128xf32, #tpu.memory_space<vmem>>, vector<16xf32>,
    %broadcast_in_dim3A_198 = arith.constant 0.000000e+00 : f32
    %broadcast_in_dim3A_199 = vector.broadcast %broadcast_in_dim3A_198 : f32 to vector<16xf32>
    %get3A_200 = arith.constant 2 : i32
    %get3A_201 = arith.index_cast %get3A_200 : i32 to index
    %get3A_202 = arith.constant 0 : index
    %get3A_203 = tpu.vector_load %arg4[%get3A_201, %get3A_202] {strides = array<i32>} : memref<16x128xf32, #tpu.memory_space<vmem>>, vector<1x16xf32>,
    %get3A_204 = vector.shape_cast %get3A_203 : vector<1x16xf32> to vector<16xf32>
    %slice3A_205 = vector.extract_strided_slice %get3A_204 {offsets = [1], sizes = [1], strides = [1]} : vector<16xf32> to vector<1xf32>
    %squeeze3A_206 = vector.extract %slice3A_205[0] : f32 from vector<1xf32>
    %eq3A_207 = arith.constant 0 : i32
    %eq3A_208 = vector.broadcast %eq3A_207 : i32 to vector<16xi32>
    %eq3A_209 = arith.cmpi eq, %iota3A, %eq3A_208 : vector<16xi32>
    %broadcast_in_dim3A_210 = vector.broadcast %squeeze3A_206 : f32 to vector<16xf32>
    %select_n3A_211 = arith.select %eq3A_209, %broadcast_in_dim3A_210, %broadcast_in_dim3A_199 : vector<16xi1>, vector<16xf32>
    %get3A_212 = arith.constant 2 : i32
    %get3A_213 = arith.index_cast %get3A_212 : i32 to index
    %get3A_214 = arith.constant 16 : index
    %get3A_215 = tpu.vector_load %arg4[%get3A_213, %get3A_214] {strides = array<i32>} : memref<16x128xf32, #tpu.memory_space<vmem>>, vector<1x16xf32>,
    %get3A_216 = vector.shape_cast %get3A_215 : vector<1x16xf32> to vector<16xf32>
    %slice3A_217 = vector.extract_strided_slice %get3A_216 {offsets = [12], sizes = [1], strides = [1]} : vector<16xf32> to vector<1xf32>
    %squeeze3A_218 = vector.extract %slice3A_217[0] : f32 from vector<1xf32>
    %eq3A_219 = arith.constant 1 : i32
    %eq3A_220 = vector.broadcast %eq3A_219 : i32 to vector<16xi32>
    %eq3A_221 = arith.cmpi eq, %iota3A, %eq3A_220 : vector<16xi32>
    %broadcast_in_dim3A_222 = vector.broadcast %squeeze3A_218 : f32 to vector<16xf32>
    %select_n3A_223 = arith.select %eq3A_221, %broadcast_in_dim3A_222, %select_n3A_211 : vector<16xi1>, vector<16xf32>
    %get3A_224 = arith.constant 2 : i32
    %get3A_225 = arith.index_cast %get3A_224 : i32 to index
    %get3A_226 = arith.constant 32 : index
    %get3A_227 = tpu.vector_load %arg4[%get3A_225, %get3A_226] {strides = array<i32>} : memref<16x128xf32, #tpu.memory_space<vmem>>, vector<1x16xf32>,
    %get3A_228 = vector.shape_cast %get3A_227 : vector<1x16xf32> to vector<16xf32>
    %slice3A_229 = vector.extract_strided_slice %get3A_228 {offsets = [7], sizes = [1], strides = [1]} : vector<16xf32> to vector<1xf32>
    %squeeze3A_230 = vector.extract %slice3A_229[0] : f32 from vector<1xf32>
    %eq3A_231 = arith.constant 2 : i32
    %eq3A_232 = vector.broadcast %eq3A_231 : i32 to vector<16xi32>
    %eq3A_233 = arith.cmpi eq, %iota3A, %eq3A_232 : vector<16xi32>
    %broadcast_in_dim3A_234 = vector.broadcast %squeeze3A_230 : f32 to vector<16xf32>
    %select_n3A_235 = arith.select %eq3A_233, %broadcast_in_dim3A_234, %select_n3A_223 : vector<16xi1>, vector<16xf32>
    %get3A_236 = arith.constant 2 : i32
    %get3A_237 = arith.index_cast %get3A_236 : i32 to index
    %get3A_238 = arith.constant 48 : index
    %get3A_239 = tpu.vector_load %arg4[%get3A_237, %get3A_238] {strides = array<i32>} : memref<16x128xf32, #tpu.memory_space<vmem>>, vector<1x16xf32>,
    %get3A_240 = vector.shape_cast %get3A_239 : vector<1x16xf32> to vector<16xf32>
    %slice3A_241 = vector.extract_strided_slice %get3A_240 {offsets = [2], sizes = [1], strides = [1]} : vector<16xf32> to vector<1xf32>
    %squeeze3A_242 = vector.extract %slice3A_241[0] : f32 from vector<1xf32>
    %eq3A_243 = arith.constant 3 : i32
    %eq3A_244 = vector.broadcast %eq3A_243 : i32 to vector<16xi32>
    %eq3A_245 = arith.cmpi eq, %iota3A, %eq3A_244 : vector<16xi32>
    %broadcast_in_dim3A_246 = vector.broadcast %squeeze3A_242 : f32 to vector<16xf32>
    %select_n3A_247 = arith.select %eq3A_245, %broadcast_in_dim3A_246, %select_n3A_235 : vector<16xi1>, vector<16xf32>
    %get3A_248 = arith.constant 2 : i32
    %get3A_249 = arith.index_cast %get3A_248 : i32 to index
    %get3A_250 = arith.constant 64 : index
    %get3A_251 = tpu.vector_load %arg4[%get3A_249, %get3A_250] {strides = array<i32>} : memref<16x128xf32, #tpu.memory_space<vmem>>, vector<1x16xf32>,
    %get3A_252 = vector.shape_cast %get3A_251 : vector<1x16xf32> to vector<16xf32>
    %slice3A_253 = vector.extract_strided_slice %get3A_252 {offsets = [13], sizes = [1], strides = [1]} : vector<16xf32> to vector<1xf32>
    %squeeze3A_254 = vector.extract %slice3A_253[0] : f32 from vector<1xf32>
    %eq3A_255 = arith.constant 4 : i32
    %eq3A_256 = vector.broadcast %eq3A_255 : i32 to vector<16xi32>
    %eq3A_257 = arith.cmpi eq, %iota3A, %eq3A_256 : vector<16xi32>
    %broadcast_in_dim3A_258 = vector.broadcast %squeeze3A_254 : f32 to vector<16xf32>
    %select_n3A_259 = arith.select %eq3A_257, %broadcast_in_dim3A_258, %select_n3A_247 : vector<16xi1>, vector<16xf32>
    %get3A_260 = arith.constant 2 : i32
    %get3A_261 = arith.index_cast %get3A_260 : i32 to index
    %get3A_262 = arith.constant 80 : index
    %get3A_263 = tpu.vector_load %arg4[%get3A_261, %get3A_262] {strides = array<i32>} : memref<16x128xf32, #tpu.memory_space<vmem>>, vector<1x16xf32>,
    %get3A_264 = vector.shape_cast %get3A_263 : vector<1x16xf32> to vector<16xf32>
    %slice3A_265 = vector.extract_strided_slice %get3A_264 {offsets = [8], sizes = [1], strides = [1]} : vector<16xf32> to vector<1xf32>
    %squeeze3A_266 = vector.extract %slice3A_265[0] : f32 from vector<1xf32>
    %eq3A_267 = arith.constant 5 : i32
    %eq3A_268 = vector.broadcast %eq3A_267 : i32 to vector<16xi32>
    %eq3A_269 = arith.cmpi eq, %iota3A, %eq3A_268 : vector<16xi32>
    %broadcast_in_dim3A_270 = vector.broadcast %squeeze3A_266 : f32 to vector<16xf32>
    %select_n3A_271 = arith.select %eq3A_269, %broadcast_in_dim3A_270, %select_n3A_259 : vector<16xi1>, vector<16xf32>
    %get3A_272 = arith.constant 2 : i32
    %get3A_273 = arith.index_cast %get3A_272 : i32 to index
    %get3A_274 = arith.constant 96 : index
    %get3A_275 = tpu.vector_load %arg4[%get3A_273, %get3A_274] {strides = array<i32>} : memref<16x128xf32, #tpu.memory_space<vmem>>, vector<1x16xf32>,
    %get3A_276 = vector.shape_cast %get3A_275 : vector<1x16xf32> to vector<16xf32>
    %slice3A_277 = vector.extract_strided_slice %get3A_276 {offsets = [3], sizes = [1], strides = [1]} : vector<16xf32> to vector<1xf32>
    %squeeze3A_278 = vector.extract %slice3A_277[0] : f32 from vector<1xf32>
    %eq3A_279 = arith.constant 6 : i32
    %eq3A_280 = vector.broadcast %eq3A_279 : i32 to vector<16xi32>
    %eq3A_281 = arith.cmpi eq, %iota3A, %eq3A_280 : vector<16xi32>
    %broadcast_in_dim3A_282 = vector.broadcast %squeeze3A_278 : f32 to vector<16xf32>
    %select_n3A_283 = arith.select %eq3A_281, %broadcast_in_dim3A_282, %select_n3A_271 : vector<16xi1>, vector<16xf32>
    %get3A_284 = arith.constant 2 : i32
    %get3A_285 = arith.index_cast %get3A_284 : i32 to index
    %get3A_286 = arith.constant 112 : index
    %get3A_287 = tpu.vector_load %arg4[%get3A_285, %get3A_286] {strides = array<i32>} : memref<16x128xf32, #tpu.memory_space<vmem>>, vector<1x16xf32>,
    %get3A_288 = vector.shape_cast %get3A_287 : vector<1x16xf32> to vector<16xf32>
    %slice3A_289 = vector.extract_strided_slice %get3A_288 {offsets = [14], sizes = [1], strides = [1]} : vector<16xf32> to vector<1xf32>
    %squeeze3A_290 = vector.extract %slice3A_289[0] : f32 from vector<1xf32>
    %eq3A_291 = arith.constant 7 : i32
    %eq3A_292 = vector.broadcast %eq3A_291 : i32 to vector<16xi32>
    %eq3A_293 = arith.cmpi eq, %iota3A, %eq3A_292 : vector<16xi32>
    %broadcast_in_dim3A_294 = vector.broadcast %squeeze3A_290 : f32 to vector<16xf32>
    %select_n3A_295 = arith.select %eq3A_293, %broadcast_in_dim3A_294, %select_n3A_283 : vector<16xi1>, vector<16xf32>
    %get3A_296 = arith.constant 3 : i32
    %get3A_297 = arith.index_cast %get3A_296 : i32 to index
    %get3A_298 = arith.constant 0 : index
    %get3A_299 = tpu.vector_load %arg4[%get3A_297, %get3A_298] {strides = array<i32>} : memref<16x128xf32, #tpu.memory_space<vmem>>, vector<1x16xf32>,
    %get3A_300 = vector.shape_cast %get3A_299 : vector<1x16xf32> to vector<16xf32>
    %slice3A_301 = vector.extract_strided_slice %get3A_300 {offsets = [9], sizes = [1], strides = [1]} : vector<16xf32> to vector<1xf32>
    %squeeze3A_302 = vector.extract %slice3A_301[0] : f32 from vector<1xf32>
    %eq3A_303 = arith.constant 8 : i32
    %eq3A_304 = vector.broadcast %eq3A_303 : i32 to vector<16xi32>
    %eq3A_305 = arith.cmpi eq, %iota3A, %eq3A_304 : vector<16xi32>
    %broadcast_in_dim3A_306 = vector.broadcast %squeeze3A_302 : f32 to vector<16xf32>
    %select_n3A_307 = arith.select %eq3A_305, %broadcast_in_dim3A_306, %select_n3A_295 : vector<16xi1>, vector<16xf32>
    %get3A_308 = arith.constant 3 : i32
    %get3A_309 = arith.index_cast %get3A_308 : i32 to index
    %get3A_310 = arith.constant 16 : index
    %get3A_311 = tpu.vector_load %arg4[%get3A_309, %get3A_310] {strides = array<i32>} : memref<16x128xf32, #tpu.memory_space<vmem>>, vector<1x16xf32>,
    %get3A_312 = vector.shape_cast %get3A_311 : vector<1x16xf32> to vector<16xf32>
    %slice3A_313 = vector.extract_strided_slice %get3A_312 {offsets = [4], sizes = [1], strides = [1]} : vector<16xf32> to vector<1xf32>
    %squeeze3A_314 = vector.extract %slice3A_313[0] : f32 from vector<1xf32>
    %eq3A_315 = arith.constant 9 : i32
    %eq3A_316 = vector.broadcast %eq3A_315 : i32 to vector<16xi32>
    %eq3A_317 = arith.cmpi eq, %iota3A, %eq3A_316 : vector<16xi32>
    %broadcast_in_dim3A_318 = vector.broadcast %squeeze3A_314 : f32 to vector<16xf32>
    %select_n3A_319 = arith.select %eq3A_317, %broadcast_in_dim3A_318, %select_n3A_307 : vector<16xi1>, vector<16xf32>
    %get3A_320 = arith.constant 3 : i32
    %get3A_321 = arith.index_cast %get3A_320 : i32 to index
    %get3A_322 = arith.constant 32 : index
    %get3A_323 = tpu.vector_load %arg4[%get3A_321, %get3A_322] {strides = array<i32>} : memref<16x128xf32, #tpu.memory_space<vmem>>, vector<1x16xf32>,
    %get3A_324 = vector.shape_cast %get3A_323 : vector<1x16xf32> to vector<16xf32>
    %slice3A_325 = vector.extract_strided_slice %get3A_324 {offsets = [0], sizes = [1], strides = [1]} : vector<16xf32> to vector<1xf32>
    %squeeze3A_326 = vector.extract %slice3A_325[0] : f32 from vector<1xf32>
    %eq3A_327 = arith.constant 10 : i32
    %eq3A_328 = vector.broadcast %eq3A_327 : i32 to vector<16xi32>
    %eq3A_329 = arith.cmpi eq, %iota3A, %eq3A_328 : vector<16xi32>
    %broadcast_in_dim3A_330 = vector.broadcast %squeeze3A_326 : f32 to vector<16xf32>
    %select_n3A_331 = arith.select %eq3A_329, %broadcast_in_dim3A_330, %select_n3A_319 : vector<16xi1>, vector<16xf32>
    %get3A_332 = arith.constant 3 : i32
    %get3A_333 = arith.index_cast %get3A_332 : i32 to index
    %get3A_334 = arith.constant 48 : index
    %get3A_335 = tpu.vector_load %arg4[%get3A_333, %get3A_334] {strides = array<i32>} : memref<16x128xf32, #tpu.memory_space<vmem>>, vector<1x16xf32>,
    %get3A_336 = vector.shape_cast %get3A_335 : vector<1x16xf32> to vector<16xf32>
    %slice3A_337 = vector.extract_strided_slice %get3A_336 {offsets = [11], sizes = [1], strides = [1]} : vector<16xf32> to vector<1xf32>
    %squeeze3A_338 = vector.extract %slice3A_337[0] : f32 from vector<1xf32>
    %eq3A_339 = arith.constant 11 : i32
    %eq3A_340 = vector.broadcast %eq3A_339 : i32 to vector<16xi32>
    %eq3A_341 = arith.cmpi eq, %iota3A, %eq3A_340 : vector<16xi32>
    %broadcast_in_dim3A_342 = vector.broadcast %squeeze3A_338 : f32 to vector<16xf32>
    %select_n3A_343 = arith.select %eq3A_341, %broadcast_in_dim3A_342, %select_n3A_331 : vector<16xi1>, vector<16xf32>
    %get3A_344 = arith.constant 3 : i32
    %get3A_345 = arith.index_cast %get3A_344 : i32 to index
    %get3A_346 = arith.constant 64 : index
    %get3A_347 = tpu.vector_load %arg4[%get3A_345, %get3A_346] {strides = array<i32>} : memref<16x128xf32, #tpu.memory_space<vmem>>, vector<1x16xf32>,
    %get3A_348 = vector.shape_cast %get3A_347 : vector<1x16xf32> to vector<16xf32>
    %slice3A_349 = vector.extract_strided_slice %get3A_348 {offsets = [6], sizes = [1], strides = [1]} : vector<16xf32> to vector<1xf32>
    %squeeze3A_350 = vector.extract %slice3A_349[0] : f32 from vector<1xf32>
    %eq3A_351 = arith.constant 12 : i32
    %eq3A_352 = vector.broadcast %eq3A_351 : i32 to vector<16xi32>
    %eq3A_353 = arith.cmpi eq, %iota3A, %eq3A_352 : vector<16xi32>
    %broadcast_in_dim3A_354 = vector.broadcast %squeeze3A_350 : f32 to vector<16xf32>
    %select_n3A_355 = arith.select %eq3A_353, %broadcast_in_dim3A_354, %select_n3A_343 : vector<16xi1>, vector<16xf32>
    %get3A_356 = arith.constant 3 : i32
    %get3A_357 = arith.index_cast %get3A_356 : i32 to index
    %get3A_358 = arith.constant 80 : index
    %get3A_359 = tpu.vector_load %arg4[%get3A_357, %get3A_358] {strides = array<i32>} : memref<16x128xf32, #tpu.memory_space<vmem>>, vector<1x16xf32>,
    %get3A_360 = vector.shape_cast %get3A_359 : vector<1x16xf32> to vector<16xf32>
    %slice3A_361 = vector.extract_strided_slice %get3A_360 {offsets = [1], sizes = [1], strides = [1]} : vector<16xf32> to vector<1xf32>
    %squeeze3A_362 = vector.extract %slice3A_361[0] : f32 from vector<1xf32>
    %eq3A_363 = arith.constant 13 : i32
    %eq3A_364 = vector.broadcast %eq3A_363 : i32 to vector<16xi32>
    %eq3A_365 = arith.cmpi eq, %iota3A, %eq3A_364 : vector<16xi32>
    %broadcast_in_dim3A_366 = vector.broadcast %squeeze3A_362 : f32 to vector<16xf32>
    %select_n3A_367 = arith.select %eq3A_365, %broadcast_in_dim3A_366, %select_n3A_355 : vector<16xi1>, vector<16xf32>
    %get3A_368 = arith.constant 3 : i32
    %get3A_369 = arith.index_cast %get3A_368 : i32 to index
    %get3A_370 = arith.constant 96 : index
    %get3A_371 = tpu.vector_load %arg4[%get3A_369, %get3A_370] {strides = array<i32>} : memref<16x128xf32, #tpu.memory_space<vmem>>, vector<1x16xf32>,
    %get3A_372 = vector.shape_cast %get3A_371 : vector<1x16xf32> to vector<16xf32>
    %slice3A_373 = vector.extract_strided_slice %get3A_372 {offsets = [12], sizes = [1], strides = [1]} : vector<16xf32> to vector<1xf32>
    %squeeze3A_374 = vector.extract %slice3A_373[0] : f32 from vector<1xf32>
    %eq3A_375 = arith.constant 14 : i32
    %eq3A_376 = vector.broadcast %eq3A_375 : i32 to vector<16xi32>
    %eq3A_377 = arith.cmpi eq, %iota3A, %eq3A_376 : vector<16xi32>
    %broadcast_in_dim3A_378 = vector.broadcast %squeeze3A_374 : f32 to vector<16xf32>
    %select_n3A_379 = arith.select %eq3A_377, %broadcast_in_dim3A_378, %select_n3A_367 : vector<16xi1>, vector<16xf32>
    %get3A_380 = arith.constant 3 : i32
    %get3A_381 = arith.index_cast %get3A_380 : i32 to index
    %get3A_382 = arith.constant 112 : index
    %get3A_383 = tpu.vector_load %arg4[%get3A_381, %get3A_382] {strides = array<i32>} : memref<16x128xf32, #tpu.memory_space<vmem>>, vector<1x16xf32>,
    %get3A_384 = vector.shape_cast %get3A_383 : vector<1x16xf32> to vector<16xf32>
    %slice3A_385 = vector.extract_strided_slice %get3A_384 {offsets = [7], sizes = [1], strides = [1]} : vector<16xf32> to vector<1xf32>
    %squeeze3A_386 = vector.extract %slice3A_385[0] : f32 from vector<1xf32>
    %eq3A_387 = arith.constant 15 : i32
    %eq3A_388 = vector.broadcast %eq3A_387 : i32 to vector<16xi32>
    %eq3A_389 = arith.cmpi eq, %iota3A, %eq3A_388 : vector<16xi32>
    %broadcast_in_dim3A_390 = vector.broadcast %squeeze3A_386 : f32 to vector<16xf32>
    %select_n3A_391 = arith.select %eq3A_389, %broadcast_in_dim3A_390, %select_n3A_379 : vector<16xi1>, vector<16xf32>
    %swap3A_392 = arith.constant 16 : index
    %swap3A_393 = tpu.vector_load %arg5[%swap3A_392] {strides = array<i32>} : memref<128xf32, #tpu.memory_space<vmem>>, vector<16xf32>,
    %swap3A_394 = vector.shape_cast %swap3A_393 : vector<16xf32> to vector<16xf32>
    %swap3A_395 = vector.shape_cast %select_n3A_391 : vector<16xf32> to vector<16xf32>
    tpu.vector_store %arg5[%swap3A_392], %swap3A_395 {strides = array<i32>} : memref<128xf32, #tpu.memory_space<vmem>>, vector<16xf32>,
    %broadcast_in_dim3A_396 = arith.constant 0.000000e+00 : f32
    %broadcast_in_dim3A_397 = vector.broadcast %broadcast_in_dim3A_396 : f32 to vector<16xf32>
    %get3A_398 = arith.constant 4 : i32
    %get3A_399 = arith.index_cast %get3A_398 : i32 to index
    %get3A_400 = arith.constant 0 : index
    %get3A_401 = tpu.vector_load %arg4[%get3A_399, %get3A_400] {strides = array<i32>} : memref<16x128xf32, #tpu.memory_space<vmem>>, vector<1x16xf32>,
    %get3A_402 = vector.shape_cast %get3A_401 : vector<1x16xf32> to vector<16xf32>
    %slice3A_403 = vector.extract_strided_slice %get3A_402 {offsets = [2], sizes = [1], strides = [1]} : vector<16xf32> to vector<1xf32>
    %squeeze3A_404 = vector.extract %slice3A_403[0] : f32 from vector<1xf32>
    %eq3A_405 = arith.constant 0 : i32
    %eq3A_406 = vector.broadcast %eq3A_405 : i32 to vector<16xi32>
    %eq3A_407 = arith.cmpi eq, %iota3A, %eq3A_406 : vector<16xi32>
    %broadcast_in_dim3A_408 = vector.broadcast %squeeze3A_404 : f32 to vector<16xf32>
    %select_n3A_409 = arith.select %eq3A_407, %broadcast_in_dim3A_408, %broadcast_in_dim3A_397 : vector<16xi1>, vector<16xf32>
    %get3A_410 = arith.constant 4 : i32
    %get3A_411 = arith.index_cast %get3A_410 : i32 to index
    %get3A_412 = arith.constant 16 : index
    %get3A_413 = tpu.vector_load %arg4[%get3A_411, %get3A_412] {strides = array<i32>} : memref<16x128xf32, #tpu.memory_space<vmem>>, vector<1x16xf32>,
    %get3A_414 = vector.shape_cast %get3A_413 : vector<1x16xf32> to vector<16xf32>
    %slice3A_415 = vector.extract_strided_slice %get3A_414 {offsets = [13], sizes = [1], strides = [1]} : vector<16xf32> to vector<1xf32>
    %squeeze3A_416 = vector.extract %slice3A_415[0] : f32 from vector<1xf32>
    %eq3A_417 = arith.constant 1 : i32
    %eq3A_418 = vector.broadcast %eq3A_417 : i32 to vector<16xi32>
    %eq3A_419 = arith.cmpi eq, %iota3A, %eq3A_418 : vector<16xi32>
    %broadcast_in_dim3A_420 = vector.broadcast %squeeze3A_416 : f32 to vector<16xf32>
    %select_n3A_421 = arith.select %eq3A_419, %broadcast_in_dim3A_420, %select_n3A_409 : vector<16xi1>, vector<16xf32>
    %get3A_422 = arith.constant 4 : i32
    %get3A_423 = arith.index_cast %get3A_422 : i32 to index
    %get3A_424 = arith.constant 32 : index
    %get3A_425 = tpu.vector_load %arg4[%get3A_423, %get3A_424] {strides = array<i32>} : memref<16x128xf32, #tpu.memory_space<vmem>>, vector<1x16xf32>,
    %get3A_426 = vector.shape_cast %get3A_425 : vector<1x16xf32> to vector<16xf32>
    %slice3A_427 = vector.extract_strided_slice %get3A_426 {offsets = [8], sizes = [1], strides = [1]} : vector<16xf32> to vector<1xf32>
    %squeeze3A_428 = vector.extract %slice3A_427[0] : f32 from vector<1xf32>
    %eq3A_429 = arith.constant 2 : i32
    %eq3A_430 = vector.broadcast %eq3A_429 : i32 to vector<16xi32>
    %eq3A_431 = arith.cmpi eq, %iota3A, %eq3A_430 : vector<16xi32>
    %broadcast_in_dim3A_432 = vector.broadcast %squeeze3A_428 : f32 to vector<16xf32>
    %select_n3A_433 = arith.select %eq3A_431, %broadcast_in_dim3A_432, %select_n3A_421 : vector<16xi1>, vector<16xf32>
    %get3A_434 = arith.constant 4 : i32
    %get3A_435 = arith.index_cast %get3A_434 : i32 to index
    %get3A_436 = arith.constant 48 : index
    %get3A_437 = tpu.vector_load %arg4[%get3A_435, %get3A_436] {strides = array<i32>} : memref<16x128xf32, #tpu.memory_space<vmem>>, vector<1x16xf32>,
    %get3A_438 = vector.shape_cast %get3A_437 : vector<1x16xf32> to vector<16xf32>
    %slice3A_439 = vector.extract_strided_slice %get3A_438 {offsets = [3], sizes = [1], strides = [1]} : vector<16xf32> to vector<1xf32>
    %squeeze3A_440 = vector.extract %slice3A_439[0] : f32 from vector<1xf32>
    %eq3A_441 = arith.constant 3 : i32
    %eq3A_442 = vector.broadcast %eq3A_441 : i32 to vector<16xi32>
    %eq3A_443 = arith.cmpi eq, %iota3A, %eq3A_442 : vector<16xi32>
    %broadcast_in_dim3A_444 = vector.broadcast %squeeze3A_440 : f32 to vector<16xf32>
    %select_n3A_445 = arith.select %eq3A_443, %broadcast_in_dim3A_444, %select_n3A_433 : vector<16xi1>, vector<16xf32>
    %get3A_446 = arith.constant 4 : i32
    %get3A_447 = arith.index_cast %get3A_446 : i32 to index
    %get3A_448 = arith.constant 64 : index
    %get3A_449 = tpu.vector_load %arg4[%get3A_447, %get3A_448] {strides = array<i32>} : memref<16x128xf32, #tpu.memory_space<vmem>>, vector<1x16xf32>,
    %get3A_450 = vector.shape_cast %get3A_449 : vector<1x16xf32> to vector<16xf32>
    %slice3A_451 = vector.extract_strided_slice %get3A_450 {offsets = [14], sizes = [1], strides = [1]} : vector<16xf32> to vector<1xf32>
    %squeeze3A_452 = vector.extract %slice3A_451[0] : f32 from vector<1xf32>
    %eq3A_453 = arith.constant 4 : i32
    %eq3A_454 = vector.broadcast %eq3A_453 : i32 to vector<16xi32>
    %eq3A_455 = arith.cmpi eq, %iota3A, %eq3A_454 : vector<16xi32>
    %broadcast_in_dim3A_456 = vector.broadcast %squeeze3A_452 : f32 to vector<16xf32>
    %select_n3A_457 = arith.select %eq3A_455, %broadcast_in_dim3A_456, %select_n3A_445 : vector<16xi1>, vector<16xf32>
    %get3A_458 = arith.constant 4 : i32
    %get3A_459 = arith.index_cast %get3A_458 : i32 to index
    %get3A_460 = arith.constant 80 : index
    %get3A_461 = tpu.vector_load %arg4[%get3A_459, %get3A_460] {strides = array<i32>} : memref<16x128xf32, #tpu.memory_space<vmem>>, vector<1x16xf32>,
    %get3A_462 = vector.shape_cast %get3A_461 : vector<1x16xf32> to vector<16xf32>
    %slice3A_463 = vector.extract_strided_slice %get3A_462 {offsets = [9], sizes = [1], strides = [1]} : vector<16xf32> to vector<1xf32>
    %squeeze3A_464 = vector.extract %slice3A_463[0] : f32 from vector<1xf32>
    %eq3A_465 = arith.constant 5 : i32
    %eq3A_466 = vector.broadcast %eq3A_465 : i32 to vector<16xi32>
    %eq3A_467 = arith.cmpi eq, %iota3A, %eq3A_466 : vector<16xi32>
    %broadcast_in_dim3A_468 = vector.broadcast %squeeze3A_464 : f32 to vector<16xf32>
    %select_n3A_469 = arith.select %eq3A_467, %broadcast_in_dim3A_468, %select_n3A_457 : vector<16xi1>, vector<16xf32>
    %get3A_470 = arith.constant 4 : i32
    %get3A_471 = arith.index_cast %get3A_470 : i32 to index
    %get3A_472 = arith.constant 96 : index
    %get3A_473 = tpu.vector_load %arg4[%get3A_471, %get3A_472] {strides = array<i32>} : memref<16x128xf32, #tpu.memory_space<vmem>>, vector<1x16xf32>,
    %get3A_474 = vector.shape_cast %get3A_473 : vector<1x16xf32> to vector<16xf32>
    %slice3A_475 = vector.extract_strided_slice %get3A_474 {offsets = [4], sizes = [1], strides = [1]} : vector<16xf32> to vector<1xf32>
    %squeeze3A_476 = vector.extract %slice3A_475[0] : f32 from vector<1xf32>
    %eq3A_477 = arith.constant 6 : i32
    %eq3A_478 = vector.broadcast %eq3A_477 : i32 to vector<16xi32>
    %eq3A_479 = arith.cmpi eq, %iota3A, %eq3A_478 : vector<16xi32>
    %broadcast_in_dim3A_480 = vector.broadcast %squeeze3A_476 : f32 to vector<16xf32>
    %select_n3A_481 = arith.select %eq3A_479, %broadcast_in_dim3A_480, %select_n3A_469 : vector<16xi1>, vector<16xf32>
    %get3A_482 = arith.constant 4 : i32
    %get3A_483 = arith.index_cast %get3A_482 : i32 to index
    %get3A_484 = arith.constant 112 : index
    %get3A_485 = tpu.vector_load %arg4[%get3A_483, %get3A_484] {strides = array<i32>} : memref<16x128xf32, #tpu.memory_space<vmem>>, vector<1x16xf32>,
    %get3A_486 = vector.shape_cast %get3A_485 : vector<1x16xf32> to vector<16xf32>
    %slice3A_487 = vector.extract_strided_slice %get3A_486 {offsets = [0], sizes = [1], strides = [1]} : vector<16xf32> to vector<1xf32>
    %squeeze3A_488 = vector.extract %slice3A_487[0] : f32 from vector<1xf32>
    %eq3A_489 = arith.constant 7 : i32
    %eq3A_490 = vector.broadcast %eq3A_489 : i32 to vector<16xi32>
    %eq3A_491 = arith.cmpi eq, %iota3A, %eq3A_490 : vector<16xi32>
    %broadcast_in_dim3A_492 = vector.broadcast %squeeze3A_488 : f32 to vector<16xf32>
    %select_n3A_493 = arith.select %eq3A_491, %broadcast_in_dim3A_492, %select_n3A_481 : vector<16xi1>, vector<16xf32>
    %get3A_494 = arith.constant 5 : i32
    %get3A_495 = arith.index_cast %get3A_494 : i32 to index
    %get3A_496 = arith.constant 0 : index
    %get3A_497 = tpu.vector_load %arg4[%get3A_495, %get3A_496] {strides = array<i32>} : memref<16x128xf32, #tpu.memory_space<vmem>>, vector<1x16xf32>,
    %get3A_498 = vector.shape_cast %get3A_497 : vector<1x16xf32> to vector<16xf32>
    %slice3A_499 = vector.extract_strided_slice %get3A_498 {offsets = [11], sizes = [1], strides = [1]} : vector<16xf32> to vector<1xf32>
    %squeeze3A_500 = vector.extract %slice3A_499[0] : f32 from vector<1xf32>
    %eq3A_501 = arith.constant 8 : i32
    %eq3A_502 = vector.broadcast %eq3A_501 : i32 to vector<16xi32>
    %eq3A_503 = arith.cmpi eq, %iota3A, %eq3A_502 : vector<16xi32>
    %broadcast_in_dim3A_504 = vector.broadcast %squeeze3A_500 : f32 to vector<16xf32>
    %select_n3A_505 = arith.select %eq3A_503, %broadcast_in_dim3A_504, %select_n3A_493 : vector<16xi1>, vector<16xf32>
    %get3A_506 = arith.constant 5 : i32
    %get3A_507 = arith.index_cast %get3A_506 : i32 to index
    %get3A_508 = arith.constant 16 : index
    %get3A_509 = tpu.vector_load %arg4[%get3A_507, %get3A_508] {strides = array<i32>} : memref<16x128xf32, #tpu.memory_space<vmem>>, vector<1x16xf32>,
    %get3A_510 = vector.shape_cast %get3A_509 : vector<1x16xf32> to vector<16xf32>
    %slice3A_511 = vector.extract_strided_slice %get3A_510 {offsets = [6], sizes = [1], strides = [1]} : vector<16xf32> to vector<1xf32>
    %squeeze3A_512 = vector.extract %slice3A_511[0] : f32 from vector<1xf32>
    %eq3A_513 = arith.constant 9 : i32
    %eq3A_514 = vector.broadcast %eq3A_513 : i32 to vector<16xi32>
    %eq3A_515 = arith.cmpi eq, %iota3A, %eq3A_514 : vector<16xi32>
    %broadcast_in_dim3A_516 = vector.broadcast %squeeze3A_512 : f32 to vector<16xf32>
    %select_n3A_517 = arith.select %eq3A_515, %broadcast_in_dim3A_516, %select_n3A_505 : vector<16xi1>, vector<16xf32>
    %get3A_518 = arith.constant 5 : i32
    %get3A_519 = arith.index_cast %get3A_518 : i32 to index
    %get3A_520 = arith.constant 32 : index
    %get3A_521 = tpu.vector_load %arg4[%get3A_519, %get3A_520] {strides = array<i32>} : memref<16x128xf32, #tpu.memory_space<vmem>>, vector<1x16xf32>,
    %get3A_522 = vector.shape_cast %get3A_521 : vector<1x16xf32> to vector<16xf32>
    %slice3A_523 = vector.extract_strided_slice %get3A_522 {offsets = [1], sizes = [1], strides = [1]} : vector<16xf32> to vector<1xf32>
    %squeeze3A_524 = vector.extract %slice3A_523[0] : f32 from vector<1xf32>
    %eq3A_525 = arith.constant 10 : i32
    %eq3A_526 = vector.broadcast %eq3A_525 : i32 to vector<16xi32>
    %eq3A_527 = arith.cmpi eq, %iota3A, %eq3A_526 : vector<16xi32>
    %broadcast_in_dim3A_528 = vector.broadcast %squeeze3A_524 : f32 to vector<16xf32>
    %select_n3A_529 = arith.select %eq3A_527, %broadcast_in_dim3A_528, %select_n3A_517 : vector<16xi1>, vector<16xf32>
    %get3A_530 = arith.constant 5 : i32
    %get3A_531 = arith.index_cast %get3A_530 : i32 to index
    %get3A_532 = arith.constant 48 : index
    %get3A_533 = tpu.vector_load %arg4[%get3A_531, %get3A_532] {strides = array<i32>} : memref<16x128xf32, #tpu.memory_space<vmem>>, vector<1x16xf32>,
    %get3A_534 = vector.shape_cast %get3A_533 : vector<1x16xf32> to vector<16xf32>
    %slice3A_535 = vector.extract_strided_slice %get3A_534 {offsets = [12], sizes = [1], strides = [1]} : vector<16xf32> to vector<1xf32>
    %squeeze3A_536 = vector.extract %slice3A_535[0] : f32 from vector<1xf32>
    %eq3A_537 = arith.constant 11 : i32
    %eq3A_538 = vector.broadcast %eq3A_537 : i32 to vector<16xi32>
    %eq3A_539 = arith.cmpi eq, %iota3A, %eq3A_538 : vector<16xi32>
    %broadcast_in_dim3A_540 = vector.broadcast %squeeze3A_536 : f32 to vector<16xf32>
    %select_n3A_541 = arith.select %eq3A_539, %broadcast_in_dim3A_540, %select_n3A_529 : vector<16xi1>, vector<16xf32>
    %get3A_542 = arith.constant 5 : i32
    %get3A_543 = arith.index_cast %get3A_542 : i32 to index
    %get3A_544 = arith.constant 64 : index
    %get3A_545 = tpu.vector_load %arg4[%get3A_543, %get3A_544] {strides = array<i32>} : memref<16x128xf32, #tpu.memory_space<vmem>>, vector<1x16xf32>,
    %get3A_546 = vector.shape_cast %get3A_545 : vector<1x16xf32> to vector<16xf32>
    %slice3A_547 = vector.extract_strided_slice %get3A_546 {offsets = [7], sizes = [1], strides = [1]} : vector<16xf32> to vector<1xf32>
    %squeeze3A_548 = vector.extract %slice3A_547[0] : f32 from vector<1xf32>
    %eq3A_549 = arith.constant 12 : i32
    %eq3A_550 = vector.broadcast %eq3A_549 : i32 to vector<16xi32>
    %eq3A_551 = arith.cmpi eq, %iota3A, %eq3A_550 : vector<16xi32>
    %broadcast_in_dim3A_552 = vector.broadcast %squeeze3A_548 : f32 to vector<16xf32>
    %select_n3A_553 = arith.select %eq3A_551, %broadcast_in_dim3A_552, %select_n3A_541 : vector<16xi1>, vector<16xf32>
    %get3A_554 = arith.constant 5 : i32
    %get3A_555 = arith.index_cast %get3A_554 : i32 to index
    %get3A_556 = arith.constant 80 : index
    %get3A_557 = tpu.vector_load %arg4[%get3A_555, %get3A_556] {strides = array<i32>} : memref<16x128xf32, #tpu.memory_space<vmem>>, vector<1x16xf32>,
    %get3A_558 = vector.shape_cast %get3A_557 : vector<1x16xf32> to vector<16xf32>
    %slice3A_559 = vector.extract_strided_slice %get3A_558 {offsets = [2], sizes = [1], strides = [1]} : vector<16xf32> to vector<1xf32>
    %squeeze3A_560 = vector.extract %slice3A_559[0] : f32 from vector<1xf32>
    %eq3A_561 = arith.constant 13 : i32
    %eq3A_562 = vector.broadcast %eq3A_561 : i32 to vector<16xi32>
    %eq3A_563 = arith.cmpi eq, %iota3A, %eq3A_562 : vector<16xi32>
    %broadcast_in_dim3A_564 = vector.broadcast %squeeze3A_560 : f32 to vector<16xf32>
    %select_n3A_565 = arith.select %eq3A_563, %broadcast_in_dim3A_564, %select_n3A_553 : vector<16xi1>, vector<16xf32>
    %get3A_566 = arith.constant 5 : i32
    %get3A_567 = arith.index_cast %get3A_566 : i32 to index
    %get3A_568 = arith.constant 96 : index
    %get3A_569 = tpu.vector_load %arg4[%get3A_567, %get3A_568] {strides = array<i32>} : memref<16x128xf32, #tpu.memory_space<vmem>>, vector<1x16xf32>,
    %get3A_570 = vector.shape_cast %get3A_569 : vector<1x16xf32> to vector<16xf32>
    %slice3A_571 = vector.extract_strided_slice %get3A_570 {offsets = [13], sizes = [1], strides = [1]} : vector<16xf32> to vector<1xf32>
    %squeeze3A_572 = vector.extract %slice3A_571[0] : f32 from vector<1xf32>
    %eq3A_573 = arith.constant 14 : i32
    %eq3A_574 = vector.broadcast %eq3A_573 : i32 to vector<16xi32>
    %eq3A_575 = arith.cmpi eq, %iota3A, %eq3A_574 : vector<16xi32>
    %broadcast_in_dim3A_576 = vector.broadcast %squeeze3A_572 : f32 to vector<16xf32>
    %select_n3A_577 = arith.select %eq3A_575, %broadcast_in_dim3A_576, %select_n3A_565 : vector<16xi1>, vector<16xf32>
    %get3A_578 = arith.constant 5 : i32
    %get3A_579 = arith.index_cast %get3A_578 : i32 to index
    %get3A_580 = arith.constant 112 : index
    %get3A_581 = tpu.vector_load %arg4[%get3A_579, %get3A_580] {strides = array<i32>} : memref<16x128xf32, #tpu.memory_space<vmem>>, vector<1x16xf32>,
    %get3A_582 = vector.shape_cast %get3A_581 : vector<1x16xf32> to vector<16xf32>
    %slice3A_583 = vector.extract_strided_slice %get3A_582 {offsets = [8], sizes = [1], strides = [1]} : vector<16xf32> to vector<1xf32>
    %squeeze3A_584 = vector.extract %slice3A_583[0] : f32 from vector<1xf32>
    %eq3A_585 = arith.constant 15 : i32
    %eq3A_586 = vector.broadcast %eq3A_585 : i32 to vector<16xi32>
    %eq3A_587 = arith.cmpi eq, %iota3A, %eq3A_586 : vector<16xi32>
    %broadcast_in_dim3A_588 = vector.broadcast %squeeze3A_584 : f32 to vector<16xf32>
    %select_n3A_589 = arith.select %eq3A_587, %broadcast_in_dim3A_588, %select_n3A_577 : vector<16xi1>, vector<16xf32>
    %swap3A_590 = arith.constant 32 : index
    %swap3A_591 = tpu.vector_load %arg5[%swap3A_590] {strides = array<i32>} : memref<128xf32, #tpu.memory_space<vmem>>, vector<16xf32>,
    %swap3A_592 = vector.shape_cast %swap3A_591 : vector<16xf32> to vector<16xf32>
    %swap3A_593 = vector.shape_cast %select_n3A_589 : vector<16xf32> to vector<16xf32>
    tpu.vector_store %arg5[%swap3A_590], %swap3A_593 {strides = array<i32>} : memref<128xf32, #tpu.memory_space<vmem>>, vector<16xf32>,
    %broadcast_in_dim3A_594 = arith.constant 0.000000e+00 : f32
    %broadcast_in_dim3A_595 = vector.broadcast %broadcast_in_dim3A_594 : f32 to vector<16xf32>
    %get3A_596 = arith.constant 6 : i32
    %get3A_597 = arith.index_cast %get3A_596 : i32 to index
    %get3A_598 = arith.constant 0 : index
    %get3A_599 = tpu.vector_load %arg4[%get3A_597, %get3A_598] {strides = array<i32>} : memref<16x128xf32, #tpu.memory_space<vmem>>, vector<1x16xf32>,
    %get3A_600 = vector.shape_cast %get3A_599 : vector<1x16xf32> to vector<16xf32>
    %slice3A_601 = vector.extract_strided_slice %get3A_600 {offsets = [3], sizes = [1], strides = [1]} : vector<16xf32> to vector<1xf32>
    %squeeze3A_602 = vector.extract %slice3A_601[0] : f32 from vector<1xf32>
    %eq3A_603 = arith.constant 0 : i32
    %eq3A_604 = vector.broadcast %eq3A_603 : i32 to vector<16xi32>
    %eq3A_605 = arith.cmpi eq, %iota3A, %eq3A_604 : vector<16xi32>
    %broadcast_in_dim3A_606 = vector.broadcast %squeeze3A_602 : f32 to vector<16xf32>
    %select_n3A_607 = arith.select %eq3A_605, %broadcast_in_dim3A_606, %broadcast_in_dim3A_595 : vector<16xi1>, vector<16xf32>
    %get3A_608 = arith.constant 6 : i32
    %get3A_609 = arith.index_cast %get3A_608 : i32 to index
    %get3A_610 = arith.constant 16 : index
    %get3A_611 = tpu.vector_load %arg4[%get3A_609, %get3A_610] {strides = array<i32>} : memref<16x128xf32, #tpu.memory_space<vmem>>, vector<1x16xf32>,
    %get3A_612 = vector.shape_cast %get3A_611 : vector<1x16xf32> to vector<16xf32>
    %slice3A_613 = vector.extract_strided_slice %get3A_612 {offsets = [14], sizes = [1], strides = [1]} : vector<16xf32> to vector<1xf32>
    %squeeze3A_614 = vector.extract %slice3A_613[0] : f32 from vector<1xf32>
    %eq3A_615 = arith.constant 1 : i32
    %eq3A_616 = vector.broadcast %eq3A_615 : i32 to vector<16xi32>
    %eq3A_617 = arith.cmpi eq, %iota3A, %eq3A_616 : vector<16xi32>
    %broadcast_in_dim3A_618 = vector.broadcast %squeeze3A_614 : f32 to vector<16xf32>
    %select_n3A_619 = arith.select %eq3A_617, %broadcast_in_dim3A_618, %select_n3A_607 : vector<16xi1>, vector<16xf32>
    %get3A_620 = arith.constant 6 : i32
    %get3A_621 = arith.index_cast %get3A_620 : i32 to index
    %get3A_622 = arith.constant 32 : index
    %get3A_623 = tpu.vector_load %arg4[%get3A_621, %get3A_622] {strides = array<i32>} : memref<16x128xf32, #tpu.memory_space<vmem>>, vector<1x16xf32>,
    %get3A_624 = vector.shape_cast %get3A_623 : vector<1x16xf32> to vector<16xf32>
    %slice3A_625 = vector.extract_strided_slice %get3A_624 {offsets = [9], sizes = [1], strides = [1]} : vector<16xf32> to vector<1xf32>
    %squeeze3A_626 = vector.extract %slice3A_625[0] : f32 from vector<1xf32>
    %eq3A_627 = arith.constant 2 : i32
    %eq3A_628 = vector.broadcast %eq3A_627 : i32 to vector<16xi32>
    %eq3A_629 = arith.cmpi eq, %iota3A, %eq3A_628 : vector<16xi32>
    %broadcast_in_dim3A_630 = vector.broadcast %squeeze3A_626 : f32 to vector<16xf32>
    %select_n3A_631 = arith.select %eq3A_629, %broadcast_in_dim3A_630, %select_n3A_619 : vector<16xi1>, vector<16xf32>
    %get3A_632 = arith.constant 6 : i32
    %get3A_633 = arith.index_cast %get3A_632 : i32 to index
    %get3A_634 = arith.constant 48 : index
    %get3A_635 = tpu.vector_load %arg4[%get3A_633, %get3A_634] {strides = array<i32>} : memref<16x128xf32, #tpu.memory_space<vmem>>, vector<1x16xf32>,
    %get3A_636 = vector.shape_cast %get3A_635 : vector<1x16xf32> to vector<16xf32>
    %slice3A_637 = vector.extract_strided_slice %get3A_636 {offsets = [5], sizes = [1], strides = [1]} : vector<16xf32> to vector<1xf32>
    %squeeze3A_638 = vector.extract %slice3A_637[0] : f32 from vector<1xf32>
    %eq3A_639 = arith.constant 3 : i32
    %eq3A_640 = vector.broadcast %eq3A_639 : i32 to vector<16xi32>
    %eq3A_641 = arith.cmpi eq, %iota3A, %eq3A_640 : vector<16xi32>
    %broadcast_in_dim3A_642 = vector.broadcast %squeeze3A_638 : f32 to vector<16xf32>
    %select_n3A_643 = arith.select %eq3A_641, %broadcast_in_dim3A_642, %select_n3A_631 : vector<16xi1>, vector<16xf32>
    %get3A_644 = arith.constant 6 : i32
    %get3A_645 = arith.index_cast %get3A_644 : i32 to index
    %get3A_646 = arith.constant 64 : index
    %get3A_647 = tpu.vector_load %arg4[%get3A_645, %get3A_646] {strides = array<i32>} : memref<16x128xf32, #tpu.memory_space<vmem>>, vector<1x16xf32>,
    %get3A_648 = vector.shape_cast %get3A_647 : vector<1x16xf32> to vector<16xf32>
    %slice3A_649 = vector.extract_strided_slice %get3A_648 {offsets = [0], sizes = [1], strides = [1]} : vector<16xf32> to vector<1xf32>
    %squeeze3A_650 = vector.extract %slice3A_649[0] : f32 from vector<1xf32>
    %eq3A_651 = arith.constant 4 : i32
    %eq3A_652 = vector.broadcast %eq3A_651 : i32 to vector<16xi32>
    %eq3A_653 = arith.cmpi eq, %iota3A, %eq3A_652 : vector<16xi32>
    %broadcast_in_dim3A_654 = vector.broadcast %squeeze3A_650 : f32 to vector<16xf32>
    %select_n3A_655 = arith.select %eq3A_653, %broadcast_in_dim3A_654, %select_n3A_643 : vector<16xi1>, vector<16xf32>
    %get3A_656 = arith.constant 6 : i32
    %get3A_657 = arith.index_cast %get3A_656 : i32 to index
    %get3A_658 = arith.constant 80 : index
    %get3A_659 = tpu.vector_load %arg4[%get3A_657, %get3A_658] {strides = array<i32>} : memref<16x128xf32, #tpu.memory_space<vmem>>, vector<1x16xf32>,
    %get3A_660 = vector.shape_cast %get3A_659 : vector<1x16xf32> to vector<16xf32>
    %slice3A_661 = vector.extract_strided_slice %get3A_660 {offsets = [11], sizes = [1], strides = [1]} : vector<16xf32> to vector<1xf32>
    %squeeze3A_662 = vector.extract %slice3A_661[0] : f32 from vector<1xf32>
    %eq3A_663 = arith.constant 5 : i32
    %eq3A_664 = vector.broadcast %eq3A_663 : i32 to vector<16xi32>
    %eq3A_665 = arith.cmpi eq, %iota3A, %eq3A_664 : vector<16xi32>
    %broadcast_in_dim3A_666 = vector.broadcast %squeeze3A_662 : f32 to vector<16xf32>
    %select_n3A_667 = arith.select %eq3A_665, %broadcast_in_dim3A_666, %select_n3A_655 : vector<16xi1>, vector<16xf32>
    %get3A_668 = arith.constant 6 : i32
    %get3A_669 = arith.index_cast %get3A_668 : i32 to index
    %get3A_670 = arith.constant 96 : index
    %get3A_671 = tpu.vector_load %arg4[%get3A_669, %get3A_670] {strides = array<i32>} : memref<16x128xf32, #tpu.memory_space<vmem>>, vector<1x16xf32>,
    %get3A_672 = vector.shape_cast %get3A_671 : vector<1x16xf32> to vector<16xf32>
    %slice3A_673 = vector.extract_strided_slice %get3A_672 {offsets = [6], sizes = [1], strides = [1]} : vector<16xf32> to vector<1xf32>
    %squeeze3A_674 = vector.extract %slice3A_673[0] : f32 from vector<1xf32>
    %eq3A_675 = arith.constant 6 : i32
    %eq3A_676 = vector.broadcast %eq3A_675 : i32 to vector<16xi32>
    %eq3A_677 = arith.cmpi eq, %iota3A, %eq3A_676 : vector<16xi32>
    %broadcast_in_dim3A_678 = vector.broadcast %squeeze3A_674 : f32 to vector<16xf32>
    %select_n3A_679 = arith.select %eq3A_677, %broadcast_in_dim3A_678, %select_n3A_667 : vector<16xi1>, vector<16xf32>
    %get3A_680 = arith.constant 6 : i32
    %get3A_681 = arith.index_cast %get3A_680 : i32 to index
    %get3A_682 = arith.constant 112 : index
    %get3A_683 = tpu.vector_load %arg4[%get3A_681, %get3A_682] {strides = array<i32>} : memref<16x128xf32, #tpu.memory_space<vmem>>, vector<1x16xf32>,
    %get3A_684 = vector.shape_cast %get3A_683 : vector<1x16xf32> to vector<16xf32>
    %slice3A_685 = vector.extract_strided_slice %get3A_684 {offsets = [1], sizes = [1], strides = [1]} : vector<16xf32> to vector<1xf32>
    %squeeze3A_686 = vector.extract %slice3A_685[0] : f32 from vector<1xf32>
    %eq3A_687 = arith.constant 7 : i32
    %eq3A_688 = vector.broadcast %eq3A_687 : i32 to vector<16xi32>
    %eq3A_689 = arith.cmpi eq, %iota3A, %eq3A_688 : vector<16xi32>
    %broadcast_in_dim3A_690 = vector.broadcast %squeeze3A_686 : f32 to vector<16xf32>
    %select_n3A_691 = arith.select %eq3A_689, %broadcast_in_dim3A_690, %select_n3A_679 : vector<16xi1>, vector<16xf32>
    %get3A_692 = arith.constant 7 : i32
    %get3A_693 = arith.index_cast %get3A_692 : i32 to index
    %get3A_694 = arith.constant 0 : index
    %get3A_695 = tpu.vector_load %arg4[%get3A_693, %get3A_694] {strides = array<i32>} : memref<16x128xf32, #tpu.memory_space<vmem>>, vector<1x16xf32>,
    %get3A_696 = vector.shape_cast %get3A_695 : vector<1x16xf32> to vector<16xf32>
    %slice3A_697 = vector.extract_strided_slice %get3A_696 {offsets = [12], sizes = [1], strides = [1]} : vector<16xf32> to vector<1xf32>
    %squeeze3A_698 = vector.extract %slice3A_697[0] : f32 from vector<1xf32>
    %eq3A_699 = arith.constant 8 : i32
    %eq3A_700 = vector.broadcast %eq3A_699 : i32 to vector<16xi32>
    %eq3A_701 = arith.cmpi eq, %iota3A, %eq3A_700 : vector<16xi32>
    %broadcast_in_dim3A_702 = vector.broadcast %squeeze3A_698 : f32 to vector<16xf32>
    %select_n3A_703 = arith.select %eq3A_701, %broadcast_in_dim3A_702, %select_n3A_691 : vector<16xi1>, vector<16xf32>
    %get3A_704 = arith.constant 7 : i32
    %get3A_705 = arith.index_cast %get3A_704 : i32 to index
    %get3A_706 = arith.constant 16 : index
    %get3A_707 = tpu.vector_load %arg4[%get3A_705, %get3A_706] {strides = array<i32>} : memref<16x128xf32, #tpu.memory_space<vmem>>, vector<1x16xf32>,
    %get3A_708 = vector.shape_cast %get3A_707 : vector<1x16xf32> to vector<16xf32>
    %slice3A_709 = vector.extract_strided_slice %get3A_708 {offsets = [7], sizes = [1], strides = [1]} : vector<16xf32> to vector<1xf32>
    %squeeze3A_710 = vector.extract %slice3A_709[0] : f32 from vector<1xf32>
    %eq3A_711 = arith.constant 9 : i32
    %eq3A_712 = vector.broadcast %eq3A_711 : i32 to vector<16xi32>
    %eq3A_713 = arith.cmpi eq, %iota3A, %eq3A_712 : vector<16xi32>
    %broadcast_in_dim3A_714 = vector.broadcast %squeeze3A_710 : f32 to vector<16xf32>
    %select_n3A_715 = arith.select %eq3A_713, %broadcast_in_dim3A_714, %select_n3A_703 : vector<16xi1>, vector<16xf32>
    %get3A_716 = arith.constant 7 : i32
    %get3A_717 = arith.index_cast %get3A_716 : i32 to index
    %get3A_718 = arith.constant 32 : index
    %get3A_719 = tpu.vector_load %arg4[%get3A_717, %get3A_718] {strides = array<i32>} : memref<16x128xf32, #tpu.memory_space<vmem>>, vector<1x16xf32>,
    %get3A_720 = vector.shape_cast %get3A_719 : vector<1x16xf32> to vector<16xf32>
    %slice3A_721 = vector.extract_strided_slice %get3A_720 {offsets = [2], sizes = [1], strides = [1]} : vector<16xf32> to vector<1xf32>
    %squeeze3A_722 = vector.extract %slice3A_721[0] : f32 from vector<1xf32>
    %eq3A_723 = arith.constant 10 : i32
    %eq3A_724 = vector.broadcast %eq3A_723 : i32 to vector<16xi32>
    %eq3A_725 = arith.cmpi eq, %iota3A, %eq3A_724 : vector<16xi32>
    %broadcast_in_dim3A_726 = vector.broadcast %squeeze3A_722 : f32 to vector<16xf32>
    %select_n3A_727 = arith.select %eq3A_725, %broadcast_in_dim3A_726, %select_n3A_715 : vector<16xi1>, vector<16xf32>
    %get3A_728 = arith.constant 7 : i32
    %get3A_729 = arith.index_cast %get3A_728 : i32 to index
    %get3A_730 = arith.constant 48 : index
    %get3A_731 = tpu.vector_load %arg4[%get3A_729, %get3A_730] {strides = array<i32>} : memref<16x128xf32, #tpu.memory_space<vmem>>, vector<1x16xf32>,
    %get3A_732 = vector.shape_cast %get3A_731 : vector<1x16xf32> to vector<16xf32>
    %slice3A_733 = vector.extract_strided_slice %get3A_732 {offsets = [13], sizes = [1], strides = [1]} : vector<16xf32> to vector<1xf32>
    %squeeze3A_734 = vector.extract %slice3A_733[0] : f32 from vector<1xf32>
    %eq3A_735 = arith.constant 11 : i32
    %eq3A_736 = vector.broadcast %eq3A_735 : i32 to vector<16xi32>
    %eq3A_737 = arith.cmpi eq, %iota3A, %eq3A_736 : vector<16xi32>
    %broadcast_in_dim3A_738 = vector.broadcast %squeeze3A_734 : f32 to vector<16xf32>
    %select_n3A_739 = arith.select %eq3A_737, %broadcast_in_dim3A_738, %select_n3A_727 : vector<16xi1>, vector<16xf32>
    %get3A_740 = arith.constant 7 : i32
    %get3A_741 = arith.index_cast %get3A_740 : i32 to index
    %get3A_742 = arith.constant 64 : index
    %get3A_743 = tpu.vector_load %arg4[%get3A_741, %get3A_742] {strides = array<i32>} : memref<16x128xf32, #tpu.memory_space<vmem>>, vector<1x16xf32>,
    %get3A_744 = vector.shape_cast %get3A_743 : vector<1x16xf32> to vector<16xf32>
    %slice3A_745 = vector.extract_strided_slice %get3A_744 {offsets = [8], sizes = [1], strides = [1]} : vector<16xf32> to vector<1xf32>
    %squeeze3A_746 = vector.extract %slice3A_745[0] : f32 from vector<1xf32>
    %eq3A_747 = arith.constant 12 : i32
    %eq3A_748 = vector.broadcast %eq3A_747 : i32 to vector<16xi32>
    %eq3A_749 = arith.cmpi eq, %iota3A, %eq3A_748 : vector<16xi32>
    %broadcast_in_dim3A_750 = vector.broadcast %squeeze3A_746 : f32 to vector<16xf32>
    %select_n3A_751 = arith.select %eq3A_749, %broadcast_in_dim3A_750, %select_n3A_739 : vector<16xi1>, vector<16xf32>
    %get3A_752 = arith.constant 7 : i32
    %get3A_753 = arith.index_cast %get3A_752 : i32 to index
    %get3A_754 = arith.constant 80 : index
    %get3A_755 = tpu.vector_load %arg4[%get3A_753, %get3A_754] {strides = array<i32>} : memref<16x128xf32, #tpu.memory_space<vmem>>, vector<1x16xf32>,
    %get3A_756 = vector.shape_cast %get3A_755 : vector<1x16xf32> to vector<16xf32>
    %slice3A_757 = vector.extract_strided_slice %get3A_756 {offsets = [3], sizes = [1], strides = [1]} : vector<16xf32> to vector<1xf32>
    %squeeze3A_758 = vector.extract %slice3A_757[0] : f32 from vector<1xf32>
    %eq3A_759 = arith.constant 13 : i32
    %eq3A_760 = vector.broadcast %eq3A_759 : i32 to vector<16xi32>
    %eq3A_761 = arith.cmpi eq, %iota3A, %eq3A_760 : vector<16xi32>
    %broadcast_in_dim3A_762 = vector.broadcast %squeeze3A_758 : f32 to vector<16xf32>
    %select_n3A_763 = arith.select %eq3A_761, %broadcast_in_dim3A_762, %select_n3A_751 : vector<16xi1>, vector<16xf32>
    %get3A_764 = arith.constant 7 : i32
    %get3A_765 = arith.index_cast %get3A_764 : i32 to index
    %get3A_766 = arith.constant 96 : index
    %get3A_767 = tpu.vector_load %arg4[%get3A_765, %get3A_766] {strides = array<i32>} : memref<16x128xf32, #tpu.memory_space<vmem>>, vector<1x16xf32>,
    %get3A_768 = vector.shape_cast %get3A_767 : vector<1x16xf32> to vector<16xf32>
    %slice3A_769 = vector.extract_strided_slice %get3A_768 {offsets = [14], sizes = [1], strides = [1]} : vector<16xf32> to vector<1xf32>
    %squeeze3A_770 = vector.extract %slice3A_769[0] : f32 from vector<1xf32>
    %eq3A_771 = arith.constant 14 : i32
    %eq3A_772 = vector.broadcast %eq3A_771 : i32 to vector<16xi32>
    %eq3A_773 = arith.cmpi eq, %iota3A, %eq3A_772 : vector<16xi32>
    %broadcast_in_dim3A_774 = vector.broadcast %squeeze3A_770 : f32 to vector<16xf32>
    %select_n3A_775 = arith.select %eq3A_773, %broadcast_in_dim3A_774, %select_n3A_763 : vector<16xi1>, vector<16xf32>
    %get3A_776 = arith.constant 7 : i32
    %get3A_777 = arith.index_cast %get3A_776 : i32 to index
    %get3A_778 = arith.constant 112 : index
    %get3A_779 = tpu.vector_load %arg4[%get3A_777, %get3A_778] {strides = array<i32>} : memref<16x128xf32, #tpu.memory_space<vmem>>, vector<1x16xf32>,
    %get3A_780 = vector.shape_cast %get3A_779 : vector<1x16xf32> to vector<16xf32>
    %slice3A_781 = vector.extract_strided_slice %get3A_780 {offsets = [9], sizes = [1], strides = [1]} : vector<16xf32> to vector<1xf32>
    %squeeze3A_782 = vector.extract %slice3A_781[0] : f32 from vector<1xf32>
    %eq3A_783 = arith.constant 15 : i32
    %eq3A_784 = vector.broadcast %eq3A_783 : i32 to vector<16xi32>
    %eq3A_785 = arith.cmpi eq, %iota3A, %eq3A_784 : vector<16xi32>
    %broadcast_in_dim3A_786 = vector.broadcast %squeeze3A_782 : f32 to vector<16xf32>
    %select_n3A_787 = arith.select %eq3A_785, %broadcast_in_dim3A_786, %select_n3A_775 : vector<16xi1>, vector<16xf32>
    %swap3A_788 = arith.constant 48 : index
    %swap3A_789 = tpu.vector_load %arg5[%swap3A_788] {strides = array<i32>} : memref<128xf32, #tpu.memory_space<vmem>>, vector<16xf32>,
    %swap3A_790 = vector.shape_cast %swap3A_789 : vector<16xf32> to vector<16xf32>
    %swap3A_791 = vector.shape_cast %select_n3A_787 : vector<16xf32> to vector<16xf32>
    tpu.vector_store %arg5[%swap3A_788], %swap3A_791 {strides = array<i32>} : memref<128xf32, #tpu.memory_space<vmem>>, vector<16xf32>,
    %broadcast_in_dim3A_792 = arith.constant 0.000000e+00 : f32
    %broadcast_in_dim3A_793 = vector.broadcast %broadcast_in_dim3A_792 : f32 to vector<16xf32>
    %get3A_794 = arith.constant 8 : i32
    %get3A_795 = arith.index_cast %get3A_794 : i32 to index
    %get3A_796 = arith.constant 0 : index
    %get3A_797 = tpu.vector_load %arg4[%get3A_795, %get3A_796] {strides = array<i32>} : memref<16x128xf32, #tpu.memory_space<vmem>>, vector<1x16xf32>,
    %get3A_798 = vector.shape_cast %get3A_797 : vector<1x16xf32> to vector<16xf32>
    %slice3A_799 = vector.extract_strided_slice %get3A_798 {offsets = [5], sizes = [1], strides = [1]} : vector<16xf32> to vector<1xf32>
    %squeeze3A_800 = vector.extract %slice3A_799[0] : f32 from vector<1xf32>
    %eq3A_801 = arith.constant 0 : i32
    %eq3A_802 = vector.broadcast %eq3A_801 : i32 to vector<16xi32>
    %eq3A_803 = arith.cmpi eq, %iota3A, %eq3A_802 : vector<16xi32>
    %broadcast_in_dim3A_804 = vector.broadcast %squeeze3A_800 : f32 to vector<16xf32>
    %select_n3A_805 = arith.select %eq3A_803, %broadcast_in_dim3A_804, %broadcast_in_dim3A_793 : vector<16xi1>, vector<16xf32>
    %get3A_806 = arith.constant 8 : i32
    %get3A_807 = arith.index_cast %get3A_806 : i32 to index
    %get3A_808 = arith.constant 16 : index
    %get3A_809 = tpu.vector_load %arg4[%get3A_807, %get3A_808] {strides = array<i32>} : memref<16x128xf32, #tpu.memory_space<vmem>>, vector<1x16xf32>,
    %get3A_810 = vector.shape_cast %get3A_809 : vector<1x16xf32> to vector<16xf32>
    %slice3A_811 = vector.extract_strided_slice %get3A_810 {offsets = [0], sizes = [1], strides = [1]} : vector<16xf32> to vector<1xf32>
    %squeeze3A_812 = vector.extract %slice3A_811[0] : f32 from vector<1xf32>
    %eq3A_813 = arith.constant 1 : i32
    %eq3A_814 = vector.broadcast %eq3A_813 : i32 to vector<16xi32>
    %eq3A_815 = arith.cmpi eq, %iota3A, %eq3A_814 : vector<16xi32>
    %broadcast_in_dim3A_816 = vector.broadcast %squeeze3A_812 : f32 to vector<16xf32>
    %select_n3A_817 = arith.select %eq3A_815, %broadcast_in_dim3A_816, %select_n3A_805 : vector<16xi1>, vector<16xf32>
    %get3A_818 = arith.constant 8 : i32
    %get3A_819 = arith.index_cast %get3A_818 : i32 to index
    %get3A_820 = arith.constant 32 : index
    %get3A_821 = tpu.vector_load %arg4[%get3A_819, %get3A_820] {strides = array<i32>} : memref<16x128xf32, #tpu.memory_space<vmem>>, vector<1x16xf32>,
    %get3A_822 = vector.shape_cast %get3A_821 : vector<1x16xf32> to vector<16xf32>
    %slice3A_823 = vector.extract_strided_slice %get3A_822 {offsets = [11], sizes = [1], strides = [1]} : vector<16xf32> to vector<1xf32>
    %squeeze3A_824 = vector.extract %slice3A_823[0] : f32 from vector<1xf32>
    %eq3A_825 = arith.constant 2 : i32
    %eq3A_826 = vector.broadcast %eq3A_825 : i32 to vector<16xi32>
    %eq3A_827 = arith.cmpi eq, %iota3A, %eq3A_826 : vector<16xi32>
    %broadcast_in_dim3A_828 = vector.broadcast %squeeze3A_824 : f32 to vector<16xf32>
    %select_n3A_829 = arith.select %eq3A_827, %broadcast_in_dim3A_828, %select_n3A_817 : vector<16xi1>, vector<16xf32>
    %get3A_830 = arith.constant 8 : i32
    %get3A_831 = arith.index_cast %get3A_830 : i32 to index
    %get3A_832 = arith.constant 48 : index
    %get3A_833 = tpu.vector_load %arg4[%get3A_831, %get3A_832] {strides = array<i32>} : memref<16x128xf32, #tpu.memory_space<vmem>>, vector<1x16xf32>,
    %get3A_834 = vector.shape_cast %get3A_833 : vector<1x16xf32> to vector<16xf32>
    %slice3A_835 = vector.extract_strided_slice %get3A_834 {offsets = [6], sizes = [1], strides = [1]} : vector<16xf32> to vector<1xf32>
    %squeeze3A_836 = vector.extract %slice3A_835[0] : f32 from vector<1xf32>
    %eq3A_837 = arith.constant 3 : i32
    %eq3A_838 = vector.broadcast %eq3A_837 : i32 to vector<16xi32>
    %eq3A_839 = arith.cmpi eq, %iota3A, %eq3A_838 : vector<16xi32>
    %broadcast_in_dim3A_840 = vector.broadcast %squeeze3A_836 : f32 to vector<16xf32>
    %select_n3A_841 = arith.select %eq3A_839, %broadcast_in_dim3A_840, %select_n3A_829 : vector<16xi1>, vector<16xf32>
    %get3A_842 = arith.constant 8 : i32
    %get3A_843 = arith.index_cast %get3A_842 : i32 to index
    %get3A_844 = arith.constant 64 : index
    %get3A_845 = tpu.vector_load %arg4[%get3A_843, %get3A_844] {strides = array<i32>} : memref<16x128xf32, #tpu.memory_space<vmem>>, vector<1x16xf32>,
    %get3A_846 = vector.shape_cast %get3A_845 : vector<1x16xf32> to vector<16xf32>
    %slice3A_847 = vector.extract_strided_slice %get3A_846 {offsets = [1], sizes = [1], strides = [1]} : vector<16xf32> to vector<1xf32>
    %squeeze3A_848 = vector.extract %slice3A_847[0] : f32 from vector<1xf32>
    %eq3A_849 = arith.constant 4 : i32
    %eq3A_850 = vector.broadcast %eq3A_849 : i32 to vector<16xi32>
    %eq3A_851 = arith.cmpi eq, %iota3A, %eq3A_850 : vector<16xi32>
    %broadcast_in_dim3A_852 = vector.broadcast %squeeze3A_848 : f32 to vector<16xf32>
    %select_n3A_853 = arith.select %eq3A_851, %broadcast_in_dim3A_852, %select_n3A_841 : vector<16xi1>, vector<16xf32>
    %get3A_854 = arith.constant 8 : i32
    %get3A_855 = arith.index_cast %get3A_854 : i32 to index
    %get3A_856 = arith.constant 80 : index
    %get3A_857 = tpu.vector_load %arg4[%get3A_855, %get3A_856] {strides = array<i32>} : memref<16x128xf32, #tpu.memory_space<vmem>>, vector<1x16xf32>,
    %get3A_858 = vector.shape_cast %get3A_857 : vector<1x16xf32> to vector<16xf32>
    %slice3A_859 = vector.extract_strided_slice %get3A_858 {offsets = [12], sizes = [1], strides = [1]} : vector<16xf32> to vector<1xf32>
    %squeeze3A_860 = vector.extract %slice3A_859[0] : f32 from vector<1xf32>
    %eq3A_861 = arith.constant 5 : i32
    %eq3A_862 = vector.broadcast %eq3A_861 : i32 to vector<16xi32>
    %eq3A_863 = arith.cmpi eq, %iota3A, %eq3A_862 : vector<16xi32>
    %broadcast_in_dim3A_864 = vector.broadcast %squeeze3A_860 : f32 to vector<16xf32>
    %select_n3A_865 = arith.select %eq3A_863, %broadcast_in_dim3A_864, %select_n3A_853 : vector<16xi1>, vector<16xf32>
    %get3A_866 = arith.constant 8 : i32
    %get3A_867 = arith.index_cast %get3A_866 : i32 to index
    %get3A_868 = arith.constant 96 : index
    %get3A_869 = tpu.vector_load %arg4[%get3A_867, %get3A_868] {strides = array<i32>} : memref<16x128xf32, #tpu.memory_space<vmem>>, vector<1x16xf32>,
    %get3A_870 = vector.shape_cast %get3A_869 : vector<1x16xf32> to vector<16xf32>
    %slice3A_871 = vector.extract_strided_slice %get3A_870 {offsets = [7], sizes = [1], strides = [1]} : vector<16xf32> to vector<1xf32>
    %squeeze3A_872 = vector.extract %slice3A_871[0] : f32 from vector<1xf32>
    %eq3A_873 = arith.constant 6 : i32
    %eq3A_874 = vector.broadcast %eq3A_873 : i32 to vector<16xi32>
    %eq3A_875 = arith.cmpi eq, %iota3A, %eq3A_874 : vector<16xi32>
    %broadcast_in_dim3A_876 = vector.broadcast %squeeze3A_872 : f32 to vector<16xf32>
    %select_n3A_877 = arith.select %eq3A_875, %broadcast_in_dim3A_876, %select_n3A_865 : vector<16xi1>, vector<16xf32>
    %get3A_878 = arith.constant 8 : i32
    %get3A_879 = arith.index_cast %get3A_878 : i32 to index
    %get3A_880 = arith.constant 112 : index
    %get3A_881 = tpu.vector_load %arg4[%get3A_879, %get3A_880] {strides = array<i32>} : memref<16x128xf32, #tpu.memory_space<vmem>>, vector<1x16xf32>,
    %get3A_882 = vector.shape_cast %get3A_881 : vector<1x16xf32> to vector<16xf32>
    %slice3A_883 = vector.extract_strided_slice %get3A_882 {offsets = [2], sizes = [1], strides = [1]} : vector<16xf32> to vector<1xf32>
    %squeeze3A_884 = vector.extract %slice3A_883[0] : f32 from vector<1xf32>
    %eq3A_885 = arith.constant 7 : i32
    %eq3A_886 = vector.broadcast %eq3A_885 : i32 to vector<16xi32>
    %eq3A_887 = arith.cmpi eq, %iota3A, %eq3A_886 : vector<16xi32>
    %broadcast_in_dim3A_888 = vector.broadcast %squeeze3A_884 : f32 to vector<16xf32>
    %select_n3A_889 = arith.select %eq3A_887, %broadcast_in_dim3A_888, %select_n3A_877 : vector<16xi1>, vector<16xf32>
    %get3A_890 = arith.constant 9 : i32
    %get3A_891 = arith.index_cast %get3A_890 : i32 to index
    %get3A_892 = arith.constant 0 : index
    %get3A_893 = tpu.vector_load %arg4[%get3A_891, %get3A_892] {strides = array<i32>} : memref<16x128xf32, #tpu.memory_space<vmem>>, vector<1x16xf32>,
    %get3A_894 = vector.shape_cast %get3A_893 : vector<1x16xf32> to vector<16xf32>
    %slice3A_895 = vector.extract_strided_slice %get3A_894 {offsets = [13], sizes = [1], strides = [1]} : vector<16xf32> to vector<1xf32>
    %squeeze3A_896 = vector.extract %slice3A_895[0] : f32 from vector<1xf32>
    %eq3A_897 = arith.constant 8 : i32
    %eq3A_898 = vector.broadcast %eq3A_897 : i32 to vector<16xi32>
    %eq3A_899 = arith.cmpi eq, %iota3A, %eq3A_898 : vector<16xi32>
    %broadcast_in_dim3A_900 = vector.broadcast %squeeze3A_896 : f32 to vector<16xf32>
    %select_n3A_901 = arith.select %eq3A_899, %broadcast_in_dim3A_900, %select_n3A_889 : vector<16xi1>, vector<16xf32>
    %get3A_902 = arith.constant 9 : i32
    %get3A_903 = arith.index_cast %get3A_902 : i32 to index
    %get3A_904 = arith.constant 16 : index
    %get3A_905 = tpu.vector_load %arg4[%get3A_903, %get3A_904] {strides = array<i32>} : memref<16x128xf32, #tpu.memory_space<vmem>>, vector<1x16xf32>,
    %get3A_906 = vector.shape_cast %get3A_905 : vector<1x16xf32> to vector<16xf32>
    %slice3A_907 = vector.extract_strided_slice %get3A_906 {offsets = [8], sizes = [1], strides = [1]} : vector<16xf32> to vector<1xf32>
    %squeeze3A_908 = vector.extract %slice3A_907[0] : f32 from vector<1xf32>
    %eq3A_909 = arith.constant 9 : i32
    %eq3A_910 = vector.broadcast %eq3A_909 : i32 to vector<16xi32>
    %eq3A_911 = arith.cmpi eq, %iota3A, %eq3A_910 : vector<16xi32>
    %broadcast_in_dim3A_912 = vector.broadcast %squeeze3A_908 : f32 to vector<16xf32>
    %select_n3A_913 = arith.select %eq3A_911, %broadcast_in_dim3A_912, %select_n3A_901 : vector<16xi1>, vector<16xf32>
    %get3A_914 = arith.constant 9 : i32
    %get3A_915 = arith.index_cast %get3A_914 : i32 to index
    %get3A_916 = arith.constant 32 : index
    %get3A_917 = tpu.vector_load %arg4[%get3A_915, %get3A_916] {strides = array<i32>} : memref<16x128xf32, #tpu.memory_space<vmem>>, vector<1x16xf32>,
    %get3A_918 = vector.shape_cast %get3A_917 : vector<1x16xf32> to vector<16xf32>
    %slice3A_919 = vector.extract_strided_slice %get3A_918 {offsets = [3], sizes = [1], strides = [1]} : vector<16xf32> to vector<1xf32>
    %squeeze3A_920 = vector.extract %slice3A_919[0] : f32 from vector<1xf32>
    %eq3A_921 = arith.constant 10 : i32
    %eq3A_922 = vector.broadcast %eq3A_921 : i32 to vector<16xi32>
    %eq3A_923 = arith.cmpi eq, %iota3A, %eq3A_922 : vector<16xi32>
    %broadcast_in_dim3A_924 = vector.broadcast %squeeze3A_920 : f32 to vector<16xf32>
    %select_n3A_925 = arith.select %eq3A_923, %broadcast_in_dim3A_924, %select_n3A_913 : vector<16xi1>, vector<16xf32>
    %get3A_926 = arith.constant 9 : i32
    %get3A_927 = arith.index_cast %get3A_926 : i32 to index
    %get3A_928 = arith.constant 48 : index
    %get3A_929 = tpu.vector_load %arg4[%get3A_927, %get3A_928] {strides = array<i32>} : memref<16x128xf32, #tpu.memory_space<vmem>>, vector<1x16xf32>,
    %get3A_930 = vector.shape_cast %get3A_929 : vector<1x16xf32> to vector<16xf32>
    %slice3A_931 = vector.extract_strided_slice %get3A_930 {offsets = [14], sizes = [1], strides = [1]} : vector<16xf32> to vector<1xf32>
    %squeeze3A_932 = vector.extract %slice3A_931[0] : f32 from vector<1xf32>
    %eq3A_933 = arith.constant 11 : i32
    %eq3A_934 = vector.broadcast %eq3A_933 : i32 to vector<16xi32>
    %eq3A_935 = arith.cmpi eq, %iota3A, %eq3A_934 : vector<16xi32>
    %broadcast_in_dim3A_936 = vector.broadcast %squeeze3A_932 : f32 to vector<16xf32>
    %select_n3A_937 = arith.select %eq3A_935, %broadcast_in_dim3A_936, %select_n3A_925 : vector<16xi1>, vector<16xf32>
    %get3A_938 = arith.constant 9 : i32
    %get3A_939 = arith.index_cast %get3A_938 : i32 to index
    %get3A_940 = arith.constant 64 : index
    %get3A_941 = tpu.vector_load %arg4[%get3A_939, %get3A_940] {strides = array<i32>} : memref<16x128xf32, #tpu.memory_space<vmem>>, vector<1x16xf32>,
    %get3A_942 = vector.shape_cast %get3A_941 : vector<1x16xf32> to vector<16xf32>
    %slice3A_943 = vector.extract_strided_slice %get3A_942 {offsets = [9], sizes = [1], strides = [1]} : vector<16xf32> to vector<1xf32>
    %squeeze3A_944 = vector.extract %slice3A_943[0] : f32 from vector<1xf32>
    %eq3A_945 = arith.constant 12 : i32
    %eq3A_946 = vector.broadcast %eq3A_945 : i32 to vector<16xi32>
    %eq3A_947 = arith.cmpi eq, %iota3A, %eq3A_946 : vector<16xi32>
    %broadcast_in_dim3A_948 = vector.broadcast %squeeze3A_944 : f32 to vector<16xf32>
    %select_n3A_949 = arith.select %eq3A_947, %broadcast_in_dim3A_948, %select_n3A_937 : vector<16xi1>, vector<16xf32>
    %get3A_950 = arith.constant 9 : i32
    %get3A_951 = arith.index_cast %get3A_950 : i32 to index
    %get3A_952 = arith.constant 80 : index
    %get3A_953 = tpu.vector_load %arg4[%get3A_951, %get3A_952] {strides = array<i32>} : memref<16x128xf32, #tpu.memory_space<vmem>>, vector<1x16xf32>,
    %get3A_954 = vector.shape_cast %get3A_953 : vector<1x16xf32> to vector<16xf32>
    %slice3A_955 = vector.extract_strided_slice %get3A_954 {offsets = [5], sizes = [1], strides = [1]} : vector<16xf32> to vector<1xf32>
    %squeeze3A_956 = vector.extract %slice3A_955[0] : f32 from vector<1xf32>
    %eq3A_957 = arith.constant 13 : i32
    %eq3A_958 = vector.broadcast %eq3A_957 : i32 to vector<16xi32>
    %eq3A_959 = arith.cmpi eq, %iota3A, %eq3A_958 : vector<16xi32>
    %broadcast_in_dim3A_960 = vector.broadcast %squeeze3A_956 : f32 to vector<16xf32>
    %select_n3A_961 = arith.select %eq3A_959, %broadcast_in_dim3A_960, %select_n3A_949 : vector<16xi1>, vector<16xf32>
    %get3A_962 = arith.constant 9 : i32
    %get3A_963 = arith.index_cast %get3A_962 : i32 to index
    %get3A_964 = arith.constant 96 : index
    %get3A_965 = tpu.vector_load %arg4[%get3A_963, %get3A_964] {strides = array<i32>} : memref<16x128xf32, #tpu.memory_space<vmem>>, vector<1x16xf32>,
    %get3A_966 = vector.shape_cast %get3A_965 : vector<1x16xf32> to vector<16xf32>
    %slice3A_967 = vector.extract_strided_slice %get3A_966 {offsets = [0], sizes = [1], strides = [1]} : vector<16xf32> to vector<1xf32>
    %squeeze3A_968 = vector.extract %slice3A_967[0] : f32 from vector<1xf32>
    %eq3A_969 = arith.constant 14 : i32
    %eq3A_970 = vector.broadcast %eq3A_969 : i32 to vector<16xi32>
    %eq3A_971 = arith.cmpi eq, %iota3A, %eq3A_970 : vector<16xi32>
    %broadcast_in_dim3A_972 = vector.broadcast %squeeze3A_968 : f32 to vector<16xf32>
    %select_n3A_973 = arith.select %eq3A_971, %broadcast_in_dim3A_972, %select_n3A_961 : vector<16xi1>, vector<16xf32>
    %get3A_974 = arith.constant 9 : i32
    %get3A_975 = arith.index_cast %get3A_974 : i32 to index
    %get3A_976 = arith.constant 112 : index
    %get3A_977 = tpu.vector_load %arg4[%get3A_975, %get3A_976] {strides = array<i32>} : memref<16x128xf32, #tpu.memory_space<vmem>>, vector<1x16xf32>,
    %get3A_978 = vector.shape_cast %get3A_977 : vector<1x16xf32> to vector<16xf32>
    %slice3A_979 = vector.extract_strided_slice %get3A_978 {offsets = [11], sizes = [1], strides = [1]} : vector<16xf32> to vector<1xf32>
    %squeeze3A_980 = vector.extract %slice3A_979[0] : f32 from vector<1xf32>
    %eq3A_981 = arith.constant 15 : i32
    %eq3A_982 = vector.broadcast %eq3A_981 : i32 to vector<16xi32>
    %eq3A_983 = arith.cmpi eq, %iota3A, %eq3A_982 : vector<16xi32>
    %broadcast_in_dim3A_984 = vector.broadcast %squeeze3A_980 : f32 to vector<16xf32>
    %select_n3A_985 = arith.select %eq3A_983, %broadcast_in_dim3A_984, %select_n3A_973 : vector<16xi1>, vector<16xf32>
    %swap3A_986 = arith.constant 64 : index
    %swap3A_987 = tpu.vector_load %arg5[%swap3A_986] {strides = array<i32>} : memref<128xf32, #tpu.memory_space<vmem>>, vector<16xf32>,
    %swap3A_988 = vector.shape_cast %swap3A_987 : vector<16xf32> to vector<16xf32>
    %swap3A_989 = vector.shape_cast %select_n3A_985 : vector<16xf32> to vector<16xf32>
    tpu.vector_store %arg5[%swap3A_986], %swap3A_989 {strides = array<i32>} : memref<128xf32, #tpu.memory_space<vmem>>, vector<16xf32>,
    %broadcast_in_dim3A_990 = arith.constant 0.000000e+00 : f32
    %broadcast_in_dim3A_991 = vector.broadcast %broadcast_in_dim3A_990 : f32 to vector<16xf32>
    %get3A_992 = arith.constant 10 : i32
    %get3A_993 = arith.index_cast %get3A_992 : i32 to index
    %get3A_994 = arith.constant 0 : index
    %get3A_995 = tpu.vector_load %arg4[%get3A_993, %get3A_994] {strides = array<i32>} : memref<16x128xf32, #tpu.memory_space<vmem>>, vector<1x16xf32>,
    %get3A_996 = vector.shape_cast %get3A_995 : vector<1x16xf32> to vector<16xf32>
    %slice3A_997 = vector.extract_strided_slice %get3A_996 {offsets = [6], sizes = [1], strides = [1]} : vector<16xf32> to vector<1xf32>
    %squeeze3A_998 = vector.extract %slice3A_997[0] : f32 from vector<1xf32>
    %eq3A_999 = arith.constant 0 : i32
    %eq3A_1000 = vector.broadcast %eq3A_999 : i32 to vector<16xi32>
    %eq3A_1001 = arith.cmpi eq, %iota3A, %eq3A_1000 : vector<16xi32>
    %broadcast_in_dim3A_1002 = vector.broadcast %squeeze3A_998 : f32 to vector<16xf32>
    %select_n3A_1003 = arith.select %eq3A_1001, %broadcast_in_dim3A_1002, %broadcast_in_dim3A_991 : vector<16xi1>, vector<16xf32>
    %get3A_1004 = arith.constant 10 : i32
    %get3A_1005 = arith.index_cast %get3A_1004 : i32 to index
    %get3A_1006 = arith.constant 16 : index
    %get3A_1007 = tpu.vector_load %arg4[%get3A_1005, %get3A_1006] {strides = array<i32>} : memref<16x128xf32, #tpu.memory_space<vmem>>, vector<1x16xf32>,
    %get3A_1008 = vector.shape_cast %get3A_1007 : vector<1x16xf32> to vector<16xf32>
    %slice3A_1009 = vector.extract_strided_slice %get3A_1008 {offsets = [1], sizes = [1], strides = [1]} : vector<16xf32> to vector<1xf32>
    %squeeze3A_1010 = vector.extract %slice3A_1009[0] : f32 from vector<1xf32>
    %eq3A_1011 = arith.constant 1 : i32
    %eq3A_1012 = vector.broadcast %eq3A_1011 : i32 to vector<16xi32>
    %eq3A_1013 = arith.cmpi eq, %iota3A, %eq3A_1012 : vector<16xi32>
    %broadcast_in_dim3A_1014 = vector.broadcast %squeeze3A_1010 : f32 to vector<16xf32>
    %select_n3A_1015 = arith.select %eq3A_1013, %broadcast_in_dim3A_1014, %select_n3A_1003 : vector<16xi1>, vector<16xf32>
    %get3A_1016 = arith.constant 10 : i32
    %get3A_1017 = arith.index_cast %get3A_1016 : i32 to index
    %get3A_1018 = arith.constant 32 : index
    %get3A_1019 = tpu.vector_load %arg4[%get3A_1017, %get3A_1018] {strides = array<i32>} : memref<16x128xf32, #tpu.memory_space<vmem>>, vector<1x16xf32>,
    %get3A_1020 = vector.shape_cast %get3A_1019 : vector<1x16xf32> to vector<16xf32>
    %slice3A_1021 = vector.extract_strided_slice %get3A_1020 {offsets = [12], sizes = [1], strides = [1]} : vector<16xf32> to vector<1xf32>
    %squeeze3A_1022 = vector.extract %slice3A_1021[0] : f32 from vector<1xf32>
    %eq3A_1023 = arith.constant 2 : i32
    %eq3A_1024 = vector.broadcast %eq3A_1023 : i32 to vector<16xi32>
    %eq3A_1025 = arith.cmpi eq, %iota3A, %eq3A_1024 : vector<16xi32>
    %broadcast_in_dim3A_1026 = vector.broadcast %squeeze3A_1022 : f32 to vector<16xf32>
    %select_n3A_1027 = arith.select %eq3A_1025, %broadcast_in_dim3A_1026, %select_n3A_1015 : vector<16xi1>, vector<16xf32>
    %get3A_1028 = arith.constant 10 : i32
    %get3A_1029 = arith.index_cast %get3A_1028 : i32 to index
    %get3A_1030 = arith.constant 48 : index
    %get3A_1031 = tpu.vector_load %arg4[%get3A_1029, %get3A_1030] {strides = array<i32>} : memref<16x128xf32, #tpu.memory_space<vmem>>, vector<1x16xf32>,
    %get3A_1032 = vector.shape_cast %get3A_1031 : vector<1x16xf32> to vector<16xf32>
    %slice3A_1033 = vector.extract_strided_slice %get3A_1032 {offsets = [7], sizes = [1], strides = [1]} : vector<16xf32> to vector<1xf32>
    %squeeze3A_1034 = vector.extract %slice3A_1033[0] : f32 from vector<1xf32>
    %eq3A_1035 = arith.constant 3 : i32
    %eq3A_1036 = vector.broadcast %eq3A_1035 : i32 to vector<16xi32>
    %eq3A_1037 = arith.cmpi eq, %iota3A, %eq3A_1036 : vector<16xi32>
    %broadcast_in_dim3A_1038 = vector.broadcast %squeeze3A_1034 : f32 to vector<16xf32>
    %select_n3A_1039 = arith.select %eq3A_1037, %broadcast_in_dim3A_1038, %select_n3A_1027 : vector<16xi1>, vector<16xf32>
    %get3A_1040 = arith.constant 10 : i32
    %get3A_1041 = arith.index_cast %get3A_1040 : i32 to index
    %get3A_1042 = arith.constant 64 : index
    %get3A_1043 = tpu.vector_load %arg4[%get3A_1041, %get3A_1042] {strides = array<i32>} : memref<16x128xf32, #tpu.memory_space<vmem>>, vector<1x16xf32>,
    %get3A_1044 = vector.shape_cast %get3A_1043 : vector<1x16xf32> to vector<16xf32>
    %slice3A_1045 = vector.extract_strided_slice %get3A_1044 {offsets = [2], sizes = [1], strides = [1]} : vector<16xf32> to vector<1xf32>
    %squeeze3A_1046 = vector.extract %slice3A_1045[0] : f32 from vector<1xf32>
    %eq3A_1047 = arith.constant 4 : i32
    %eq3A_1048 = vector.broadcast %eq3A_1047 : i32 to vector<16xi32>
    %eq3A_1049 = arith.cmpi eq, %iota3A, %eq3A_1048 : vector<16xi32>
    %broadcast_in_dim3A_1050 = vector.broadcast %squeeze3A_1046 : f32 to vector<16xf32>
    %select_n3A_1051 = arith.select %eq3A_1049, %broadcast_in_dim3A_1050, %select_n3A_1039 : vector<16xi1>, vector<16xf32>
    %get3A_1052 = arith.constant 10 : i32
    %get3A_1053 = arith.index_cast %get3A_1052 : i32 to index
    %get3A_1054 = arith.constant 80 : index
    %get3A_1055 = tpu.vector_load %arg4[%get3A_1053, %get3A_1054] {strides = array<i32>} : memref<16x128xf32, #tpu.memory_space<vmem>>, vector<1x16xf32>,
    %get3A_1056 = vector.shape_cast %get3A_1055 : vector<1x16xf32> to vector<16xf32>
    %slice3A_1057 = vector.extract_strided_slice %get3A_1056 {offsets = [13], sizes = [1], strides = [1]} : vector<16xf32> to vector<1xf32>
    %squeeze3A_1058 = vector.extract %slice3A_1057[0] : f32 from vector<1xf32>
    %eq3A_1059 = arith.constant 5 : i32
    %eq3A_1060 = vector.broadcast %eq3A_1059 : i32 to vector<16xi32>
    %eq3A_1061 = arith.cmpi eq, %iota3A, %eq3A_1060 : vector<16xi32>
    %broadcast_in_dim3A_1062 = vector.broadcast %squeeze3A_1058 : f32 to vector<16xf32>
    %select_n3A_1063 = arith.select %eq3A_1061, %broadcast_in_dim3A_1062, %select_n3A_1051 : vector<16xi1>, vector<16xf32>
    %get3A_1064 = arith.constant 10 : i32
    %get3A_1065 = arith.index_cast %get3A_1064 : i32 to index
    %get3A_1066 = arith.constant 96 : index
    %get3A_1067 = tpu.vector_load %arg4[%get3A_1065, %get3A_1066] {strides = array<i32>} : memref<16x128xf32, #tpu.memory_space<vmem>>, vector<1x16xf32>,
    %get3A_1068 = vector.shape_cast %get3A_1067 : vector<1x16xf32> to vector<16xf32>
    %slice3A_1069 = vector.extract_strided_slice %get3A_1068 {offsets = [8], sizes = [1], strides = [1]} : vector<16xf32> to vector<1xf32>
    %squeeze3A_1070 = vector.extract %slice3A_1069[0] : f32 from vector<1xf32>
    %eq3A_1071 = arith.constant 6 : i32
    %eq3A_1072 = vector.broadcast %eq3A_1071 : i32 to vector<16xi32>
    %eq3A_1073 = arith.cmpi eq, %iota3A, %eq3A_1072 : vector<16xi32>
    %broadcast_in_dim3A_1074 = vector.broadcast %squeeze3A_1070 : f32 to vector<16xf32>
    %select_n3A_1075 = arith.select %eq3A_1073, %broadcast_in_dim3A_1074, %select_n3A_1063 : vector<16xi1>, vector<16xf32>
    %get3A_1076 = arith.constant 10 : i32
    %get3A_1077 = arith.index_cast %get3A_1076 : i32 to index
    %get3A_1078 = arith.constant 112 : index
    %get3A_1079 = tpu.vector_load %arg4[%get3A_1077, %get3A_1078] {strides = array<i32>} : memref<16x128xf32, #tpu.memory_space<vmem>>, vector<1x16xf32>,
    %get3A_1080 = vector.shape_cast %get3A_1079 : vector<1x16xf32> to vector<16xf32>
    %slice3A_1081 = vector.extract_strided_slice %get3A_1080 {offsets = [3], sizes = [1], strides = [1]} : vector<16xf32> to vector<1xf32>
    %squeeze3A_1082 = vector.extract %slice3A_1081[0] : f32 from vector<1xf32>
    %eq3A_1083 = arith.constant 7 : i32
    %eq3A_1084 = vector.broadcast %eq3A_1083 : i32 to vector<16xi32>
    %eq3A_1085 = arith.cmpi eq, %iota3A, %eq3A_1084 : vector<16xi32>
    %broadcast_in_dim3A_1086 = vector.broadcast %squeeze3A_1082 : f32 to vector<16xf32>
    %select_n3A_1087 = arith.select %eq3A_1085, %broadcast_in_dim3A_1086, %select_n3A_1075 : vector<16xi1>, vector<16xf32>
    %get3A_1088 = arith.constant 11 : i32
    %get3A_1089 = arith.index_cast %get3A_1088 : i32 to index
    %get3A_1090 = arith.constant 0 : index
    %get3A_1091 = tpu.vector_load %arg4[%get3A_1089, %get3A_1090] {strides = array<i32>} : memref<16x128xf32, #tpu.memory_space<vmem>>, vector<1x16xf32>,
    %get3A_1092 = vector.shape_cast %get3A_1091 : vector<1x16xf32> to vector<16xf32>
    %slice3A_1093 = vector.extract_strided_slice %get3A_1092 {offsets = [14], sizes = [1], strides = [1]} : vector<16xf32> to vector<1xf32>
    %squeeze3A_1094 = vector.extract %slice3A_1093[0] : f32 from vector<1xf32>
    %eq3A_1095 = arith.constant 8 : i32
    %eq3A_1096 = vector.broadcast %eq3A_1095 : i32 to vector<16xi32>
    %eq3A_1097 = arith.cmpi eq, %iota3A, %eq3A_1096 : vector<16xi32>
    %broadcast_in_dim3A_1098 = vector.broadcast %squeeze3A_1094 : f32 to vector<16xf32>
    %select_n3A_1099 = arith.select %eq3A_1097, %broadcast_in_dim3A_1098, %select_n3A_1087 : vector<16xi1>, vector<16xf32>
    %get3A_1100 = arith.constant 11 : i32
    %get3A_1101 = arith.index_cast %get3A_1100 : i32 to index
    %get3A_1102 = arith.constant 16 : index
    %get3A_1103 = tpu.vector_load %arg4[%get3A_1101, %get3A_1102] {strides = array<i32>} : memref<16x128xf32, #tpu.memory_space<vmem>>, vector<1x16xf32>,
    %get3A_1104 = vector.shape_cast %get3A_1103 : vector<1x16xf32> to vector<16xf32>
    %slice3A_1105 = vector.extract_strided_slice %get3A_1104 {offsets = [10], sizes = [1], strides = [1]} : vector<16xf32> to vector<1xf32>
    %squeeze3A_1106 = vector.extract %slice3A_1105[0] : f32 from vector<1xf32>
    %eq3A_1107 = arith.constant 9 : i32
    %eq3A_1108 = vector.broadcast %eq3A_1107 : i32 to vector<16xi32>
    %eq3A_1109 = arith.cmpi eq, %iota3A, %eq3A_1108 : vector<16xi32>
    %broadcast_in_dim3A_1110 = vector.broadcast %squeeze3A_1106 : f32 to vector<16xf32>
    %select_n3A_1111 = arith.select %eq3A_1109, %broadcast_in_dim3A_1110, %select_n3A_1099 : vector<16xi1>, vector<16xf32>
    %get3A_1112 = arith.constant 11 : i32
    %get3A_1113 = arith.index_cast %get3A_1112 : i32 to index
    %get3A_1114 = arith.constant 32 : index
    %get3A_1115 = tpu.vector_load %arg4[%get3A_1113, %get3A_1114] {strides = array<i32>} : memref<16x128xf32, #tpu.memory_space<vmem>>, vector<1x16xf32>,
    %get3A_1116 = vector.shape_cast %get3A_1115 : vector<1x16xf32> to vector<16xf32>
    %slice3A_1117 = vector.extract_strided_slice %get3A_1116 {offsets = [5], sizes = [1], strides = [1]} : vector<16xf32> to vector<1xf32>
    %squeeze3A_1118 = vector.extract %slice3A_1117[0] : f32 from vector<1xf32>
    %eq3A_1119 = arith.constant 10 : i32
    %eq3A_1120 = vector.broadcast %eq3A_1119 : i32 to vector<16xi32>
    %eq3A_1121 = arith.cmpi eq, %iota3A, %eq3A_1120 : vector<16xi32>
    %broadcast_in_dim3A_1122 = vector.broadcast %squeeze3A_1118 : f32 to vector<16xf32>
    %select_n3A_1123 = arith.select %eq3A_1121, %broadcast_in_dim3A_1122, %select_n3A_1111 : vector<16xi1>, vector<16xf32>
    %get3A_1124 = arith.constant 11 : i32
    %get3A_1125 = arith.index_cast %get3A_1124 : i32 to index
    %get3A_1126 = arith.constant 48 : index
    %get3A_1127 = tpu.vector_load %arg4[%get3A_1125, %get3A_1126] {strides = array<i32>} : memref<16x128xf32, #tpu.memory_space<vmem>>, vector<1x16xf32>,
    %get3A_1128 = vector.shape_cast %get3A_1127 : vector<1x16xf32> to vector<16xf32>
    %slice3A_1129 = vector.extract_strided_slice %get3A_1128 {offsets = [0], sizes = [1], strides = [1]} : vector<16xf32> to vector<1xf32>
    %squeeze3A_1130 = vector.extract %slice3A_1129[0] : f32 from vector<1xf32>
    %eq3A_1131 = arith.constant 11 : i32
    %eq3A_1132 = vector.broadcast %eq3A_1131 : i32 to vector<16xi32>
    %eq3A_1133 = arith.cmpi eq, %iota3A, %eq3A_1132 : vector<16xi32>
    %broadcast_in_dim3A_1134 = vector.broadcast %squeeze3A_1130 : f32 to vector<16xf32>
    %select_n3A_1135 = arith.select %eq3A_1133, %broadcast_in_dim3A_1134, %select_n3A_1123 : vector<16xi1>, vector<16xf32>
    %get3A_1136 = arith.constant 11 : i32
    %get3A_1137 = arith.index_cast %get3A_1136 : i32 to index
    %get3A_1138 = arith.constant 64 : index
    %get3A_1139 = tpu.vector_load %arg4[%get3A_1137, %get3A_1138] {strides = array<i32>} : memref<16x128xf32, #tpu.memory_space<vmem>>, vector<1x16xf32>,
    %get3A_1140 = vector.shape_cast %get3A_1139 : vector<1x16xf32> to vector<16xf32>
    %slice3A_1141 = vector.extract_strided_slice %get3A_1140 {offsets = [11], sizes = [1], strides = [1]} : vector<16xf32> to vector<1xf32>
    %squeeze3A_1142 = vector.extract %slice3A_1141[0] : f32 from vector<1xf32>
    %eq3A_1143 = arith.constant 12 : i32
    %eq3A_1144 = vector.broadcast %eq3A_1143 : i32 to vector<16xi32>
    %eq3A_1145 = arith.cmpi eq, %iota3A, %eq3A_1144 : vector<16xi32>
    %broadcast_in_dim3A_1146 = vector.broadcast %squeeze3A_1142 : f32 to vector<16xf32>
    %select_n3A_1147 = arith.select %eq3A_1145, %broadcast_in_dim3A_1146, %select_n3A_1135 : vector<16xi1>, vector<16xf32>
    %get3A_1148 = arith.constant 11 : i32
    %get3A_1149 = arith.index_cast %get3A_1148 : i32 to index
    %get3A_1150 = arith.constant 80 : index
    %get3A_1151 = tpu.vector_load %arg4[%get3A_1149, %get3A_1150] {strides = array<i32>} : memref<16x128xf32, #tpu.memory_space<vmem>>, vector<1x16xf32>,
    %get3A_1152 = vector.shape_cast %get3A_1151 : vector<1x16xf32> to vector<16xf32>
    %slice3A_1153 = vector.extract_strided_slice %get3A_1152 {offsets = [6], sizes = [1], strides = [1]} : vector<16xf32> to vector<1xf32>
    %squeeze3A_1154 = vector.extract %slice3A_1153[0] : f32 from vector<1xf32>
    %eq3A_1155 = arith.constant 13 : i32
    %eq3A_1156 = vector.broadcast %eq3A_1155 : i32 to vector<16xi32>
    %eq3A_1157 = arith.cmpi eq, %iota3A, %eq3A_1156 : vector<16xi32>
    %broadcast_in_dim3A_1158 = vector.broadcast %squeeze3A_1154 : f32 to vector<16xf32>
    %select_n3A_1159 = arith.select %eq3A_1157, %broadcast_in_dim3A_1158, %select_n3A_1147 : vector<16xi1>, vector<16xf32>
    %get3A_1160 = arith.constant 11 : i32
    %get3A_1161 = arith.index_cast %get3A_1160 : i32 to index
    %get3A_1162 = arith.constant 96 : index
    %get3A_1163 = tpu.vector_load %arg4[%get3A_1161, %get3A_1162] {strides = array<i32>} : memref<16x128xf32, #tpu.memory_space<vmem>>, vector<1x16xf32>,
    %get3A_1164 = vector.shape_cast %get3A_1163 : vector<1x16xf32> to vector<16xf32>
    %slice3A_1165 = vector.extract_strided_slice %get3A_1164 {offsets = [1], sizes = [1], strides = [1]} : vector<16xf32> to vector<1xf32>
    %squeeze3A_1166 = vector.extract %slice3A_1165[0] : f32 from vector<1xf32>
    %eq3A_1167 = arith.constant 14 : i32
    %eq3A_1168 = vector.broadcast %eq3A_1167 : i32 to vector<16xi32>
    %eq3A_1169 = arith.cmpi eq, %iota3A, %eq3A_1168 : vector<16xi32>
    %broadcast_in_dim3A_1170 = vector.broadcast %squeeze3A_1166 : f32 to vector<16xf32>
    %select_n3A_1171 = arith.select %eq3A_1169, %broadcast_in_dim3A_1170, %select_n3A_1159 : vector<16xi1>, vector<16xf32>
    %get3A_1172 = arith.constant 11 : i32
    %get3A_1173 = arith.index_cast %get3A_1172 : i32 to index
    %get3A_1174 = arith.constant 112 : index
    %get3A_1175 = tpu.vector_load %arg4[%get3A_1173, %get3A_1174] {strides = array<i32>} : memref<16x128xf32, #tpu.memory_space<vmem>>, vector<1x16xf32>,
    %get3A_1176 = vector.shape_cast %get3A_1175 : vector<1x16xf32> to vector<16xf32>
    %slice3A_1177 = vector.extract_strided_slice %get3A_1176 {offsets = [12], sizes = [1], strides = [1]} : vector<16xf32> to vector<1xf32>
    %squeeze3A_1178 = vector.extract %slice3A_1177[0] : f32 from vector<1xf32>
    %eq3A_1179 = arith.constant 15 : i32
    %eq3A_1180 = vector.broadcast %eq3A_1179 : i32 to vector<16xi32>
    %eq3A_1181 = arith.cmpi eq, %iota3A, %eq3A_1180 : vector<16xi32>
    %broadcast_in_dim3A_1182 = vector.broadcast %squeeze3A_1178 : f32 to vector<16xf32>
    %select_n3A_1183 = arith.select %eq3A_1181, %broadcast_in_dim3A_1182, %select_n3A_1171 : vector<16xi1>, vector<16xf32>
    %swap3A_1184 = arith.constant 80 : index
    %swap3A_1185 = tpu.vector_load %arg5[%swap3A_1184] {strides = array<i32>} : memref<128xf32, #tpu.memory_space<vmem>>, vector<16xf32>,
    %swap3A_1186 = vector.shape_cast %swap3A_1185 : vector<16xf32> to vector<16xf32>
    %swap3A_1187 = vector.shape_cast %select_n3A_1183 : vector<16xf32> to vector<16xf32>
    tpu.vector_store %arg5[%swap3A_1184], %swap3A_1187 {strides = array<i32>} : memref<128xf32, #tpu.memory_space<vmem>>, vector<16xf32>,
    %broadcast_in_dim3A_1188 = arith.constant 0.000000e+00 : f32
    %broadcast_in_dim3A_1189 = vector.broadcast %broadcast_in_dim3A_1188 : f32 to vector<16xf32>
    %get3A_1190 = arith.constant 12 : i32
    %get3A_1191 = arith.index_cast %get3A_1190 : i32 to index
    %get3A_1192 = arith.constant 0 : index
    %get3A_1193 = tpu.vector_load %arg4[%get3A_1191, %get3A_1192] {strides = array<i32>} : memref<16x128xf32, #tpu.memory_space<vmem>>, vector<1x16xf32>,
    %get3A_1194 = vector.shape_cast %get3A_1193 : vector<1x16xf32> to vector<16xf32>
    %slice3A_1195 = vector.extract_strided_slice %get3A_1194 {offsets = [7], sizes = [1], strides = [1]} : vector<16xf32> to vector<1xf32>
    %squeeze3A_1196 = vector.extract %slice3A_1195[0] : f32 from vector<1xf32>
    %eq3A_1197 = arith.constant 0 : i32
    %eq3A_1198 = vector.broadcast %eq3A_1197 : i32 to vector<16xi32>
    %eq3A_1199 = arith.cmpi eq, %iota3A, %eq3A_1198 : vector<16xi32>
    %broadcast_in_dim3A_1200 = vector.broadcast %squeeze3A_1196 : f32 to vector<16xf32>
    %select_n3A_1201 = arith.select %eq3A_1199, %broadcast_in_dim3A_1200, %broadcast_in_dim3A_1189 : vector<16xi1>, vector<16xf32>
    %get3A_1202 = arith.constant 12 : i32
    %get3A_1203 = arith.index_cast %get3A_1202 : i32 to index
    %get3A_1204 = arith.constant 16 : index
    %get3A_1205 = tpu.vector_load %arg4[%get3A_1203, %get3A_1204] {strides = array<i32>} : memref<16x128xf32, #tpu.memory_space<vmem>>, vector<1x16xf32>,
    %get3A_1206 = vector.shape_cast %get3A_1205 : vector<1x16xf32> to vector<16xf32>
    %slice3A_1207 = vector.extract_strided_slice %get3A_1206 {offsets = [2], sizes = [1], strides = [1]} : vector<16xf32> to vector<1xf32>
    %squeeze3A_1208 = vector.extract %slice3A_1207[0] : f32 from vector<1xf32>
    %eq3A_1209 = arith.constant 1 : i32
    %eq3A_1210 = vector.broadcast %eq3A_1209 : i32 to vector<16xi32>
    %eq3A_1211 = arith.cmpi eq, %iota3A, %eq3A_1210 : vector<16xi32>
    %broadcast_in_dim3A_1212 = vector.broadcast %squeeze3A_1208 : f32 to vector<16xf32>
    %select_n3A_1213 = arith.select %eq3A_1211, %broadcast_in_dim3A_1212, %select_n3A_1201 : vector<16xi1>, vector<16xf32>
    %get3A_1214 = arith.constant 12 : i32
    %get3A_1215 = arith.index_cast %get3A_1214 : i32 to index
    %get3A_1216 = arith.constant 32 : index
    %get3A_1217 = tpu.vector_load %arg4[%get3A_1215, %get3A_1216] {strides = array<i32>} : memref<16x128xf32, #tpu.memory_space<vmem>>, vector<1x16xf32>,
    %get3A_1218 = vector.shape_cast %get3A_1217 : vector<1x16xf32> to vector<16xf32>
    %slice3A_1219 = vector.extract_strided_slice %get3A_1218 {offsets = [13], sizes = [1], strides = [1]} : vector<16xf32> to vector<1xf32>
    %squeeze3A_1220 = vector.extract %slice3A_1219[0] : f32 from vector<1xf32>
    %eq3A_1221 = arith.constant 2 : i32
    %eq3A_1222 = vector.broadcast %eq3A_1221 : i32 to vector<16xi32>
    %eq3A_1223 = arith.cmpi eq, %iota3A, %eq3A_1222 : vector<16xi32>
    %broadcast_in_dim3A_1224 = vector.broadcast %squeeze3A_1220 : f32 to vector<16xf32>
    %select_n3A_1225 = arith.select %eq3A_1223, %broadcast_in_dim3A_1224, %select_n3A_1213 : vector<16xi1>, vector<16xf32>
    %get3A_1226 = arith.constant 12 : i32
    %get3A_1227 = arith.index_cast %get3A_1226 : i32 to index
    %get3A_1228 = arith.constant 48 : index
    %get3A_1229 = tpu.vector_load %arg4[%get3A_1227, %get3A_1228] {strides = array<i32>} : memref<16x128xf32, #tpu.memory_space<vmem>>, vector<1x16xf32>,
    %get3A_1230 = vector.shape_cast %get3A_1229 : vector<1x16xf32> to vector<16xf32>
    %slice3A_1231 = vector.extract_strided_slice %get3A_1230 {offsets = [8], sizes = [1], strides = [1]} : vector<16xf32> to vector<1xf32>
    %squeeze3A_1232 = vector.extract %slice3A_1231[0] : f32 from vector<1xf32>
    %eq3A_1233 = arith.constant 3 : i32
    %eq3A_1234 = vector.broadcast %eq3A_1233 : i32 to vector<16xi32>
    %eq3A_1235 = arith.cmpi eq, %iota3A, %eq3A_1234 : vector<16xi32>
    %broadcast_in_dim3A_1236 = vector.broadcast %squeeze3A_1232 : f32 to vector<16xf32>
    %select_n3A_1237 = arith.select %eq3A_1235, %broadcast_in_dim3A_1236, %select_n3A_1225 : vector<16xi1>, vector<16xf32>
    %get3A_1238 = arith.constant 12 : i32
    %get3A_1239 = arith.index_cast %get3A_1238 : i32 to index
    %get3A_1240 = arith.constant 64 : index
    %get3A_1241 = tpu.vector_load %arg4[%get3A_1239, %get3A_1240] {strides = array<i32>} : memref<16x128xf32, #tpu.memory_space<vmem>>, vector<1x16xf32>,
    %get3A_1242 = vector.shape_cast %get3A_1241 : vector<1x16xf32> to vector<16xf32>
    %slice3A_1243 = vector.extract_strided_slice %get3A_1242 {offsets = [3], sizes = [1], strides = [1]} : vector<16xf32> to vector<1xf32>
    %squeeze3A_1244 = vector.extract %slice3A_1243[0] : f32 from vector<1xf32>
    %eq3A_1245 = arith.constant 4 : i32
    %eq3A_1246 = vector.broadcast %eq3A_1245 : i32 to vector<16xi32>
    %eq3A_1247 = arith.cmpi eq, %iota3A, %eq3A_1246 : vector<16xi32>
    %broadcast_in_dim3A_1248 = vector.broadcast %squeeze3A_1244 : f32 to vector<16xf32>
    %select_n3A_1249 = arith.select %eq3A_1247, %broadcast_in_dim3A_1248, %select_n3A_1237 : vector<16xi1>, vector<16xf32>
    %get3A_1250 = arith.constant 12 : i32
    %get3A_1251 = arith.index_cast %get3A_1250 : i32 to index
    %get3A_1252 = arith.constant 80 : index
    %get3A_1253 = tpu.vector_load %arg4[%get3A_1251, %get3A_1252] {strides = array<i32>} : memref<16x128xf32, #tpu.memory_space<vmem>>, vector<1x16xf32>,
    %get3A_1254 = vector.shape_cast %get3A_1253 : vector<1x16xf32> to vector<16xf32>
    %slice3A_1255 = vector.extract_strided_slice %get3A_1254 {offsets = [14], sizes = [1], strides = [1]} : vector<16xf32> to vector<1xf32>
    %squeeze3A_1256 = vector.extract %slice3A_1255[0] : f32 from vector<1xf32>
    %eq3A_1257 = arith.constant 5 : i32
    %eq3A_1258 = vector.broadcast %eq3A_1257 : i32 to vector<16xi32>
    %eq3A_1259 = arith.cmpi eq, %iota3A, %eq3A_1258 : vector<16xi32>
    %broadcast_in_dim3A_1260 = vector.broadcast %squeeze3A_1256 : f32 to vector<16xf32>
    %select_n3A_1261 = arith.select %eq3A_1259, %broadcast_in_dim3A_1260, %select_n3A_1249 : vector<16xi1>, vector<16xf32>
    %get3A_1262 = arith.constant 12 : i32
    %get3A_1263 = arith.index_cast %get3A_1262 : i32 to index
    %get3A_1264 = arith.constant 96 : index
    %get3A_1265 = tpu.vector_load %arg4[%get3A_1263, %get3A_1264] {strides = array<i32>} : memref<16x128xf32, #tpu.memory_space<vmem>>, vector<1x16xf32>,
    %get3A_1266 = vector.shape_cast %get3A_1265 : vector<1x16xf32> to vector<16xf32>
    %slice3A_1267 = vector.extract_strided_slice %get3A_1266 {offsets = [10], sizes = [1], strides = [1]} : vector<16xf32> to vector<1xf32>
    %squeeze3A_1268 = vector.extract %slice3A_1267[0] : f32 from vector<1xf32>
    %eq3A_1269 = arith.constant 6 : i32
    %eq3A_1270 = vector.broadcast %eq3A_1269 : i32 to vector<16xi32>
    %eq3A_1271 = arith.cmpi eq, %iota3A, %eq3A_1270 : vector<16xi32>
    %broadcast_in_dim3A_1272 = vector.broadcast %squeeze3A_1268 : f32 to vector<16xf32>
    %select_n3A_1273 = arith.select %eq3A_1271, %broadcast_in_dim3A_1272, %select_n3A_1261 : vector<16xi1>, vector<16xf32>
    %get3A_1274 = arith.constant 12 : i32
    %get3A_1275 = arith.index_cast %get3A_1274 : i32 to index
    %get3A_1276 = arith.constant 112 : index
    %get3A_1277 = tpu.vector_load %arg4[%get3A_1275, %get3A_1276] {strides = array<i32>} : memref<16x128xf32, #tpu.memory_space<vmem>>, vector<1x16xf32>,
    %get3A_1278 = vector.shape_cast %get3A_1277 : vector<1x16xf32> to vector<16xf32>
    %slice3A_1279 = vector.extract_strided_slice %get3A_1278 {offsets = [5], sizes = [1], strides = [1]} : vector<16xf32> to vector<1xf32>
    %squeeze3A_1280 = vector.extract %slice3A_1279[0] : f32 from vector<1xf32>
    %eq3A_1281 = arith.constant 7 : i32
    %eq3A_1282 = vector.broadcast %eq3A_1281 : i32 to vector<16xi32>
    %eq3A_1283 = arith.cmpi eq, %iota3A, %eq3A_1282 : vector<16xi32>
    %broadcast_in_dim3A_1284 = vector.broadcast %squeeze3A_1280 : f32 to vector<16xf32>
    %select_n3A_1285 = arith.select %eq3A_1283, %broadcast_in_dim3A_1284, %select_n3A_1273 : vector<16xi1>, vector<16xf32>
    %get3A_1286 = arith.constant 13 : i32
    %get3A_1287 = arith.index_cast %get3A_1286 : i32 to index
    %get3A_1288 = arith.constant 0 : index
    %get3A_1289 = tpu.vector_load %arg4[%get3A_1287, %get3A_1288] {strides = array<i32>} : memref<16x128xf32, #tpu.memory_space<vmem>>, vector<1x16xf32>,
    %get3A_1290 = vector.shape_cast %get3A_1289 : vector<1x16xf32> to vector<16xf32>
    %slice3A_1291 = vector.extract_strided_slice %get3A_1290 {offsets = [0], sizes = [1], strides = [1]} : vector<16xf32> to vector<1xf32>
    %squeeze3A_1292 = vector.extract %slice3A_1291[0] : f32 from vector<1xf32>
    %eq3A_1293 = arith.constant 8 : i32
    %eq3A_1294 = vector.broadcast %eq3A_1293 : i32 to vector<16xi32>
    %eq3A_1295 = arith.cmpi eq, %iota3A, %eq3A_1294 : vector<16xi32>
    %broadcast_in_dim3A_1296 = vector.broadcast %squeeze3A_1292 : f32 to vector<16xf32>
    %select_n3A_1297 = arith.select %eq3A_1295, %broadcast_in_dim3A_1296, %select_n3A_1285 : vector<16xi1>, vector<16xf32>
    %get3A_1298 = arith.constant 13 : i32
    %get3A_1299 = arith.index_cast %get3A_1298 : i32 to index
    %get3A_1300 = arith.constant 16 : index
    %get3A_1301 = tpu.vector_load %arg4[%get3A_1299, %get3A_1300] {strides = array<i32>} : memref<16x128xf32, #tpu.memory_space<vmem>>, vector<1x16xf32>,
    %get3A_1302 = vector.shape_cast %get3A_1301 : vector<1x16xf32> to vector<16xf32>
    %slice3A_1303 = vector.extract_strided_slice %get3A_1302 {offsets = [11], sizes = [1], strides = [1]} : vector<16xf32> to vector<1xf32>
    %squeeze3A_1304 = vector.extract %slice3A_1303[0] : f32 from vector<1xf32>
    %eq3A_1305 = arith.constant 9 : i32
    %eq3A_1306 = vector.broadcast %eq3A_1305 : i32 to vector<16xi32>
    %eq3A_1307 = arith.cmpi eq, %iota3A, %eq3A_1306 : vector<16xi32>
    %broadcast_in_dim3A_1308 = vector.broadcast %squeeze3A_1304 : f32 to vector<16xf32>
    %select_n3A_1309 = arith.select %eq3A_1307, %broadcast_in_dim3A_1308, %select_n3A_1297 : vector<16xi1>, vector<16xf32>
    %get3A_1310 = arith.constant 13 : i32
    %get3A_1311 = arith.index_cast %get3A_1310 : i32 to index
    %get3A_1312 = arith.constant 32 : index
    %get3A_1313 = tpu.vector_load %arg4[%get3A_1311, %get3A_1312] {strides = array<i32>} : memref<16x128xf32, #tpu.memory_space<vmem>>, vector<1x16xf32>,
    %get3A_1314 = vector.shape_cast %get3A_1313 : vector<1x16xf32> to vector<16xf32>
    %slice3A_1315 = vector.extract_strided_slice %get3A_1314 {offsets = [6], sizes = [1], strides = [1]} : vector<16xf32> to vector<1xf32>
    %squeeze3A_1316 = vector.extract %slice3A_1315[0] : f32 from vector<1xf32>
    %eq3A_1317 = arith.constant 10 : i32
    %eq3A_1318 = vector.broadcast %eq3A_1317 : i32 to vector<16xi32>
    %eq3A_1319 = arith.cmpi eq, %iota3A, %eq3A_1318 : vector<16xi32>
    %broadcast_in_dim3A_1320 = vector.broadcast %squeeze3A_1316 : f32 to vector<16xf32>
    %select_n3A_1321 = arith.select %eq3A_1319, %broadcast_in_dim3A_1320, %select_n3A_1309 : vector<16xi1>, vector<16xf32>
    %get3A_1322 = arith.constant 13 : i32
    %get3A_1323 = arith.index_cast %get3A_1322 : i32 to index
    %get3A_1324 = arith.constant 48 : index
    %get3A_1325 = tpu.vector_load %arg4[%get3A_1323, %get3A_1324] {strides = array<i32>} : memref<16x128xf32, #tpu.memory_space<vmem>>, vector<1x16xf32>,
    %get3A_1326 = vector.shape_cast %get3A_1325 : vector<1x16xf32> to vector<16xf32>
    %slice3A_1327 = vector.extract_strided_slice %get3A_1326 {offsets = [1], sizes = [1], strides = [1]} : vector<16xf32> to vector<1xf32>
    %squeeze3A_1328 = vector.extract %slice3A_1327[0] : f32 from vector<1xf32>
    %eq3A_1329 = arith.constant 11 : i32
    %eq3A_1330 = vector.broadcast %eq3A_1329 : i32 to vector<16xi32>
    %eq3A_1331 = arith.cmpi eq, %iota3A, %eq3A_1330 : vector<16xi32>
    %broadcast_in_dim3A_1332 = vector.broadcast %squeeze3A_1328 : f32 to vector<16xf32>
    %select_n3A_1333 = arith.select %eq3A_1331, %broadcast_in_dim3A_1332, %select_n3A_1321 : vector<16xi1>, vector<16xf32>
    %get3A_1334 = arith.constant 13 : i32
    %get3A_1335 = arith.index_cast %get3A_1334 : i32 to index
    %get3A_1336 = arith.constant 64 : index
    %get3A_1337 = tpu.vector_load %arg4[%get3A_1335, %get3A_1336] {strides = array<i32>} : memref<16x128xf32, #tpu.memory_space<vmem>>, vector<1x16xf32>,
    %get3A_1338 = vector.shape_cast %get3A_1337 : vector<1x16xf32> to vector<16xf32>
    %slice3A_1339 = vector.extract_strided_slice %get3A_1338 {offsets = [12], sizes = [1], strides = [1]} : vector<16xf32> to vector<1xf32>
    %squeeze3A_1340 = vector.extract %slice3A_1339[0] : f32 from vector<1xf32>
    %eq3A_1341 = arith.constant 12 : i32
    %eq3A_1342 = vector.broadcast %eq3A_1341 : i32 to vector<16xi32>
    %eq3A_1343 = arith.cmpi eq, %iota3A, %eq3A_1342 : vector<16xi32>
    %broadcast_in_dim3A_1344 = vector.broadcast %squeeze3A_1340 : f32 to vector<16xf32>
    %select_n3A_1345 = arith.select %eq3A_1343, %broadcast_in_dim3A_1344, %select_n3A_1333 : vector<16xi1>, vector<16xf32>
    %get3A_1346 = arith.constant 13 : i32
    %get3A_1347 = arith.index_cast %get3A_1346 : i32 to index
    %get3A_1348 = arith.constant 80 : index
    %get3A_1349 = tpu.vector_load %arg4[%get3A_1347, %get3A_1348] {strides = array<i32>} : memref<16x128xf32, #tpu.memory_space<vmem>>, vector<1x16xf32>,
    %get3A_1350 = vector.shape_cast %get3A_1349 : vector<1x16xf32> to vector<16xf32>
    %slice3A_1351 = vector.extract_strided_slice %get3A_1350 {offsets = [7], sizes = [1], strides = [1]} : vector<16xf32> to vector<1xf32>
    %squeeze3A_1352 = vector.extract %slice3A_1351[0] : f32 from vector<1xf32>
    %eq3A_1353 = arith.constant 13 : i32
    %eq3A_1354 = vector.broadcast %eq3A_1353 : i32 to vector<16xi32>
    %eq3A_1355 = arith.cmpi eq, %iota3A, %eq3A_1354 : vector<16xi32>
    %broadcast_in_dim3A_1356 = vector.broadcast %squeeze3A_1352 : f32 to vector<16xf32>
    %select_n3A_1357 = arith.select %eq3A_1355, %broadcast_in_dim3A_1356, %select_n3A_1345 : vector<16xi1>, vector<16xf32>
    %get3A_1358 = arith.constant 13 : i32
    %get3A_1359 = arith.index_cast %get3A_1358 : i32 to index
    %get3A_1360 = arith.constant 96 : index
    %get3A_1361 = tpu.vector_load %arg4[%get3A_1359, %get3A_1360] {strides = array<i32>} : memref<16x128xf32, #tpu.memory_space<vmem>>, vector<1x16xf32>,
    %get3A_1362 = vector.shape_cast %get3A_1361 : vector<1x16xf32> to vector<16xf32>
    %slice3A_1363 = vector.extract_strided_slice %get3A_1362 {offsets = [2], sizes = [1], strides = [1]} : vector<16xf32> to vector<1xf32>
    %squeeze3A_1364 = vector.extract %slice3A_1363[0] : f32 from vector<1xf32>
    %eq3A_1365 = arith.constant 14 : i32
    %eq3A_1366 = vector.broadcast %eq3A_1365 : i32 to vector<16xi32>
    %eq3A_1367 = arith.cmpi eq, %iota3A, %eq3A_1366 : vector<16xi32>
    %broadcast_in_dim3A_1368 = vector.broadcast %squeeze3A_1364 : f32 to vector<16xf32>
    %select_n3A_1369 = arith.select %eq3A_1367, %broadcast_in_dim3A_1368, %select_n3A_1357 : vector<16xi1>, vector<16xf32>
    %get3A_1370 = arith.constant 13 : i32
    %get3A_1371 = arith.index_cast %get3A_1370 : i32 to index
    %get3A_1372 = arith.constant 112 : index
    %get3A_1373 = tpu.vector_load %arg4[%get3A_1371, %get3A_1372] {strides = array<i32>} : memref<16x128xf32, #tpu.memory_space<vmem>>, vector<1x16xf32>,
    %get3A_1374 = vector.shape_cast %get3A_1373 : vector<1x16xf32> to vector<16xf32>
    %slice3A_1375 = vector.extract_strided_slice %get3A_1374 {offsets = [13], sizes = [1], strides = [1]} : vector<16xf32> to vector<1xf32>
    %squeeze3A_1376 = vector.extract %slice3A_1375[0] : f32 from vector<1xf32>
    %eq3A_1377 = arith.constant 15 : i32
    %eq3A_1378 = vector.broadcast %eq3A_1377 : i32 to vector<16xi32>
    %eq3A_1379 = arith.cmpi eq, %iota3A, %eq3A_1378 : vector<16xi32>
    %broadcast_in_dim3A_1380 = vector.broadcast %squeeze3A_1376 : f32 to vector<16xf32>
    %select_n3A_1381 = arith.select %eq3A_1379, %broadcast_in_dim3A_1380, %select_n3A_1369 : vector<16xi1>, vector<16xf32>
    %swap3A_1382 = arith.constant 96 : index
    %swap3A_1383 = tpu.vector_load %arg5[%swap3A_1382] {strides = array<i32>} : memref<128xf32, #tpu.memory_space<vmem>>, vector<16xf32>,
    %swap3A_1384 = vector.shape_cast %swap3A_1383 : vector<16xf32> to vector<16xf32>
    %swap3A_1385 = vector.shape_cast %select_n3A_1381 : vector<16xf32> to vector<16xf32>
    tpu.vector_store %arg5[%swap3A_1382], %swap3A_1385 {strides = array<i32>} : memref<128xf32, #tpu.memory_space<vmem>>, vector<16xf32>,
    %broadcast_in_dim3A_1386 = arith.constant 0.000000e+00 : f32
    %broadcast_in_dim3A_1387 = vector.broadcast %broadcast_in_dim3A_1386 : f32 to vector<16xf32>
    %get3A_1388 = arith.constant 14 : i32
    %get3A_1389 = arith.index_cast %get3A_1388 : i32 to index
    %get3A_1390 = arith.constant 0 : index
    %get3A_1391 = tpu.vector_load %arg4[%get3A_1389, %get3A_1390] {strides = array<i32>} : memref<16x128xf32, #tpu.memory_space<vmem>>, vector<1x16xf32>,
    %get3A_1392 = vector.shape_cast %get3A_1391 : vector<1x16xf32> to vector<16xf32>
    %slice3A_1393 = vector.extract_strided_slice %get3A_1392 {offsets = [8], sizes = [1], strides = [1]} : vector<16xf32> to vector<1xf32>
    %squeeze3A_1394 = vector.extract %slice3A_1393[0] : f32 from vector<1xf32>
    %eq3A_1395 = arith.constant 0 : i32
    %eq3A_1396 = vector.broadcast %eq3A_1395 : i32 to vector<16xi32>
    %eq3A_1397 = arith.cmpi eq, %iota3A, %eq3A_1396 : vector<16xi32>
    %broadcast_in_dim3A_1398 = vector.broadcast %squeeze3A_1394 : f32 to vector<16xf32>
    %select_n3A_1399 = arith.select %eq3A_1397, %broadcast_in_dim3A_1398, %broadcast_in_dim3A_1387 : vector<16xi1>, vector<16xf32>
    %get3A_1400 = arith.constant 14 : i32
    %get3A_1401 = arith.index_cast %get3A_1400 : i32 to index
    %get3A_1402 = arith.constant 16 : index
    %get3A_1403 = tpu.vector_load %arg4[%get3A_1401, %get3A_1402] {strides = array<i32>} : memref<16x128xf32, #tpu.memory_space<vmem>>, vector<1x16xf32>,
    %get3A_1404 = vector.shape_cast %get3A_1403 : vector<1x16xf32> to vector<16xf32>
    %slice3A_1405 = vector.extract_strided_slice %get3A_1404 {offsets = [3], sizes = [1], strides = [1]} : vector<16xf32> to vector<1xf32>
    %squeeze3A_1406 = vector.extract %slice3A_1405[0] : f32 from vector<1xf32>
    %eq3A_1407 = arith.constant 1 : i32
    %eq3A_1408 = vector.broadcast %eq3A_1407 : i32 to vector<16xi32>
    %eq3A_1409 = arith.cmpi eq, %iota3A, %eq3A_1408 : vector<16xi32>
    %broadcast_in_dim3A_1410 = vector.broadcast %squeeze3A_1406 : f32 to vector<16xf32>
    %select_n3A_1411 = arith.select %eq3A_1409, %broadcast_in_dim3A_1410, %select_n3A_1399 : vector<16xi1>, vector<16xf32>
    %get3A_1412 = arith.constant 14 : i32
    %get3A_1413 = arith.index_cast %get3A_1412 : i32 to index
    %get3A_1414 = arith.constant 32 : index
    %get3A_1415 = tpu.vector_load %arg4[%get3A_1413, %get3A_1414] {strides = array<i32>} : memref<16x128xf32, #tpu.memory_space<vmem>>, vector<1x16xf32>,
    %get3A_1416 = vector.shape_cast %get3A_1415 : vector<1x16xf32> to vector<16xf32>
    %slice3A_1417 = vector.extract_strided_slice %get3A_1416 {offsets = [14], sizes = [1], strides = [1]} : vector<16xf32> to vector<1xf32>
    %squeeze3A_1418 = vector.extract %slice3A_1417[0] : f32 from vector<1xf32>
    %eq3A_1419 = arith.constant 2 : i32
    %eq3A_1420 = vector.broadcast %eq3A_1419 : i32 to vector<16xi32>
    %eq3A_1421 = arith.cmpi eq, %iota3A, %eq3A_1420 : vector<16xi32>
    %broadcast_in_dim3A_1422 = vector.broadcast %squeeze3A_1418 : f32 to vector<16xf32>
    %select_n3A_1423 = arith.select %eq3A_1421, %broadcast_in_dim3A_1422, %select_n3A_1411 : vector<16xi1>, vector<16xf32>
    %get3A_1424 = arith.constant 14 : i32
    %get3A_1425 = arith.index_cast %get3A_1424 : i32 to index
    %get3A_1426 = arith.constant 48 : index
    %get3A_1427 = tpu.vector_load %arg4[%get3A_1425, %get3A_1426] {strides = array<i32>} : memref<16x128xf32, #tpu.memory_space<vmem>>, vector<1x16xf32>,
    %get3A_1428 = vector.shape_cast %get3A_1427 : vector<1x16xf32> to vector<16xf32>
    %slice3A_1429 = vector.extract_strided_slice %get3A_1428 {offsets = [10], sizes = [1], strides = [1]} : vector<16xf32> to vector<1xf32>
    %squeeze3A_1430 = vector.extract %slice3A_1429[0] : f32 from vector<1xf32>
    %eq3A_1431 = arith.constant 3 : i32
    %eq3A_1432 = vector.broadcast %eq3A_1431 : i32 to vector<16xi32>
    %eq3A_1433 = arith.cmpi eq, %iota3A, %eq3A_1432 : vector<16xi32>
    %broadcast_in_dim3A_1434 = vector.broadcast %squeeze3A_1430 : f32 to vector<16xf32>
    %select_n3A_1435 = arith.select %eq3A_1433, %broadcast_in_dim3A_1434, %select_n3A_1423 : vector<16xi1>, vector<16xf32>
    %get3A_1436 = arith.constant 14 : i32
    %get3A_1437 = arith.index_cast %get3A_1436 : i32 to index
    %get3A_1438 = arith.constant 64 : index
    %get3A_1439 = tpu.vector_load %arg4[%get3A_1437, %get3A_1438] {strides = array<i32>} : memref<16x128xf32, #tpu.memory_space<vmem>>, vector<1x16xf32>,
    %get3A_1440 = vector.shape_cast %get3A_1439 : vector<1x16xf32> to vector<16xf32>
    %slice3A_1441 = vector.extract_strided_slice %get3A_1440 {offsets = [5], sizes = [1], strides = [1]} : vector<16xf32> to vector<1xf32>
    %squeeze3A_1442 = vector.extract %slice3A_1441[0] : f32 from vector<1xf32>
    %eq3A_1443 = arith.constant 4 : i32
    %eq3A_1444 = vector.broadcast %eq3A_1443 : i32 to vector<16xi32>
    %eq3A_1445 = arith.cmpi eq, %iota3A, %eq3A_1444 : vector<16xi32>
    %broadcast_in_dim3A_1446 = vector.broadcast %squeeze3A_1442 : f32 to vector<16xf32>
    %select_n3A_1447 = arith.select %eq3A_1445, %broadcast_in_dim3A_1446, %select_n3A_1435 : vector<16xi1>, vector<16xf32>
    %get3A_1448 = arith.constant 14 : i32
    %get3A_1449 = arith.index_cast %get3A_1448 : i32 to index
    %get3A_1450 = arith.constant 80 : index
    %get3A_1451 = tpu.vector_load %arg4[%get3A_1449, %get3A_1450] {strides = array<i32>} : memref<16x128xf32, #tpu.memory_space<vmem>>, vector<1x16xf32>,
    %get3A_1452 = vector.shape_cast %get3A_1451 : vector<1x16xf32> to vector<16xf32>
    %slice3A_1453 = vector.extract_strided_slice %get3A_1452 {offsets = [0], sizes = [1], strides = [1]} : vector<16xf32> to vector<1xf32>
    %squeeze3A_1454 = vector.extract %slice3A_1453[0] : f32 from vector<1xf32>
    %eq3A_1455 = arith.constant 5 : i32
    %eq3A_1456 = vector.broadcast %eq3A_1455 : i32 to vector<16xi32>
    %eq3A_1457 = arith.cmpi eq, %iota3A, %eq3A_1456 : vector<16xi32>
    %broadcast_in_dim3A_1458 = vector.broadcast %squeeze3A_1454 : f32 to vector<16xf32>
    %select_n3A_1459 = arith.select %eq3A_1457, %broadcast_in_dim3A_1458, %select_n3A_1447 : vector<16xi1>, vector<16xf32>
    %get3A_1460 = arith.constant 14 : i32
    %get3A_1461 = arith.index_cast %get3A_1460 : i32 to index
    %get3A_1462 = arith.constant 96 : index
    %get3A_1463 = tpu.vector_load %arg4[%get3A_1461, %get3A_1462] {strides = array<i32>} : memref<16x128xf32, #tpu.memory_space<vmem>>, vector<1x16xf32>,
    %get3A_1464 = vector.shape_cast %get3A_1463 : vector<1x16xf32> to vector<16xf32>
    %slice3A_1465 = vector.extract_strided_slice %get3A_1464 {offsets = [11], sizes = [1], strides = [1]} : vector<16xf32> to vector<1xf32>
    %squeeze3A_1466 = vector.extract %slice3A_1465[0] : f32 from vector<1xf32>
    %eq3A_1467 = arith.constant 6 : i32
    %eq3A_1468 = vector.broadcast %eq3A_1467 : i32 to vector<16xi32>
    %eq3A_1469 = arith.cmpi eq, %iota3A, %eq3A_1468 : vector<16xi32>
    %broadcast_in_dim3A_1470 = vector.broadcast %squeeze3A_1466 : f32 to vector<16xf32>
    %select_n3A_1471 = arith.select %eq3A_1469, %broadcast_in_dim3A_1470, %select_n3A_1459 : vector<16xi1>, vector<16xf32>
    %get3A_1472 = arith.constant 14 : i32
    %get3A_1473 = arith.index_cast %get3A_1472 : i32 to index
    %get3A_1474 = arith.constant 112 : index
    %get3A_1475 = tpu.vector_load %arg4[%get3A_1473, %get3A_1474] {strides = array<i32>} : memref<16x128xf32, #tpu.memory_space<vmem>>, vector<1x16xf32>,
    %get3A_1476 = vector.shape_cast %get3A_1475 : vector<1x16xf32> to vector<16xf32>
    %slice3A_1477 = vector.extract_strided_slice %get3A_1476 {offsets = [6], sizes = [1], strides = [1]} : vector<16xf32> to vector<1xf32>
    %squeeze3A_1478 = vector.extract %slice3A_1477[0] : f32 from vector<1xf32>
    %eq3A_1479 = arith.constant 7 : i32
    %eq3A_1480 = vector.broadcast %eq3A_1479 : i32 to vector<16xi32>
    %eq3A_1481 = arith.cmpi eq, %iota3A, %eq3A_1480 : vector<16xi32>
    %broadcast_in_dim3A_1482 = vector.broadcast %squeeze3A_1478 : f32 to vector<16xf32>
    %select_n3A_1483 = arith.select %eq3A_1481, %broadcast_in_dim3A_1482, %select_n3A_1471 : vector<16xi1>, vector<16xf32>
    %get3A_1484 = arith.constant 15 : i32
    %get3A_1485 = arith.index_cast %get3A_1484 : i32 to index
    %get3A_1486 = arith.constant 0 : index
    %get3A_1487 = tpu.vector_load %arg4[%get3A_1485, %get3A_1486] {strides = array<i32>} : memref<16x128xf32, #tpu.memory_space<vmem>>, vector<1x16xf32>,
    %get3A_1488 = vector.shape_cast %get3A_1487 : vector<1x16xf32> to vector<16xf32>
    %slice3A_1489 = vector.extract_strided_slice %get3A_1488 {offsets = [1], sizes = [1], strides = [1]} : vector<16xf32> to vector<1xf32>
    %squeeze3A_1490 = vector.extract %slice3A_1489[0] : f32 from vector<1xf32>
    %eq3A_1491 = arith.constant 8 : i32
    %eq3A_1492 = vector.broadcast %eq3A_1491 : i32 to vector<16xi32>
    %eq3A_1493 = arith.cmpi eq, %iota3A, %eq3A_1492 : vector<16xi32>
    %broadcast_in_dim3A_1494 = vector.broadcast %squeeze3A_1490 : f32 to vector<16xf32>
    %select_n3A_1495 = arith.select %eq3A_1493, %broadcast_in_dim3A_1494, %select_n3A_1483 : vector<16xi1>, vector<16xf32>
    %get3A_1496 = arith.constant 15 : i32
    %get3A_1497 = arith.index_cast %get3A_1496 : i32 to index
    %get3A_1498 = arith.constant 16 : index
    %get3A_1499 = tpu.vector_load %arg4[%get3A_1497, %get3A_1498] {strides = array<i32>} : memref<16x128xf32, #tpu.memory_space<vmem>>, vector<1x16xf32>,
    %get3A_1500 = vector.shape_cast %get3A_1499 : vector<1x16xf32> to vector<16xf32>
    %slice3A_1501 = vector.extract_strided_slice %get3A_1500 {offsets = [12], sizes = [1], strides = [1]} : vector<16xf32> to vector<1xf32>
    %squeeze3A_1502 = vector.extract %slice3A_1501[0] : f32 from vector<1xf32>
    %eq3A_1503 = arith.constant 9 : i32
    %eq3A_1504 = vector.broadcast %eq3A_1503 : i32 to vector<16xi32>
    %eq3A_1505 = arith.cmpi eq, %iota3A, %eq3A_1504 : vector<16xi32>
    %broadcast_in_dim3A_1506 = vector.broadcast %squeeze3A_1502 : f32 to vector<16xf32>
    %select_n3A_1507 = arith.select %eq3A_1505, %broadcast_in_dim3A_1506, %select_n3A_1495 : vector<16xi1>, vector<16xf32>
    %get3A_1508 = arith.constant 15 : i32
    %get3A_1509 = arith.index_cast %get3A_1508 : i32 to index
    %get3A_1510 = arith.constant 32 : index
    %get3A_1511 = tpu.vector_load %arg4[%get3A_1509, %get3A_1510] {strides = array<i32>} : memref<16x128xf32, #tpu.memory_space<vmem>>, vector<1x16xf32>,
    %get3A_1512 = vector.shape_cast %get3A_1511 : vector<1x16xf32> to vector<16xf32>
    %slice3A_1513 = vector.extract_strided_slice %get3A_1512 {offsets = [7], sizes = [1], strides = [1]} : vector<16xf32> to vector<1xf32>
    %squeeze3A_1514 = vector.extract %slice3A_1513[0] : f32 from vector<1xf32>
    %eq3A_1515 = arith.constant 10 : i32
    %eq3A_1516 = vector.broadcast %eq3A_1515 : i32 to vector<16xi32>
    %eq3A_1517 = arith.cmpi eq, %iota3A, %eq3A_1516 : vector<16xi32>
    %broadcast_in_dim3A_1518 = vector.broadcast %squeeze3A_1514 : f32 to vector<16xf32>
    %select_n3A_1519 = arith.select %eq3A_1517, %broadcast_in_dim3A_1518, %select_n3A_1507 : vector<16xi1>, vector<16xf32>
    %get3A_1520 = arith.constant 15 : i32
    %get3A_1521 = arith.index_cast %get3A_1520 : i32 to index
    %get3A_1522 = arith.constant 48 : index
    %get3A_1523 = tpu.vector_load %arg4[%get3A_1521, %get3A_1522] {strides = array<i32>} : memref<16x128xf32, #tpu.memory_space<vmem>>, vector<1x16xf32>,
    %get3A_1524 = vector.shape_cast %get3A_1523 : vector<1x16xf32> to vector<16xf32>
    %slice3A_1525 = vector.extract_strided_slice %get3A_1524 {offsets = [2], sizes = [1], strides = [1]} : vector<16xf32> to vector<1xf32>
    %squeeze3A_1526 = vector.extract %slice3A_1525[0] : f32 from vector<1xf32>
    %eq3A_1527 = arith.constant 11 : i32
    %eq3A_1528 = vector.broadcast %eq3A_1527 : i32 to vector<16xi32>
    %eq3A_1529 = arith.cmpi eq, %iota3A, %eq3A_1528 : vector<16xi32>
    %broadcast_in_dim3A_1530 = vector.broadcast %squeeze3A_1526 : f32 to vector<16xf32>
    %select_n3A_1531 = arith.select %eq3A_1529, %broadcast_in_dim3A_1530, %select_n3A_1519 : vector<16xi1>, vector<16xf32>
    %get3A_1532 = arith.constant 15 : i32
    %get3A_1533 = arith.index_cast %get3A_1532 : i32 to index
    %get3A_1534 = arith.constant 64 : index
    %get3A_1535 = tpu.vector_load %arg4[%get3A_1533, %get3A_1534] {strides = array<i32>} : memref<16x128xf32, #tpu.memory_space<vmem>>, vector<1x16xf32>,
    %get3A_1536 = vector.shape_cast %get3A_1535 : vector<1x16xf32> to vector<16xf32>
    %slice3A_1537 = vector.extract_strided_slice %get3A_1536 {offsets = [13], sizes = [1], strides = [1]} : vector<16xf32> to vector<1xf32>
    %squeeze3A_1538 = vector.extract %slice3A_1537[0] : f32 from vector<1xf32>
    %eq3A_1539 = arith.constant 12 : i32
    %eq3A_1540 = vector.broadcast %eq3A_1539 : i32 to vector<16xi32>
    %eq3A_1541 = arith.cmpi eq, %iota3A, %eq3A_1540 : vector<16xi32>
    %broadcast_in_dim3A_1542 = vector.broadcast %squeeze3A_1538 : f32 to vector<16xf32>
    %select_n3A_1543 = arith.select %eq3A_1541, %broadcast_in_dim3A_1542, %select_n3A_1531 : vector<16xi1>, vector<16xf32>
    %get3A_1544 = arith.constant 15 : i32
    %get3A_1545 = arith.index_cast %get3A_1544 : i32 to index
    %get3A_1546 = arith.constant 80 : index
    %get3A_1547 = tpu.vector_load %arg4[%get3A_1545, %get3A_1546] {strides = array<i32>} : memref<16x128xf32, #tpu.memory_space<vmem>>, vector<1x16xf32>,
    %get3A_1548 = vector.shape_cast %get3A_1547 : vector<1x16xf32> to vector<16xf32>
    %slice3A_1549 = vector.extract_strided_slice %get3A_1548 {offsets = [8], sizes = [1], strides = [1]} : vector<16xf32> to vector<1xf32>
    %squeeze3A_1550 = vector.extract %slice3A_1549[0] : f32 from vector<1xf32>
    %eq3A_1551 = arith.constant 13 : i32
    %eq3A_1552 = vector.broadcast %eq3A_1551 : i32 to vector<16xi32>
    %eq3A_1553 = arith.cmpi eq, %iota3A, %eq3A_1552 : vector<16xi32>
    %broadcast_in_dim3A_1554 = vector.broadcast %squeeze3A_1550 : f32 to vector<16xf32>
    %select_n3A_1555 = arith.select %eq3A_1553, %broadcast_in_dim3A_1554, %select_n3A_1543 : vector<16xi1>, vector<16xf32>
    %get3A_1556 = arith.constant 15 : i32
    %get3A_1557 = arith.index_cast %get3A_1556 : i32 to index
    %get3A_1558 = arith.constant 96 : index
    %get3A_1559 = tpu.vector_load %arg4[%get3A_1557, %get3A_1558] {strides = array<i32>} : memref<16x128xf32, #tpu.memory_space<vmem>>, vector<1x16xf32>,
    %get3A_1560 = vector.shape_cast %get3A_1559 : vector<1x16xf32> to vector<16xf32>
    %slice3A_1561 = vector.extract_strided_slice %get3A_1560 {offsets = [3], sizes = [1], strides = [1]} : vector<16xf32> to vector<1xf32>
    %squeeze3A_1562 = vector.extract %slice3A_1561[0] : f32 from vector<1xf32>
    %eq3A_1563 = arith.constant 14 : i32
    %eq3A_1564 = vector.broadcast %eq3A_1563 : i32 to vector<16xi32>
    %eq3A_1565 = arith.cmpi eq, %iota3A, %eq3A_1564 : vector<16xi32>
    %broadcast_in_dim3A_1566 = vector.broadcast %squeeze3A_1562 : f32 to vector<16xf32>
    %select_n3A_1567 = arith.select %eq3A_1565, %broadcast_in_dim3A_1566, %select_n3A_1555 : vector<16xi1>, vector<16xf32>
    %get3A_1568 = arith.constant 15 : i32
    %get3A_1569 = arith.index_cast %get3A_1568 : i32 to index
    %get3A_1570 = arith.constant 112 : index
    %get3A_1571 = tpu.vector_load %arg4[%get3A_1569, %get3A_1570] {strides = array<i32>} : memref<16x128xf32, #tpu.memory_space<vmem>>, vector<1x16xf32>,
    %get3A_1572 = vector.shape_cast %get3A_1571 : vector<1x16xf32> to vector<16xf32>
    %slice3A_1573 = vector.extract_strided_slice %get3A_1572 {offsets = [15], sizes = [1], strides = [1]} : vector<16xf32> to vector<1xf32>
    %squeeze3A_1574 = vector.extract %slice3A_1573[0] : f32 from vector<1xf32>
    %eq3A_1575 = arith.constant 15 : i32
    %eq3A_1576 = vector.broadcast %eq3A_1575 : i32 to vector<16xi32>
    %eq3A_1577 = arith.cmpi eq, %iota3A, %eq3A_1576 : vector<16xi32>
    %broadcast_in_dim3A_1578 = vector.broadcast %squeeze3A_1574 : f32 to vector<16xf32>
    %select_n3A_1579 = arith.select %eq3A_1577, %broadcast_in_dim3A_1578, %select_n3A_1567 : vector<16xi1>, vector<16xf32>
    %swap3A_1580 = arith.constant 112 : index
    %swap3A_1581 = tpu.vector_load %arg5[%swap3A_1580] {strides = array<i32>} : memref<128xf32, #tpu.memory_space<vmem>>, vector<16xf32>,
    %swap3A_1582 = vector.shape_cast %swap3A_1581 : vector<16xf32> to vector<16xf32>
    %swap3A_1583 = vector.shape_cast %select_n3A_1579 : vector<16xf32> to vector<16xf32>
    tpu.vector_store %arg5[%swap3A_1580], %swap3A_1583 {strides = array<i32>} : memref<128xf32, #tpu.memory_space<vmem>>, vector<16xf32>,
    "tpu.region"() ({
      %run_scoped3A = tpu.sem_alloc : memref<!tpu.dma_semaphore, #tpu.memory_space<semaphore_mem>>
      %dma_start3A = arith.constant 0 : i32
      %dma_start3A_3174 = tpu.memref_slice %arg3[%add3A_4, %dma_start3A] : memref<64x128xf32, #tpu.memory_space<hbm>> -> memref<1x128xf32, #tpu.memory_space<hbm>>
      %dma_start3A_3175 = tpu.memref_squeeze %dma_start3A_3174 : memref<1x128xf32, #tpu.memory_space<hbm>> -> memref<128xf32, #tpu.memory_space<hbm>>
      %dma_start3A_3176 = arith.constant 0 : i32
      %dma_start3A_3177 = tpu.memref_slice %arg3[%add3A_4, %dma_start3A_3176] : memref<64x128xf32, #tpu.memory_space<hbm>> -> memref<1x128xf32, #tpu.memory_space<hbm>>
      %dma_start3A_3178 = tpu.memref_squeeze %dma_start3A_3177 : memref<1x128xf32, #tpu.memory_space<hbm>> -> memref<128xf32, #tpu.memory_space<hbm>>
      tpu.enqueue_dma source(%arg5 : memref<128xf32, #tpu.memory_space<vmem>>) target(%dma_start3A_3178 : memref<128xf32, #tpu.memory_space<hbm>>) target_semaphore(%run_scoped3A : memref<!tpu.dma_semaphore, #tpu.memory_space<semaphore_mem>>)
      %dma_wait3A = arith.constant 0 : i32
      %dma_wait3A_3179 = tpu.memref_slice %arg3[%add3A_4, %dma_wait3A] : memref<64x128xf32, #tpu.memory_space<hbm>> -> memref<1x128xf32, #tpu.memory_space<hbm>>
      %dma_wait3A_3180 = tpu.memref_squeeze %dma_wait3A_3179 : memref<1x128xf32, #tpu.memory_space<hbm>> -> memref<128xf32, #tpu.memory_space<hbm>>
      %dma_wait3A_3181 = arith.constant 0 : i32
      %dma_wait3A_3182 = tpu.memref_slice %arg3[%add3A_4, %dma_wait3A_3181] : memref<64x128xf32, #tpu.memory_space<hbm>> -> memref<1x128xf32, #tpu.memory_space<hbm>>
      %dma_wait3A_3183 = tpu.memref_squeeze %dma_wait3A_3182 : memref<1x128xf32, #tpu.memory_space<hbm>> -> memref<128xf32, #tpu.memory_space<hbm>>
      tpu.wait_dma2 semaphore(%run_scoped3A : memref<!tpu.dma_semaphore, #tpu.memory_space<semaphore_mem>>) src(%arg5 : memref<128xf32, #tpu.memory_space<vmem>>) dst(%dma_wait3A_3183 : memref<128xf32, #tpu.memory_space<hbm>>)
      tpu.yield
    }) : () -> ()
    %mul3A_1584 = arith.constant 2 : i32
    %mul3A_1585 = arith.muli %add3A, %mul3A_1584 : i32
    %add3A_1586 = arith.constant 1 : i32
    %add3A_1587 = arith.addi %mul3A_1585, %add3A_1586 : i32
    %mul3A_1588 = arith.constant 16 : i32
    %mul3A_1589 = arith.muli %add3A_1587, %mul3A_1588 : i32
    "tpu.region"() ({
      %run_scoped3A = tpu.sem_alloc : memref<!tpu.dma_semaphore, #tpu.memory_space<semaphore_mem>>
      %dma_start3A = arith.constant 0 : i32
      %dma_start3A_3174 = tpu.memref_slice %arg2[%mul3A_1589, %dma_start3A] : memref<1024x128xf32, #tpu.memory_space<hbm>> -> memref<16x128xf32, #tpu.memory_space<hbm>>
      %dma_start3A_3175 = arith.constant 0 : i32
      %dma_start3A_3176 = tpu.memref_slice %arg2[%mul3A_1589, %dma_start3A_3175] : memref<1024x128xf32, #tpu.memory_space<hbm>> -> memref<16x128xf32, #tpu.memory_space<hbm>>
      tpu.enqueue_dma source(%dma_start3A_3176 : memref<16x128xf32, #tpu.memory_space<hbm>>) target(%arg4 : memref<16x128xf32, #tpu.memory_space<vmem>>) target_semaphore(%run_scoped3A : memref<!tpu.dma_semaphore, #tpu.memory_space<semaphore_mem>>)
      %dma_wait3A = arith.constant 0 : i32
      %dma_wait3A_3177 = tpu.memref_slice %arg2[%mul3A_1589, %dma_wait3A] : memref<1024x128xf32, #tpu.memory_space<hbm>> -> memref<16x128xf32, #tpu.memory_space<hbm>>
      %dma_wait3A_3178 = arith.constant 0 : i32
      %dma_wait3A_3179 = tpu.memref_slice %arg2[%mul3A_1589, %dma_wait3A_3178] : memref<1024x128xf32, #tpu.memory_space<hbm>> -> memref<16x128xf32, #tpu.memory_space<hbm>>
      tpu.wait_dma2 semaphore(%run_scoped3A : memref<!tpu.dma_semaphore, #tpu.memory_space<semaphore_mem>>) src(%dma_wait3A_3179 : memref<16x128xf32, #tpu.memory_space<hbm>>) dst(%arg4 : memref<16x128xf32, #tpu.memory_space<vmem>>)
      tpu.yield
    }) : () -> ()
    %broadcast_in_dim3A_1590 = arith.constant 0.000000e+00 : f32
    %broadcast_in_dim3A_1591 = vector.broadcast %broadcast_in_dim3A_1590 : f32 to vector<16xf32>
    %get3A_1592 = arith.constant 0 : i32
    %get3A_1593 = arith.index_cast %get3A_1592 : i32 to index
    %get3A_1594 = arith.constant 0 : index
    %get3A_1595 = tpu.vector_load %arg4[%get3A_1593, %get3A_1594] {strides = array<i32>} : memref<16x128xf32, #tpu.memory_space<vmem>>, vector<1x16xf32>,
    %get3A_1596 = vector.shape_cast %get3A_1595 : vector<1x16xf32> to vector<16xf32>
    %slice3A_1597 = vector.extract_strided_slice %get3A_1596 {offsets = [0], sizes = [1], strides = [1]} : vector<16xf32> to vector<1xf32>
    %squeeze3A_1598 = vector.extract %slice3A_1597[0] : f32 from vector<1xf32>
    %eq3A_1599 = arith.constant 0 : i32
    %eq3A_1600 = vector.broadcast %eq3A_1599 : i32 to vector<16xi32>
    %eq3A_1601 = arith.cmpi eq, %iota3A, %eq3A_1600 : vector<16xi32>
    %broadcast_in_dim3A_1602 = vector.broadcast %squeeze3A_1598 : f32 to vector<16xf32>
    %select_n3A_1603 = arith.select %eq3A_1601, %broadcast_in_dim3A_1602, %broadcast_in_dim3A_1591 : vector<16xi1>, vector<16xf32>
    %get3A_1604 = arith.constant 0 : i32
    %get3A_1605 = arith.index_cast %get3A_1604 : i32 to index
    %get3A_1606 = arith.constant 16 : index
    %get3A_1607 = tpu.vector_load %arg4[%get3A_1605, %get3A_1606] {strides = array<i32>} : memref<16x128xf32, #tpu.memory_space<vmem>>, vector<1x16xf32>,
    %get3A_1608 = vector.shape_cast %get3A_1607 : vector<1x16xf32> to vector<16xf32>
    %slice3A_1609 = vector.extract_strided_slice %get3A_1608 {offsets = [11], sizes = [1], strides = [1]} : vector<16xf32> to vector<1xf32>
    %squeeze3A_1610 = vector.extract %slice3A_1609[0] : f32 from vector<1xf32>
    %eq3A_1611 = arith.constant 1 : i32
    %eq3A_1612 = vector.broadcast %eq3A_1611 : i32 to vector<16xi32>
    %eq3A_1613 = arith.cmpi eq, %iota3A, %eq3A_1612 : vector<16xi32>
    %broadcast_in_dim3A_1614 = vector.broadcast %squeeze3A_1610 : f32 to vector<16xf32>
    %select_n3A_1615 = arith.select %eq3A_1613, %broadcast_in_dim3A_1614, %select_n3A_1603 : vector<16xi1>, vector<16xf32>
    %get3A_1616 = arith.constant 0 : i32
    %get3A_1617 = arith.index_cast %get3A_1616 : i32 to index
    %get3A_1618 = arith.constant 32 : index
    %get3A_1619 = tpu.vector_load %arg4[%get3A_1617, %get3A_1618] {strides = array<i32>} : memref<16x128xf32, #tpu.memory_space<vmem>>, vector<1x16xf32>,
    %get3A_1620 = vector.shape_cast %get3A_1619 : vector<1x16xf32> to vector<16xf32>
    %slice3A_1621 = vector.extract_strided_slice %get3A_1620 {offsets = [6], sizes = [1], strides = [1]} : vector<16xf32> to vector<1xf32>
    %squeeze3A_1622 = vector.extract %slice3A_1621[0] : f32 from vector<1xf32>
    %eq3A_1623 = arith.constant 2 : i32
    %eq3A_1624 = vector.broadcast %eq3A_1623 : i32 to vector<16xi32>
    %eq3A_1625 = arith.cmpi eq, %iota3A, %eq3A_1624 : vector<16xi32>
    %broadcast_in_dim3A_1626 = vector.broadcast %squeeze3A_1622 : f32 to vector<16xf32>
    %select_n3A_1627 = arith.select %eq3A_1625, %broadcast_in_dim3A_1626, %select_n3A_1615 : vector<16xi1>, vector<16xf32>
    %get3A_1628 = arith.constant 0 : i32
    %get3A_1629 = arith.index_cast %get3A_1628 : i32 to index
    %get3A_1630 = arith.constant 48 : index
    %get3A_1631 = tpu.vector_load %arg4[%get3A_1629, %get3A_1630] {strides = array<i32>} : memref<16x128xf32, #tpu.memory_space<vmem>>, vector<1x16xf32>,
    %get3A_1632 = vector.shape_cast %get3A_1631 : vector<1x16xf32> to vector<16xf32>
    %slice3A_1633 = vector.extract_strided_slice %get3A_1632 {offsets = [1], sizes = [1], strides = [1]} : vector<16xf32> to vector<1xf32>
    %squeeze3A_1634 = vector.extract %slice3A_1633[0] : f32 from vector<1xf32>
    %eq3A_1635 = arith.constant 3 : i32
    %eq3A_1636 = vector.broadcast %eq3A_1635 : i32 to vector<16xi32>
    %eq3A_1637 = arith.cmpi eq, %iota3A, %eq3A_1636 : vector<16xi32>
    %broadcast_in_dim3A_1638 = vector.broadcast %squeeze3A_1634 : f32 to vector<16xf32>
    %select_n3A_1639 = arith.select %eq3A_1637, %broadcast_in_dim3A_1638, %select_n3A_1627 : vector<16xi1>, vector<16xf32>
    %get3A_1640 = arith.constant 0 : i32
    %get3A_1641 = arith.index_cast %get3A_1640 : i32 to index
    %get3A_1642 = arith.constant 64 : index
    %get3A_1643 = tpu.vector_load %arg4[%get3A_1641, %get3A_1642] {strides = array<i32>} : memref<16x128xf32, #tpu.memory_space<vmem>>, vector<1x16xf32>,
    %get3A_1644 = vector.shape_cast %get3A_1643 : vector<1x16xf32> to vector<16xf32>
    %slice3A_1645 = vector.extract_strided_slice %get3A_1644 {offsets = [12], sizes = [1], strides = [1]} : vector<16xf32> to vector<1xf32>
    %squeeze3A_1646 = vector.extract %slice3A_1645[0] : f32 from vector<1xf32>
    %eq3A_1647 = arith.constant 4 : i32
    %eq3A_1648 = vector.broadcast %eq3A_1647 : i32 to vector<16xi32>
    %eq3A_1649 = arith.cmpi eq, %iota3A, %eq3A_1648 : vector<16xi32>
    %broadcast_in_dim3A_1650 = vector.broadcast %squeeze3A_1646 : f32 to vector<16xf32>
    %select_n3A_1651 = arith.select %eq3A_1649, %broadcast_in_dim3A_1650, %select_n3A_1639 : vector<16xi1>, vector<16xf32>
    %get3A_1652 = arith.constant 0 : i32
    %get3A_1653 = arith.index_cast %get3A_1652 : i32 to index
    %get3A_1654 = arith.constant 80 : index
    %get3A_1655 = tpu.vector_load %arg4[%get3A_1653, %get3A_1654] {strides = array<i32>} : memref<16x128xf32, #tpu.memory_space<vmem>>, vector<1x16xf32>,
    %get3A_1656 = vector.shape_cast %get3A_1655 : vector<1x16xf32> to vector<16xf32>
    %slice3A_1657 = vector.extract_strided_slice %get3A_1656 {offsets = [7], sizes = [1], strides = [1]} : vector<16xf32> to vector<1xf32>
    %squeeze3A_1658 = vector.extract %slice3A_1657[0] : f32 from vector<1xf32>
    %eq3A_1659 = arith.constant 5 : i32
    %eq3A_1660 = vector.broadcast %eq3A_1659 : i32 to vector<16xi32>
    %eq3A_1661 = arith.cmpi eq, %iota3A, %eq3A_1660 : vector<16xi32>
    %broadcast_in_dim3A_1662 = vector.broadcast %squeeze3A_1658 : f32 to vector<16xf32>
    %select_n3A_1663 = arith.select %eq3A_1661, %broadcast_in_dim3A_1662, %select_n3A_1651 : vector<16xi1>, vector<16xf32>
    %get3A_1664 = arith.constant 0 : i32
    %get3A_1665 = arith.index_cast %get3A_1664 : i32 to index
    %get3A_1666 = arith.constant 96 : index
    %get3A_1667 = tpu.vector_load %arg4[%get3A_1665, %get3A_1666] {strides = array<i32>} : memref<16x128xf32, #tpu.memory_space<vmem>>, vector<1x16xf32>,
    %get3A_1668 = vector.shape_cast %get3A_1667 : vector<1x16xf32> to vector<16xf32>
    %slice3A_1669 = vector.extract_strided_slice %get3A_1668 {offsets = [2], sizes = [1], strides = [1]} : vector<16xf32> to vector<1xf32>
    %squeeze3A_1670 = vector.extract %slice3A_1669[0] : f32 from vector<1xf32>
    %eq3A_1671 = arith.constant 6 : i32
    %eq3A_1672 = vector.broadcast %eq3A_1671 : i32 to vector<16xi32>
    %eq3A_1673 = arith.cmpi eq, %iota3A, %eq3A_1672 : vector<16xi32>
    %broadcast_in_dim3A_1674 = vector.broadcast %squeeze3A_1670 : f32 to vector<16xf32>
    %select_n3A_1675 = arith.select %eq3A_1673, %broadcast_in_dim3A_1674, %select_n3A_1663 : vector<16xi1>, vector<16xf32>
    %get3A_1676 = arith.constant 0 : i32
    %get3A_1677 = arith.index_cast %get3A_1676 : i32 to index
    %get3A_1678 = arith.constant 112 : index
    %get3A_1679 = tpu.vector_load %arg4[%get3A_1677, %get3A_1678] {strides = array<i32>} : memref<16x128xf32, #tpu.memory_space<vmem>>, vector<1x16xf32>,
    %get3A_1680 = vector.shape_cast %get3A_1679 : vector<1x16xf32> to vector<16xf32>
    %slice3A_1681 = vector.extract_strided_slice %get3A_1680 {offsets = [13], sizes = [1], strides = [1]} : vector<16xf32> to vector<1xf32>
    %squeeze3A_1682 = vector.extract %slice3A_1681[0] : f32 from vector<1xf32>
    %eq3A_1683 = arith.constant 7 : i32
    %eq3A_1684 = vector.broadcast %eq3A_1683 : i32 to vector<16xi32>
    %eq3A_1685 = arith.cmpi eq, %iota3A, %eq3A_1684 : vector<16xi32>
    %broadcast_in_dim3A_1686 = vector.broadcast %squeeze3A_1682 : f32 to vector<16xf32>
    %select_n3A_1687 = arith.select %eq3A_1685, %broadcast_in_dim3A_1686, %select_n3A_1675 : vector<16xi1>, vector<16xf32>
    %get3A_1688 = arith.constant 1 : i32
    %get3A_1689 = arith.index_cast %get3A_1688 : i32 to index
    %get3A_1690 = arith.constant 0 : index
    %get3A_1691 = tpu.vector_load %arg4[%get3A_1689, %get3A_1690] {strides = array<i32>} : memref<16x128xf32, #tpu.memory_space<vmem>>, vector<1x16xf32>,
    %get3A_1692 = vector.shape_cast %get3A_1691 : vector<1x16xf32> to vector<16xf32>
    %slice3A_1693 = vector.extract_strided_slice %get3A_1692 {offsets = [8], sizes = [1], strides = [1]} : vector<16xf32> to vector<1xf32>
    %squeeze3A_1694 = vector.extract %slice3A_1693[0] : f32 from vector<1xf32>
    %eq3A_1695 = arith.constant 8 : i32
    %eq3A_1696 = vector.broadcast %eq3A_1695 : i32 to vector<16xi32>
    %eq3A_1697 = arith.cmpi eq, %iota3A, %eq3A_1696 : vector<16xi32>
    %broadcast_in_dim3A_1698 = vector.broadcast %squeeze3A_1694 : f32 to vector<16xf32>
    %select_n3A_1699 = arith.select %eq3A_1697, %broadcast_in_dim3A_1698, %select_n3A_1687 : vector<16xi1>, vector<16xf32>
    %get3A_1700 = arith.constant 1 : i32
    %get3A_1701 = arith.index_cast %get3A_1700 : i32 to index
    %get3A_1702 = arith.constant 16 : index
    %get3A_1703 = tpu.vector_load %arg4[%get3A_1701, %get3A_1702] {strides = array<i32>} : memref<16x128xf32, #tpu.memory_space<vmem>>, vector<1x16xf32>,
    %get3A_1704 = vector.shape_cast %get3A_1703 : vector<1x16xf32> to vector<16xf32>
    %slice3A_1705 = vector.extract_strided_slice %get3A_1704 {offsets = [3], sizes = [1], strides = [1]} : vector<16xf32> to vector<1xf32>
    %squeeze3A_1706 = vector.extract %slice3A_1705[0] : f32 from vector<1xf32>
    %eq3A_1707 = arith.constant 9 : i32
    %eq3A_1708 = vector.broadcast %eq3A_1707 : i32 to vector<16xi32>
    %eq3A_1709 = arith.cmpi eq, %iota3A, %eq3A_1708 : vector<16xi32>
    %broadcast_in_dim3A_1710 = vector.broadcast %squeeze3A_1706 : f32 to vector<16xf32>
    %select_n3A_1711 = arith.select %eq3A_1709, %broadcast_in_dim3A_1710, %select_n3A_1699 : vector<16xi1>, vector<16xf32>
    %get3A_1712 = arith.constant 1 : i32
    %get3A_1713 = arith.index_cast %get3A_1712 : i32 to index
    %get3A_1714 = arith.constant 32 : index
    %get3A_1715 = tpu.vector_load %arg4[%get3A_1713, %get3A_1714] {strides = array<i32>} : memref<16x128xf32, #tpu.memory_space<vmem>>, vector<1x16xf32>,
    %get3A_1716 = vector.shape_cast %get3A_1715 : vector<1x16xf32> to vector<16xf32>
    %slice3A_1717 = vector.extract_strided_slice %get3A_1716 {offsets = [14], sizes = [1], strides = [1]} : vector<16xf32> to vector<1xf32>
    %squeeze3A_1718 = vector.extract %slice3A_1717[0] : f32 from vector<1xf32>
    %eq3A_1719 = arith.constant 10 : i32
    %eq3A_1720 = vector.broadcast %eq3A_1719 : i32 to vector<16xi32>
    %eq3A_1721 = arith.cmpi eq, %iota3A, %eq3A_1720 : vector<16xi32>
    %broadcast_in_dim3A_1722 = vector.broadcast %squeeze3A_1718 : f32 to vector<16xf32>
    %select_n3A_1723 = arith.select %eq3A_1721, %broadcast_in_dim3A_1722, %select_n3A_1711 : vector<16xi1>, vector<16xf32>
    %get3A_1724 = arith.constant 1 : i32
    %get3A_1725 = arith.index_cast %get3A_1724 : i32 to index
    %get3A_1726 = arith.constant 48 : index
    %get3A_1727 = tpu.vector_load %arg4[%get3A_1725, %get3A_1726] {strides = array<i32>} : memref<16x128xf32, #tpu.memory_space<vmem>>, vector<1x16xf32>,
    %get3A_1728 = vector.shape_cast %get3A_1727 : vector<1x16xf32> to vector<16xf32>
    %slice3A_1729 = vector.extract_strided_slice %get3A_1728 {offsets = [9], sizes = [1], strides = [1]} : vector<16xf32> to vector<1xf32>
    %squeeze3A_1730 = vector.extract %slice3A_1729[0] : f32 from vector<1xf32>
    %eq3A_1731 = arith.constant 11 : i32
    %eq3A_1732 = vector.broadcast %eq3A_1731 : i32 to vector<16xi32>
    %eq3A_1733 = arith.cmpi eq, %iota3A, %eq3A_1732 : vector<16xi32>
    %broadcast_in_dim3A_1734 = vector.broadcast %squeeze3A_1730 : f32 to vector<16xf32>
    %select_n3A_1735 = arith.select %eq3A_1733, %broadcast_in_dim3A_1734, %select_n3A_1723 : vector<16xi1>, vector<16xf32>
    %get3A_1736 = arith.constant 1 : i32
    %get3A_1737 = arith.index_cast %get3A_1736 : i32 to index
    %get3A_1738 = arith.constant 64 : index
    %get3A_1739 = tpu.vector_load %arg4[%get3A_1737, %get3A_1738] {strides = array<i32>} : memref<16x128xf32, #tpu.memory_space<vmem>>, vector<1x16xf32>,
    %get3A_1740 = vector.shape_cast %get3A_1739 : vector<1x16xf32> to vector<16xf32>
    %slice3A_1741 = vector.extract_strided_slice %get3A_1740 {offsets = [4], sizes = [1], strides = [1]} : vector<16xf32> to vector<1xf32>
    %squeeze3A_1742 = vector.extract %slice3A_1741[0] : f32 from vector<1xf32>
    %eq3A_1743 = arith.constant 12 : i32
    %eq3A_1744 = vector.broadcast %eq3A_1743 : i32 to vector<16xi32>
    %eq3A_1745 = arith.cmpi eq, %iota3A, %eq3A_1744 : vector<16xi32>
    %broadcast_in_dim3A_1746 = vector.broadcast %squeeze3A_1742 : f32 to vector<16xf32>
    %select_n3A_1747 = arith.select %eq3A_1745, %broadcast_in_dim3A_1746, %select_n3A_1735 : vector<16xi1>, vector<16xf32>
    %get3A_1748 = arith.constant 1 : i32
    %get3A_1749 = arith.index_cast %get3A_1748 : i32 to index
    %get3A_1750 = arith.constant 80 : index
    %get3A_1751 = tpu.vector_load %arg4[%get3A_1749, %get3A_1750] {strides = array<i32>} : memref<16x128xf32, #tpu.memory_space<vmem>>, vector<1x16xf32>,
    %get3A_1752 = vector.shape_cast %get3A_1751 : vector<1x16xf32> to vector<16xf32>
    %slice3A_1753 = vector.extract_strided_slice %get3A_1752 {offsets = [0], sizes = [1], strides = [1]} : vector<16xf32> to vector<1xf32>
    %squeeze3A_1754 = vector.extract %slice3A_1753[0] : f32 from vector<1xf32>
    %eq3A_1755 = arith.constant 13 : i32
    %eq3A_1756 = vector.broadcast %eq3A_1755 : i32 to vector<16xi32>
    %eq3A_1757 = arith.cmpi eq, %iota3A, %eq3A_1756 : vector<16xi32>
    %broadcast_in_dim3A_1758 = vector.broadcast %squeeze3A_1754 : f32 to vector<16xf32>
    %select_n3A_1759 = arith.select %eq3A_1757, %broadcast_in_dim3A_1758, %select_n3A_1747 : vector<16xi1>, vector<16xf32>
    %get3A_1760 = arith.constant 1 : i32
    %get3A_1761 = arith.index_cast %get3A_1760 : i32 to index
    %get3A_1762 = arith.constant 96 : index
    %get3A_1763 = tpu.vector_load %arg4[%get3A_1761, %get3A_1762] {strides = array<i32>} : memref<16x128xf32, #tpu.memory_space<vmem>>, vector<1x16xf32>,
    %get3A_1764 = vector.shape_cast %get3A_1763 : vector<1x16xf32> to vector<16xf32>
    %slice3A_1765 = vector.extract_strided_slice %get3A_1764 {offsets = [11], sizes = [1], strides = [1]} : vector<16xf32> to vector<1xf32>
    %squeeze3A_1766 = vector.extract %slice3A_1765[0] : f32 from vector<1xf32>
    %eq3A_1767 = arith.constant 14 : i32
    %eq3A_1768 = vector.broadcast %eq3A_1767 : i32 to vector<16xi32>
    %eq3A_1769 = arith.cmpi eq, %iota3A, %eq3A_1768 : vector<16xi32>
    %broadcast_in_dim3A_1770 = vector.broadcast %squeeze3A_1766 : f32 to vector<16xf32>
    %select_n3A_1771 = arith.select %eq3A_1769, %broadcast_in_dim3A_1770, %select_n3A_1759 : vector<16xi1>, vector<16xf32>
    %get3A_1772 = arith.constant 1 : i32
    %get3A_1773 = arith.index_cast %get3A_1772 : i32 to index
    %get3A_1774 = arith.constant 112 : index
    %get3A_1775 = tpu.vector_load %arg4[%get3A_1773, %get3A_1774] {strides = array<i32>} : memref<16x128xf32, #tpu.memory_space<vmem>>, vector<1x16xf32>,
    %get3A_1776 = vector.shape_cast %get3A_1775 : vector<1x16xf32> to vector<16xf32>
    %slice3A_1777 = vector.extract_strided_slice %get3A_1776 {offsets = [6], sizes = [1], strides = [1]} : vector<16xf32> to vector<1xf32>
    %squeeze3A_1778 = vector.extract %slice3A_1777[0] : f32 from vector<1xf32>
    %eq3A_1779 = arith.constant 15 : i32
    %eq3A_1780 = vector.broadcast %eq3A_1779 : i32 to vector<16xi32>
    %eq3A_1781 = arith.cmpi eq, %iota3A, %eq3A_1780 : vector<16xi32>
    %broadcast_in_dim3A_1782 = vector.broadcast %squeeze3A_1778 : f32 to vector<16xf32>
    %select_n3A_1783 = arith.select %eq3A_1781, %broadcast_in_dim3A_1782, %select_n3A_1771 : vector<16xi1>, vector<16xf32>
    %swap3A_1784 = arith.constant 0 : index
    %swap3A_1785 = tpu.vector_load %arg5[%swap3A_1784] {strides = array<i32>} : memref<128xf32, #tpu.memory_space<vmem>>, vector<16xf32>,
    %swap3A_1786 = vector.shape_cast %swap3A_1785 : vector<16xf32> to vector<16xf32>
    %swap3A_1787 = vector.shape_cast %select_n3A_1783 : vector<16xf32> to vector<16xf32>
    tpu.vector_store %arg5[%swap3A_1784], %swap3A_1787 {strides = array<i32>} : memref<128xf32, #tpu.memory_space<vmem>>, vector<16xf32>,
    %broadcast_in_dim3A_1788 = arith.constant 0.000000e+00 : f32
    %broadcast_in_dim3A_1789 = vector.broadcast %broadcast_in_dim3A_1788 : f32 to vector<16xf32>
    %get3A_1790 = arith.constant 2 : i32
    %get3A_1791 = arith.index_cast %get3A_1790 : i32 to index
    %get3A_1792 = arith.constant 0 : index
    %get3A_1793 = tpu.vector_load %arg4[%get3A_1791, %get3A_1792] {strides = array<i32>} : memref<16x128xf32, #tpu.memory_space<vmem>>, vector<1x16xf32>,
    %get3A_1794 = vector.shape_cast %get3A_1793 : vector<1x16xf32> to vector<16xf32>
    %slice3A_1795 = vector.extract_strided_slice %get3A_1794 {offsets = [1], sizes = [1], strides = [1]} : vector<16xf32> to vector<1xf32>
    %squeeze3A_1796 = vector.extract %slice3A_1795[0] : f32 from vector<1xf32>
    %eq3A_1797 = arith.constant 0 : i32
    %eq3A_1798 = vector.broadcast %eq3A_1797 : i32 to vector<16xi32>
    %eq3A_1799 = arith.cmpi eq, %iota3A, %eq3A_1798 : vector<16xi32>
    %broadcast_in_dim3A_1800 = vector.broadcast %squeeze3A_1796 : f32 to vector<16xf32>
    %select_n3A_1801 = arith.select %eq3A_1799, %broadcast_in_dim3A_1800, %broadcast_in_dim3A_1789 : vector<16xi1>, vector<16xf32>
    %get3A_1802 = arith.constant 2 : i32
    %get3A_1803 = arith.index_cast %get3A_1802 : i32 to index
    %get3A_1804 = arith.constant 16 : index
    %get3A_1805 = tpu.vector_load %arg4[%get3A_1803, %get3A_1804] {strides = array<i32>} : memref<16x128xf32, #tpu.memory_space<vmem>>, vector<1x16xf32>,
    %get3A_1806 = vector.shape_cast %get3A_1805 : vector<1x16xf32> to vector<16xf32>
    %slice3A_1807 = vector.extract_strided_slice %get3A_1806 {offsets = [12], sizes = [1], strides = [1]} : vector<16xf32> to vector<1xf32>
    %squeeze3A_1808 = vector.extract %slice3A_1807[0] : f32 from vector<1xf32>
    %eq3A_1809 = arith.constant 1 : i32
    %eq3A_1810 = vector.broadcast %eq3A_1809 : i32 to vector<16xi32>
    %eq3A_1811 = arith.cmpi eq, %iota3A, %eq3A_1810 : vector<16xi32>
    %broadcast_in_dim3A_1812 = vector.broadcast %squeeze3A_1808 : f32 to vector<16xf32>
    %select_n3A_1813 = arith.select %eq3A_1811, %broadcast_in_dim3A_1812, %select_n3A_1801 : vector<16xi1>, vector<16xf32>
    %get3A_1814 = arith.constant 2 : i32
    %get3A_1815 = arith.index_cast %get3A_1814 : i32 to index
    %get3A_1816 = arith.constant 32 : index
    %get3A_1817 = tpu.vector_load %arg4[%get3A_1815, %get3A_1816] {strides = array<i32>} : memref<16x128xf32, #tpu.memory_space<vmem>>, vector<1x16xf32>,
    %get3A_1818 = vector.shape_cast %get3A_1817 : vector<1x16xf32> to vector<16xf32>
    %slice3A_1819 = vector.extract_strided_slice %get3A_1818 {offsets = [7], sizes = [1], strides = [1]} : vector<16xf32> to vector<1xf32>
    %squeeze3A_1820 = vector.extract %slice3A_1819[0] : f32 from vector<1xf32>
    %eq3A_1821 = arith.constant 2 : i32
    %eq3A_1822 = vector.broadcast %eq3A_1821 : i32 to vector<16xi32>
    %eq3A_1823 = arith.cmpi eq, %iota3A, %eq3A_1822 : vector<16xi32>
    %broadcast_in_dim3A_1824 = vector.broadcast %squeeze3A_1820 : f32 to vector<16xf32>
    %select_n3A_1825 = arith.select %eq3A_1823, %broadcast_in_dim3A_1824, %select_n3A_1813 : vector<16xi1>, vector<16xf32>
    %get3A_1826 = arith.constant 2 : i32
    %get3A_1827 = arith.index_cast %get3A_1826 : i32 to index
    %get3A_1828 = arith.constant 48 : index
    %get3A_1829 = tpu.vector_load %arg4[%get3A_1827, %get3A_1828] {strides = array<i32>} : memref<16x128xf32, #tpu.memory_space<vmem>>, vector<1x16xf32>,
    %get3A_1830 = vector.shape_cast %get3A_1829 : vector<1x16xf32> to vector<16xf32>
    %slice3A_1831 = vector.extract_strided_slice %get3A_1830 {offsets = [2], sizes = [1], strides = [1]} : vector<16xf32> to vector<1xf32>
    %squeeze3A_1832 = vector.extract %slice3A_1831[0] : f32 from vector<1xf32>
    %eq3A_1833 = arith.constant 3 : i32
    %eq3A_1834 = vector.broadcast %eq3A_1833 : i32 to vector<16xi32>
    %eq3A_1835 = arith.cmpi eq, %iota3A, %eq3A_1834 : vector<16xi32>
    %broadcast_in_dim3A_1836 = vector.broadcast %squeeze3A_1832 : f32 to vector<16xf32>
    %select_n3A_1837 = arith.select %eq3A_1835, %broadcast_in_dim3A_1836, %select_n3A_1825 : vector<16xi1>, vector<16xf32>
    %get3A_1838 = arith.constant 2 : i32
    %get3A_1839 = arith.index_cast %get3A_1838 : i32 to index
    %get3A_1840 = arith.constant 64 : index
    %get3A_1841 = tpu.vector_load %arg4[%get3A_1839, %get3A_1840] {strides = array<i32>} : memref<16x128xf32, #tpu.memory_space<vmem>>, vector<1x16xf32>,
    %get3A_1842 = vector.shape_cast %get3A_1841 : vector<1x16xf32> to vector<16xf32>
    %slice3A_1843 = vector.extract_strided_slice %get3A_1842 {offsets = [13], sizes = [1], strides = [1]} : vector<16xf32> to vector<1xf32>
    %squeeze3A_1844 = vector.extract %slice3A_1843[0] : f32 from vector<1xf32>
    %eq3A_1845 = arith.constant 4 : i32
    %eq3A_1846 = vector.broadcast %eq3A_1845 : i32 to vector<16xi32>
    %eq3A_1847 = arith.cmpi eq, %iota3A, %eq3A_1846 : vector<16xi32>
    %broadcast_in_dim3A_1848 = vector.broadcast %squeeze3A_1844 : f32 to vector<16xf32>
    %select_n3A_1849 = arith.select %eq3A_1847, %broadcast_in_dim3A_1848, %select_n3A_1837 : vector<16xi1>, vector<16xf32>
    %get3A_1850 = arith.constant 2 : i32
    %get3A_1851 = arith.index_cast %get3A_1850 : i32 to index
    %get3A_1852 = arith.constant 80 : index
    %get3A_1853 = tpu.vector_load %arg4[%get3A_1851, %get3A_1852] {strides = array<i32>} : memref<16x128xf32, #tpu.memory_space<vmem>>, vector<1x16xf32>,
    %get3A_1854 = vector.shape_cast %get3A_1853 : vector<1x16xf32> to vector<16xf32>
    %slice3A_1855 = vector.extract_strided_slice %get3A_1854 {offsets = [8], sizes = [1], strides = [1]} : vector<16xf32> to vector<1xf32>
    %squeeze3A_1856 = vector.extract %slice3A_1855[0] : f32 from vector<1xf32>
    %eq3A_1857 = arith.constant 5 : i32
    %eq3A_1858 = vector.broadcast %eq3A_1857 : i32 to vector<16xi32>
    %eq3A_1859 = arith.cmpi eq, %iota3A, %eq3A_1858 : vector<16xi32>
    %broadcast_in_dim3A_1860 = vector.broadcast %squeeze3A_1856 : f32 to vector<16xf32>
    %select_n3A_1861 = arith.select %eq3A_1859, %broadcast_in_dim3A_1860, %select_n3A_1849 : vector<16xi1>, vector<16xf32>
    %get3A_1862 = arith.constant 2 : i32
    %get3A_1863 = arith.index_cast %get3A_1862 : i32 to index
    %get3A_1864 = arith.constant 96 : index
    %get3A_1865 = tpu.vector_load %arg4[%get3A_1863, %get3A_1864] {strides = array<i32>} : memref<16x128xf32, #tpu.memory_space<vmem>>, vector<1x16xf32>,
    %get3A_1866 = vector.shape_cast %get3A_1865 : vector<1x16xf32> to vector<16xf32>
    %slice3A_1867 = vector.extract_strided_slice %get3A_1866 {offsets = [3], sizes = [1], strides = [1]} : vector<16xf32> to vector<1xf32>
    %squeeze3A_1868 = vector.extract %slice3A_1867[0] : f32 from vector<1xf32>
    %eq3A_1869 = arith.constant 6 : i32
    %eq3A_1870 = vector.broadcast %eq3A_1869 : i32 to vector<16xi32>
    %eq3A_1871 = arith.cmpi eq, %iota3A, %eq3A_1870 : vector<16xi32>
    %broadcast_in_dim3A_1872 = vector.broadcast %squeeze3A_1868 : f32 to vector<16xf32>
    %select_n3A_1873 = arith.select %eq3A_1871, %broadcast_in_dim3A_1872, %select_n3A_1861 : vector<16xi1>, vector<16xf32>
    %get3A_1874 = arith.constant 2 : i32
    %get3A_1875 = arith.index_cast %get3A_1874 : i32 to index
    %get3A_1876 = arith.constant 112 : index
    %get3A_1877 = tpu.vector_load %arg4[%get3A_1875, %get3A_1876] {strides = array<i32>} : memref<16x128xf32, #tpu.memory_space<vmem>>, vector<1x16xf32>,
    %get3A_1878 = vector.shape_cast %get3A_1877 : vector<1x16xf32> to vector<16xf32>
    %slice3A_1879 = vector.extract_strided_slice %get3A_1878 {offsets = [14], sizes = [1], strides = [1]} : vector<16xf32> to vector<1xf32>
    %squeeze3A_1880 = vector.extract %slice3A_1879[0] : f32 from vector<1xf32>
    %eq3A_1881 = arith.constant 7 : i32
    %eq3A_1882 = vector.broadcast %eq3A_1881 : i32 to vector<16xi32>
    %eq3A_1883 = arith.cmpi eq, %iota3A, %eq3A_1882 : vector<16xi32>
    %broadcast_in_dim3A_1884 = vector.broadcast %squeeze3A_1880 : f32 to vector<16xf32>
    %select_n3A_1885 = arith.select %eq3A_1883, %broadcast_in_dim3A_1884, %select_n3A_1873 : vector<16xi1>, vector<16xf32>
    %get3A_1886 = arith.constant 3 : i32
    %get3A_1887 = arith.index_cast %get3A_1886 : i32 to index
    %get3A_1888 = arith.constant 0 : index
    %get3A_1889 = tpu.vector_load %arg4[%get3A_1887, %get3A_1888] {strides = array<i32>} : memref<16x128xf32, #tpu.memory_space<vmem>>, vector<1x16xf32>,
    %get3A_1890 = vector.shape_cast %get3A_1889 : vector<1x16xf32> to vector<16xf32>
    %slice3A_1891 = vector.extract_strided_slice %get3A_1890 {offsets = [9], sizes = [1], strides = [1]} : vector<16xf32> to vector<1xf32>
    %squeeze3A_1892 = vector.extract %slice3A_1891[0] : f32 from vector<1xf32>
    %eq3A_1893 = arith.constant 8 : i32
    %eq3A_1894 = vector.broadcast %eq3A_1893 : i32 to vector<16xi32>
    %eq3A_1895 = arith.cmpi eq, %iota3A, %eq3A_1894 : vector<16xi32>
    %broadcast_in_dim3A_1896 = vector.broadcast %squeeze3A_1892 : f32 to vector<16xf32>
    %select_n3A_1897 = arith.select %eq3A_1895, %broadcast_in_dim3A_1896, %select_n3A_1885 : vector<16xi1>, vector<16xf32>
    %get3A_1898 = arith.constant 3 : i32
    %get3A_1899 = arith.index_cast %get3A_1898 : i32 to index
    %get3A_1900 = arith.constant 16 : index
    %get3A_1901 = tpu.vector_load %arg4[%get3A_1899, %get3A_1900] {strides = array<i32>} : memref<16x128xf32, #tpu.memory_space<vmem>>, vector<1x16xf32>,
    %get3A_1902 = vector.shape_cast %get3A_1901 : vector<1x16xf32> to vector<16xf32>
    %slice3A_1903 = vector.extract_strided_slice %get3A_1902 {offsets = [4], sizes = [1], strides = [1]} : vector<16xf32> to vector<1xf32>
    %squeeze3A_1904 = vector.extract %slice3A_1903[0] : f32 from vector<1xf32>
    %eq3A_1905 = arith.constant 9 : i32
    %eq3A_1906 = vector.broadcast %eq3A_1905 : i32 to vector<16xi32>
    %eq3A_1907 = arith.cmpi eq, %iota3A, %eq3A_1906 : vector<16xi32>
    %broadcast_in_dim3A_1908 = vector.broadcast %squeeze3A_1904 : f32 to vector<16xf32>
    %select_n3A_1909 = arith.select %eq3A_1907, %broadcast_in_dim3A_1908, %select_n3A_1897 : vector<16xi1>, vector<16xf32>
    %get3A_1910 = arith.constant 3 : i32
    %get3A_1911 = arith.index_cast %get3A_1910 : i32 to index
    %get3A_1912 = arith.constant 32 : index
    %get3A_1913 = tpu.vector_load %arg4[%get3A_1911, %get3A_1912] {strides = array<i32>} : memref<16x128xf32, #tpu.memory_space<vmem>>, vector<1x16xf32>,
    %get3A_1914 = vector.shape_cast %get3A_1913 : vector<1x16xf32> to vector<16xf32>
    %slice3A_1915 = vector.extract_strided_slice %get3A_1914 {offsets = [0], sizes = [1], strides = [1]} : vector<16xf32> to vector<1xf32>
    %squeeze3A_1916 = vector.extract %slice3A_1915[0] : f32 from vector<1xf32>
    %eq3A_1917 = arith.constant 10 : i32
    %eq3A_1918 = vector.broadcast %eq3A_1917 : i32 to vector<16xi32>
    %eq3A_1919 = arith.cmpi eq, %iota3A, %eq3A_1918 : vector<16xi32>
    %broadcast_in_dim3A_1920 = vector.broadcast %squeeze3A_1916 : f32 to vector<16xf32>
    %select_n3A_1921 = arith.select %eq3A_1919, %broadcast_in_dim3A_1920, %select_n3A_1909 : vector<16xi1>, vector<16xf32>
    %get3A_1922 = arith.constant 3 : i32
    %get3A_1923 = arith.index_cast %get3A_1922 : i32 to index
    %get3A_1924 = arith.constant 48 : index
    %get3A_1925 = tpu.vector_load %arg4[%get3A_1923, %get3A_1924] {strides = array<i32>} : memref<16x128xf32, #tpu.memory_space<vmem>>, vector<1x16xf32>,
    %get3A_1926 = vector.shape_cast %get3A_1925 : vector<1x16xf32> to vector<16xf32>
    %slice3A_1927 = vector.extract_strided_slice %get3A_1926 {offsets = [11], sizes = [1], strides = [1]} : vector<16xf32> to vector<1xf32>
    %squeeze3A_1928 = vector.extract %slice3A_1927[0] : f32 from vector<1xf32>
    %eq3A_1929 = arith.constant 11 : i32
    %eq3A_1930 = vector.broadcast %eq3A_1929 : i32 to vector<16xi32>
    %eq3A_1931 = arith.cmpi eq, %iota3A, %eq3A_1930 : vector<16xi32>
    %broadcast_in_dim3A_1932 = vector.broadcast %squeeze3A_1928 : f32 to vector<16xf32>
    %select_n3A_1933 = arith.select %eq3A_1931, %broadcast_in_dim3A_1932, %select_n3A_1921 : vector<16xi1>, vector<16xf32>
    %get3A_1934 = arith.constant 3 : i32
    %get3A_1935 = arith.index_cast %get3A_1934 : i32 to index
    %get3A_1936 = arith.constant 64 : index
    %get3A_1937 = tpu.vector_load %arg4[%get3A_1935, %get3A_1936] {strides = array<i32>} : memref<16x128xf32, #tpu.memory_space<vmem>>, vector<1x16xf32>,
    %get3A_1938 = vector.shape_cast %get3A_1937 : vector<1x16xf32> to vector<16xf32>
    %slice3A_1939 = vector.extract_strided_slice %get3A_1938 {offsets = [6], sizes = [1], strides = [1]} : vector<16xf32> to vector<1xf32>
    %squeeze3A_1940 = vector.extract %slice3A_1939[0] : f32 from vector<1xf32>
    %eq3A_1941 = arith.constant 12 : i32
    %eq3A_1942 = vector.broadcast %eq3A_1941 : i32 to vector<16xi32>
    %eq3A_1943 = arith.cmpi eq, %iota3A, %eq3A_1942 : vector<16xi32>
    %broadcast_in_dim3A_1944 = vector.broadcast %squeeze3A_1940 : f32 to vector<16xf32>
    %select_n3A_1945 = arith.select %eq3A_1943, %broadcast_in_dim3A_1944, %select_n3A_1933 : vector<16xi1>, vector<16xf32>
    %get3A_1946 = arith.constant 3 : i32
    %get3A_1947 = arith.index_cast %get3A_1946 : i32 to index
    %get3A_1948 = arith.constant 80 : index
    %get3A_1949 = tpu.vector_load %arg4[%get3A_1947, %get3A_1948] {strides = array<i32>} : memref<16x128xf32, #tpu.memory_space<vmem>>, vector<1x16xf32>,
    %get3A_1950 = vector.shape_cast %get3A_1949 : vector<1x16xf32> to vector<16xf32>
    %slice3A_1951 = vector.extract_strided_slice %get3A_1950 {offsets = [1], sizes = [1], strides = [1]} : vector<16xf32> to vector<1xf32>
    %squeeze3A_1952 = vector.extract %slice3A_1951[0] : f32 from vector<1xf32>
    %eq3A_1953 = arith.constant 13 : i32
    %eq3A_1954 = vector.broadcast %eq3A_1953 : i32 to vector<16xi32>
    %eq3A_1955 = arith.cmpi eq, %iota3A, %eq3A_1954 : vector<16xi32>
    %broadcast_in_dim3A_1956 = vector.broadcast %squeeze3A_1952 : f32 to vector<16xf32>
    %select_n3A_1957 = arith.select %eq3A_1955, %broadcast_in_dim3A_1956, %select_n3A_1945 : vector<16xi1>, vector<16xf32>
    %get3A_1958 = arith.constant 3 : i32
    %get3A_1959 = arith.index_cast %get3A_1958 : i32 to index
    %get3A_1960 = arith.constant 96 : index
    %get3A_1961 = tpu.vector_load %arg4[%get3A_1959, %get3A_1960] {strides = array<i32>} : memref<16x128xf32, #tpu.memory_space<vmem>>, vector<1x16xf32>,
    %get3A_1962 = vector.shape_cast %get3A_1961 : vector<1x16xf32> to vector<16xf32>
    %slice3A_1963 = vector.extract_strided_slice %get3A_1962 {offsets = [12], sizes = [1], strides = [1]} : vector<16xf32> to vector<1xf32>
    %squeeze3A_1964 = vector.extract %slice3A_1963[0] : f32 from vector<1xf32>
    %eq3A_1965 = arith.constant 14 : i32
    %eq3A_1966 = vector.broadcast %eq3A_1965 : i32 to vector<16xi32>
    %eq3A_1967 = arith.cmpi eq, %iota3A, %eq3A_1966 : vector<16xi32>
    %broadcast_in_dim3A_1968 = vector.broadcast %squeeze3A_1964 : f32 to vector<16xf32>
    %select_n3A_1969 = arith.select %eq3A_1967, %broadcast_in_dim3A_1968, %select_n3A_1957 : vector<16xi1>, vector<16xf32>
    %get3A_1970 = arith.constant 3 : i32
    %get3A_1971 = arith.index_cast %get3A_1970 : i32 to index
    %get3A_1972 = arith.constant 112 : index
    %get3A_1973 = tpu.vector_load %arg4[%get3A_1971, %get3A_1972] {strides = array<i32>} : memref<16x128xf32, #tpu.memory_space<vmem>>, vector<1x16xf32>,
    %get3A_1974 = vector.shape_cast %get3A_1973 : vector<1x16xf32> to vector<16xf32>
    %slice3A_1975 = vector.extract_strided_slice %get3A_1974 {offsets = [7], sizes = [1], strides = [1]} : vector<16xf32> to vector<1xf32>
    %squeeze3A_1976 = vector.extract %slice3A_1975[0] : f32 from vector<1xf32>
    %eq3A_1977 = arith.constant 15 : i32
    %eq3A_1978 = vector.broadcast %eq3A_1977 : i32 to vector<16xi32>
    %eq3A_1979 = arith.cmpi eq, %iota3A, %eq3A_1978 : vector<16xi32>
    %broadcast_in_dim3A_1980 = vector.broadcast %squeeze3A_1976 : f32 to vector<16xf32>
    %select_n3A_1981 = arith.select %eq3A_1979, %broadcast_in_dim3A_1980, %select_n3A_1969 : vector<16xi1>, vector<16xf32>
    %swap3A_1982 = arith.constant 16 : index
    %swap3A_1983 = tpu.vector_load %arg5[%swap3A_1982] {strides = array<i32>} : memref<128xf32, #tpu.memory_space<vmem>>, vector<16xf32>,
    %swap3A_1984 = vector.shape_cast %swap3A_1983 : vector<16xf32> to vector<16xf32>
    %swap3A_1985 = vector.shape_cast %select_n3A_1981 : vector<16xf32> to vector<16xf32>
    tpu.vector_store %arg5[%swap3A_1982], %swap3A_1985 {strides = array<i32>} : memref<128xf32, #tpu.memory_space<vmem>>, vector<16xf32>,
    %broadcast_in_dim3A_1986 = arith.constant 0.000000e+00 : f32
    %broadcast_in_dim3A_1987 = vector.broadcast %broadcast_in_dim3A_1986 : f32 to vector<16xf32>
    %get3A_1988 = arith.constant 4 : i32
    %get3A_1989 = arith.index_cast %get3A_1988 : i32 to index
    %get3A_1990 = arith.constant 0 : index
    %get3A_1991 = tpu.vector_load %arg4[%get3A_1989, %get3A_1990] {strides = array<i32>} : memref<16x128xf32, #tpu.memory_space<vmem>>, vector<1x16xf32>,
    %get3A_1992 = vector.shape_cast %get3A_1991 : vector<1x16xf32> to vector<16xf32>
    %slice3A_1993 = vector.extract_strided_slice %get3A_1992 {offsets = [2], sizes = [1], strides = [1]} : vector<16xf32> to vector<1xf32>
    %squeeze3A_1994 = vector.extract %slice3A_1993[0] : f32 from vector<1xf32>
    %eq3A_1995 = arith.constant 0 : i32
    %eq3A_1996 = vector.broadcast %eq3A_1995 : i32 to vector<16xi32>
    %eq3A_1997 = arith.cmpi eq, %iota3A, %eq3A_1996 : vector<16xi32>
    %broadcast_in_dim3A_1998 = vector.broadcast %squeeze3A_1994 : f32 to vector<16xf32>
    %select_n3A_1999 = arith.select %eq3A_1997, %broadcast_in_dim3A_1998, %broadcast_in_dim3A_1987 : vector<16xi1>, vector<16xf32>
    %get3A_2000 = arith.constant 4 : i32
    %get3A_2001 = arith.index_cast %get3A_2000 : i32 to index
    %get3A_2002 = arith.constant 16 : index
    %get3A_2003 = tpu.vector_load %arg4[%get3A_2001, %get3A_2002] {strides = array<i32>} : memref<16x128xf32, #tpu.memory_space<vmem>>, vector<1x16xf32>,
    %get3A_2004 = vector.shape_cast %get3A_2003 : vector<1x16xf32> to vector<16xf32>
    %slice3A_2005 = vector.extract_strided_slice %get3A_2004 {offsets = [13], sizes = [1], strides = [1]} : vector<16xf32> to vector<1xf32>
    %squeeze3A_2006 = vector.extract %slice3A_2005[0] : f32 from vector<1xf32>
    %eq3A_2007 = arith.constant 1 : i32
    %eq3A_2008 = vector.broadcast %eq3A_2007 : i32 to vector<16xi32>
    %eq3A_2009 = arith.cmpi eq, %iota3A, %eq3A_2008 : vector<16xi32>
    %broadcast_in_dim3A_2010 = vector.broadcast %squeeze3A_2006 : f32 to vector<16xf32>
    %select_n3A_2011 = arith.select %eq3A_2009, %broadcast_in_dim3A_2010, %select_n3A_1999 : vector<16xi1>, vector<16xf32>
    %get3A_2012 = arith.constant 4 : i32
    %get3A_2013 = arith.index_cast %get3A_2012 : i32 to index
    %get3A_2014 = arith.constant 32 : index
    %get3A_2015 = tpu.vector_load %arg4[%get3A_2013, %get3A_2014] {strides = array<i32>} : memref<16x128xf32, #tpu.memory_space<vmem>>, vector<1x16xf32>,
    %get3A_2016 = vector.shape_cast %get3A_2015 : vector<1x16xf32> to vector<16xf32>
    %slice3A_2017 = vector.extract_strided_slice %get3A_2016 {offsets = [8], sizes = [1], strides = [1]} : vector<16xf32> to vector<1xf32>
    %squeeze3A_2018 = vector.extract %slice3A_2017[0] : f32 from vector<1xf32>
    %eq3A_2019 = arith.constant 2 : i32
    %eq3A_2020 = vector.broadcast %eq3A_2019 : i32 to vector<16xi32>
    %eq3A_2021 = arith.cmpi eq, %iota3A, %eq3A_2020 : vector<16xi32>
    %broadcast_in_dim3A_2022 = vector.broadcast %squeeze3A_2018 : f32 to vector<16xf32>
    %select_n3A_2023 = arith.select %eq3A_2021, %broadcast_in_dim3A_2022, %select_n3A_2011 : vector<16xi1>, vector<16xf32>
    %get3A_2024 = arith.constant 4 : i32
    %get3A_2025 = arith.index_cast %get3A_2024 : i32 to index
    %get3A_2026 = arith.constant 48 : index
    %get3A_2027 = tpu.vector_load %arg4[%get3A_2025, %get3A_2026] {strides = array<i32>} : memref<16x128xf32, #tpu.memory_space<vmem>>, vector<1x16xf32>,
    %get3A_2028 = vector.shape_cast %get3A_2027 : vector<1x16xf32> to vector<16xf32>
    %slice3A_2029 = vector.extract_strided_slice %get3A_2028 {offsets = [3], sizes = [1], strides = [1]} : vector<16xf32> to vector<1xf32>
    %squeeze3A_2030 = vector.extract %slice3A_2029[0] : f32 from vector<1xf32>
    %eq3A_2031 = arith.constant 3 : i32
    %eq3A_2032 = vector.broadcast %eq3A_2031 : i32 to vector<16xi32>
    %eq3A_2033 = arith.cmpi eq, %iota3A, %eq3A_2032 : vector<16xi32>
    %broadcast_in_dim3A_2034 = vector.broadcast %squeeze3A_2030 : f32 to vector<16xf32>
    %select_n3A_2035 = arith.select %eq3A_2033, %broadcast_in_dim3A_2034, %select_n3A_2023 : vector<16xi1>, vector<16xf32>
    %get3A_2036 = arith.constant 4 : i32
    %get3A_2037 = arith.index_cast %get3A_2036 : i32 to index
    %get3A_2038 = arith.constant 64 : index
    %get3A_2039 = tpu.vector_load %arg4[%get3A_2037, %get3A_2038] {strides = array<i32>} : memref<16x128xf32, #tpu.memory_space<vmem>>, vector<1x16xf32>,
    %get3A_2040 = vector.shape_cast %get3A_2039 : vector<1x16xf32> to vector<16xf32>
    %slice3A_2041 = vector.extract_strided_slice %get3A_2040 {offsets = [14], sizes = [1], strides = [1]} : vector<16xf32> to vector<1xf32>
    %squeeze3A_2042 = vector.extract %slice3A_2041[0] : f32 from vector<1xf32>
    %eq3A_2043 = arith.constant 4 : i32
    %eq3A_2044 = vector.broadcast %eq3A_2043 : i32 to vector<16xi32>
    %eq3A_2045 = arith.cmpi eq, %iota3A, %eq3A_2044 : vector<16xi32>
    %broadcast_in_dim3A_2046 = vector.broadcast %squeeze3A_2042 : f32 to vector<16xf32>
    %select_n3A_2047 = arith.select %eq3A_2045, %broadcast_in_dim3A_2046, %select_n3A_2035 : vector<16xi1>, vector<16xf32>
    %get3A_2048 = arith.constant 4 : i32
    %get3A_2049 = arith.index_cast %get3A_2048 : i32 to index
    %get3A_2050 = arith.constant 80 : index
    %get3A_2051 = tpu.vector_load %arg4[%get3A_2049, %get3A_2050] {strides = array<i32>} : memref<16x128xf32, #tpu.memory_space<vmem>>, vector<1x16xf32>,
    %get3A_2052 = vector.shape_cast %get3A_2051 : vector<1x16xf32> to vector<16xf32>
    %slice3A_2053 = vector.extract_strided_slice %get3A_2052 {offsets = [9], sizes = [1], strides = [1]} : vector<16xf32> to vector<1xf32>
    %squeeze3A_2054 = vector.extract %slice3A_2053[0] : f32 from vector<1xf32>
    %eq3A_2055 = arith.constant 5 : i32
    %eq3A_2056 = vector.broadcast %eq3A_2055 : i32 to vector<16xi32>
    %eq3A_2057 = arith.cmpi eq, %iota3A, %eq3A_2056 : vector<16xi32>
    %broadcast_in_dim3A_2058 = vector.broadcast %squeeze3A_2054 : f32 to vector<16xf32>
    %select_n3A_2059 = arith.select %eq3A_2057, %broadcast_in_dim3A_2058, %select_n3A_2047 : vector<16xi1>, vector<16xf32>
    %get3A_2060 = arith.constant 4 : i32
    %get3A_2061 = arith.index_cast %get3A_2060 : i32 to index
    %get3A_2062 = arith.constant 96 : index
    %get3A_2063 = tpu.vector_load %arg4[%get3A_2061, %get3A_2062] {strides = array<i32>} : memref<16x128xf32, #tpu.memory_space<vmem>>, vector<1x16xf32>,
    %get3A_2064 = vector.shape_cast %get3A_2063 : vector<1x16xf32> to vector<16xf32>
    %slice3A_2065 = vector.extract_strided_slice %get3A_2064 {offsets = [4], sizes = [1], strides = [1]} : vector<16xf32> to vector<1xf32>
    %squeeze3A_2066 = vector.extract %slice3A_2065[0] : f32 from vector<1xf32>
    %eq3A_2067 = arith.constant 6 : i32
    %eq3A_2068 = vector.broadcast %eq3A_2067 : i32 to vector<16xi32>
    %eq3A_2069 = arith.cmpi eq, %iota3A, %eq3A_2068 : vector<16xi32>
    %broadcast_in_dim3A_2070 = vector.broadcast %squeeze3A_2066 : f32 to vector<16xf32>
    %select_n3A_2071 = arith.select %eq3A_2069, %broadcast_in_dim3A_2070, %select_n3A_2059 : vector<16xi1>, vector<16xf32>
    %get3A_2072 = arith.constant 4 : i32
    %get3A_2073 = arith.index_cast %get3A_2072 : i32 to index
    %get3A_2074 = arith.constant 112 : index
    %get3A_2075 = tpu.vector_load %arg4[%get3A_2073, %get3A_2074] {strides = array<i32>} : memref<16x128xf32, #tpu.memory_space<vmem>>, vector<1x16xf32>,
    %get3A_2076 = vector.shape_cast %get3A_2075 : vector<1x16xf32> to vector<16xf32>
    %slice3A_2077 = vector.extract_strided_slice %get3A_2076 {offsets = [0], sizes = [1], strides = [1]} : vector<16xf32> to vector<1xf32>
    %squeeze3A_2078 = vector.extract %slice3A_2077[0] : f32 from vector<1xf32>
    %eq3A_2079 = arith.constant 7 : i32
    %eq3A_2080 = vector.broadcast %eq3A_2079 : i32 to vector<16xi32>
    %eq3A_2081 = arith.cmpi eq, %iota3A, %eq3A_2080 : vector<16xi32>
    %broadcast_in_dim3A_2082 = vector.broadcast %squeeze3A_2078 : f32 to vector<16xf32>
    %select_n3A_2083 = arith.select %eq3A_2081, %broadcast_in_dim3A_2082, %select_n3A_2071 : vector<16xi1>, vector<16xf32>
    %get3A_2084 = arith.constant 5 : i32
    %get3A_2085 = arith.index_cast %get3A_2084 : i32 to index
    %get3A_2086 = arith.constant 0 : index
    %get3A_2087 = tpu.vector_load %arg4[%get3A_2085, %get3A_2086] {strides = array<i32>} : memref<16x128xf32, #tpu.memory_space<vmem>>, vector<1x16xf32>,
    %get3A_2088 = vector.shape_cast %get3A_2087 : vector<1x16xf32> to vector<16xf32>
    %slice3A_2089 = vector.extract_strided_slice %get3A_2088 {offsets = [11], sizes = [1], strides = [1]} : vector<16xf32> to vector<1xf32>
    %squeeze3A_2090 = vector.extract %slice3A_2089[0] : f32 from vector<1xf32>
    %eq3A_2091 = arith.constant 8 : i32
    %eq3A_2092 = vector.broadcast %eq3A_2091 : i32 to vector<16xi32>
    %eq3A_2093 = arith.cmpi eq, %iota3A, %eq3A_2092 : vector<16xi32>
    %broadcast_in_dim3A_2094 = vector.broadcast %squeeze3A_2090 : f32 to vector<16xf32>
    %select_n3A_2095 = arith.select %eq3A_2093, %broadcast_in_dim3A_2094, %select_n3A_2083 : vector<16xi1>, vector<16xf32>
    %get3A_2096 = arith.constant 5 : i32
    %get3A_2097 = arith.index_cast %get3A_2096 : i32 to index
    %get3A_2098 = arith.constant 16 : index
    %get3A_2099 = tpu.vector_load %arg4[%get3A_2097, %get3A_2098] {strides = array<i32>} : memref<16x128xf32, #tpu.memory_space<vmem>>, vector<1x16xf32>,
    %get3A_2100 = vector.shape_cast %get3A_2099 : vector<1x16xf32> to vector<16xf32>
    %slice3A_2101 = vector.extract_strided_slice %get3A_2100 {offsets = [6], sizes = [1], strides = [1]} : vector<16xf32> to vector<1xf32>
    %squeeze3A_2102 = vector.extract %slice3A_2101[0] : f32 from vector<1xf32>
    %eq3A_2103 = arith.constant 9 : i32
    %eq3A_2104 = vector.broadcast %eq3A_2103 : i32 to vector<16xi32>
    %eq3A_2105 = arith.cmpi eq, %iota3A, %eq3A_2104 : vector<16xi32>
    %broadcast_in_dim3A_2106 = vector.broadcast %squeeze3A_2102 : f32 to vector<16xf32>
    %select_n3A_2107 = arith.select %eq3A_2105, %broadcast_in_dim3A_2106, %select_n3A_2095 : vector<16xi1>, vector<16xf32>
    %get3A_2108 = arith.constant 5 : i32
    %get3A_2109 = arith.index_cast %get3A_2108 : i32 to index
    %get3A_2110 = arith.constant 32 : index
    %get3A_2111 = tpu.vector_load %arg4[%get3A_2109, %get3A_2110] {strides = array<i32>} : memref<16x128xf32, #tpu.memory_space<vmem>>, vector<1x16xf32>,
    %get3A_2112 = vector.shape_cast %get3A_2111 : vector<1x16xf32> to vector<16xf32>
    %slice3A_2113 = vector.extract_strided_slice %get3A_2112 {offsets = [1], sizes = [1], strides = [1]} : vector<16xf32> to vector<1xf32>
    %squeeze3A_2114 = vector.extract %slice3A_2113[0] : f32 from vector<1xf32>
    %eq3A_2115 = arith.constant 10 : i32
    %eq3A_2116 = vector.broadcast %eq3A_2115 : i32 to vector<16xi32>
    %eq3A_2117 = arith.cmpi eq, %iota3A, %eq3A_2116 : vector<16xi32>
    %broadcast_in_dim3A_2118 = vector.broadcast %squeeze3A_2114 : f32 to vector<16xf32>
    %select_n3A_2119 = arith.select %eq3A_2117, %broadcast_in_dim3A_2118, %select_n3A_2107 : vector<16xi1>, vector<16xf32>
    %get3A_2120 = arith.constant 5 : i32
    %get3A_2121 = arith.index_cast %get3A_2120 : i32 to index
    %get3A_2122 = arith.constant 48 : index
    %get3A_2123 = tpu.vector_load %arg4[%get3A_2121, %get3A_2122] {strides = array<i32>} : memref<16x128xf32, #tpu.memory_space<vmem>>, vector<1x16xf32>,
    %get3A_2124 = vector.shape_cast %get3A_2123 : vector<1x16xf32> to vector<16xf32>
    %slice3A_2125 = vector.extract_strided_slice %get3A_2124 {offsets = [12], sizes = [1], strides = [1]} : vector<16xf32> to vector<1xf32>
    %squeeze3A_2126 = vector.extract %slice3A_2125[0] : f32 from vector<1xf32>
    %eq3A_2127 = arith.constant 11 : i32
    %eq3A_2128 = vector.broadcast %eq3A_2127 : i32 to vector<16xi32>
    %eq3A_2129 = arith.cmpi eq, %iota3A, %eq3A_2128 : vector<16xi32>
    %broadcast_in_dim3A_2130 = vector.broadcast %squeeze3A_2126 : f32 to vector<16xf32>
    %select_n3A_2131 = arith.select %eq3A_2129, %broadcast_in_dim3A_2130, %select_n3A_2119 : vector<16xi1>, vector<16xf32>
    %get3A_2132 = arith.constant 5 : i32
    %get3A_2133 = arith.index_cast %get3A_2132 : i32 to index
    %get3A_2134 = arith.constant 64 : index
    %get3A_2135 = tpu.vector_load %arg4[%get3A_2133, %get3A_2134] {strides = array<i32>} : memref<16x128xf32, #tpu.memory_space<vmem>>, vector<1x16xf32>,
    %get3A_2136 = vector.shape_cast %get3A_2135 : vector<1x16xf32> to vector<16xf32>
    %slice3A_2137 = vector.extract_strided_slice %get3A_2136 {offsets = [7], sizes = [1], strides = [1]} : vector<16xf32> to vector<1xf32>
    %squeeze3A_2138 = vector.extract %slice3A_2137[0] : f32 from vector<1xf32>
    %eq3A_2139 = arith.constant 12 : i32
    %eq3A_2140 = vector.broadcast %eq3A_2139 : i32 to vector<16xi32>
    %eq3A_2141 = arith.cmpi eq, %iota3A, %eq3A_2140 : vector<16xi32>
    %broadcast_in_dim3A_2142 = vector.broadcast %squeeze3A_2138 : f32 to vector<16xf32>
    %select_n3A_2143 = arith.select %eq3A_2141, %broadcast_in_dim3A_2142, %select_n3A_2131 : vector<16xi1>, vector<16xf32>
    %get3A_2144 = arith.constant 5 : i32
    %get3A_2145 = arith.index_cast %get3A_2144 : i32 to index
    %get3A_2146 = arith.constant 80 : index
    %get3A_2147 = tpu.vector_load %arg4[%get3A_2145, %get3A_2146] {strides = array<i32>} : memref<16x128xf32, #tpu.memory_space<vmem>>, vector<1x16xf32>,
    %get3A_2148 = vector.shape_cast %get3A_2147 : vector<1x16xf32> to vector<16xf32>
    %slice3A_2149 = vector.extract_strided_slice %get3A_2148 {offsets = [2], sizes = [1], strides = [1]} : vector<16xf32> to vector<1xf32>
    %squeeze3A_2150 = vector.extract %slice3A_2149[0] : f32 from vector<1xf32>
    %eq3A_2151 = arith.constant 13 : i32
    %eq3A_2152 = vector.broadcast %eq3A_2151 : i32 to vector<16xi32>
    %eq3A_2153 = arith.cmpi eq, %iota3A, %eq3A_2152 : vector<16xi32>
    %broadcast_in_dim3A_2154 = vector.broadcast %squeeze3A_2150 : f32 to vector<16xf32>
    %select_n3A_2155 = arith.select %eq3A_2153, %broadcast_in_dim3A_2154, %select_n3A_2143 : vector<16xi1>, vector<16xf32>
    %get3A_2156 = arith.constant 5 : i32
    %get3A_2157 = arith.index_cast %get3A_2156 : i32 to index
    %get3A_2158 = arith.constant 96 : index
    %get3A_2159 = tpu.vector_load %arg4[%get3A_2157, %get3A_2158] {strides = array<i32>} : memref<16x128xf32, #tpu.memory_space<vmem>>, vector<1x16xf32>,
    %get3A_2160 = vector.shape_cast %get3A_2159 : vector<1x16xf32> to vector<16xf32>
    %slice3A_2161 = vector.extract_strided_slice %get3A_2160 {offsets = [13], sizes = [1], strides = [1]} : vector<16xf32> to vector<1xf32>
    %squeeze3A_2162 = vector.extract %slice3A_2161[0] : f32 from vector<1xf32>
    %eq3A_2163 = arith.constant 14 : i32
    %eq3A_2164 = vector.broadcast %eq3A_2163 : i32 to vector<16xi32>
    %eq3A_2165 = arith.cmpi eq, %iota3A, %eq3A_2164 : vector<16xi32>
    %broadcast_in_dim3A_2166 = vector.broadcast %squeeze3A_2162 : f32 to vector<16xf32>
    %select_n3A_2167 = arith.select %eq3A_2165, %broadcast_in_dim3A_2166, %select_n3A_2155 : vector<16xi1>, vector<16xf32>
    %get3A_2168 = arith.constant 5 : i32
    %get3A_2169 = arith.index_cast %get3A_2168 : i32 to index
    %get3A_2170 = arith.constant 112 : index
    %get3A_2171 = tpu.vector_load %arg4[%get3A_2169, %get3A_2170] {strides = array<i32>} : memref<16x128xf32, #tpu.memory_space<vmem>>, vector<1x16xf32>,
    %get3A_2172 = vector.shape_cast %get3A_2171 : vector<1x16xf32> to vector<16xf32>
    %slice3A_2173 = vector.extract_strided_slice %get3A_2172 {offsets = [8], sizes = [1], strides = [1]} : vector<16xf32> to vector<1xf32>
    %squeeze3A_2174 = vector.extract %slice3A_2173[0] : f32 from vector<1xf32>
    %eq3A_2175 = arith.constant 15 : i32
    %eq3A_2176 = vector.broadcast %eq3A_2175 : i32 to vector<16xi32>
    %eq3A_2177 = arith.cmpi eq, %iota3A, %eq3A_2176 : vector<16xi32>
    %broadcast_in_dim3A_2178 = vector.broadcast %squeeze3A_2174 : f32 to vector<16xf32>
    %select_n3A_2179 = arith.select %eq3A_2177, %broadcast_in_dim3A_2178, %select_n3A_2167 : vector<16xi1>, vector<16xf32>
    %swap3A_2180 = arith.constant 32 : index
    %swap3A_2181 = tpu.vector_load %arg5[%swap3A_2180] {strides = array<i32>} : memref<128xf32, #tpu.memory_space<vmem>>, vector<16xf32>,
    %swap3A_2182 = vector.shape_cast %swap3A_2181 : vector<16xf32> to vector<16xf32>
    %swap3A_2183 = vector.shape_cast %select_n3A_2179 : vector<16xf32> to vector<16xf32>
    tpu.vector_store %arg5[%swap3A_2180], %swap3A_2183 {strides = array<i32>} : memref<128xf32, #tpu.memory_space<vmem>>, vector<16xf32>,
    %broadcast_in_dim3A_2184 = arith.constant 0.000000e+00 : f32
    %broadcast_in_dim3A_2185 = vector.broadcast %broadcast_in_dim3A_2184 : f32 to vector<16xf32>
    %get3A_2186 = arith.constant 6 : i32
    %get3A_2187 = arith.index_cast %get3A_2186 : i32 to index
    %get3A_2188 = arith.constant 0 : index
    %get3A_2189 = tpu.vector_load %arg4[%get3A_2187, %get3A_2188] {strides = array<i32>} : memref<16x128xf32, #tpu.memory_space<vmem>>, vector<1x16xf32>,
    %get3A_2190 = vector.shape_cast %get3A_2189 : vector<1x16xf32> to vector<16xf32>
    %slice3A_2191 = vector.extract_strided_slice %get3A_2190 {offsets = [3], sizes = [1], strides = [1]} : vector<16xf32> to vector<1xf32>
    %squeeze3A_2192 = vector.extract %slice3A_2191[0] : f32 from vector<1xf32>
    %eq3A_2193 = arith.constant 0 : i32
    %eq3A_2194 = vector.broadcast %eq3A_2193 : i32 to vector<16xi32>
    %eq3A_2195 = arith.cmpi eq, %iota3A, %eq3A_2194 : vector<16xi32>
    %broadcast_in_dim3A_2196 = vector.broadcast %squeeze3A_2192 : f32 to vector<16xf32>
    %select_n3A_2197 = arith.select %eq3A_2195, %broadcast_in_dim3A_2196, %broadcast_in_dim3A_2185 : vector<16xi1>, vector<16xf32>
    %get3A_2198 = arith.constant 6 : i32
    %get3A_2199 = arith.index_cast %get3A_2198 : i32 to index
    %get3A_2200 = arith.constant 16 : index
    %get3A_2201 = tpu.vector_load %arg4[%get3A_2199, %get3A_2200] {strides = array<i32>} : memref<16x128xf32, #tpu.memory_space<vmem>>, vector<1x16xf32>,
    %get3A_2202 = vector.shape_cast %get3A_2201 : vector<1x16xf32> to vector<16xf32>
    %slice3A_2203 = vector.extract_strided_slice %get3A_2202 {offsets = [14], sizes = [1], strides = [1]} : vector<16xf32> to vector<1xf32>
    %squeeze3A_2204 = vector.extract %slice3A_2203[0] : f32 from vector<1xf32>
    %eq3A_2205 = arith.constant 1 : i32
    %eq3A_2206 = vector.broadcast %eq3A_2205 : i32 to vector<16xi32>
    %eq3A_2207 = arith.cmpi eq, %iota3A, %eq3A_2206 : vector<16xi32>
    %broadcast_in_dim3A_2208 = vector.broadcast %squeeze3A_2204 : f32 to vector<16xf32>
    %select_n3A_2209 = arith.select %eq3A_2207, %broadcast_in_dim3A_2208, %select_n3A_2197 : vector<16xi1>, vector<16xf32>
    %get3A_2210 = arith.constant 6 : i32
    %get3A_2211 = arith.index_cast %get3A_2210 : i32 to index
    %get3A_2212 = arith.constant 32 : index
    %get3A_2213 = tpu.vector_load %arg4[%get3A_2211, %get3A_2212] {strides = array<i32>} : memref<16x128xf32, #tpu.memory_space<vmem>>, vector<1x16xf32>,
    %get3A_2214 = vector.shape_cast %get3A_2213 : vector<1x16xf32> to vector<16xf32>
    %slice3A_2215 = vector.extract_strided_slice %get3A_2214 {offsets = [9], sizes = [1], strides = [1]} : vector<16xf32> to vector<1xf32>
    %squeeze3A_2216 = vector.extract %slice3A_2215[0] : f32 from vector<1xf32>
    %eq3A_2217 = arith.constant 2 : i32
    %eq3A_2218 = vector.broadcast %eq3A_2217 : i32 to vector<16xi32>
    %eq3A_2219 = arith.cmpi eq, %iota3A, %eq3A_2218 : vector<16xi32>
    %broadcast_in_dim3A_2220 = vector.broadcast %squeeze3A_2216 : f32 to vector<16xf32>
    %select_n3A_2221 = arith.select %eq3A_2219, %broadcast_in_dim3A_2220, %select_n3A_2209 : vector<16xi1>, vector<16xf32>
    %get3A_2222 = arith.constant 6 : i32
    %get3A_2223 = arith.index_cast %get3A_2222 : i32 to index
    %get3A_2224 = arith.constant 48 : index
    %get3A_2225 = tpu.vector_load %arg4[%get3A_2223, %get3A_2224] {strides = array<i32>} : memref<16x128xf32, #tpu.memory_space<vmem>>, vector<1x16xf32>,
    %get3A_2226 = vector.shape_cast %get3A_2225 : vector<1x16xf32> to vector<16xf32>
    %slice3A_2227 = vector.extract_strided_slice %get3A_2226 {offsets = [5], sizes = [1], strides = [1]} : vector<16xf32> to vector<1xf32>
    %squeeze3A_2228 = vector.extract %slice3A_2227[0] : f32 from vector<1xf32>
    %eq3A_2229 = arith.constant 3 : i32
    %eq3A_2230 = vector.broadcast %eq3A_2229 : i32 to vector<16xi32>
    %eq3A_2231 = arith.cmpi eq, %iota3A, %eq3A_2230 : vector<16xi32>
    %broadcast_in_dim3A_2232 = vector.broadcast %squeeze3A_2228 : f32 to vector<16xf32>
    %select_n3A_2233 = arith.select %eq3A_2231, %broadcast_in_dim3A_2232, %select_n3A_2221 : vector<16xi1>, vector<16xf32>
    %get3A_2234 = arith.constant 6 : i32
    %get3A_2235 = arith.index_cast %get3A_2234 : i32 to index
    %get3A_2236 = arith.constant 64 : index
    %get3A_2237 = tpu.vector_load %arg4[%get3A_2235, %get3A_2236] {strides = array<i32>} : memref<16x128xf32, #tpu.memory_space<vmem>>, vector<1x16xf32>,
    %get3A_2238 = vector.shape_cast %get3A_2237 : vector<1x16xf32> to vector<16xf32>
    %slice3A_2239 = vector.extract_strided_slice %get3A_2238 {offsets = [0], sizes = [1], strides = [1]} : vector<16xf32> to vector<1xf32>
    %squeeze3A_2240 = vector.extract %slice3A_2239[0] : f32 from vector<1xf32>
    %eq3A_2241 = arith.constant 4 : i32
    %eq3A_2242 = vector.broadcast %eq3A_2241 : i32 to vector<16xi32>
    %eq3A_2243 = arith.cmpi eq, %iota3A, %eq3A_2242 : vector<16xi32>
    %broadcast_in_dim3A_2244 = vector.broadcast %squeeze3A_2240 : f32 to vector<16xf32>
    %select_n3A_2245 = arith.select %eq3A_2243, %broadcast_in_dim3A_2244, %select_n3A_2233 : vector<16xi1>, vector<16xf32>
    %get3A_2246 = arith.constant 6 : i32
    %get3A_2247 = arith.index_cast %get3A_2246 : i32 to index
    %get3A_2248 = arith.constant 80 : index
    %get3A_2249 = tpu.vector_load %arg4[%get3A_2247, %get3A_2248] {strides = array<i32>} : memref<16x128xf32, #tpu.memory_space<vmem>>, vector<1x16xf32>,
    %get3A_2250 = vector.shape_cast %get3A_2249 : vector<1x16xf32> to vector<16xf32>
    %slice3A_2251 = vector.extract_strided_slice %get3A_2250 {offsets = [11], sizes = [1], strides = [1]} : vector<16xf32> to vector<1xf32>
    %squeeze3A_2252 = vector.extract %slice3A_2251[0] : f32 from vector<1xf32>
    %eq3A_2253 = arith.constant 5 : i32
    %eq3A_2254 = vector.broadcast %eq3A_2253 : i32 to vector<16xi32>
    %eq3A_2255 = arith.cmpi eq, %iota3A, %eq3A_2254 : vector<16xi32>
    %broadcast_in_dim3A_2256 = vector.broadcast %squeeze3A_2252 : f32 to vector<16xf32>
    %select_n3A_2257 = arith.select %eq3A_2255, %broadcast_in_dim3A_2256, %select_n3A_2245 : vector<16xi1>, vector<16xf32>
    %get3A_2258 = arith.constant 6 : i32
    %get3A_2259 = arith.index_cast %get3A_2258 : i32 to index
    %get3A_2260 = arith.constant 96 : index
    %get3A_2261 = tpu.vector_load %arg4[%get3A_2259, %get3A_2260] {strides = array<i32>} : memref<16x128xf32, #tpu.memory_space<vmem>>, vector<1x16xf32>,
    %get3A_2262 = vector.shape_cast %get3A_2261 : vector<1x16xf32> to vector<16xf32>
    %slice3A_2263 = vector.extract_strided_slice %get3A_2262 {offsets = [6], sizes = [1], strides = [1]} : vector<16xf32> to vector<1xf32>
    %squeeze3A_2264 = vector.extract %slice3A_2263[0] : f32 from vector<1xf32>
    %eq3A_2265 = arith.constant 6 : i32
    %eq3A_2266 = vector.broadcast %eq3A_2265 : i32 to vector<16xi32>
    %eq3A_2267 = arith.cmpi eq, %iota3A, %eq3A_2266 : vector<16xi32>
    %broadcast_in_dim3A_2268 = vector.broadcast %squeeze3A_2264 : f32 to vector<16xf32>
    %select_n3A_2269 = arith.select %eq3A_2267, %broadcast_in_dim3A_2268, %select_n3A_2257 : vector<16xi1>, vector<16xf32>
    %get3A_2270 = arith.constant 6 : i32
    %get3A_2271 = arith.index_cast %get3A_2270 : i32 to index
    %get3A_2272 = arith.constant 112 : index
    %get3A_2273 = tpu.vector_load %arg4[%get3A_2271, %get3A_2272] {strides = array<i32>} : memref<16x128xf32, #tpu.memory_space<vmem>>, vector<1x16xf32>,
    %get3A_2274 = vector.shape_cast %get3A_2273 : vector<1x16xf32> to vector<16xf32>
    %slice3A_2275 = vector.extract_strided_slice %get3A_2274 {offsets = [1], sizes = [1], strides = [1]} : vector<16xf32> to vector<1xf32>
    %squeeze3A_2276 = vector.extract %slice3A_2275[0] : f32 from vector<1xf32>
    %eq3A_2277 = arith.constant 7 : i32
    %eq3A_2278 = vector.broadcast %eq3A_2277 : i32 to vector<16xi32>
    %eq3A_2279 = arith.cmpi eq, %iota3A, %eq3A_2278 : vector<16xi32>
    %broadcast_in_dim3A_2280 = vector.broadcast %squeeze3A_2276 : f32 to vector<16xf32>
    %select_n3A_2281 = arith.select %eq3A_2279, %broadcast_in_dim3A_2280, %select_n3A_2269 : vector<16xi1>, vector<16xf32>
    %get3A_2282 = arith.constant 7 : i32
    %get3A_2283 = arith.index_cast %get3A_2282 : i32 to index
    %get3A_2284 = arith.constant 0 : index
    %get3A_2285 = tpu.vector_load %arg4[%get3A_2283, %get3A_2284] {strides = array<i32>} : memref<16x128xf32, #tpu.memory_space<vmem>>, vector<1x16xf32>,
    %get3A_2286 = vector.shape_cast %get3A_2285 : vector<1x16xf32> to vector<16xf32>
    %slice3A_2287 = vector.extract_strided_slice %get3A_2286 {offsets = [12], sizes = [1], strides = [1]} : vector<16xf32> to vector<1xf32>
    %squeeze3A_2288 = vector.extract %slice3A_2287[0] : f32 from vector<1xf32>
    %eq3A_2289 = arith.constant 8 : i32
    %eq3A_2290 = vector.broadcast %eq3A_2289 : i32 to vector<16xi32>
    %eq3A_2291 = arith.cmpi eq, %iota3A, %eq3A_2290 : vector<16xi32>
    %broadcast_in_dim3A_2292 = vector.broadcast %squeeze3A_2288 : f32 to vector<16xf32>
    %select_n3A_2293 = arith.select %eq3A_2291, %broadcast_in_dim3A_2292, %select_n3A_2281 : vector<16xi1>, vector<16xf32>
    %get3A_2294 = arith.constant 7 : i32
    %get3A_2295 = arith.index_cast %get3A_2294 : i32 to index
    %get3A_2296 = arith.constant 16 : index
    %get3A_2297 = tpu.vector_load %arg4[%get3A_2295, %get3A_2296] {strides = array<i32>} : memref<16x128xf32, #tpu.memory_space<vmem>>, vector<1x16xf32>,
    %get3A_2298 = vector.shape_cast %get3A_2297 : vector<1x16xf32> to vector<16xf32>
    %slice3A_2299 = vector.extract_strided_slice %get3A_2298 {offsets = [7], sizes = [1], strides = [1]} : vector<16xf32> to vector<1xf32>
    %squeeze3A_2300 = vector.extract %slice3A_2299[0] : f32 from vector<1xf32>
    %eq3A_2301 = arith.constant 9 : i32
    %eq3A_2302 = vector.broadcast %eq3A_2301 : i32 to vector<16xi32>
    %eq3A_2303 = arith.cmpi eq, %iota3A, %eq3A_2302 : vector<16xi32>
    %broadcast_in_dim3A_2304 = vector.broadcast %squeeze3A_2300 : f32 to vector<16xf32>
    %select_n3A_2305 = arith.select %eq3A_2303, %broadcast_in_dim3A_2304, %select_n3A_2293 : vector<16xi1>, vector<16xf32>
    %get3A_2306 = arith.constant 7 : i32
    %get3A_2307 = arith.index_cast %get3A_2306 : i32 to index
    %get3A_2308 = arith.constant 32 : index
    %get3A_2309 = tpu.vector_load %arg4[%get3A_2307, %get3A_2308] {strides = array<i32>} : memref<16x128xf32, #tpu.memory_space<vmem>>, vector<1x16xf32>,
    %get3A_2310 = vector.shape_cast %get3A_2309 : vector<1x16xf32> to vector<16xf32>
    %slice3A_2311 = vector.extract_strided_slice %get3A_2310 {offsets = [2], sizes = [1], strides = [1]} : vector<16xf32> to vector<1xf32>
    %squeeze3A_2312 = vector.extract %slice3A_2311[0] : f32 from vector<1xf32>
    %eq3A_2313 = arith.constant 10 : i32
    %eq3A_2314 = vector.broadcast %eq3A_2313 : i32 to vector<16xi32>
    %eq3A_2315 = arith.cmpi eq, %iota3A, %eq3A_2314 : vector<16xi32>
    %broadcast_in_dim3A_2316 = vector.broadcast %squeeze3A_2312 : f32 to vector<16xf32>
    %select_n3A_2317 = arith.select %eq3A_2315, %broadcast_in_dim3A_2316, %select_n3A_2305 : vector<16xi1>, vector<16xf32>
    %get3A_2318 = arith.constant 7 : i32
    %get3A_2319 = arith.index_cast %get3A_2318 : i32 to index
    %get3A_2320 = arith.constant 48 : index
    %get3A_2321 = tpu.vector_load %arg4[%get3A_2319, %get3A_2320] {strides = array<i32>} : memref<16x128xf32, #tpu.memory_space<vmem>>, vector<1x16xf32>,
    %get3A_2322 = vector.shape_cast %get3A_2321 : vector<1x16xf32> to vector<16xf32>
    %slice3A_2323 = vector.extract_strided_slice %get3A_2322 {offsets = [13], sizes = [1], strides = [1]} : vector<16xf32> to vector<1xf32>
    %squeeze3A_2324 = vector.extract %slice3A_2323[0] : f32 from vector<1xf32>
    %eq3A_2325 = arith.constant 11 : i32
    %eq3A_2326 = vector.broadcast %eq3A_2325 : i32 to vector<16xi32>
    %eq3A_2327 = arith.cmpi eq, %iota3A, %eq3A_2326 : vector<16xi32>
    %broadcast_in_dim3A_2328 = vector.broadcast %squeeze3A_2324 : f32 to vector<16xf32>
    %select_n3A_2329 = arith.select %eq3A_2327, %broadcast_in_dim3A_2328, %select_n3A_2317 : vector<16xi1>, vector<16xf32>
    %get3A_2330 = arith.constant 7 : i32
    %get3A_2331 = arith.index_cast %get3A_2330 : i32 to index
    %get3A_2332 = arith.constant 64 : index
    %get3A_2333 = tpu.vector_load %arg4[%get3A_2331, %get3A_2332] {strides = array<i32>} : memref<16x128xf32, #tpu.memory_space<vmem>>, vector<1x16xf32>,
    %get3A_2334 = vector.shape_cast %get3A_2333 : vector<1x16xf32> to vector<16xf32>
    %slice3A_2335 = vector.extract_strided_slice %get3A_2334 {offsets = [8], sizes = [1], strides = [1]} : vector<16xf32> to vector<1xf32>
    %squeeze3A_2336 = vector.extract %slice3A_2335[0] : f32 from vector<1xf32>
    %eq3A_2337 = arith.constant 12 : i32
    %eq3A_2338 = vector.broadcast %eq3A_2337 : i32 to vector<16xi32>
    %eq3A_2339 = arith.cmpi eq, %iota3A, %eq3A_2338 : vector<16xi32>
    %broadcast_in_dim3A_2340 = vector.broadcast %squeeze3A_2336 : f32 to vector<16xf32>
    %select_n3A_2341 = arith.select %eq3A_2339, %broadcast_in_dim3A_2340, %select_n3A_2329 : vector<16xi1>, vector<16xf32>
    %get3A_2342 = arith.constant 7 : i32
    %get3A_2343 = arith.index_cast %get3A_2342 : i32 to index
    %get3A_2344 = arith.constant 80 : index
    %get3A_2345 = tpu.vector_load %arg4[%get3A_2343, %get3A_2344] {strides = array<i32>} : memref<16x128xf32, #tpu.memory_space<vmem>>, vector<1x16xf32>,
    %get3A_2346 = vector.shape_cast %get3A_2345 : vector<1x16xf32> to vector<16xf32>
    %slice3A_2347 = vector.extract_strided_slice %get3A_2346 {offsets = [3], sizes = [1], strides = [1]} : vector<16xf32> to vector<1xf32>
    %squeeze3A_2348 = vector.extract %slice3A_2347[0] : f32 from vector<1xf32>
    %eq3A_2349 = arith.constant 13 : i32
    %eq3A_2350 = vector.broadcast %eq3A_2349 : i32 to vector<16xi32>
    %eq3A_2351 = arith.cmpi eq, %iota3A, %eq3A_2350 : vector<16xi32>
    %broadcast_in_dim3A_2352 = vector.broadcast %squeeze3A_2348 : f32 to vector<16xf32>
    %select_n3A_2353 = arith.select %eq3A_2351, %broadcast_in_dim3A_2352, %select_n3A_2341 : vector<16xi1>, vector<16xf32>
    %get3A_2354 = arith.constant 7 : i32
    %get3A_2355 = arith.index_cast %get3A_2354 : i32 to index
    %get3A_2356 = arith.constant 96 : index
    %get3A_2357 = tpu.vector_load %arg4[%get3A_2355, %get3A_2356] {strides = array<i32>} : memref<16x128xf32, #tpu.memory_space<vmem>>, vector<1x16xf32>,
    %get3A_2358 = vector.shape_cast %get3A_2357 : vector<1x16xf32> to vector<16xf32>
    %slice3A_2359 = vector.extract_strided_slice %get3A_2358 {offsets = [14], sizes = [1], strides = [1]} : vector<16xf32> to vector<1xf32>
    %squeeze3A_2360 = vector.extract %slice3A_2359[0] : f32 from vector<1xf32>
    %eq3A_2361 = arith.constant 14 : i32
    %eq3A_2362 = vector.broadcast %eq3A_2361 : i32 to vector<16xi32>
    %eq3A_2363 = arith.cmpi eq, %iota3A, %eq3A_2362 : vector<16xi32>
    %broadcast_in_dim3A_2364 = vector.broadcast %squeeze3A_2360 : f32 to vector<16xf32>
    %select_n3A_2365 = arith.select %eq3A_2363, %broadcast_in_dim3A_2364, %select_n3A_2353 : vector<16xi1>, vector<16xf32>
    %get3A_2366 = arith.constant 7 : i32
    %get3A_2367 = arith.index_cast %get3A_2366 : i32 to index
    %get3A_2368 = arith.constant 112 : index
    %get3A_2369 = tpu.vector_load %arg4[%get3A_2367, %get3A_2368] {strides = array<i32>} : memref<16x128xf32, #tpu.memory_space<vmem>>, vector<1x16xf32>,
    %get3A_2370 = vector.shape_cast %get3A_2369 : vector<1x16xf32> to vector<16xf32>
    %slice3A_2371 = vector.extract_strided_slice %get3A_2370 {offsets = [9], sizes = [1], strides = [1]} : vector<16xf32> to vector<1xf32>
    %squeeze3A_2372 = vector.extract %slice3A_2371[0] : f32 from vector<1xf32>
    %eq3A_2373 = arith.constant 15 : i32
    %eq3A_2374 = vector.broadcast %eq3A_2373 : i32 to vector<16xi32>
    %eq3A_2375 = arith.cmpi eq, %iota3A, %eq3A_2374 : vector<16xi32>
    %broadcast_in_dim3A_2376 = vector.broadcast %squeeze3A_2372 : f32 to vector<16xf32>
    %select_n3A_2377 = arith.select %eq3A_2375, %broadcast_in_dim3A_2376, %select_n3A_2365 : vector<16xi1>, vector<16xf32>
    %swap3A_2378 = arith.constant 48 : index
    %swap3A_2379 = tpu.vector_load %arg5[%swap3A_2378] {strides = array<i32>} : memref<128xf32, #tpu.memory_space<vmem>>, vector<16xf32>,
    %swap3A_2380 = vector.shape_cast %swap3A_2379 : vector<16xf32> to vector<16xf32>
    %swap3A_2381 = vector.shape_cast %select_n3A_2377 : vector<16xf32> to vector<16xf32>
    tpu.vector_store %arg5[%swap3A_2378], %swap3A_2381 {strides = array<i32>} : memref<128xf32, #tpu.memory_space<vmem>>, vector<16xf32>,
    %broadcast_in_dim3A_2382 = arith.constant 0.000000e+00 : f32
    %broadcast_in_dim3A_2383 = vector.broadcast %broadcast_in_dim3A_2382 : f32 to vector<16xf32>
    %get3A_2384 = arith.constant 8 : i32
    %get3A_2385 = arith.index_cast %get3A_2384 : i32 to index
    %get3A_2386 = arith.constant 0 : index
    %get3A_2387 = tpu.vector_load %arg4[%get3A_2385, %get3A_2386] {strides = array<i32>} : memref<16x128xf32, #tpu.memory_space<vmem>>, vector<1x16xf32>,
    %get3A_2388 = vector.shape_cast %get3A_2387 : vector<1x16xf32> to vector<16xf32>
    %slice3A_2389 = vector.extract_strided_slice %get3A_2388 {offsets = [5], sizes = [1], strides = [1]} : vector<16xf32> to vector<1xf32>
    %squeeze3A_2390 = vector.extract %slice3A_2389[0] : f32 from vector<1xf32>
    %eq3A_2391 = arith.constant 0 : i32
    %eq3A_2392 = vector.broadcast %eq3A_2391 : i32 to vector<16xi32>
    %eq3A_2393 = arith.cmpi eq, %iota3A, %eq3A_2392 : vector<16xi32>
    %broadcast_in_dim3A_2394 = vector.broadcast %squeeze3A_2390 : f32 to vector<16xf32>
    %select_n3A_2395 = arith.select %eq3A_2393, %broadcast_in_dim3A_2394, %broadcast_in_dim3A_2383 : vector<16xi1>, vector<16xf32>
    %get3A_2396 = arith.constant 8 : i32
    %get3A_2397 = arith.index_cast %get3A_2396 : i32 to index
    %get3A_2398 = arith.constant 16 : index
    %get3A_2399 = tpu.vector_load %arg4[%get3A_2397, %get3A_2398] {strides = array<i32>} : memref<16x128xf32, #tpu.memory_space<vmem>>, vector<1x16xf32>,
    %get3A_2400 = vector.shape_cast %get3A_2399 : vector<1x16xf32> to vector<16xf32>
    %slice3A_2401 = vector.extract_strided_slice %get3A_2400 {offsets = [0], sizes = [1], strides = [1]} : vector<16xf32> to vector<1xf32>
    %squeeze3A_2402 = vector.extract %slice3A_2401[0] : f32 from vector<1xf32>
    %eq3A_2403 = arith.constant 1 : i32
    %eq3A_2404 = vector.broadcast %eq3A_2403 : i32 to vector<16xi32>
    %eq3A_2405 = arith.cmpi eq, %iota3A, %eq3A_2404 : vector<16xi32>
    %broadcast_in_dim3A_2406 = vector.broadcast %squeeze3A_2402 : f32 to vector<16xf32>
    %select_n3A_2407 = arith.select %eq3A_2405, %broadcast_in_dim3A_2406, %select_n3A_2395 : vector<16xi1>, vector<16xf32>
    %get3A_2408 = arith.constant 8 : i32
    %get3A_2409 = arith.index_cast %get3A_2408 : i32 to index
    %get3A_2410 = arith.constant 32 : index
    %get3A_2411 = tpu.vector_load %arg4[%get3A_2409, %get3A_2410] {strides = array<i32>} : memref<16x128xf32, #tpu.memory_space<vmem>>, vector<1x16xf32>,
    %get3A_2412 = vector.shape_cast %get3A_2411 : vector<1x16xf32> to vector<16xf32>
    %slice3A_2413 = vector.extract_strided_slice %get3A_2412 {offsets = [11], sizes = [1], strides = [1]} : vector<16xf32> to vector<1xf32>
    %squeeze3A_2414 = vector.extract %slice3A_2413[0] : f32 from vector<1xf32>
    %eq3A_2415 = arith.constant 2 : i32
    %eq3A_2416 = vector.broadcast %eq3A_2415 : i32 to vector<16xi32>
    %eq3A_2417 = arith.cmpi eq, %iota3A, %eq3A_2416 : vector<16xi32>
    %broadcast_in_dim3A_2418 = vector.broadcast %squeeze3A_2414 : f32 to vector<16xf32>
    %select_n3A_2419 = arith.select %eq3A_2417, %broadcast_in_dim3A_2418, %select_n3A_2407 : vector<16xi1>, vector<16xf32>
    %get3A_2420 = arith.constant 8 : i32
    %get3A_2421 = arith.index_cast %get3A_2420 : i32 to index
    %get3A_2422 = arith.constant 48 : index
    %get3A_2423 = tpu.vector_load %arg4[%get3A_2421, %get3A_2422] {strides = array<i32>} : memref<16x128xf32, #tpu.memory_space<vmem>>, vector<1x16xf32>,
    %get3A_2424 = vector.shape_cast %get3A_2423 : vector<1x16xf32> to vector<16xf32>
    %slice3A_2425 = vector.extract_strided_slice %get3A_2424 {offsets = [6], sizes = [1], strides = [1]} : vector<16xf32> to vector<1xf32>
    %squeeze3A_2426 = vector.extract %slice3A_2425[0] : f32 from vector<1xf32>
    %eq3A_2427 = arith.constant 3 : i32
    %eq3A_2428 = vector.broadcast %eq3A_2427 : i32 to vector<16xi32>
    %eq3A_2429 = arith.cmpi eq, %iota3A, %eq3A_2428 : vector<16xi32>
    %broadcast_in_dim3A_2430 = vector.broadcast %squeeze3A_2426 : f32 to vector<16xf32>
    %select_n3A_2431 = arith.select %eq3A_2429, %broadcast_in_dim3A_2430, %select_n3A_2419 : vector<16xi1>, vector<16xf32>
    %get3A_2432 = arith.constant 8 : i32
    %get3A_2433 = arith.index_cast %get3A_2432 : i32 to index
    %get3A_2434 = arith.constant 64 : index
    %get3A_2435 = tpu.vector_load %arg4[%get3A_2433, %get3A_2434] {strides = array<i32>} : memref<16x128xf32, #tpu.memory_space<vmem>>, vector<1x16xf32>,
    %get3A_2436 = vector.shape_cast %get3A_2435 : vector<1x16xf32> to vector<16xf32>
    %slice3A_2437 = vector.extract_strided_slice %get3A_2436 {offsets = [1], sizes = [1], strides = [1]} : vector<16xf32> to vector<1xf32>
    %squeeze3A_2438 = vector.extract %slice3A_2437[0] : f32 from vector<1xf32>
    %eq3A_2439 = arith.constant 4 : i32
    %eq3A_2440 = vector.broadcast %eq3A_2439 : i32 to vector<16xi32>
    %eq3A_2441 = arith.cmpi eq, %iota3A, %eq3A_2440 : vector<16xi32>
    %broadcast_in_dim3A_2442 = vector.broadcast %squeeze3A_2438 : f32 to vector<16xf32>
    %select_n3A_2443 = arith.select %eq3A_2441, %broadcast_in_dim3A_2442, %select_n3A_2431 : vector<16xi1>, vector<16xf32>
    %get3A_2444 = arith.constant 8 : i32
    %get3A_2445 = arith.index_cast %get3A_2444 : i32 to index
    %get3A_2446 = arith.constant 80 : index
    %get3A_2447 = tpu.vector_load %arg4[%get3A_2445, %get3A_2446] {strides = array<i32>} : memref<16x128xf32, #tpu.memory_space<vmem>>, vector<1x16xf32>,
    %get3A_2448 = vector.shape_cast %get3A_2447 : vector<1x16xf32> to vector<16xf32>
    %slice3A_2449 = vector.extract_strided_slice %get3A_2448 {offsets = [12], sizes = [1], strides = [1]} : vector<16xf32> to vector<1xf32>
    %squeeze3A_2450 = vector.extract %slice3A_2449[0] : f32 from vector<1xf32>
    %eq3A_2451 = arith.constant 5 : i32
    %eq3A_2452 = vector.broadcast %eq3A_2451 : i32 to vector<16xi32>
    %eq3A_2453 = arith.cmpi eq, %iota3A, %eq3A_2452 : vector<16xi32>
    %broadcast_in_dim3A_2454 = vector.broadcast %squeeze3A_2450 : f32 to vector<16xf32>
    %select_n3A_2455 = arith.select %eq3A_2453, %broadcast_in_dim3A_2454, %select_n3A_2443 : vector<16xi1>, vector<16xf32>
    %get3A_2456 = arith.constant 8 : i32
    %get3A_2457 = arith.index_cast %get3A_2456 : i32 to index
    %get3A_2458 = arith.constant 96 : index
    %get3A_2459 = tpu.vector_load %arg4[%get3A_2457, %get3A_2458] {strides = array<i32>} : memref<16x128xf32, #tpu.memory_space<vmem>>, vector<1x16xf32>,
    %get3A_2460 = vector.shape_cast %get3A_2459 : vector<1x16xf32> to vector<16xf32>
    %slice3A_2461 = vector.extract_strided_slice %get3A_2460 {offsets = [7], sizes = [1], strides = [1]} : vector<16xf32> to vector<1xf32>
    %squeeze3A_2462 = vector.extract %slice3A_2461[0] : f32 from vector<1xf32>
    %eq3A_2463 = arith.constant 6 : i32
    %eq3A_2464 = vector.broadcast %eq3A_2463 : i32 to vector<16xi32>
    %eq3A_2465 = arith.cmpi eq, %iota3A, %eq3A_2464 : vector<16xi32>
    %broadcast_in_dim3A_2466 = vector.broadcast %squeeze3A_2462 : f32 to vector<16xf32>
    %select_n3A_2467 = arith.select %eq3A_2465, %broadcast_in_dim3A_2466, %select_n3A_2455 : vector<16xi1>, vector<16xf32>
    %get3A_2468 = arith.constant 8 : i32
    %get3A_2469 = arith.index_cast %get3A_2468 : i32 to index
    %get3A_2470 = arith.constant 112 : index
    %get3A_2471 = tpu.vector_load %arg4[%get3A_2469, %get3A_2470] {strides = array<i32>} : memref<16x128xf32, #tpu.memory_space<vmem>>, vector<1x16xf32>,
    %get3A_2472 = vector.shape_cast %get3A_2471 : vector<1x16xf32> to vector<16xf32>
    %slice3A_2473 = vector.extract_strided_slice %get3A_2472 {offsets = [2], sizes = [1], strides = [1]} : vector<16xf32> to vector<1xf32>
    %squeeze3A_2474 = vector.extract %slice3A_2473[0] : f32 from vector<1xf32>
    %eq3A_2475 = arith.constant 7 : i32
    %eq3A_2476 = vector.broadcast %eq3A_2475 : i32 to vector<16xi32>
    %eq3A_2477 = arith.cmpi eq, %iota3A, %eq3A_2476 : vector<16xi32>
    %broadcast_in_dim3A_2478 = vector.broadcast %squeeze3A_2474 : f32 to vector<16xf32>
    %select_n3A_2479 = arith.select %eq3A_2477, %broadcast_in_dim3A_2478, %select_n3A_2467 : vector<16xi1>, vector<16xf32>
    %get3A_2480 = arith.constant 9 : i32
    %get3A_2481 = arith.index_cast %get3A_2480 : i32 to index
    %get3A_2482 = arith.constant 0 : index
    %get3A_2483 = tpu.vector_load %arg4[%get3A_2481, %get3A_2482] {strides = array<i32>} : memref<16x128xf32, #tpu.memory_space<vmem>>, vector<1x16xf32>,
    %get3A_2484 = vector.shape_cast %get3A_2483 : vector<1x16xf32> to vector<16xf32>
    %slice3A_2485 = vector.extract_strided_slice %get3A_2484 {offsets = [13], sizes = [1], strides = [1]} : vector<16xf32> to vector<1xf32>
    %squeeze3A_2486 = vector.extract %slice3A_2485[0] : f32 from vector<1xf32>
    %eq3A_2487 = arith.constant 8 : i32
    %eq3A_2488 = vector.broadcast %eq3A_2487 : i32 to vector<16xi32>
    %eq3A_2489 = arith.cmpi eq, %iota3A, %eq3A_2488 : vector<16xi32>
    %broadcast_in_dim3A_2490 = vector.broadcast %squeeze3A_2486 : f32 to vector<16xf32>
    %select_n3A_2491 = arith.select %eq3A_2489, %broadcast_in_dim3A_2490, %select_n3A_2479 : vector<16xi1>, vector<16xf32>
    %get3A_2492 = arith.constant 9 : i32
    %get3A_2493 = arith.index_cast %get3A_2492 : i32 to index
    %get3A_2494 = arith.constant 16 : index
    %get3A_2495 = tpu.vector_load %arg4[%get3A_2493, %get3A_2494] {strides = array<i32>} : memref<16x128xf32, #tpu.memory_space<vmem>>, vector<1x16xf32>,
    %get3A_2496 = vector.shape_cast %get3A_2495 : vector<1x16xf32> to vector<16xf32>
    %slice3A_2497 = vector.extract_strided_slice %get3A_2496 {offsets = [8], sizes = [1], strides = [1]} : vector<16xf32> to vector<1xf32>
    %squeeze3A_2498 = vector.extract %slice3A_2497[0] : f32 from vector<1xf32>
    %eq3A_2499 = arith.constant 9 : i32
    %eq3A_2500 = vector.broadcast %eq3A_2499 : i32 to vector<16xi32>
    %eq3A_2501 = arith.cmpi eq, %iota3A, %eq3A_2500 : vector<16xi32>
    %broadcast_in_dim3A_2502 = vector.broadcast %squeeze3A_2498 : f32 to vector<16xf32>
    %select_n3A_2503 = arith.select %eq3A_2501, %broadcast_in_dim3A_2502, %select_n3A_2491 : vector<16xi1>, vector<16xf32>
    %get3A_2504 = arith.constant 9 : i32
    %get3A_2505 = arith.index_cast %get3A_2504 : i32 to index
    %get3A_2506 = arith.constant 32 : index
    %get3A_2507 = tpu.vector_load %arg4[%get3A_2505, %get3A_2506] {strides = array<i32>} : memref<16x128xf32, #tpu.memory_space<vmem>>, vector<1x16xf32>,
    %get3A_2508 = vector.shape_cast %get3A_2507 : vector<1x16xf32> to vector<16xf32>
    %slice3A_2509 = vector.extract_strided_slice %get3A_2508 {offsets = [3], sizes = [1], strides = [1]} : vector<16xf32> to vector<1xf32>
    %squeeze3A_2510 = vector.extract %slice3A_2509[0] : f32 from vector<1xf32>
    %eq3A_2511 = arith.constant 10 : i32
    %eq3A_2512 = vector.broadcast %eq3A_2511 : i32 to vector<16xi32>
    %eq3A_2513 = arith.cmpi eq, %iota3A, %eq3A_2512 : vector<16xi32>
    %broadcast_in_dim3A_2514 = vector.broadcast %squeeze3A_2510 : f32 to vector<16xf32>
    %select_n3A_2515 = arith.select %eq3A_2513, %broadcast_in_dim3A_2514, %select_n3A_2503 : vector<16xi1>, vector<16xf32>
    %get3A_2516 = arith.constant 9 : i32
    %get3A_2517 = arith.index_cast %get3A_2516 : i32 to index
    %get3A_2518 = arith.constant 48 : index
    %get3A_2519 = tpu.vector_load %arg4[%get3A_2517, %get3A_2518] {strides = array<i32>} : memref<16x128xf32, #tpu.memory_space<vmem>>, vector<1x16xf32>,
    %get3A_2520 = vector.shape_cast %get3A_2519 : vector<1x16xf32> to vector<16xf32>
    %slice3A_2521 = vector.extract_strided_slice %get3A_2520 {offsets = [14], sizes = [1], strides = [1]} : vector<16xf32> to vector<1xf32>
    %squeeze3A_2522 = vector.extract %slice3A_2521[0] : f32 from vector<1xf32>
    %eq3A_2523 = arith.constant 11 : i32
    %eq3A_2524 = vector.broadcast %eq3A_2523 : i32 to vector<16xi32>
    %eq3A_2525 = arith.cmpi eq, %iota3A, %eq3A_2524 : vector<16xi32>
    %broadcast_in_dim3A_2526 = vector.broadcast %squeeze3A_2522 : f32 to vector<16xf32>
    %select_n3A_2527 = arith.select %eq3A_2525, %broadcast_in_dim3A_2526, %select_n3A_2515 : vector<16xi1>, vector<16xf32>
    %get3A_2528 = arith.constant 9 : i32
    %get3A_2529 = arith.index_cast %get3A_2528 : i32 to index
    %get3A_2530 = arith.constant 64 : index
    %get3A_2531 = tpu.vector_load %arg4[%get3A_2529, %get3A_2530] {strides = array<i32>} : memref<16x128xf32, #tpu.memory_space<vmem>>, vector<1x16xf32>,
    %get3A_2532 = vector.shape_cast %get3A_2531 : vector<1x16xf32> to vector<16xf32>
    %slice3A_2533 = vector.extract_strided_slice %get3A_2532 {offsets = [9], sizes = [1], strides = [1]} : vector<16xf32> to vector<1xf32>
    %squeeze3A_2534 = vector.extract %slice3A_2533[0] : f32 from vector<1xf32>
    %eq3A_2535 = arith.constant 12 : i32
    %eq3A_2536 = vector.broadcast %eq3A_2535 : i32 to vector<16xi32>
    %eq3A_2537 = arith.cmpi eq, %iota3A, %eq3A_2536 : vector<16xi32>
    %broadcast_in_dim3A_2538 = vector.broadcast %squeeze3A_2534 : f32 to vector<16xf32>
    %select_n3A_2539 = arith.select %eq3A_2537, %broadcast_in_dim3A_2538, %select_n3A_2527 : vector<16xi1>, vector<16xf32>
    %get3A_2540 = arith.constant 9 : i32
    %get3A_2541 = arith.index_cast %get3A_2540 : i32 to index
    %get3A_2542 = arith.constant 80 : index
    %get3A_2543 = tpu.vector_load %arg4[%get3A_2541, %get3A_2542] {strides = array<i32>} : memref<16x128xf32, #tpu.memory_space<vmem>>, vector<1x16xf32>,
    %get3A_2544 = vector.shape_cast %get3A_2543 : vector<1x16xf32> to vector<16xf32>
    %slice3A_2545 = vector.extract_strided_slice %get3A_2544 {offsets = [5], sizes = [1], strides = [1]} : vector<16xf32> to vector<1xf32>
    %squeeze3A_2546 = vector.extract %slice3A_2545[0] : f32 from vector<1xf32>
    %eq3A_2547 = arith.constant 13 : i32
    %eq3A_2548 = vector.broadcast %eq3A_2547 : i32 to vector<16xi32>
    %eq3A_2549 = arith.cmpi eq, %iota3A, %eq3A_2548 : vector<16xi32>
    %broadcast_in_dim3A_2550 = vector.broadcast %squeeze3A_2546 : f32 to vector<16xf32>
    %select_n3A_2551 = arith.select %eq3A_2549, %broadcast_in_dim3A_2550, %select_n3A_2539 : vector<16xi1>, vector<16xf32>
    %get3A_2552 = arith.constant 9 : i32
    %get3A_2553 = arith.index_cast %get3A_2552 : i32 to index
    %get3A_2554 = arith.constant 96 : index
    %get3A_2555 = tpu.vector_load %arg4[%get3A_2553, %get3A_2554] {strides = array<i32>} : memref<16x128xf32, #tpu.memory_space<vmem>>, vector<1x16xf32>,
    %get3A_2556 = vector.shape_cast %get3A_2555 : vector<1x16xf32> to vector<16xf32>
    %slice3A_2557 = vector.extract_strided_slice %get3A_2556 {offsets = [0], sizes = [1], strides = [1]} : vector<16xf32> to vector<1xf32>
    %squeeze3A_2558 = vector.extract %slice3A_2557[0] : f32 from vector<1xf32>
    %eq3A_2559 = arith.constant 14 : i32
    %eq3A_2560 = vector.broadcast %eq3A_2559 : i32 to vector<16xi32>
    %eq3A_2561 = arith.cmpi eq, %iota3A, %eq3A_2560 : vector<16xi32>
    %broadcast_in_dim3A_2562 = vector.broadcast %squeeze3A_2558 : f32 to vector<16xf32>
    %select_n3A_2563 = arith.select %eq3A_2561, %broadcast_in_dim3A_2562, %select_n3A_2551 : vector<16xi1>, vector<16xf32>
    %get3A_2564 = arith.constant 9 : i32
    %get3A_2565 = arith.index_cast %get3A_2564 : i32 to index
    %get3A_2566 = arith.constant 112 : index
    %get3A_2567 = tpu.vector_load %arg4[%get3A_2565, %get3A_2566] {strides = array<i32>} : memref<16x128xf32, #tpu.memory_space<vmem>>, vector<1x16xf32>,
    %get3A_2568 = vector.shape_cast %get3A_2567 : vector<1x16xf32> to vector<16xf32>
    %slice3A_2569 = vector.extract_strided_slice %get3A_2568 {offsets = [11], sizes = [1], strides = [1]} : vector<16xf32> to vector<1xf32>
    %squeeze3A_2570 = vector.extract %slice3A_2569[0] : f32 from vector<1xf32>
    %eq3A_2571 = arith.constant 15 : i32
    %eq3A_2572 = vector.broadcast %eq3A_2571 : i32 to vector<16xi32>
    %eq3A_2573 = arith.cmpi eq, %iota3A, %eq3A_2572 : vector<16xi32>
    %broadcast_in_dim3A_2574 = vector.broadcast %squeeze3A_2570 : f32 to vector<16xf32>
    %select_n3A_2575 = arith.select %eq3A_2573, %broadcast_in_dim3A_2574, %select_n3A_2563 : vector<16xi1>, vector<16xf32>
    %swap3A_2576 = arith.constant 64 : index
    %swap3A_2577 = tpu.vector_load %arg5[%swap3A_2576] {strides = array<i32>} : memref<128xf32, #tpu.memory_space<vmem>>, vector<16xf32>,
    %swap3A_2578 = vector.shape_cast %swap3A_2577 : vector<16xf32> to vector<16xf32>
    %swap3A_2579 = vector.shape_cast %select_n3A_2575 : vector<16xf32> to vector<16xf32>
    tpu.vector_store %arg5[%swap3A_2576], %swap3A_2579 {strides = array<i32>} : memref<128xf32, #tpu.memory_space<vmem>>, vector<16xf32>,
    %broadcast_in_dim3A_2580 = arith.constant 0.000000e+00 : f32
    %broadcast_in_dim3A_2581 = vector.broadcast %broadcast_in_dim3A_2580 : f32 to vector<16xf32>
    %get3A_2582 = arith.constant 10 : i32
    %get3A_2583 = arith.index_cast %get3A_2582 : i32 to index
    %get3A_2584 = arith.constant 0 : index
    %get3A_2585 = tpu.vector_load %arg4[%get3A_2583, %get3A_2584] {strides = array<i32>} : memref<16x128xf32, #tpu.memory_space<vmem>>, vector<1x16xf32>,
    %get3A_2586 = vector.shape_cast %get3A_2585 : vector<1x16xf32> to vector<16xf32>
    %slice3A_2587 = vector.extract_strided_slice %get3A_2586 {offsets = [6], sizes = [1], strides = [1]} : vector<16xf32> to vector<1xf32>
    %squeeze3A_2588 = vector.extract %slice3A_2587[0] : f32 from vector<1xf32>
    %eq3A_2589 = arith.constant 0 : i32
    %eq3A_2590 = vector.broadcast %eq3A_2589 : i32 to vector<16xi32>
    %eq3A_2591 = arith.cmpi eq, %iota3A, %eq3A_2590 : vector<16xi32>
    %broadcast_in_dim3A_2592 = vector.broadcast %squeeze3A_2588 : f32 to vector<16xf32>
    %select_n3A_2593 = arith.select %eq3A_2591, %broadcast_in_dim3A_2592, %broadcast_in_dim3A_2581 : vector<16xi1>, vector<16xf32>
    %get3A_2594 = arith.constant 10 : i32
    %get3A_2595 = arith.index_cast %get3A_2594 : i32 to index
    %get3A_2596 = arith.constant 16 : index
    %get3A_2597 = tpu.vector_load %arg4[%get3A_2595, %get3A_2596] {strides = array<i32>} : memref<16x128xf32, #tpu.memory_space<vmem>>, vector<1x16xf32>,
    %get3A_2598 = vector.shape_cast %get3A_2597 : vector<1x16xf32> to vector<16xf32>
    %slice3A_2599 = vector.extract_strided_slice %get3A_2598 {offsets = [1], sizes = [1], strides = [1]} : vector<16xf32> to vector<1xf32>
    %squeeze3A_2600 = vector.extract %slice3A_2599[0] : f32 from vector<1xf32>
    %eq3A_2601 = arith.constant 1 : i32
    %eq3A_2602 = vector.broadcast %eq3A_2601 : i32 to vector<16xi32>
    %eq3A_2603 = arith.cmpi eq, %iota3A, %eq3A_2602 : vector<16xi32>
    %broadcast_in_dim3A_2604 = vector.broadcast %squeeze3A_2600 : f32 to vector<16xf32>
    %select_n3A_2605 = arith.select %eq3A_2603, %broadcast_in_dim3A_2604, %select_n3A_2593 : vector<16xi1>, vector<16xf32>
    %get3A_2606 = arith.constant 10 : i32
    %get3A_2607 = arith.index_cast %get3A_2606 : i32 to index
    %get3A_2608 = arith.constant 32 : index
    %get3A_2609 = tpu.vector_load %arg4[%get3A_2607, %get3A_2608] {strides = array<i32>} : memref<16x128xf32, #tpu.memory_space<vmem>>, vector<1x16xf32>,
    %get3A_2610 = vector.shape_cast %get3A_2609 : vector<1x16xf32> to vector<16xf32>
    %slice3A_2611 = vector.extract_strided_slice %get3A_2610 {offsets = [12], sizes = [1], strides = [1]} : vector<16xf32> to vector<1xf32>
    %squeeze3A_2612 = vector.extract %slice3A_2611[0] : f32 from vector<1xf32>
    %eq3A_2613 = arith.constant 2 : i32
    %eq3A_2614 = vector.broadcast %eq3A_2613 : i32 to vector<16xi32>
    %eq3A_2615 = arith.cmpi eq, %iota3A, %eq3A_2614 : vector<16xi32>
    %broadcast_in_dim3A_2616 = vector.broadcast %squeeze3A_2612 : f32 to vector<16xf32>
    %select_n3A_2617 = arith.select %eq3A_2615, %broadcast_in_dim3A_2616, %select_n3A_2605 : vector<16xi1>, vector<16xf32>
    %get3A_2618 = arith.constant 10 : i32
    %get3A_2619 = arith.index_cast %get3A_2618 : i32 to index
    %get3A_2620 = arith.constant 48 : index
    %get3A_2621 = tpu.vector_load %arg4[%get3A_2619, %get3A_2620] {strides = array<i32>} : memref<16x128xf32, #tpu.memory_space<vmem>>, vector<1x16xf32>,
    %get3A_2622 = vector.shape_cast %get3A_2621 : vector<1x16xf32> to vector<16xf32>
    %slice3A_2623 = vector.extract_strided_slice %get3A_2622 {offsets = [7], sizes = [1], strides = [1]} : vector<16xf32> to vector<1xf32>
    %squeeze3A_2624 = vector.extract %slice3A_2623[0] : f32 from vector<1xf32>
    %eq3A_2625 = arith.constant 3 : i32
    %eq3A_2626 = vector.broadcast %eq3A_2625 : i32 to vector<16xi32>
    %eq3A_2627 = arith.cmpi eq, %iota3A, %eq3A_2626 : vector<16xi32>
    %broadcast_in_dim3A_2628 = vector.broadcast %squeeze3A_2624 : f32 to vector<16xf32>
    %select_n3A_2629 = arith.select %eq3A_2627, %broadcast_in_dim3A_2628, %select_n3A_2617 : vector<16xi1>, vector<16xf32>
    %get3A_2630 = arith.constant 10 : i32
    %get3A_2631 = arith.index_cast %get3A_2630 : i32 to index
    %get3A_2632 = arith.constant 64 : index
    %get3A_2633 = tpu.vector_load %arg4[%get3A_2631, %get3A_2632] {strides = array<i32>} : memref<16x128xf32, #tpu.memory_space<vmem>>, vector<1x16xf32>,
    %get3A_2634 = vector.shape_cast %get3A_2633 : vector<1x16xf32> to vector<16xf32>
    %slice3A_2635 = vector.extract_strided_slice %get3A_2634 {offsets = [2], sizes = [1], strides = [1]} : vector<16xf32> to vector<1xf32>
    %squeeze3A_2636 = vector.extract %slice3A_2635[0] : f32 from vector<1xf32>
    %eq3A_2637 = arith.constant 4 : i32
    %eq3A_2638 = vector.broadcast %eq3A_2637 : i32 to vector<16xi32>
    %eq3A_2639 = arith.cmpi eq, %iota3A, %eq3A_2638 : vector<16xi32>
    %broadcast_in_dim3A_2640 = vector.broadcast %squeeze3A_2636 : f32 to vector<16xf32>
    %select_n3A_2641 = arith.select %eq3A_2639, %broadcast_in_dim3A_2640, %select_n3A_2629 : vector<16xi1>, vector<16xf32>
    %get3A_2642 = arith.constant 10 : i32
    %get3A_2643 = arith.index_cast %get3A_2642 : i32 to index
    %get3A_2644 = arith.constant 80 : index
    %get3A_2645 = tpu.vector_load %arg4[%get3A_2643, %get3A_2644] {strides = array<i32>} : memref<16x128xf32, #tpu.memory_space<vmem>>, vector<1x16xf32>,
    %get3A_2646 = vector.shape_cast %get3A_2645 : vector<1x16xf32> to vector<16xf32>
    %slice3A_2647 = vector.extract_strided_slice %get3A_2646 {offsets = [13], sizes = [1], strides = [1]} : vector<16xf32> to vector<1xf32>
    %squeeze3A_2648 = vector.extract %slice3A_2647[0] : f32 from vector<1xf32>
    %eq3A_2649 = arith.constant 5 : i32
    %eq3A_2650 = vector.broadcast %eq3A_2649 : i32 to vector<16xi32>
    %eq3A_2651 = arith.cmpi eq, %iota3A, %eq3A_2650 : vector<16xi32>
    %broadcast_in_dim3A_2652 = vector.broadcast %squeeze3A_2648 : f32 to vector<16xf32>
    %select_n3A_2653 = arith.select %eq3A_2651, %broadcast_in_dim3A_2652, %select_n3A_2641 : vector<16xi1>, vector<16xf32>
    %get3A_2654 = arith.constant 10 : i32
    %get3A_2655 = arith.index_cast %get3A_2654 : i32 to index
    %get3A_2656 = arith.constant 96 : index
    %get3A_2657 = tpu.vector_load %arg4[%get3A_2655, %get3A_2656] {strides = array<i32>} : memref<16x128xf32, #tpu.memory_space<vmem>>, vector<1x16xf32>,
    %get3A_2658 = vector.shape_cast %get3A_2657 : vector<1x16xf32> to vector<16xf32>
    %slice3A_2659 = vector.extract_strided_slice %get3A_2658 {offsets = [8], sizes = [1], strides = [1]} : vector<16xf32> to vector<1xf32>
    %squeeze3A_2660 = vector.extract %slice3A_2659[0] : f32 from vector<1xf32>
    %eq3A_2661 = arith.constant 6 : i32
    %eq3A_2662 = vector.broadcast %eq3A_2661 : i32 to vector<16xi32>
    %eq3A_2663 = arith.cmpi eq, %iota3A, %eq3A_2662 : vector<16xi32>
    %broadcast_in_dim3A_2664 = vector.broadcast %squeeze3A_2660 : f32 to vector<16xf32>
    %select_n3A_2665 = arith.select %eq3A_2663, %broadcast_in_dim3A_2664, %select_n3A_2653 : vector<16xi1>, vector<16xf32>
    %get3A_2666 = arith.constant 10 : i32
    %get3A_2667 = arith.index_cast %get3A_2666 : i32 to index
    %get3A_2668 = arith.constant 112 : index
    %get3A_2669 = tpu.vector_load %arg4[%get3A_2667, %get3A_2668] {strides = array<i32>} : memref<16x128xf32, #tpu.memory_space<vmem>>, vector<1x16xf32>,
    %get3A_2670 = vector.shape_cast %get3A_2669 : vector<1x16xf32> to vector<16xf32>
    %slice3A_2671 = vector.extract_strided_slice %get3A_2670 {offsets = [3], sizes = [1], strides = [1]} : vector<16xf32> to vector<1xf32>
    %squeeze3A_2672 = vector.extract %slice3A_2671[0] : f32 from vector<1xf32>
    %eq3A_2673 = arith.constant 7 : i32
    %eq3A_2674 = vector.broadcast %eq3A_2673 : i32 to vector<16xi32>
    %eq3A_2675 = arith.cmpi eq, %iota3A, %eq3A_2674 : vector<16xi32>
    %broadcast_in_dim3A_2676 = vector.broadcast %squeeze3A_2672 : f32 to vector<16xf32>
    %select_n3A_2677 = arith.select %eq3A_2675, %broadcast_in_dim3A_2676, %select_n3A_2665 : vector<16xi1>, vector<16xf32>
    %get3A_2678 = arith.constant 11 : i32
    %get3A_2679 = arith.index_cast %get3A_2678 : i32 to index
    %get3A_2680 = arith.constant 0 : index
    %get3A_2681 = tpu.vector_load %arg4[%get3A_2679, %get3A_2680] {strides = array<i32>} : memref<16x128xf32, #tpu.memory_space<vmem>>, vector<1x16xf32>,
    %get3A_2682 = vector.shape_cast %get3A_2681 : vector<1x16xf32> to vector<16xf32>
    %slice3A_2683 = vector.extract_strided_slice %get3A_2682 {offsets = [14], sizes = [1], strides = [1]} : vector<16xf32> to vector<1xf32>
    %squeeze3A_2684 = vector.extract %slice3A_2683[0] : f32 from vector<1xf32>
    %eq3A_2685 = arith.constant 8 : i32
    %eq3A_2686 = vector.broadcast %eq3A_2685 : i32 to vector<16xi32>
    %eq3A_2687 = arith.cmpi eq, %iota3A, %eq3A_2686 : vector<16xi32>
    %broadcast_in_dim3A_2688 = vector.broadcast %squeeze3A_2684 : f32 to vector<16xf32>
    %select_n3A_2689 = arith.select %eq3A_2687, %broadcast_in_dim3A_2688, %select_n3A_2677 : vector<16xi1>, vector<16xf32>
    %get3A_2690 = arith.constant 11 : i32
    %get3A_2691 = arith.index_cast %get3A_2690 : i32 to index
    %get3A_2692 = arith.constant 16 : index
    %get3A_2693 = tpu.vector_load %arg4[%get3A_2691, %get3A_2692] {strides = array<i32>} : memref<16x128xf32, #tpu.memory_space<vmem>>, vector<1x16xf32>,
    %get3A_2694 = vector.shape_cast %get3A_2693 : vector<1x16xf32> to vector<16xf32>
    %slice3A_2695 = vector.extract_strided_slice %get3A_2694 {offsets = [10], sizes = [1], strides = [1]} : vector<16xf32> to vector<1xf32>
    %squeeze3A_2696 = vector.extract %slice3A_2695[0] : f32 from vector<1xf32>
    %eq3A_2697 = arith.constant 9 : i32
    %eq3A_2698 = vector.broadcast %eq3A_2697 : i32 to vector<16xi32>
    %eq3A_2699 = arith.cmpi eq, %iota3A, %eq3A_2698 : vector<16xi32>
    %broadcast_in_dim3A_2700 = vector.broadcast %squeeze3A_2696 : f32 to vector<16xf32>
    %select_n3A_2701 = arith.select %eq3A_2699, %broadcast_in_dim3A_2700, %select_n3A_2689 : vector<16xi1>, vector<16xf32>
    %get3A_2702 = arith.constant 11 : i32
    %get3A_2703 = arith.index_cast %get3A_2702 : i32 to index
    %get3A_2704 = arith.constant 32 : index
    %get3A_2705 = tpu.vector_load %arg4[%get3A_2703, %get3A_2704] {strides = array<i32>} : memref<16x128xf32, #tpu.memory_space<vmem>>, vector<1x16xf32>,
    %get3A_2706 = vector.shape_cast %get3A_2705 : vector<1x16xf32> to vector<16xf32>
    %slice3A_2707 = vector.extract_strided_slice %get3A_2706 {offsets = [5], sizes = [1], strides = [1]} : vector<16xf32> to vector<1xf32>
    %squeeze3A_2708 = vector.extract %slice3A_2707[0] : f32 from vector<1xf32>
    %eq3A_2709 = arith.constant 10 : i32
    %eq3A_2710 = vector.broadcast %eq3A_2709 : i32 to vector<16xi32>
    %eq3A_2711 = arith.cmpi eq, %iota3A, %eq3A_2710 : vector<16xi32>
    %broadcast_in_dim3A_2712 = vector.broadcast %squeeze3A_2708 : f32 to vector<16xf32>
    %select_n3A_2713 = arith.select %eq3A_2711, %broadcast_in_dim3A_2712, %select_n3A_2701 : vector<16xi1>, vector<16xf32>
    %get3A_2714 = arith.constant 11 : i32
    %get3A_2715 = arith.index_cast %get3A_2714 : i32 to index
    %get3A_2716 = arith.constant 48 : index
    %get3A_2717 = tpu.vector_load %arg4[%get3A_2715, %get3A_2716] {strides = array<i32>} : memref<16x128xf32, #tpu.memory_space<vmem>>, vector<1x16xf32>,
    %get3A_2718 = vector.shape_cast %get3A_2717 : vector<1x16xf32> to vector<16xf32>
    %slice3A_2719 = vector.extract_strided_slice %get3A_2718 {offsets = [0], sizes = [1], strides = [1]} : vector<16xf32> to vector<1xf32>
    %squeeze3A_2720 = vector.extract %slice3A_2719[0] : f32 from vector<1xf32>
    %eq3A_2721 = arith.constant 11 : i32
    %eq3A_2722 = vector.broadcast %eq3A_2721 : i32 to vector<16xi32>
    %eq3A_2723 = arith.cmpi eq, %iota3A, %eq3A_2722 : vector<16xi32>
    %broadcast_in_dim3A_2724 = vector.broadcast %squeeze3A_2720 : f32 to vector<16xf32>
    %select_n3A_2725 = arith.select %eq3A_2723, %broadcast_in_dim3A_2724, %select_n3A_2713 : vector<16xi1>, vector<16xf32>
    %get3A_2726 = arith.constant 11 : i32
    %get3A_2727 = arith.index_cast %get3A_2726 : i32 to index
    %get3A_2728 = arith.constant 64 : index
    %get3A_2729 = tpu.vector_load %arg4[%get3A_2727, %get3A_2728] {strides = array<i32>} : memref<16x128xf32, #tpu.memory_space<vmem>>, vector<1x16xf32>,
    %get3A_2730 = vector.shape_cast %get3A_2729 : vector<1x16xf32> to vector<16xf32>
    %slice3A_2731 = vector.extract_strided_slice %get3A_2730 {offsets = [11], sizes = [1], strides = [1]} : vector<16xf32> to vector<1xf32>
    %squeeze3A_2732 = vector.extract %slice3A_2731[0] : f32 from vector<1xf32>
    %eq3A_2733 = arith.constant 12 : i32
    %eq3A_2734 = vector.broadcast %eq3A_2733 : i32 to vector<16xi32>
    %eq3A_2735 = arith.cmpi eq, %iota3A, %eq3A_2734 : vector<16xi32>
    %broadcast_in_dim3A_2736 = vector.broadcast %squeeze3A_2732 : f32 to vector<16xf32>
    %select_n3A_2737 = arith.select %eq3A_2735, %broadcast_in_dim3A_2736, %select_n3A_2725 : vector<16xi1>, vector<16xf32>
    %get3A_2738 = arith.constant 11 : i32
    %get3A_2739 = arith.index_cast %get3A_2738 : i32 to index
    %get3A_2740 = arith.constant 80 : index
    %get3A_2741 = tpu.vector_load %arg4[%get3A_2739, %get3A_2740] {strides = array<i32>} : memref<16x128xf32, #tpu.memory_space<vmem>>, vector<1x16xf32>,
    %get3A_2742 = vector.shape_cast %get3A_2741 : vector<1x16xf32> to vector<16xf32>
    %slice3A_2743 = vector.extract_strided_slice %get3A_2742 {offsets = [6], sizes = [1], strides = [1]} : vector<16xf32> to vector<1xf32>
    %squeeze3A_2744 = vector.extract %slice3A_2743[0] : f32 from vector<1xf32>
    %eq3A_2745 = arith.constant 13 : i32
    %eq3A_2746 = vector.broadcast %eq3A_2745 : i32 to vector<16xi32>
    %eq3A_2747 = arith.cmpi eq, %iota3A, %eq3A_2746 : vector<16xi32>
    %broadcast_in_dim3A_2748 = vector.broadcast %squeeze3A_2744 : f32 to vector<16xf32>
    %select_n3A_2749 = arith.select %eq3A_2747, %broadcast_in_dim3A_2748, %select_n3A_2737 : vector<16xi1>, vector<16xf32>
    %get3A_2750 = arith.constant 11 : i32
    %get3A_2751 = arith.index_cast %get3A_2750 : i32 to index
    %get3A_2752 = arith.constant 96 : index
    %get3A_2753 = tpu.vector_load %arg4[%get3A_2751, %get3A_2752] {strides = array<i32>} : memref<16x128xf32, #tpu.memory_space<vmem>>, vector<1x16xf32>,
    %get3A_2754 = vector.shape_cast %get3A_2753 : vector<1x16xf32> to vector<16xf32>
    %slice3A_2755 = vector.extract_strided_slice %get3A_2754 {offsets = [1], sizes = [1], strides = [1]} : vector<16xf32> to vector<1xf32>
    %squeeze3A_2756 = vector.extract %slice3A_2755[0] : f32 from vector<1xf32>
    %eq3A_2757 = arith.constant 14 : i32
    %eq3A_2758 = vector.broadcast %eq3A_2757 : i32 to vector<16xi32>
    %eq3A_2759 = arith.cmpi eq, %iota3A, %eq3A_2758 : vector<16xi32>
    %broadcast_in_dim3A_2760 = vector.broadcast %squeeze3A_2756 : f32 to vector<16xf32>
    %select_n3A_2761 = arith.select %eq3A_2759, %broadcast_in_dim3A_2760, %select_n3A_2749 : vector<16xi1>, vector<16xf32>
    %get3A_2762 = arith.constant 11 : i32
    %get3A_2763 = arith.index_cast %get3A_2762 : i32 to index
    %get3A_2764 = arith.constant 112 : index
    %get3A_2765 = tpu.vector_load %arg4[%get3A_2763, %get3A_2764] {strides = array<i32>} : memref<16x128xf32, #tpu.memory_space<vmem>>, vector<1x16xf32>,
    %get3A_2766 = vector.shape_cast %get3A_2765 : vector<1x16xf32> to vector<16xf32>
    %slice3A_2767 = vector.extract_strided_slice %get3A_2766 {offsets = [12], sizes = [1], strides = [1]} : vector<16xf32> to vector<1xf32>
    %squeeze3A_2768 = vector.extract %slice3A_2767[0] : f32 from vector<1xf32>
    %eq3A_2769 = arith.constant 15 : i32
    %eq3A_2770 = vector.broadcast %eq3A_2769 : i32 to vector<16xi32>
    %eq3A_2771 = arith.cmpi eq, %iota3A, %eq3A_2770 : vector<16xi32>
    %broadcast_in_dim3A_2772 = vector.broadcast %squeeze3A_2768 : f32 to vector<16xf32>
    %select_n3A_2773 = arith.select %eq3A_2771, %broadcast_in_dim3A_2772, %select_n3A_2761 : vector<16xi1>, vector<16xf32>
    %swap3A_2774 = arith.constant 80 : index
    %swap3A_2775 = tpu.vector_load %arg5[%swap3A_2774] {strides = array<i32>} : memref<128xf32, #tpu.memory_space<vmem>>, vector<16xf32>,
    %swap3A_2776 = vector.shape_cast %swap3A_2775 : vector<16xf32> to vector<16xf32>
    %swap3A_2777 = vector.shape_cast %select_n3A_2773 : vector<16xf32> to vector<16xf32>
    tpu.vector_store %arg5[%swap3A_2774], %swap3A_2777 {strides = array<i32>} : memref<128xf32, #tpu.memory_space<vmem>>, vector<16xf32>,
    %broadcast_in_dim3A_2778 = arith.constant 0.000000e+00 : f32
    %broadcast_in_dim3A_2779 = vector.broadcast %broadcast_in_dim3A_2778 : f32 to vector<16xf32>
    %get3A_2780 = arith.constant 12 : i32
    %get3A_2781 = arith.index_cast %get3A_2780 : i32 to index
    %get3A_2782 = arith.constant 0 : index
    %get3A_2783 = tpu.vector_load %arg4[%get3A_2781, %get3A_2782] {strides = array<i32>} : memref<16x128xf32, #tpu.memory_space<vmem>>, vector<1x16xf32>,
    %get3A_2784 = vector.shape_cast %get3A_2783 : vector<1x16xf32> to vector<16xf32>
    %slice3A_2785 = vector.extract_strided_slice %get3A_2784 {offsets = [7], sizes = [1], strides = [1]} : vector<16xf32> to vector<1xf32>
    %squeeze3A_2786 = vector.extract %slice3A_2785[0] : f32 from vector<1xf32>
    %eq3A_2787 = arith.constant 0 : i32
    %eq3A_2788 = vector.broadcast %eq3A_2787 : i32 to vector<16xi32>
    %eq3A_2789 = arith.cmpi eq, %iota3A, %eq3A_2788 : vector<16xi32>
    %broadcast_in_dim3A_2790 = vector.broadcast %squeeze3A_2786 : f32 to vector<16xf32>
    %select_n3A_2791 = arith.select %eq3A_2789, %broadcast_in_dim3A_2790, %broadcast_in_dim3A_2779 : vector<16xi1>, vector<16xf32>
    %get3A_2792 = arith.constant 12 : i32
    %get3A_2793 = arith.index_cast %get3A_2792 : i32 to index
    %get3A_2794 = arith.constant 16 : index
    %get3A_2795 = tpu.vector_load %arg4[%get3A_2793, %get3A_2794] {strides = array<i32>} : memref<16x128xf32, #tpu.memory_space<vmem>>, vector<1x16xf32>,
    %get3A_2796 = vector.shape_cast %get3A_2795 : vector<1x16xf32> to vector<16xf32>
    %slice3A_2797 = vector.extract_strided_slice %get3A_2796 {offsets = [2], sizes = [1], strides = [1]} : vector<16xf32> to vector<1xf32>
    %squeeze3A_2798 = vector.extract %slice3A_2797[0] : f32 from vector<1xf32>
    %eq3A_2799 = arith.constant 1 : i32
    %eq3A_2800 = vector.broadcast %eq3A_2799 : i32 to vector<16xi32>
    %eq3A_2801 = arith.cmpi eq, %iota3A, %eq3A_2800 : vector<16xi32>
    %broadcast_in_dim3A_2802 = vector.broadcast %squeeze3A_2798 : f32 to vector<16xf32>
    %select_n3A_2803 = arith.select %eq3A_2801, %broadcast_in_dim3A_2802, %select_n3A_2791 : vector<16xi1>, vector<16xf32>
    %get3A_2804 = arith.constant 12 : i32
    %get3A_2805 = arith.index_cast %get3A_2804 : i32 to index
    %get3A_2806 = arith.constant 32 : index
    %get3A_2807 = tpu.vector_load %arg4[%get3A_2805, %get3A_2806] {strides = array<i32>} : memref<16x128xf32, #tpu.memory_space<vmem>>, vector<1x16xf32>,
    %get3A_2808 = vector.shape_cast %get3A_2807 : vector<1x16xf32> to vector<16xf32>
    %slice3A_2809 = vector.extract_strided_slice %get3A_2808 {offsets = [13], sizes = [1], strides = [1]} : vector<16xf32> to vector<1xf32>
    %squeeze3A_2810 = vector.extract %slice3A_2809[0] : f32 from vector<1xf32>
    %eq3A_2811 = arith.constant 2 : i32
    %eq3A_2812 = vector.broadcast %eq3A_2811 : i32 to vector<16xi32>
    %eq3A_2813 = arith.cmpi eq, %iota3A, %eq3A_2812 : vector<16xi32>
    %broadcast_in_dim3A_2814 = vector.broadcast %squeeze3A_2810 : f32 to vector<16xf32>
    %select_n3A_2815 = arith.select %eq3A_2813, %broadcast_in_dim3A_2814, %select_n3A_2803 : vector<16xi1>, vector<16xf32>
    %get3A_2816 = arith.constant 12 : i32
    %get3A_2817 = arith.index_cast %get3A_2816 : i32 to index
    %get3A_2818 = arith.constant 48 : index
    %get3A_2819 = tpu.vector_load %arg4[%get3A_2817, %get3A_2818] {strides = array<i32>} : memref<16x128xf32, #tpu.memory_space<vmem>>, vector<1x16xf32>,
    %get3A_2820 = vector.shape_cast %get3A_2819 : vector<1x16xf32> to vector<16xf32>
    %slice3A_2821 = vector.extract_strided_slice %get3A_2820 {offsets = [8], sizes = [1], strides = [1]} : vector<16xf32> to vector<1xf32>
    %squeeze3A_2822 = vector.extract %slice3A_2821[0] : f32 from vector<1xf32>
    %eq3A_2823 = arith.constant 3 : i32
    %eq3A_2824 = vector.broadcast %eq3A_2823 : i32 to vector<16xi32>
    %eq3A_2825 = arith.cmpi eq, %iota3A, %eq3A_2824 : vector<16xi32>
    %broadcast_in_dim3A_2826 = vector.broadcast %squeeze3A_2822 : f32 to vector<16xf32>
    %select_n3A_2827 = arith.select %eq3A_2825, %broadcast_in_dim3A_2826, %select_n3A_2815 : vector<16xi1>, vector<16xf32>
    %get3A_2828 = arith.constant 12 : i32
    %get3A_2829 = arith.index_cast %get3A_2828 : i32 to index
    %get3A_2830 = arith.constant 64 : index
    %get3A_2831 = tpu.vector_load %arg4[%get3A_2829, %get3A_2830] {strides = array<i32>} : memref<16x128xf32, #tpu.memory_space<vmem>>, vector<1x16xf32>,
    %get3A_2832 = vector.shape_cast %get3A_2831 : vector<1x16xf32> to vector<16xf32>
    %slice3A_2833 = vector.extract_strided_slice %get3A_2832 {offsets = [3], sizes = [1], strides = [1]} : vector<16xf32> to vector<1xf32>
    %squeeze3A_2834 = vector.extract %slice3A_2833[0] : f32 from vector<1xf32>
    %eq3A_2835 = arith.constant 4 : i32
    %eq3A_2836 = vector.broadcast %eq3A_2835 : i32 to vector<16xi32>
    %eq3A_2837 = arith.cmpi eq, %iota3A, %eq3A_2836 : vector<16xi32>
    %broadcast_in_dim3A_2838 = vector.broadcast %squeeze3A_2834 : f32 to vector<16xf32>
    %select_n3A_2839 = arith.select %eq3A_2837, %broadcast_in_dim3A_2838, %select_n3A_2827 : vector<16xi1>, vector<16xf32>
    %get3A_2840 = arith.constant 12 : i32
    %get3A_2841 = arith.index_cast %get3A_2840 : i32 to index
    %get3A_2842 = arith.constant 80 : index
    %get3A_2843 = tpu.vector_load %arg4[%get3A_2841, %get3A_2842] {strides = array<i32>} : memref<16x128xf32, #tpu.memory_space<vmem>>, vector<1x16xf32>,
    %get3A_2844 = vector.shape_cast %get3A_2843 : vector<1x16xf32> to vector<16xf32>
    %slice3A_2845 = vector.extract_strided_slice %get3A_2844 {offsets = [14], sizes = [1], strides = [1]} : vector<16xf32> to vector<1xf32>
    %squeeze3A_2846 = vector.extract %slice3A_2845[0] : f32 from vector<1xf32>
    %eq3A_2847 = arith.constant 5 : i32
    %eq3A_2848 = vector.broadcast %eq3A_2847 : i32 to vector<16xi32>
    %eq3A_2849 = arith.cmpi eq, %iota3A, %eq3A_2848 : vector<16xi32>
    %broadcast_in_dim3A_2850 = vector.broadcast %squeeze3A_2846 : f32 to vector<16xf32>
    %select_n3A_2851 = arith.select %eq3A_2849, %broadcast_in_dim3A_2850, %select_n3A_2839 : vector<16xi1>, vector<16xf32>
    %get3A_2852 = arith.constant 12 : i32
    %get3A_2853 = arith.index_cast %get3A_2852 : i32 to index
    %get3A_2854 = arith.constant 96 : index
    %get3A_2855 = tpu.vector_load %arg4[%get3A_2853, %get3A_2854] {strides = array<i32>} : memref<16x128xf32, #tpu.memory_space<vmem>>, vector<1x16xf32>,
    %get3A_2856 = vector.shape_cast %get3A_2855 : vector<1x16xf32> to vector<16xf32>
    %slice3A_2857 = vector.extract_strided_slice %get3A_2856 {offsets = [10], sizes = [1], strides = [1]} : vector<16xf32> to vector<1xf32>
    %squeeze3A_2858 = vector.extract %slice3A_2857[0] : f32 from vector<1xf32>
    %eq3A_2859 = arith.constant 6 : i32
    %eq3A_2860 = vector.broadcast %eq3A_2859 : i32 to vector<16xi32>
    %eq3A_2861 = arith.cmpi eq, %iota3A, %eq3A_2860 : vector<16xi32>
    %broadcast_in_dim3A_2862 = vector.broadcast %squeeze3A_2858 : f32 to vector<16xf32>
    %select_n3A_2863 = arith.select %eq3A_2861, %broadcast_in_dim3A_2862, %select_n3A_2851 : vector<16xi1>, vector<16xf32>
    %get3A_2864 = arith.constant 12 : i32
    %get3A_2865 = arith.index_cast %get3A_2864 : i32 to index
    %get3A_2866 = arith.constant 112 : index
    %get3A_2867 = tpu.vector_load %arg4[%get3A_2865, %get3A_2866] {strides = array<i32>} : memref<16x128xf32, #tpu.memory_space<vmem>>, vector<1x16xf32>,
    %get3A_2868 = vector.shape_cast %get3A_2867 : vector<1x16xf32> to vector<16xf32>
    %slice3A_2869 = vector.extract_strided_slice %get3A_2868 {offsets = [5], sizes = [1], strides = [1]} : vector<16xf32> to vector<1xf32>
    %squeeze3A_2870 = vector.extract %slice3A_2869[0] : f32 from vector<1xf32>
    %eq3A_2871 = arith.constant 7 : i32
    %eq3A_2872 = vector.broadcast %eq3A_2871 : i32 to vector<16xi32>
    %eq3A_2873 = arith.cmpi eq, %iota3A, %eq3A_2872 : vector<16xi32>
    %broadcast_in_dim3A_2874 = vector.broadcast %squeeze3A_2870 : f32 to vector<16xf32>
    %select_n3A_2875 = arith.select %eq3A_2873, %broadcast_in_dim3A_2874, %select_n3A_2863 : vector<16xi1>, vector<16xf32>
    %get3A_2876 = arith.constant 13 : i32
    %get3A_2877 = arith.index_cast %get3A_2876 : i32 to index
    %get3A_2878 = arith.constant 0 : index
    %get3A_2879 = tpu.vector_load %arg4[%get3A_2877, %get3A_2878] {strides = array<i32>} : memref<16x128xf32, #tpu.memory_space<vmem>>, vector<1x16xf32>,
    %get3A_2880 = vector.shape_cast %get3A_2879 : vector<1x16xf32> to vector<16xf32>
    %slice3A_2881 = vector.extract_strided_slice %get3A_2880 {offsets = [0], sizes = [1], strides = [1]} : vector<16xf32> to vector<1xf32>
    %squeeze3A_2882 = vector.extract %slice3A_2881[0] : f32 from vector<1xf32>
    %eq3A_2883 = arith.constant 8 : i32
    %eq3A_2884 = vector.broadcast %eq3A_2883 : i32 to vector<16xi32>
    %eq3A_2885 = arith.cmpi eq, %iota3A, %eq3A_2884 : vector<16xi32>
    %broadcast_in_dim3A_2886 = vector.broadcast %squeeze3A_2882 : f32 to vector<16xf32>
    %select_n3A_2887 = arith.select %eq3A_2885, %broadcast_in_dim3A_2886, %select_n3A_2875 : vector<16xi1>, vector<16xf32>
    %get3A_2888 = arith.constant 13 : i32
    %get3A_2889 = arith.index_cast %get3A_2888 : i32 to index
    %get3A_2890 = arith.constant 16 : index
    %get3A_2891 = tpu.vector_load %arg4[%get3A_2889, %get3A_2890] {strides = array<i32>} : memref<16x128xf32, #tpu.memory_space<vmem>>, vector<1x16xf32>,
    %get3A_2892 = vector.shape_cast %get3A_2891 : vector<1x16xf32> to vector<16xf32>
    %slice3A_2893 = vector.extract_strided_slice %get3A_2892 {offsets = [11], sizes = [1], strides = [1]} : vector<16xf32> to vector<1xf32>
    %squeeze3A_2894 = vector.extract %slice3A_2893[0] : f32 from vector<1xf32>
    %eq3A_2895 = arith.constant 9 : i32
    %eq3A_2896 = vector.broadcast %eq3A_2895 : i32 to vector<16xi32>
    %eq3A_2897 = arith.cmpi eq, %iota3A, %eq3A_2896 : vector<16xi32>
    %broadcast_in_dim3A_2898 = vector.broadcast %squeeze3A_2894 : f32 to vector<16xf32>
    %select_n3A_2899 = arith.select %eq3A_2897, %broadcast_in_dim3A_2898, %select_n3A_2887 : vector<16xi1>, vector<16xf32>
    %get3A_2900 = arith.constant 13 : i32
    %get3A_2901 = arith.index_cast %get3A_2900 : i32 to index
    %get3A_2902 = arith.constant 32 : index
    %get3A_2903 = tpu.vector_load %arg4[%get3A_2901, %get3A_2902] {strides = array<i32>} : memref<16x128xf32, #tpu.memory_space<vmem>>, vector<1x16xf32>,
    %get3A_2904 = vector.shape_cast %get3A_2903 : vector<1x16xf32> to vector<16xf32>
    %slice3A_2905 = vector.extract_strided_slice %get3A_2904 {offsets = [6], sizes = [1], strides = [1]} : vector<16xf32> to vector<1xf32>
    %squeeze3A_2906 = vector.extract %slice3A_2905[0] : f32 from vector<1xf32>
    %eq3A_2907 = arith.constant 10 : i32
    %eq3A_2908 = vector.broadcast %eq3A_2907 : i32 to vector<16xi32>
    %eq3A_2909 = arith.cmpi eq, %iota3A, %eq3A_2908 : vector<16xi32>
    %broadcast_in_dim3A_2910 = vector.broadcast %squeeze3A_2906 : f32 to vector<16xf32>
    %select_n3A_2911 = arith.select %eq3A_2909, %broadcast_in_dim3A_2910, %select_n3A_2899 : vector<16xi1>, vector<16xf32>
    %get3A_2912 = arith.constant 13 : i32
    %get3A_2913 = arith.index_cast %get3A_2912 : i32 to index
    %get3A_2914 = arith.constant 48 : index
    %get3A_2915 = tpu.vector_load %arg4[%get3A_2913, %get3A_2914] {strides = array<i32>} : memref<16x128xf32, #tpu.memory_space<vmem>>, vector<1x16xf32>,
    %get3A_2916 = vector.shape_cast %get3A_2915 : vector<1x16xf32> to vector<16xf32>
    %slice3A_2917 = vector.extract_strided_slice %get3A_2916 {offsets = [1], sizes = [1], strides = [1]} : vector<16xf32> to vector<1xf32>
    %squeeze3A_2918 = vector.extract %slice3A_2917[0] : f32 from vector<1xf32>
    %eq3A_2919 = arith.constant 11 : i32
    %eq3A_2920 = vector.broadcast %eq3A_2919 : i32 to vector<16xi32>
    %eq3A_2921 = arith.cmpi eq, %iota3A, %eq3A_2920 : vector<16xi32>
    %broadcast_in_dim3A_2922 = vector.broadcast %squeeze3A_2918 : f32 to vector<16xf32>
    %select_n3A_2923 = arith.select %eq3A_2921, %broadcast_in_dim3A_2922, %select_n3A_2911 : vector<16xi1>, vector<16xf32>
    %get3A_2924 = arith.constant 13 : i32
    %get3A_2925 = arith.index_cast %get3A_2924 : i32 to index
    %get3A_2926 = arith.constant 64 : index
    %get3A_2927 = tpu.vector_load %arg4[%get3A_2925, %get3A_2926] {strides = array<i32>} : memref<16x128xf32, #tpu.memory_space<vmem>>, vector<1x16xf32>,
    %get3A_2928 = vector.shape_cast %get3A_2927 : vector<1x16xf32> to vector<16xf32>
    %slice3A_2929 = vector.extract_strided_slice %get3A_2928 {offsets = [12], sizes = [1], strides = [1]} : vector<16xf32> to vector<1xf32>
    %squeeze3A_2930 = vector.extract %slice3A_2929[0] : f32 from vector<1xf32>
    %eq3A_2931 = arith.constant 12 : i32
    %eq3A_2932 = vector.broadcast %eq3A_2931 : i32 to vector<16xi32>
    %eq3A_2933 = arith.cmpi eq, %iota3A, %eq3A_2932 : vector<16xi32>
    %broadcast_in_dim3A_2934 = vector.broadcast %squeeze3A_2930 : f32 to vector<16xf32>
    %select_n3A_2935 = arith.select %eq3A_2933, %broadcast_in_dim3A_2934, %select_n3A_2923 : vector<16xi1>, vector<16xf32>
    %get3A_2936 = arith.constant 13 : i32
    %get3A_2937 = arith.index_cast %get3A_2936 : i32 to index
    %get3A_2938 = arith.constant 80 : index
    %get3A_2939 = tpu.vector_load %arg4[%get3A_2937, %get3A_2938] {strides = array<i32>} : memref<16x128xf32, #tpu.memory_space<vmem>>, vector<1x16xf32>,
    %get3A_2940 = vector.shape_cast %get3A_2939 : vector<1x16xf32> to vector<16xf32>
    %slice3A_2941 = vector.extract_strided_slice %get3A_2940 {offsets = [7], sizes = [1], strides = [1]} : vector<16xf32> to vector<1xf32>
    %squeeze3A_2942 = vector.extract %slice3A_2941[0] : f32 from vector<1xf32>
    %eq3A_2943 = arith.constant 13 : i32
    %eq3A_2944 = vector.broadcast %eq3A_2943 : i32 to vector<16xi32>
    %eq3A_2945 = arith.cmpi eq, %iota3A, %eq3A_2944 : vector<16xi32>
    %broadcast_in_dim3A_2946 = vector.broadcast %squeeze3A_2942 : f32 to vector<16xf32>
    %select_n3A_2947 = arith.select %eq3A_2945, %broadcast_in_dim3A_2946, %select_n3A_2935 : vector<16xi1>, vector<16xf32>
    %get3A_2948 = arith.constant 13 : i32
    %get3A_2949 = arith.index_cast %get3A_2948 : i32 to index
    %get3A_2950 = arith.constant 96 : index
    %get3A_2951 = tpu.vector_load %arg4[%get3A_2949, %get3A_2950] {strides = array<i32>} : memref<16x128xf32, #tpu.memory_space<vmem>>, vector<1x16xf32>,
    %get3A_2952 = vector.shape_cast %get3A_2951 : vector<1x16xf32> to vector<16xf32>
    %slice3A_2953 = vector.extract_strided_slice %get3A_2952 {offsets = [2], sizes = [1], strides = [1]} : vector<16xf32> to vector<1xf32>
    %squeeze3A_2954 = vector.extract %slice3A_2953[0] : f32 from vector<1xf32>
    %eq3A_2955 = arith.constant 14 : i32
    %eq3A_2956 = vector.broadcast %eq3A_2955 : i32 to vector<16xi32>
    %eq3A_2957 = arith.cmpi eq, %iota3A, %eq3A_2956 : vector<16xi32>
    %broadcast_in_dim3A_2958 = vector.broadcast %squeeze3A_2954 : f32 to vector<16xf32>
    %select_n3A_2959 = arith.select %eq3A_2957, %broadcast_in_dim3A_2958, %select_n3A_2947 : vector<16xi1>, vector<16xf32>
    %get3A_2960 = arith.constant 13 : i32
    %get3A_2961 = arith.index_cast %get3A_2960 : i32 to index
    %get3A_2962 = arith.constant 112 : index
    %get3A_2963 = tpu.vector_load %arg4[%get3A_2961, %get3A_2962] {strides = array<i32>} : memref<16x128xf32, #tpu.memory_space<vmem>>, vector<1x16xf32>,
    %get3A_2964 = vector.shape_cast %get3A_2963 : vector<1x16xf32> to vector<16xf32>
    %slice3A_2965 = vector.extract_strided_slice %get3A_2964 {offsets = [13], sizes = [1], strides = [1]} : vector<16xf32> to vector<1xf32>
    %squeeze3A_2966 = vector.extract %slice3A_2965[0] : f32 from vector<1xf32>
    %eq3A_2967 = arith.constant 15 : i32
    %eq3A_2968 = vector.broadcast %eq3A_2967 : i32 to vector<16xi32>
    %eq3A_2969 = arith.cmpi eq, %iota3A, %eq3A_2968 : vector<16xi32>
    %broadcast_in_dim3A_2970 = vector.broadcast %squeeze3A_2966 : f32 to vector<16xf32>
    %select_n3A_2971 = arith.select %eq3A_2969, %broadcast_in_dim3A_2970, %select_n3A_2959 : vector<16xi1>, vector<16xf32>
    %swap3A_2972 = arith.constant 96 : index
    %swap3A_2973 = tpu.vector_load %arg5[%swap3A_2972] {strides = array<i32>} : memref<128xf32, #tpu.memory_space<vmem>>, vector<16xf32>,
    %swap3A_2974 = vector.shape_cast %swap3A_2973 : vector<16xf32> to vector<16xf32>
    %swap3A_2975 = vector.shape_cast %select_n3A_2971 : vector<16xf32> to vector<16xf32>
    tpu.vector_store %arg5[%swap3A_2972], %swap3A_2975 {strides = array<i32>} : memref<128xf32, #tpu.memory_space<vmem>>, vector<16xf32>,
    %broadcast_in_dim3A_2976 = arith.constant 0.000000e+00 : f32
    %broadcast_in_dim3A_2977 = vector.broadcast %broadcast_in_dim3A_2976 : f32 to vector<16xf32>
    %get3A_2978 = arith.constant 14 : i32
    %get3A_2979 = arith.index_cast %get3A_2978 : i32 to index
    %get3A_2980 = arith.constant 0 : index
    %get3A_2981 = tpu.vector_load %arg4[%get3A_2979, %get3A_2980] {strides = array<i32>} : memref<16x128xf32, #tpu.memory_space<vmem>>, vector<1x16xf32>,
    %get3A_2982 = vector.shape_cast %get3A_2981 : vector<1x16xf32> to vector<16xf32>
    %slice3A_2983 = vector.extract_strided_slice %get3A_2982 {offsets = [8], sizes = [1], strides = [1]} : vector<16xf32> to vector<1xf32>
    %squeeze3A_2984 = vector.extract %slice3A_2983[0] : f32 from vector<1xf32>
    %eq3A_2985 = arith.constant 0 : i32
    %eq3A_2986 = vector.broadcast %eq3A_2985 : i32 to vector<16xi32>
    %eq3A_2987 = arith.cmpi eq, %iota3A, %eq3A_2986 : vector<16xi32>
    %broadcast_in_dim3A_2988 = vector.broadcast %squeeze3A_2984 : f32 to vector<16xf32>
    %select_n3A_2989 = arith.select %eq3A_2987, %broadcast_in_dim3A_2988, %broadcast_in_dim3A_2977 : vector<16xi1>, vector<16xf32>
    %get3A_2990 = arith.constant 14 : i32
    %get3A_2991 = arith.index_cast %get3A_2990 : i32 to index
    %get3A_2992 = arith.constant 16 : index
    %get3A_2993 = tpu.vector_load %arg4[%get3A_2991, %get3A_2992] {strides = array<i32>} : memref<16x128xf32, #tpu.memory_space<vmem>>, vector<1x16xf32>,
    %get3A_2994 = vector.shape_cast %get3A_2993 : vector<1x16xf32> to vector<16xf32>
    %slice3A_2995 = vector.extract_strided_slice %get3A_2994 {offsets = [3], sizes = [1], strides = [1]} : vector<16xf32> to vector<1xf32>
    %squeeze3A_2996 = vector.extract %slice3A_2995[0] : f32 from vector<1xf32>
    %eq3A_2997 = arith.constant 1 : i32
    %eq3A_2998 = vector.broadcast %eq3A_2997 : i32 to vector<16xi32>
    %eq3A_2999 = arith.cmpi eq, %iota3A, %eq3A_2998 : vector<16xi32>
    %broadcast_in_dim3A_3000 = vector.broadcast %squeeze3A_2996 : f32 to vector<16xf32>
    %select_n3A_3001 = arith.select %eq3A_2999, %broadcast_in_dim3A_3000, %select_n3A_2989 : vector<16xi1>, vector<16xf32>
    %get3A_3002 = arith.constant 14 : i32
    %get3A_3003 = arith.index_cast %get3A_3002 : i32 to index
    %get3A_3004 = arith.constant 32 : index
    %get3A_3005 = tpu.vector_load %arg4[%get3A_3003, %get3A_3004] {strides = array<i32>} : memref<16x128xf32, #tpu.memory_space<vmem>>, vector<1x16xf32>,
    %get3A_3006 = vector.shape_cast %get3A_3005 : vector<1x16xf32> to vector<16xf32>
    %slice3A_3007 = vector.extract_strided_slice %get3A_3006 {offsets = [14], sizes = [1], strides = [1]} : vector<16xf32> to vector<1xf32>
    %squeeze3A_3008 = vector.extract %slice3A_3007[0] : f32 from vector<1xf32>
    %eq3A_3009 = arith.constant 2 : i32
    %eq3A_3010 = vector.broadcast %eq3A_3009 : i32 to vector<16xi32>
    %eq3A_3011 = arith.cmpi eq, %iota3A, %eq3A_3010 : vector<16xi32>
    %broadcast_in_dim3A_3012 = vector.broadcast %squeeze3A_3008 : f32 to vector<16xf32>
    %select_n3A_3013 = arith.select %eq3A_3011, %broadcast_in_dim3A_3012, %select_n3A_3001 : vector<16xi1>, vector<16xf32>
    %get3A_3014 = arith.constant 14 : i32
    %get3A_3015 = arith.index_cast %get3A_3014 : i32 to index
    %get3A_3016 = arith.constant 48 : index
    %get3A_3017 = tpu.vector_load %arg4[%get3A_3015, %get3A_3016] {strides = array<i32>} : memref<16x128xf32, #tpu.memory_space<vmem>>, vector<1x16xf32>,
    %get3A_3018 = vector.shape_cast %get3A_3017 : vector<1x16xf32> to vector<16xf32>
    %slice3A_3019 = vector.extract_strided_slice %get3A_3018 {offsets = [10], sizes = [1], strides = [1]} : vector<16xf32> to vector<1xf32>
    %squeeze3A_3020 = vector.extract %slice3A_3019[0] : f32 from vector<1xf32>
    %eq3A_3021 = arith.constant 3 : i32
    %eq3A_3022 = vector.broadcast %eq3A_3021 : i32 to vector<16xi32>
    %eq3A_3023 = arith.cmpi eq, %iota3A, %eq3A_3022 : vector<16xi32>
    %broadcast_in_dim3A_3024 = vector.broadcast %squeeze3A_3020 : f32 to vector<16xf32>
    %select_n3A_3025 = arith.select %eq3A_3023, %broadcast_in_dim3A_3024, %select_n3A_3013 : vector<16xi1>, vector<16xf32>
    %get3A_3026 = arith.constant 14 : i32
    %get3A_3027 = arith.index_cast %get3A_3026 : i32 to index
    %get3A_3028 = arith.constant 64 : index
    %get3A_3029 = tpu.vector_load %arg4[%get3A_3027, %get3A_3028] {strides = array<i32>} : memref<16x128xf32, #tpu.memory_space<vmem>>, vector<1x16xf32>,
    %get3A_3030 = vector.shape_cast %get3A_3029 : vector<1x16xf32> to vector<16xf32>
    %slice3A_3031 = vector.extract_strided_slice %get3A_3030 {offsets = [5], sizes = [1], strides = [1]} : vector<16xf32> to vector<1xf32>
    %squeeze3A_3032 = vector.extract %slice3A_3031[0] : f32 from vector<1xf32>
    %eq3A_3033 = arith.constant 4 : i32
    %eq3A_3034 = vector.broadcast %eq3A_3033 : i32 to vector<16xi32>
    %eq3A_3035 = arith.cmpi eq, %iota3A, %eq3A_3034 : vector<16xi32>
    %broadcast_in_dim3A_3036 = vector.broadcast %squeeze3A_3032 : f32 to vector<16xf32>
    %select_n3A_3037 = arith.select %eq3A_3035, %broadcast_in_dim3A_3036, %select_n3A_3025 : vector<16xi1>, vector<16xf32>
    %get3A_3038 = arith.constant 14 : i32
    %get3A_3039 = arith.index_cast %get3A_3038 : i32 to index
    %get3A_3040 = arith.constant 80 : index
    %get3A_3041 = tpu.vector_load %arg4[%get3A_3039, %get3A_3040] {strides = array<i32>} : memref<16x128xf32, #tpu.memory_space<vmem>>, vector<1x16xf32>,
    %get3A_3042 = vector.shape_cast %get3A_3041 : vector<1x16xf32> to vector<16xf32>
    %slice3A_3043 = vector.extract_strided_slice %get3A_3042 {offsets = [0], sizes = [1], strides = [1]} : vector<16xf32> to vector<1xf32>
    %squeeze3A_3044 = vector.extract %slice3A_3043[0] : f32 from vector<1xf32>
    %eq3A_3045 = arith.constant 5 : i32
    %eq3A_3046 = vector.broadcast %eq3A_3045 : i32 to vector<16xi32>
    %eq3A_3047 = arith.cmpi eq, %iota3A, %eq3A_3046 : vector<16xi32>
    %broadcast_in_dim3A_3048 = vector.broadcast %squeeze3A_3044 : f32 to vector<16xf32>
    %select_n3A_3049 = arith.select %eq3A_3047, %broadcast_in_dim3A_3048, %select_n3A_3037 : vector<16xi1>, vector<16xf32>
    %get3A_3050 = arith.constant 14 : i32
    %get3A_3051 = arith.index_cast %get3A_3050 : i32 to index
    %get3A_3052 = arith.constant 96 : index
    %get3A_3053 = tpu.vector_load %arg4[%get3A_3051, %get3A_3052] {strides = array<i32>} : memref<16x128xf32, #tpu.memory_space<vmem>>, vector<1x16xf32>,
    %get3A_3054 = vector.shape_cast %get3A_3053 : vector<1x16xf32> to vector<16xf32>
    %slice3A_3055 = vector.extract_strided_slice %get3A_3054 {offsets = [11], sizes = [1], strides = [1]} : vector<16xf32> to vector<1xf32>
    %squeeze3A_3056 = vector.extract %slice3A_3055[0] : f32 from vector<1xf32>
    %eq3A_3057 = arith.constant 6 : i32
    %eq3A_3058 = vector.broadcast %eq3A_3057 : i32 to vector<16xi32>
    %eq3A_3059 = arith.cmpi eq, %iota3A, %eq3A_3058 : vector<16xi32>
    %broadcast_in_dim3A_3060 = vector.broadcast %squeeze3A_3056 : f32 to vector<16xf32>
    %select_n3A_3061 = arith.select %eq3A_3059, %broadcast_in_dim3A_3060, %select_n3A_3049 : vector<16xi1>, vector<16xf32>
    %get3A_3062 = arith.constant 14 : i32
    %get3A_3063 = arith.index_cast %get3A_3062 : i32 to index
    %get3A_3064 = arith.constant 112 : index
    %get3A_3065 = tpu.vector_load %arg4[%get3A_3063, %get3A_3064] {strides = array<i32>} : memref<16x128xf32, #tpu.memory_space<vmem>>, vector<1x16xf32>,
    %get3A_3066 = vector.shape_cast %get3A_3065 : vector<1x16xf32> to vector<16xf32>
    %slice3A_3067 = vector.extract_strided_slice %get3A_3066 {offsets = [6], sizes = [1], strides = [1]} : vector<16xf32> to vector<1xf32>
    %squeeze3A_3068 = vector.extract %slice3A_3067[0] : f32 from vector<1xf32>
    %eq3A_3069 = arith.constant 7 : i32
    %eq3A_3070 = vector.broadcast %eq3A_3069 : i32 to vector<16xi32>
    %eq3A_3071 = arith.cmpi eq, %iota3A, %eq3A_3070 : vector<16xi32>
    %broadcast_in_dim3A_3072 = vector.broadcast %squeeze3A_3068 : f32 to vector<16xf32>
    %select_n3A_3073 = arith.select %eq3A_3071, %broadcast_in_dim3A_3072, %select_n3A_3061 : vector<16xi1>, vector<16xf32>
    %get3A_3074 = arith.constant 15 : i32
    %get3A_3075 = arith.index_cast %get3A_3074 : i32 to index
    %get3A_3076 = arith.constant 0 : index
    %get3A_3077 = tpu.vector_load %arg4[%get3A_3075, %get3A_3076] {strides = array<i32>} : memref<16x128xf32, #tpu.memory_space<vmem>>, vector<1x16xf32>,
    %get3A_3078 = vector.shape_cast %get3A_3077 : vector<1x16xf32> to vector<16xf32>
    %slice3A_3079 = vector.extract_strided_slice %get3A_3078 {offsets = [1], sizes = [1], strides = [1]} : vector<16xf32> to vector<1xf32>
    %squeeze3A_3080 = vector.extract %slice3A_3079[0] : f32 from vector<1xf32>
    %eq3A_3081 = arith.constant 8 : i32
    %eq3A_3082 = vector.broadcast %eq3A_3081 : i32 to vector<16xi32>
    %eq3A_3083 = arith.cmpi eq, %iota3A, %eq3A_3082 : vector<16xi32>
    %broadcast_in_dim3A_3084 = vector.broadcast %squeeze3A_3080 : f32 to vector<16xf32>
    %select_n3A_3085 = arith.select %eq3A_3083, %broadcast_in_dim3A_3084, %select_n3A_3073 : vector<16xi1>, vector<16xf32>
    %get3A_3086 = arith.constant 15 : i32
    %get3A_3087 = arith.index_cast %get3A_3086 : i32 to index
    %get3A_3088 = arith.constant 16 : index
    %get3A_3089 = tpu.vector_load %arg4[%get3A_3087, %get3A_3088] {strides = array<i32>} : memref<16x128xf32, #tpu.memory_space<vmem>>, vector<1x16xf32>,
    %get3A_3090 = vector.shape_cast %get3A_3089 : vector<1x16xf32> to vector<16xf32>
    %slice3A_3091 = vector.extract_strided_slice %get3A_3090 {offsets = [12], sizes = [1], strides = [1]} : vector<16xf32> to vector<1xf32>
    %squeeze3A_3092 = vector.extract %slice3A_3091[0] : f32 from vector<1xf32>
    %eq3A_3093 = arith.constant 9 : i32
    %eq3A_3094 = vector.broadcast %eq3A_3093 : i32 to vector<16xi32>
    %eq3A_3095 = arith.cmpi eq, %iota3A, %eq3A_3094 : vector<16xi32>
    %broadcast_in_dim3A_3096 = vector.broadcast %squeeze3A_3092 : f32 to vector<16xf32>
    %select_n3A_3097 = arith.select %eq3A_3095, %broadcast_in_dim3A_3096, %select_n3A_3085 : vector<16xi1>, vector<16xf32>
    %get3A_3098 = arith.constant 15 : i32
    %get3A_3099 = arith.index_cast %get3A_3098 : i32 to index
    %get3A_3100 = arith.constant 32 : index
    %get3A_3101 = tpu.vector_load %arg4[%get3A_3099, %get3A_3100] {strides = array<i32>} : memref<16x128xf32, #tpu.memory_space<vmem>>, vector<1x16xf32>,
    %get3A_3102 = vector.shape_cast %get3A_3101 : vector<1x16xf32> to vector<16xf32>
    %slice3A_3103 = vector.extract_strided_slice %get3A_3102 {offsets = [7], sizes = [1], strides = [1]} : vector<16xf32> to vector<1xf32>
    %squeeze3A_3104 = vector.extract %slice3A_3103[0] : f32 from vector<1xf32>
    %eq3A_3105 = arith.constant 10 : i32
    %eq3A_3106 = vector.broadcast %eq3A_3105 : i32 to vector<16xi32>
    %eq3A_3107 = arith.cmpi eq, %iota3A, %eq3A_3106 : vector<16xi32>
    %broadcast_in_dim3A_3108 = vector.broadcast %squeeze3A_3104 : f32 to vector<16xf32>
    %select_n3A_3109 = arith.select %eq3A_3107, %broadcast_in_dim3A_3108, %select_n3A_3097 : vector<16xi1>, vector<16xf32>
    %get3A_3110 = arith.constant 15 : i32
    %get3A_3111 = arith.index_cast %get3A_3110 : i32 to index
    %get3A_3112 = arith.constant 48 : index
    %get3A_3113 = tpu.vector_load %arg4[%get3A_3111, %get3A_3112] {strides = array<i32>} : memref<16x128xf32, #tpu.memory_space<vmem>>, vector<1x16xf32>,
    %get3A_3114 = vector.shape_cast %get3A_3113 : vector<1x16xf32> to vector<16xf32>
    %slice3A_3115 = vector.extract_strided_slice %get3A_3114 {offsets = [2], sizes = [1], strides = [1]} : vector<16xf32> to vector<1xf32>
    %squeeze3A_3116 = vector.extract %slice3A_3115[0] : f32 from vector<1xf32>
    %eq3A_3117 = arith.constant 11 : i32
    %eq3A_3118 = vector.broadcast %eq3A_3117 : i32 to vector<16xi32>
    %eq3A_3119 = arith.cmpi eq, %iota3A, %eq3A_3118 : vector<16xi32>
    %broadcast_in_dim3A_3120 = vector.broadcast %squeeze3A_3116 : f32 to vector<16xf32>
    %select_n3A_3121 = arith.select %eq3A_3119, %broadcast_in_dim3A_3120, %select_n3A_3109 : vector<16xi1>, vector<16xf32>
    %get3A_3122 = arith.constant 15 : i32
    %get3A_3123 = arith.index_cast %get3A_3122 : i32 to index
    %get3A_3124 = arith.constant 64 : index
    %get3A_3125 = tpu.vector_load %arg4[%get3A_3123, %get3A_3124] {strides = array<i32>} : memref<16x128xf32, #tpu.memory_space<vmem>>, vector<1x16xf32>,
    %get3A_3126 = vector.shape_cast %get3A_3125 : vector<1x16xf32> to vector<16xf32>
    %slice3A_3127 = vector.extract_strided_slice %get3A_3126 {offsets = [13], sizes = [1], strides = [1]} : vector<16xf32> to vector<1xf32>
    %squeeze3A_3128 = vector.extract %slice3A_3127[0] : f32 from vector<1xf32>
    %eq3A_3129 = arith.constant 12 : i32
    %eq3A_3130 = vector.broadcast %eq3A_3129 : i32 to vector<16xi32>
    %eq3A_3131 = arith.cmpi eq, %iota3A, %eq3A_3130 : vector<16xi32>
    %broadcast_in_dim3A_3132 = vector.broadcast %squeeze3A_3128 : f32 to vector<16xf32>
    %select_n3A_3133 = arith.select %eq3A_3131, %broadcast_in_dim3A_3132, %select_n3A_3121 : vector<16xi1>, vector<16xf32>
    %get3A_3134 = arith.constant 15 : i32
    %get3A_3135 = arith.index_cast %get3A_3134 : i32 to index
    %get3A_3136 = arith.constant 80 : index
    %get3A_3137 = tpu.vector_load %arg4[%get3A_3135, %get3A_3136] {strides = array<i32>} : memref<16x128xf32, #tpu.memory_space<vmem>>, vector<1x16xf32>,
    %get3A_3138 = vector.shape_cast %get3A_3137 : vector<1x16xf32> to vector<16xf32>
    %slice3A_3139 = vector.extract_strided_slice %get3A_3138 {offsets = [8], sizes = [1], strides = [1]} : vector<16xf32> to vector<1xf32>
    %squeeze3A_3140 = vector.extract %slice3A_3139[0] : f32 from vector<1xf32>
    %eq3A_3141 = arith.constant 13 : i32
    %eq3A_3142 = vector.broadcast %eq3A_3141 : i32 to vector<16xi32>
    %eq3A_3143 = arith.cmpi eq, %iota3A, %eq3A_3142 : vector<16xi32>
    %broadcast_in_dim3A_3144 = vector.broadcast %squeeze3A_3140 : f32 to vector<16xf32>
    %select_n3A_3145 = arith.select %eq3A_3143, %broadcast_in_dim3A_3144, %select_n3A_3133 : vector<16xi1>, vector<16xf32>
    %get3A_3146 = arith.constant 15 : i32
    %get3A_3147 = arith.index_cast %get3A_3146 : i32 to index
    %get3A_3148 = arith.constant 96 : index
    %get3A_3149 = tpu.vector_load %arg4[%get3A_3147, %get3A_3148] {strides = array<i32>} : memref<16x128xf32, #tpu.memory_space<vmem>>, vector<1x16xf32>,
    %get3A_3150 = vector.shape_cast %get3A_3149 : vector<1x16xf32> to vector<16xf32>
    %slice3A_3151 = vector.extract_strided_slice %get3A_3150 {offsets = [3], sizes = [1], strides = [1]} : vector<16xf32> to vector<1xf32>
    %squeeze3A_3152 = vector.extract %slice3A_3151[0] : f32 from vector<1xf32>
    %eq3A_3153 = arith.constant 14 : i32
    %eq3A_3154 = vector.broadcast %eq3A_3153 : i32 to vector<16xi32>
    %eq3A_3155 = arith.cmpi eq, %iota3A, %eq3A_3154 : vector<16xi32>
    %broadcast_in_dim3A_3156 = vector.broadcast %squeeze3A_3152 : f32 to vector<16xf32>
    %select_n3A_3157 = arith.select %eq3A_3155, %broadcast_in_dim3A_3156, %select_n3A_3145 : vector<16xi1>, vector<16xf32>
    %get3A_3158 = arith.constant 15 : i32
    %get3A_3159 = arith.index_cast %get3A_3158 : i32 to index
    %get3A_3160 = arith.constant 112 : index
    %get3A_3161 = tpu.vector_load %arg4[%get3A_3159, %get3A_3160] {strides = array<i32>} : memref<16x128xf32, #tpu.memory_space<vmem>>, vector<1x16xf32>,
    %get3A_3162 = vector.shape_cast %get3A_3161 : vector<1x16xf32> to vector<16xf32>
    %slice3A_3163 = vector.extract_strided_slice %get3A_3162 {offsets = [15], sizes = [1], strides = [1]} : vector<16xf32> to vector<1xf32>
    %squeeze3A_3164 = vector.extract %slice3A_3163[0] : f32 from vector<1xf32>
    %eq3A_3165 = arith.constant 15 : i32
    %eq3A_3166 = vector.broadcast %eq3A_3165 : i32 to vector<16xi32>
    %eq3A_3167 = arith.cmpi eq, %iota3A, %eq3A_3166 : vector<16xi32>
    %broadcast_in_dim3A_3168 = vector.broadcast %squeeze3A_3164 : f32 to vector<16xf32>
    %select_n3A_3169 = arith.select %eq3A_3167, %broadcast_in_dim3A_3168, %select_n3A_3157 : vector<16xi1>, vector<16xf32>
    %swap3A_3170 = arith.constant 112 : index
    %swap3A_3171 = tpu.vector_load %arg5[%swap3A_3170] {strides = array<i32>} : memref<128xf32, #tpu.memory_space<vmem>>, vector<16xf32>,
    %swap3A_3172 = vector.shape_cast %swap3A_3171 : vector<16xf32> to vector<16xf32>
    %swap3A_3173 = vector.shape_cast %select_n3A_3169 : vector<16xf32> to vector<16xf32>
    tpu.vector_store %arg5[%swap3A_3170], %swap3A_3173 {strides = array<i32>} : memref<128xf32, #tpu.memory_space<vmem>>, vector<16xf32>,
    "tpu.region"() ({
      %run_scoped3A = tpu.sem_alloc : memref<!tpu.dma_semaphore, #tpu.memory_space<semaphore_mem>>
      %dma_start3A = arith.constant 0 : i32
      %dma_start3A_3174 = tpu.memref_slice %arg3[%add3A_1587, %dma_start3A] : memref<64x128xf32, #tpu.memory_space<hbm>> -> memref<1x128xf32, #tpu.memory_space<hbm>>
      %dma_start3A_3175 = tpu.memref_squeeze %dma_start3A_3174 : memref<1x128xf32, #tpu.memory_space<hbm>> -> memref<128xf32, #tpu.memory_space<hbm>>
      %dma_start3A_3176 = arith.constant 0 : i32
      %dma_start3A_3177 = tpu.memref_slice %arg3[%add3A_1587, %dma_start3A_3176] : memref<64x128xf32, #tpu.memory_space<hbm>> -> memref<1x128xf32, #tpu.memory_space<hbm>>
      %dma_start3A_3178 = tpu.memref_squeeze %dma_start3A_3177 : memref<1x128xf32, #tpu.memory_space<hbm>> -> memref<128xf32, #tpu.memory_space<hbm>>
      tpu.enqueue_dma source(%arg5 : memref<128xf32, #tpu.memory_space<vmem>>) target(%dma_start3A_3178 : memref<128xf32, #tpu.memory_space<hbm>>) target_semaphore(%run_scoped3A : memref<!tpu.dma_semaphore, #tpu.memory_space<semaphore_mem>>)
      %dma_wait3A = arith.constant 0 : i32
      %dma_wait3A_3179 = tpu.memref_slice %arg3[%add3A_1587, %dma_wait3A] : memref<64x128xf32, #tpu.memory_space<hbm>> -> memref<1x128xf32, #tpu.memory_space<hbm>>
      %dma_wait3A_3180 = tpu.memref_squeeze %dma_wait3A_3179 : memref<1x128xf32, #tpu.memory_space<hbm>> -> memref<128xf32, #tpu.memory_space<hbm>>
      %dma_wait3A_3181 = arith.constant 0 : i32
      %dma_wait3A_3182 = tpu.memref_slice %arg3[%add3A_1587, %dma_wait3A_3181] : memref<64x128xf32, #tpu.memory_space<hbm>> -> memref<1x128xf32, #tpu.memory_space<hbm>>
      %dma_wait3A_3183 = tpu.memref_squeeze %dma_wait3A_3182 : memref<1x128xf32, #tpu.memory_space<hbm>> -> memref<128xf32, #tpu.memory_space<hbm>>
      tpu.wait_dma2 semaphore(%run_scoped3A : memref<!tpu.dma_semaphore, #tpu.memory_space<semaphore_mem>>) src(%arg5 : memref<128xf32, #tpu.memory_space<vmem>>) dst(%dma_wait3A_3183 : memref<128xf32, #tpu.memory_space<hbm>>)
      tpu.yield
    }) : () -> ()
    return
  }
}

module attributes {stable_mosaic.version = 14 : i64} {
  func.func @_stats_body(%arg0: i32, %arg1: memref<8x1x224x224xf32, #tpu.memory_space<vmem>>, %arg2: memref<8x50176xf32, #tpu.memory_space<vmem>>, %arg3: memref<8x16x128xf32, #tpu.memory_space<vmem>>, %arg4: memref<8x3xf32, #tpu.memory_space<vmem>>) attributes {dimension_semantics = [#tpu.dimension_semantics<arbitrary>], iteration_bounds = array<i64: 8>, scalar_prefetch = 0 : i64, scratch_operands = 0 : i64, tpu.core_type = #tpu.core_type<tc>, window_params = [{transform_indices = @transform_0, window_bounds = array<i64: 8, 1, 224, 224>}, {transform_indices = @transform_1, window_bounds = array<i64: 8, 50176>}, {transform_indices = @transform_2, window_bounds = array<i64: 8, 16, 128>}, {transform_indices = @transform_3, window_bounds = array<i64: 8, 3>}]} {
    %get3A = arith.constant 0 : index
    %get3A_0 = arith.constant 0 : index
    %get3A_1 = arith.constant 0 : index
    %get3A_2 = arith.constant 0 : index
    %get3A_3 = vector.load %arg1[%get3A, %get3A_0, %get3A_1, %get3A_2] : memref<8x1x224x224xf32, #tpu.memory_space<vmem>>, vector<8x1x224x224xf32>
    %reshape3A = vector.shape_cast %get3A_3 : vector<8x1x224x224xf32> to vector<8x224x224xf32>
    %reshape3A_4 = vector.shape_cast %reshape3A : vector<8x224x224xf32> to vector<8x50176xf32>
    %swap3A = arith.constant 0 : index
    %swap3A_5 = arith.constant 0 : index
    %swap3A_6 = vector.load %arg2[%swap3A, %swap3A_5] : memref<8x50176xf32, #tpu.memory_space<vmem>>, vector<8x50176xf32>
    tpu.vector_store %arg2[%swap3A, %swap3A_5], %reshape3A_4 {strides = array<i32>} : memref<8x50176xf32, #tpu.memory_space<vmem>>, vector<8x50176xf32>,
    %slice3A = vector.extract_strided_slice %reshape3A_4 {offsets = [0, 0], sizes = [8, 16], strides = [1, 1]} : vector<8x50176xf32> to vector<8x16xf32>
    %swap3A_7 = arith.constant 0 : index
    %swap3A_8 = arith.constant 0 : index
    %swap3A_9 = arith.constant 0 : index
    %swap3A_10 = vector.load %arg3[%swap3A_7, %swap3A_8, %swap3A_9] : memref<8x16x128xf32, #tpu.memory_space<vmem>>, vector<8x1x16xf32>
    %swap3A_11 = vector.shape_cast %swap3A_10 : vector<8x1x16xf32> to vector<8x16xf32>
    %swap3A_12 = vector.shape_cast %slice3A : vector<8x16xf32> to vector<8x1x16xf32>
    tpu.vector_store %arg3[%swap3A_7, %swap3A_8, %swap3A_9], %swap3A_12 {strides = array<i32>} : memref<8x16x128xf32, #tpu.memory_space<vmem>>, vector<8x1x16xf32>,
    %slice3A_13 = vector.extract_strided_slice %reshape3A_4 {offsets = [0, 384], sizes = [8, 16], strides = [1, 1]} : vector<8x50176xf32> to vector<8x16xf32>
    %swap3A_14 = arith.constant 0 : index
    %swap3A_15 = arith.constant 0 : index
    %swap3A_16 = arith.constant 16 : index
    %swap3A_17 = vector.load %arg3[%swap3A_14, %swap3A_15, %swap3A_16] : memref<8x16x128xf32, #tpu.memory_space<vmem>>, vector<8x1x16xf32>
    %swap3A_18 = vector.shape_cast %swap3A_17 : vector<8x1x16xf32> to vector<8x16xf32>
    %swap3A_19 = vector.shape_cast %slice3A_13 : vector<8x16xf32> to vector<8x1x16xf32>
    tpu.vector_store %arg3[%swap3A_14, %swap3A_15, %swap3A_16], %swap3A_19 {strides = array<i32>} : memref<8x16x128xf32, #tpu.memory_space<vmem>>, vector<8x1x16xf32>,
    %slice3A_20 = vector.extract_strided_slice %reshape3A_4 {offsets = [0, 784], sizes = [8, 16], strides = [1, 1]} : vector<8x50176xf32> to vector<8x16xf32>
    %swap3A_21 = arith.constant 0 : index
    %swap3A_22 = arith.constant 0 : index
    %swap3A_23 = arith.constant 32 : index
    %swap3A_24 = vector.load %arg3[%swap3A_21, %swap3A_22, %swap3A_23] : memref<8x16x128xf32, #tpu.memory_space<vmem>>, vector<8x1x16xf32>
    %swap3A_25 = vector.shape_cast %swap3A_24 : vector<8x1x16xf32> to vector<8x16xf32>
    %swap3A_26 = vector.shape_cast %slice3A_20 : vector<8x16xf32> to vector<8x1x16xf32>
    tpu.vector_store %arg3[%swap3A_21, %swap3A_22, %swap3A_23], %swap3A_26 {strides = array<i32>} : memref<8x16x128xf32, #tpu.memory_space<vmem>>, vector<8x1x16xf32>,
    %slice3A_27 = vector.extract_strided_slice %reshape3A_4 {offsets = [0, 1184], sizes = [8, 16], strides = [1, 1]} : vector<8x50176xf32> to vector<8x16xf32>
    %swap3A_28 = arith.constant 0 : index
    %swap3A_29 = arith.constant 0 : index
    %swap3A_30 = arith.constant 48 : index
    %swap3A_31 = vector.load %arg3[%swap3A_28, %swap3A_29, %swap3A_30] : memref<8x16x128xf32, #tpu.memory_space<vmem>>, vector<8x1x16xf32>
    %swap3A_32 = vector.shape_cast %swap3A_31 : vector<8x1x16xf32> to vector<8x16xf32>
    %swap3A_33 = vector.shape_cast %slice3A_27 : vector<8x16xf32> to vector<8x1x16xf32>
    tpu.vector_store %arg3[%swap3A_28, %swap3A_29, %swap3A_30], %swap3A_33 {strides = array<i32>} : memref<8x16x128xf32, #tpu.memory_space<vmem>>, vector<8x1x16xf32>,
    %slice3A_34 = vector.extract_strided_slice %reshape3A_4 {offsets = [0, 1568], sizes = [8, 16], strides = [1, 1]} : vector<8x50176xf32> to vector<8x16xf32>
    %swap3A_35 = arith.constant 0 : index
    %swap3A_36 = arith.constant 0 : index
    %swap3A_37 = arith.constant 64 : index
    %swap3A_38 = vector.load %arg3[%swap3A_35, %swap3A_36, %swap3A_37] : memref<8x16x128xf32, #tpu.memory_space<vmem>>, vector<8x1x16xf32>
    %swap3A_39 = vector.shape_cast %swap3A_38 : vector<8x1x16xf32> to vector<8x16xf32>
    %swap3A_40 = vector.shape_cast %slice3A_34 : vector<8x16xf32> to vector<8x1x16xf32>
    tpu.vector_store %arg3[%swap3A_35, %swap3A_36, %swap3A_37], %swap3A_40 {strides = array<i32>} : memref<8x16x128xf32, #tpu.memory_space<vmem>>, vector<8x1x16xf32>,
    %slice3A_41 = vector.extract_strided_slice %reshape3A_4 {offsets = [0, 1968], sizes = [8, 16], strides = [1, 1]} : vector<8x50176xf32> to vector<8x16xf32>
    %swap3A_42 = arith.constant 0 : index
    %swap3A_43 = arith.constant 0 : index
    %swap3A_44 = arith.constant 80 : index
    %swap3A_45 = vector.load %arg3[%swap3A_42, %swap3A_43, %swap3A_44] : memref<8x16x128xf32, #tpu.memory_space<vmem>>, vector<8x1x16xf32>
    %swap3A_46 = vector.shape_cast %swap3A_45 : vector<8x1x16xf32> to vector<8x16xf32>
    %swap3A_47 = vector.shape_cast %slice3A_41 : vector<8x16xf32> to vector<8x1x16xf32>
    tpu.vector_store %arg3[%swap3A_42, %swap3A_43, %swap3A_44], %swap3A_47 {strides = array<i32>} : memref<8x16x128xf32, #tpu.memory_space<vmem>>, vector<8x1x16xf32>,
    %slice3A_48 = vector.extract_strided_slice %reshape3A_4 {offsets = [0, 2368], sizes = [8, 16], strides = [1, 1]} : vector<8x50176xf32> to vector<8x16xf32>
    %swap3A_49 = arith.constant 0 : index
    %swap3A_50 = arith.constant 0 : index
    %swap3A_51 = arith.constant 96 : index
    %swap3A_52 = vector.load %arg3[%swap3A_49, %swap3A_50, %swap3A_51] : memref<8x16x128xf32, #tpu.memory_space<vmem>>, vector<8x1x16xf32>
    %swap3A_53 = vector.shape_cast %swap3A_52 : vector<8x1x16xf32> to vector<8x16xf32>
    %swap3A_54 = vector.shape_cast %slice3A_48 : vector<8x16xf32> to vector<8x1x16xf32>
    tpu.vector_store %arg3[%swap3A_49, %swap3A_50, %swap3A_51], %swap3A_54 {strides = array<i32>} : memref<8x16x128xf32, #tpu.memory_space<vmem>>, vector<8x1x16xf32>,
    %slice3A_55 = vector.extract_strided_slice %reshape3A_4 {offsets = [0, 2752], sizes = [8, 16], strides = [1, 1]} : vector<8x50176xf32> to vector<8x16xf32>
    %swap3A_56 = arith.constant 0 : index
    %swap3A_57 = arith.constant 0 : index
    %swap3A_58 = arith.constant 112 : index
    %swap3A_59 = vector.load %arg3[%swap3A_56, %swap3A_57, %swap3A_58] : memref<8x16x128xf32, #tpu.memory_space<vmem>>, vector<8x1x16xf32>
    %swap3A_60 = vector.shape_cast %swap3A_59 : vector<8x1x16xf32> to vector<8x16xf32>
    %swap3A_61 = vector.shape_cast %slice3A_55 : vector<8x16xf32> to vector<8x1x16xf32>
    tpu.vector_store %arg3[%swap3A_56, %swap3A_57, %swap3A_58], %swap3A_61 {strides = array<i32>} : memref<8x16x128xf32, #tpu.memory_space<vmem>>, vector<8x1x16xf32>,
    %slice3A_62 = vector.extract_strided_slice %reshape3A_4 {offsets = [0, 3152], sizes = [8, 16], strides = [1, 1]} : vector<8x50176xf32> to vector<8x16xf32>
    %swap3A_63 = arith.constant 0 : index
    %swap3A_64 = arith.constant 1 : index
    %swap3A_65 = arith.constant 0 : index
    %swap3A_66 = vector.load %arg3[%swap3A_63, %swap3A_64, %swap3A_65] : memref<8x16x128xf32, #tpu.memory_space<vmem>>, vector<8x1x16xf32>
    %swap3A_67 = vector.shape_cast %swap3A_66 : vector<8x1x16xf32> to vector<8x16xf32>
    %swap3A_68 = vector.shape_cast %slice3A_62 : vector<8x16xf32> to vector<8x1x16xf32>
    tpu.vector_store %arg3[%swap3A_63, %swap3A_64, %swap3A_65], %swap3A_68 {strides = array<i32>} : memref<8x16x128xf32, #tpu.memory_space<vmem>>, vector<8x1x16xf32>,
    %slice3A_69 = vector.extract_strided_slice %reshape3A_4 {offsets = [0, 3552], sizes = [8, 16], strides = [1, 1]} : vector<8x50176xf32> to vector<8x16xf32>
    %swap3A_70 = arith.constant 0 : index
    %swap3A_71 = arith.constant 1 : index
    %swap3A_72 = arith.constant 16 : index
    %swap3A_73 = vector.load %arg3[%swap3A_70, %swap3A_71, %swap3A_72] : memref<8x16x128xf32, #tpu.memory_space<vmem>>, vector<8x1x16xf32>
    %swap3A_74 = vector.shape_cast %swap3A_73 : vector<8x1x16xf32> to vector<8x16xf32>
    %swap3A_75 = vector.shape_cast %slice3A_69 : vector<8x16xf32> to vector<8x1x16xf32>
    tpu.vector_store %arg3[%swap3A_70, %swap3A_71, %swap3A_72], %swap3A_75 {strides = array<i32>} : memref<8x16x128xf32, #tpu.memory_space<vmem>>, vector<8x1x16xf32>,
    %slice3A_76 = vector.extract_strided_slice %reshape3A_4 {offsets = [0, 3936], sizes = [8, 16], strides = [1, 1]} : vector<8x50176xf32> to vector<8x16xf32>
    %swap3A_77 = arith.constant 0 : index
    %swap3A_78 = arith.constant 1 : index
    %swap3A_79 = arith.constant 32 : index
    %swap3A_80 = vector.load %arg3[%swap3A_77, %swap3A_78, %swap3A_79] : memref<8x16x128xf32, #tpu.memory_space<vmem>>, vector<8x1x16xf32>
    %swap3A_81 = vector.shape_cast %swap3A_80 : vector<8x1x16xf32> to vector<8x16xf32>
    %swap3A_82 = vector.shape_cast %slice3A_76 : vector<8x16xf32> to vector<8x1x16xf32>
    tpu.vector_store %arg3[%swap3A_77, %swap3A_78, %swap3A_79], %swap3A_82 {strides = array<i32>} : memref<8x16x128xf32, #tpu.memory_space<vmem>>, vector<8x1x16xf32>,
    %slice3A_83 = vector.extract_strided_slice %reshape3A_4 {offsets = [0, 4336], sizes = [8, 16], strides = [1, 1]} : vector<8x50176xf32> to vector<8x16xf32>
    %swap3A_84 = arith.constant 0 : index
    %swap3A_85 = arith.constant 1 : index
    %swap3A_86 = arith.constant 48 : index
    %swap3A_87 = vector.load %arg3[%swap3A_84, %swap3A_85, %swap3A_86] : memref<8x16x128xf32, #tpu.memory_space<vmem>>, vector<8x1x16xf32>
    %swap3A_88 = vector.shape_cast %swap3A_87 : vector<8x1x16xf32> to vector<8x16xf32>
    %swap3A_89 = vector.shape_cast %slice3A_83 : vector<8x16xf32> to vector<8x1x16xf32>
    tpu.vector_store %arg3[%swap3A_84, %swap3A_85, %swap3A_86], %swap3A_89 {strides = array<i32>} : memref<8x16x128xf32, #tpu.memory_space<vmem>>, vector<8x1x16xf32>,
    %slice3A_90 = vector.extract_strided_slice %reshape3A_4 {offsets = [0, 4736], sizes = [8, 16], strides = [1, 1]} : vector<8x50176xf32> to vector<8x16xf32>
    %swap3A_91 = arith.constant 0 : index
    %swap3A_92 = arith.constant 1 : index
    %swap3A_93 = arith.constant 64 : index
    %swap3A_94 = vector.load %arg3[%swap3A_91, %swap3A_92, %swap3A_93] : memref<8x16x128xf32, #tpu.memory_space<vmem>>, vector<8x1x16xf32>
    %swap3A_95 = vector.shape_cast %swap3A_94 : vector<8x1x16xf32> to vector<8x16xf32>
    %swap3A_96 = vector.shape_cast %slice3A_90 : vector<8x16xf32> to vector<8x1x16xf32>
    tpu.vector_store %arg3[%swap3A_91, %swap3A_92, %swap3A_93], %swap3A_96 {strides = array<i32>} : memref<8x16x128xf32, #tpu.memory_space<vmem>>, vector<8x1x16xf32>,
    %slice3A_97 = vector.extract_strided_slice %reshape3A_4 {offsets = [0, 5136], sizes = [8, 16], strides = [1, 1]} : vector<8x50176xf32> to vector<8x16xf32>
    %swap3A_98 = arith.constant 0 : index
    %swap3A_99 = arith.constant 1 : index
    %swap3A_100 = arith.constant 80 : index
    %swap3A_101 = vector.load %arg3[%swap3A_98, %swap3A_99, %swap3A_100] : memref<8x16x128xf32, #tpu.memory_space<vmem>>, vector<8x1x16xf32>
    %swap3A_102 = vector.shape_cast %swap3A_101 : vector<8x1x16xf32> to vector<8x16xf32>
    %swap3A_103 = vector.shape_cast %slice3A_97 : vector<8x16xf32> to vector<8x1x16xf32>
    tpu.vector_store %arg3[%swap3A_98, %swap3A_99, %swap3A_100], %swap3A_103 {strides = array<i32>} : memref<8x16x128xf32, #tpu.memory_space<vmem>>, vector<8x1x16xf32>,
    %slice3A_104 = vector.extract_strided_slice %reshape3A_4 {offsets = [0, 5520], sizes = [8, 16], strides = [1, 1]} : vector<8x50176xf32> to vector<8x16xf32>
    %swap3A_105 = arith.constant 0 : index
    %swap3A_106 = arith.constant 1 : index
    %swap3A_107 = arith.constant 96 : index
    %swap3A_108 = vector.load %arg3[%swap3A_105, %swap3A_106, %swap3A_107] : memref<8x16x128xf32, #tpu.memory_space<vmem>>, vector<8x1x16xf32>
    %swap3A_109 = vector.shape_cast %swap3A_108 : vector<8x1x16xf32> to vector<8x16xf32>
    %swap3A_110 = vector.shape_cast %slice3A_104 : vector<8x16xf32> to vector<8x1x16xf32>
    tpu.vector_store %arg3[%swap3A_105, %swap3A_106, %swap3A_107], %swap3A_110 {strides = array<i32>} : memref<8x16x128xf32, #tpu.memory_space<vmem>>, vector<8x1x16xf32>,
    %slice3A_111 = vector.extract_strided_slice %reshape3A_4 {offsets = [0, 5920], sizes = [8, 16], strides = [1, 1]} : vector<8x50176xf32> to vector<8x16xf32>
    %swap3A_112 = arith.constant 0 : index
    %swap3A_113 = arith.constant 1 : index
    %swap3A_114 = arith.constant 112 : index
    %swap3A_115 = vector.load %arg3[%swap3A_112, %swap3A_113, %swap3A_114] : memref<8x16x128xf32, #tpu.memory_space<vmem>>, vector<8x1x16xf32>
    %swap3A_116 = vector.shape_cast %swap3A_115 : vector<8x1x16xf32> to vector<8x16xf32>
    %swap3A_117 = vector.shape_cast %slice3A_111 : vector<8x16xf32> to vector<8x1x16xf32>
    tpu.vector_store %arg3[%swap3A_112, %swap3A_113, %swap3A_114], %swap3A_117 {strides = array<i32>} : memref<8x16x128xf32, #tpu.memory_space<vmem>>, vector<8x1x16xf32>,
    %slice3A_118 = vector.extract_strided_slice %reshape3A_4 {offsets = [0, 6320], sizes = [8, 16], strides = [1, 1]} : vector<8x50176xf32> to vector<8x16xf32>
    %swap3A_119 = arith.constant 0 : index
    %swap3A_120 = arith.constant 2 : index
    %swap3A_121 = arith.constant 0 : index
    %swap3A_122 = vector.load %arg3[%swap3A_119, %swap3A_120, %swap3A_121] : memref<8x16x128xf32, #tpu.memory_space<vmem>>, vector<8x1x16xf32>
    %swap3A_123 = vector.shape_cast %swap3A_122 : vector<8x1x16xf32> to vector<8x16xf32>
    %swap3A_124 = vector.shape_cast %slice3A_118 : vector<8x16xf32> to vector<8x1x16xf32>
    tpu.vector_store %arg3[%swap3A_119, %swap3A_120, %swap3A_121], %swap3A_124 {strides = array<i32>} : memref<8x16x128xf32, #tpu.memory_space<vmem>>, vector<8x1x16xf32>,
    %slice3A_125 = vector.extract_strided_slice %reshape3A_4 {offsets = [0, 6704], sizes = [8, 16], strides = [1, 1]} : vector<8x50176xf32> to vector<8x16xf32>
    %swap3A_126 = arith.constant 0 : index
    %swap3A_127 = arith.constant 2 : index
    %swap3A_128 = arith.constant 16 : index
    %swap3A_129 = vector.load %arg3[%swap3A_126, %swap3A_127, %swap3A_128] : memref<8x16x128xf32, #tpu.memory_space<vmem>>, vector<8x1x16xf32>
    %swap3A_130 = vector.shape_cast %swap3A_129 : vector<8x1x16xf32> to vector<8x16xf32>
    %swap3A_131 = vector.shape_cast %slice3A_125 : vector<8x16xf32> to vector<8x1x16xf32>
    tpu.vector_store %arg3[%swap3A_126, %swap3A_127, %swap3A_128], %swap3A_131 {strides = array<i32>} : memref<8x16x128xf32, #tpu.memory_space<vmem>>, vector<8x1x16xf32>,
    %slice3A_132 = vector.extract_strided_slice %reshape3A_4 {offsets = [0, 7104], sizes = [8, 16], strides = [1, 1]} : vector<8x50176xf32> to vector<8x16xf32>
    %swap3A_133 = arith.constant 0 : index
    %swap3A_134 = arith.constant 2 : index
    %swap3A_135 = arith.constant 32 : index
    %swap3A_136 = vector.load %arg3[%swap3A_133, %swap3A_134, %swap3A_135] : memref<8x16x128xf32, #tpu.memory_space<vmem>>, vector<8x1x16xf32>
    %swap3A_137 = vector.shape_cast %swap3A_136 : vector<8x1x16xf32> to vector<8x16xf32>
    %swap3A_138 = vector.shape_cast %slice3A_132 : vector<8x16xf32> to vector<8x1x16xf32>
    tpu.vector_store %arg3[%swap3A_133, %swap3A_134, %swap3A_135], %swap3A_138 {strides = array<i32>} : memref<8x16x128xf32, #tpu.memory_space<vmem>>, vector<8x1x16xf32>,
    %slice3A_139 = vector.extract_strided_slice %reshape3A_4 {offsets = [0, 7504], sizes = [8, 16], strides = [1, 1]} : vector<8x50176xf32> to vector<8x16xf32>
    %swap3A_140 = arith.constant 0 : index
    %swap3A_141 = arith.constant 2 : index
    %swap3A_142 = arith.constant 48 : index
    %swap3A_143 = vector.load %arg3[%swap3A_140, %swap3A_141, %swap3A_142] : memref<8x16x128xf32, #tpu.memory_space<vmem>>, vector<8x1x16xf32>
    %swap3A_144 = vector.shape_cast %swap3A_143 : vector<8x1x16xf32> to vector<8x16xf32>
    %swap3A_145 = vector.shape_cast %slice3A_139 : vector<8x16xf32> to vector<8x1x16xf32>
    tpu.vector_store %arg3[%swap3A_140, %swap3A_141, %swap3A_142], %swap3A_145 {strides = array<i32>} : memref<8x16x128xf32, #tpu.memory_space<vmem>>, vector<8x1x16xf32>,
    %slice3A_146 = vector.extract_strided_slice %reshape3A_4 {offsets = [0, 7888], sizes = [8, 16], strides = [1, 1]} : vector<8x50176xf32> to vector<8x16xf32>
    %swap3A_147 = arith.constant 0 : index
    %swap3A_148 = arith.constant 2 : index
    %swap3A_149 = arith.constant 64 : index
    %swap3A_150 = vector.load %arg3[%swap3A_147, %swap3A_148, %swap3A_149] : memref<8x16x128xf32, #tpu.memory_space<vmem>>, vector<8x1x16xf32>
    %swap3A_151 = vector.shape_cast %swap3A_150 : vector<8x1x16xf32> to vector<8x16xf32>
    %swap3A_152 = vector.shape_cast %slice3A_146 : vector<8x16xf32> to vector<8x1x16xf32>
    tpu.vector_store %arg3[%swap3A_147, %swap3A_148, %swap3A_149], %swap3A_152 {strides = array<i32>} : memref<8x16x128xf32, #tpu.memory_space<vmem>>, vector<8x1x16xf32>,
    %slice3A_153 = vector.extract_strided_slice %reshape3A_4 {offsets = [0, 8288], sizes = [8, 16], strides = [1, 1]} : vector<8x50176xf32> to vector<8x16xf32>
    %swap3A_154 = arith.constant 0 : index
    %swap3A_155 = arith.constant 2 : index
    %swap3A_156 = arith.constant 80 : index
    %swap3A_157 = vector.load %arg3[%swap3A_154, %swap3A_155, %swap3A_156] : memref<8x16x128xf32, #tpu.memory_space<vmem>>, vector<8x1x16xf32>
    %swap3A_158 = vector.shape_cast %swap3A_157 : vector<8x1x16xf32> to vector<8x16xf32>
    %swap3A_159 = vector.shape_cast %slice3A_153 : vector<8x16xf32> to vector<8x1x16xf32>
    tpu.vector_store %arg3[%swap3A_154, %swap3A_155, %swap3A_156], %swap3A_159 {strides = array<i32>} : memref<8x16x128xf32, #tpu.memory_space<vmem>>, vector<8x1x16xf32>,
    %slice3A_160 = vector.extract_strided_slice %reshape3A_4 {offsets = [0, 8688], sizes = [8, 16], strides = [1, 1]} : vector<8x50176xf32> to vector<8x16xf32>
    %swap3A_161 = arith.constant 0 : index
    %swap3A_162 = arith.constant 2 : index
    %swap3A_163 = arith.constant 96 : index
    %swap3A_164 = vector.load %arg3[%swap3A_161, %swap3A_162, %swap3A_163] : memref<8x16x128xf32, #tpu.memory_space<vmem>>, vector<8x1x16xf32>
    %swap3A_165 = vector.shape_cast %swap3A_164 : vector<8x1x16xf32> to vector<8x16xf32>
    %swap3A_166 = vector.shape_cast %slice3A_160 : vector<8x16xf32> to vector<8x1x16xf32>
    tpu.vector_store %arg3[%swap3A_161, %swap3A_162, %swap3A_163], %swap3A_166 {strides = array<i32>} : memref<8x16x128xf32, #tpu.memory_space<vmem>>, vector<8x1x16xf32>,
    %slice3A_167 = vector.extract_strided_slice %reshape3A_4 {offsets = [0, 9072], sizes = [8, 16], strides = [1, 1]} : vector<8x50176xf32> to vector<8x16xf32>
    %swap3A_168 = arith.constant 0 : index
    %swap3A_169 = arith.constant 2 : index
    %swap3A_170 = arith.constant 112 : index
    %swap3A_171 = vector.load %arg3[%swap3A_168, %swap3A_169, %swap3A_170] : memref<8x16x128xf32, #tpu.memory_space<vmem>>, vector<8x1x16xf32>
    %swap3A_172 = vector.shape_cast %swap3A_171 : vector<8x1x16xf32> to vector<8x16xf32>
    %swap3A_173 = vector.shape_cast %slice3A_167 : vector<8x16xf32> to vector<8x1x16xf32>
    tpu.vector_store %arg3[%swap3A_168, %swap3A_169, %swap3A_170], %swap3A_173 {strides = array<i32>} : memref<8x16x128xf32, #tpu.memory_space<vmem>>, vector<8x1x16xf32>,
    %slice3A_174 = vector.extract_strided_slice %reshape3A_4 {offsets = [0, 9472], sizes = [8, 16], strides = [1, 1]} : vector<8x50176xf32> to vector<8x16xf32>
    %swap3A_175 = arith.constant 0 : index
    %swap3A_176 = arith.constant 3 : index
    %swap3A_177 = arith.constant 0 : index
    %swap3A_178 = vector.load %arg3[%swap3A_175, %swap3A_176, %swap3A_177] : memref<8x16x128xf32, #tpu.memory_space<vmem>>, vector<8x1x16xf32>
    %swap3A_179 = vector.shape_cast %swap3A_178 : vector<8x1x16xf32> to vector<8x16xf32>
    %swap3A_180 = vector.shape_cast %slice3A_174 : vector<8x16xf32> to vector<8x1x16xf32>
    tpu.vector_store %arg3[%swap3A_175, %swap3A_176, %swap3A_177], %swap3A_180 {strides = array<i32>} : memref<8x16x128xf32, #tpu.memory_space<vmem>>, vector<8x1x16xf32>,
    %slice3A_181 = vector.extract_strided_slice %reshape3A_4 {offsets = [0, 9872], sizes = [8, 16], strides = [1, 1]} : vector<8x50176xf32> to vector<8x16xf32>
    %swap3A_182 = arith.constant 0 : index
    %swap3A_183 = arith.constant 3 : index
    %swap3A_184 = arith.constant 16 : index
    %swap3A_185 = vector.load %arg3[%swap3A_182, %swap3A_183, %swap3A_184] : memref<8x16x128xf32, #tpu.memory_space<vmem>>, vector<8x1x16xf32>
    %swap3A_186 = vector.shape_cast %swap3A_185 : vector<8x1x16xf32> to vector<8x16xf32>
    %swap3A_187 = vector.shape_cast %slice3A_181 : vector<8x16xf32> to vector<8x1x16xf32>
    tpu.vector_store %arg3[%swap3A_182, %swap3A_183, %swap3A_184], %swap3A_187 {strides = array<i32>} : memref<8x16x128xf32, #tpu.memory_space<vmem>>, vector<8x1x16xf32>,
    %slice3A_188 = vector.extract_strided_slice %reshape3A_4 {offsets = [0, 10272], sizes = [8, 16], strides = [1, 1]} : vector<8x50176xf32> to vector<8x16xf32>
    %swap3A_189 = arith.constant 0 : index
    %swap3A_190 = arith.constant 3 : index
    %swap3A_191 = arith.constant 32 : index
    %swap3A_192 = vector.load %arg3[%swap3A_189, %swap3A_190, %swap3A_191] : memref<8x16x128xf32, #tpu.memory_space<vmem>>, vector<8x1x16xf32>
    %swap3A_193 = vector.shape_cast %swap3A_192 : vector<8x1x16xf32> to vector<8x16xf32>
    %swap3A_194 = vector.shape_cast %slice3A_188 : vector<8x16xf32> to vector<8x1x16xf32>
    tpu.vector_store %arg3[%swap3A_189, %swap3A_190, %swap3A_191], %swap3A_194 {strides = array<i32>} : memref<8x16x128xf32, #tpu.memory_space<vmem>>, vector<8x1x16xf32>,
    %slice3A_195 = vector.extract_strided_slice %reshape3A_4 {offsets = [0, 10656], sizes = [8, 16], strides = [1, 1]} : vector<8x50176xf32> to vector<8x16xf32>
    %swap3A_196 = arith.constant 0 : index
    %swap3A_197 = arith.constant 3 : index
    %swap3A_198 = arith.constant 48 : index
    %swap3A_199 = vector.load %arg3[%swap3A_196, %swap3A_197, %swap3A_198] : memref<8x16x128xf32, #tpu.memory_space<vmem>>, vector<8x1x16xf32>
    %swap3A_200 = vector.shape_cast %swap3A_199 : vector<8x1x16xf32> to vector<8x16xf32>
    %swap3A_201 = vector.shape_cast %slice3A_195 : vector<8x16xf32> to vector<8x1x16xf32>
    tpu.vector_store %arg3[%swap3A_196, %swap3A_197, %swap3A_198], %swap3A_201 {strides = array<i32>} : memref<8x16x128xf32, #tpu.memory_space<vmem>>, vector<8x1x16xf32>,
    %slice3A_202 = vector.extract_strided_slice %reshape3A_4 {offsets = [0, 11056], sizes = [8, 16], strides = [1, 1]} : vector<8x50176xf32> to vector<8x16xf32>
    %swap3A_203 = arith.constant 0 : index
    %swap3A_204 = arith.constant 3 : index
    %swap3A_205 = arith.constant 64 : index
    %swap3A_206 = vector.load %arg3[%swap3A_203, %swap3A_204, %swap3A_205] : memref<8x16x128xf32, #tpu.memory_space<vmem>>, vector<8x1x16xf32>
    %swap3A_207 = vector.shape_cast %swap3A_206 : vector<8x1x16xf32> to vector<8x16xf32>
    %swap3A_208 = vector.shape_cast %slice3A_202 : vector<8x16xf32> to vector<8x1x16xf32>
    tpu.vector_store %arg3[%swap3A_203, %swap3A_204, %swap3A_205], %swap3A_208 {strides = array<i32>} : memref<8x16x128xf32, #tpu.memory_space<vmem>>, vector<8x1x16xf32>,
    %slice3A_209 = vector.extract_strided_slice %reshape3A_4 {offsets = [0, 11456], sizes = [8, 16], strides = [1, 1]} : vector<8x50176xf32> to vector<8x16xf32>
    %swap3A_210 = arith.constant 0 : index
    %swap3A_211 = arith.constant 3 : index
    %swap3A_212 = arith.constant 80 : index
    %swap3A_213 = vector.load %arg3[%swap3A_210, %swap3A_211, %swap3A_212] : memref<8x16x128xf32, #tpu.memory_space<vmem>>, vector<8x1x16xf32>
    %swap3A_214 = vector.shape_cast %swap3A_213 : vector<8x1x16xf32> to vector<8x16xf32>
    %swap3A_215 = vector.shape_cast %slice3A_209 : vector<8x16xf32> to vector<8x1x16xf32>
    tpu.vector_store %arg3[%swap3A_210, %swap3A_211, %swap3A_212], %swap3A_215 {strides = array<i32>} : memref<8x16x128xf32, #tpu.memory_space<vmem>>, vector<8x1x16xf32>,
    %slice3A_216 = vector.extract_strided_slice %reshape3A_4 {offsets = [0, 11840], sizes = [8, 16], strides = [1, 1]} : vector<8x50176xf32> to vector<8x16xf32>
    %swap3A_217 = arith.constant 0 : index
    %swap3A_218 = arith.constant 3 : index
    %swap3A_219 = arith.constant 96 : index
    %swap3A_220 = vector.load %arg3[%swap3A_217, %swap3A_218, %swap3A_219] : memref<8x16x128xf32, #tpu.memory_space<vmem>>, vector<8x1x16xf32>
    %swap3A_221 = vector.shape_cast %swap3A_220 : vector<8x1x16xf32> to vector<8x16xf32>
    %swap3A_222 = vector.shape_cast %slice3A_216 : vector<8x16xf32> to vector<8x1x16xf32>
    tpu.vector_store %arg3[%swap3A_217, %swap3A_218, %swap3A_219], %swap3A_222 {strides = array<i32>} : memref<8x16x128xf32, #tpu.memory_space<vmem>>, vector<8x1x16xf32>,
    %slice3A_223 = vector.extract_strided_slice %reshape3A_4 {offsets = [0, 12240], sizes = [8, 16], strides = [1, 1]} : vector<8x50176xf32> to vector<8x16xf32>
    %swap3A_224 = arith.constant 0 : index
    %swap3A_225 = arith.constant 3 : index
    %swap3A_226 = arith.constant 112 : index
    %swap3A_227 = vector.load %arg3[%swap3A_224, %swap3A_225, %swap3A_226] : memref<8x16x128xf32, #tpu.memory_space<vmem>>, vector<8x1x16xf32>
    %swap3A_228 = vector.shape_cast %swap3A_227 : vector<8x1x16xf32> to vector<8x16xf32>
    %swap3A_229 = vector.shape_cast %slice3A_223 : vector<8x16xf32> to vector<8x1x16xf32>
    tpu.vector_store %arg3[%swap3A_224, %swap3A_225, %swap3A_226], %swap3A_229 {strides = array<i32>} : memref<8x16x128xf32, #tpu.memory_space<vmem>>, vector<8x1x16xf32>,
    %slice3A_230 = vector.extract_strided_slice %reshape3A_4 {offsets = [0, 12640], sizes = [8, 16], strides = [1, 1]} : vector<8x50176xf32> to vector<8x16xf32>
    %swap3A_231 = arith.constant 0 : index
    %swap3A_232 = arith.constant 4 : index
    %swap3A_233 = arith.constant 0 : index
    %swap3A_234 = vector.load %arg3[%swap3A_231, %swap3A_232, %swap3A_233] : memref<8x16x128xf32, #tpu.memory_space<vmem>>, vector<8x1x16xf32>
    %swap3A_235 = vector.shape_cast %swap3A_234 : vector<8x1x16xf32> to vector<8x16xf32>
    %swap3A_236 = vector.shape_cast %slice3A_230 : vector<8x16xf32> to vector<8x1x16xf32>
    tpu.vector_store %arg3[%swap3A_231, %swap3A_232, %swap3A_233], %swap3A_236 {strides = array<i32>} : memref<8x16x128xf32, #tpu.memory_space<vmem>>, vector<8x1x16xf32>,
    %slice3A_237 = vector.extract_strided_slice %reshape3A_4 {offsets = [0, 13024], sizes = [8, 16], strides = [1, 1]} : vector<8x50176xf32> to vector<8x16xf32>
    %swap3A_238 = arith.constant 0 : index
    %swap3A_239 = arith.constant 4 : index
    %swap3A_240 = arith.constant 16 : index
    %swap3A_241 = vector.load %arg3[%swap3A_238, %swap3A_239, %swap3A_240] : memref<8x16x128xf32, #tpu.memory_space<vmem>>, vector<8x1x16xf32>
    %swap3A_242 = vector.shape_cast %swap3A_241 : vector<8x1x16xf32> to vector<8x16xf32>
    %swap3A_243 = vector.shape_cast %slice3A_237 : vector<8x16xf32> to vector<8x1x16xf32>
    tpu.vector_store %arg3[%swap3A_238, %swap3A_239, %swap3A_240], %swap3A_243 {strides = array<i32>} : memref<8x16x128xf32, #tpu.memory_space<vmem>>, vector<8x1x16xf32>,
    %slice3A_244 = vector.extract_strided_slice %reshape3A_4 {offsets = [0, 13424], sizes = [8, 16], strides = [1, 1]} : vector<8x50176xf32> to vector<8x16xf32>
    %swap3A_245 = arith.constant 0 : index
    %swap3A_246 = arith.constant 4 : index
    %swap3A_247 = arith.constant 32 : index
    %swap3A_248 = vector.load %arg3[%swap3A_245, %swap3A_246, %swap3A_247] : memref<8x16x128xf32, #tpu.memory_space<vmem>>, vector<8x1x16xf32>
    %swap3A_249 = vector.shape_cast %swap3A_248 : vector<8x1x16xf32> to vector<8x16xf32>
    %swap3A_250 = vector.shape_cast %slice3A_244 : vector<8x16xf32> to vector<8x1x16xf32>
    tpu.vector_store %arg3[%swap3A_245, %swap3A_246, %swap3A_247], %swap3A_250 {strides = array<i32>} : memref<8x16x128xf32, #tpu.memory_space<vmem>>, vector<8x1x16xf32>,
    %slice3A_251 = vector.extract_strided_slice %reshape3A_4 {offsets = [0, 13824], sizes = [8, 16], strides = [1, 1]} : vector<8x50176xf32> to vector<8x16xf32>
    %swap3A_252 = arith.constant 0 : index
    %swap3A_253 = arith.constant 4 : index
    %swap3A_254 = arith.constant 48 : index
    %swap3A_255 = vector.load %arg3[%swap3A_252, %swap3A_253, %swap3A_254] : memref<8x16x128xf32, #tpu.memory_space<vmem>>, vector<8x1x16xf32>
    %swap3A_256 = vector.shape_cast %swap3A_255 : vector<8x1x16xf32> to vector<8x16xf32>
    %swap3A_257 = vector.shape_cast %slice3A_251 : vector<8x16xf32> to vector<8x1x16xf32>
    tpu.vector_store %arg3[%swap3A_252, %swap3A_253, %swap3A_254], %swap3A_257 {strides = array<i32>} : memref<8x16x128xf32, #tpu.memory_space<vmem>>, vector<8x1x16xf32>,
    %slice3A_258 = vector.extract_strided_slice %reshape3A_4 {offsets = [0, 14208], sizes = [8, 16], strides = [1, 1]} : vector<8x50176xf32> to vector<8x16xf32>
    %swap3A_259 = arith.constant 0 : index
    %swap3A_260 = arith.constant 4 : index
    %swap3A_261 = arith.constant 64 : index
    %swap3A_262 = vector.load %arg3[%swap3A_259, %swap3A_260, %swap3A_261] : memref<8x16x128xf32, #tpu.memory_space<vmem>>, vector<8x1x16xf32>
    %swap3A_263 = vector.shape_cast %swap3A_262 : vector<8x1x16xf32> to vector<8x16xf32>
    %swap3A_264 = vector.shape_cast %slice3A_258 : vector<8x16xf32> to vector<8x1x16xf32>
    tpu.vector_store %arg3[%swap3A_259, %swap3A_260, %swap3A_261], %swap3A_264 {strides = array<i32>} : memref<8x16x128xf32, #tpu.memory_space<vmem>>, vector<8x1x16xf32>,
    %slice3A_265 = vector.extract_strided_slice %reshape3A_4 {offsets = [0, 14608], sizes = [8, 16], strides = [1, 1]} : vector<8x50176xf32> to vector<8x16xf32>
    %swap3A_266 = arith.constant 0 : index
    %swap3A_267 = arith.constant 4 : index
    %swap3A_268 = arith.constant 80 : index
    %swap3A_269 = vector.load %arg3[%swap3A_266, %swap3A_267, %swap3A_268] : memref<8x16x128xf32, #tpu.memory_space<vmem>>, vector<8x1x16xf32>
    %swap3A_270 = vector.shape_cast %swap3A_269 : vector<8x1x16xf32> to vector<8x16xf32>
    %swap3A_271 = vector.shape_cast %slice3A_265 : vector<8x16xf32> to vector<8x1x16xf32>
    tpu.vector_store %arg3[%swap3A_266, %swap3A_267, %swap3A_268], %swap3A_271 {strides = array<i32>} : memref<8x16x128xf32, #tpu.memory_space<vmem>>, vector<8x1x16xf32>,
    %slice3A_272 = vector.extract_strided_slice %reshape3A_4 {offsets = [0, 15008], sizes = [8, 16], strides = [1, 1]} : vector<8x50176xf32> to vector<8x16xf32>
    %swap3A_273 = arith.constant 0 : index
    %swap3A_274 = arith.constant 4 : index
    %swap3A_275 = arith.constant 96 : index
    %swap3A_276 = vector.load %arg3[%swap3A_273, %swap3A_274, %swap3A_275] : memref<8x16x128xf32, #tpu.memory_space<vmem>>, vector<8x1x16xf32>
    %swap3A_277 = vector.shape_cast %swap3A_276 : vector<8x1x16xf32> to vector<8x16xf32>
    %swap3A_278 = vector.shape_cast %slice3A_272 : vector<8x16xf32> to vector<8x1x16xf32>
    tpu.vector_store %arg3[%swap3A_273, %swap3A_274, %swap3A_275], %swap3A_278 {strides = array<i32>} : memref<8x16x128xf32, #tpu.memory_space<vmem>>, vector<8x1x16xf32>,
    %slice3A_279 = vector.extract_strided_slice %reshape3A_4 {offsets = [0, 15408], sizes = [8, 16], strides = [1, 1]} : vector<8x50176xf32> to vector<8x16xf32>
    %swap3A_280 = arith.constant 0 : index
    %swap3A_281 = arith.constant 4 : index
    %swap3A_282 = arith.constant 112 : index
    %swap3A_283 = vector.load %arg3[%swap3A_280, %swap3A_281, %swap3A_282] : memref<8x16x128xf32, #tpu.memory_space<vmem>>, vector<8x1x16xf32>
    %swap3A_284 = vector.shape_cast %swap3A_283 : vector<8x1x16xf32> to vector<8x16xf32>
    %swap3A_285 = vector.shape_cast %slice3A_279 : vector<8x16xf32> to vector<8x1x16xf32>
    tpu.vector_store %arg3[%swap3A_280, %swap3A_281, %swap3A_282], %swap3A_285 {strides = array<i32>} : memref<8x16x128xf32, #tpu.memory_space<vmem>>, vector<8x1x16xf32>,
    %slice3A_286 = vector.extract_strided_slice %reshape3A_4 {offsets = [0, 15792], sizes = [8, 16], strides = [1, 1]} : vector<8x50176xf32> to vector<8x16xf32>
    %swap3A_287 = arith.constant 0 : index
    %swap3A_288 = arith.constant 5 : index
    %swap3A_289 = arith.constant 0 : index
    %swap3A_290 = vector.load %arg3[%swap3A_287, %swap3A_288, %swap3A_289] : memref<8x16x128xf32, #tpu.memory_space<vmem>>, vector<8x1x16xf32>
    %swap3A_291 = vector.shape_cast %swap3A_290 : vector<8x1x16xf32> to vector<8x16xf32>
    %swap3A_292 = vector.shape_cast %slice3A_286 : vector<8x16xf32> to vector<8x1x16xf32>
    tpu.vector_store %arg3[%swap3A_287, %swap3A_288, %swap3A_289], %swap3A_292 {strides = array<i32>} : memref<8x16x128xf32, #tpu.memory_space<vmem>>, vector<8x1x16xf32>,
    %slice3A_293 = vector.extract_strided_slice %reshape3A_4 {offsets = [0, 16192], sizes = [8, 16], strides = [1, 1]} : vector<8x50176xf32> to vector<8x16xf32>
    %swap3A_294 = arith.constant 0 : index
    %swap3A_295 = arith.constant 5 : index
    %swap3A_296 = arith.constant 16 : index
    %swap3A_297 = vector.load %arg3[%swap3A_294, %swap3A_295, %swap3A_296] : memref<8x16x128xf32, #tpu.memory_space<vmem>>, vector<8x1x16xf32>
    %swap3A_298 = vector.shape_cast %swap3A_297 : vector<8x1x16xf32> to vector<8x16xf32>
    %swap3A_299 = vector.shape_cast %slice3A_293 : vector<8x16xf32> to vector<8x1x16xf32>
    tpu.vector_store %arg3[%swap3A_294, %swap3A_295, %swap3A_296], %swap3A_299 {strides = array<i32>} : memref<8x16x128xf32, #tpu.memory_space<vmem>>, vector<8x1x16xf32>,
    %slice3A_300 = vector.extract_strided_slice %reshape3A_4 {offsets = [0, 16592], sizes = [8, 16], strides = [1, 1]} : vector<8x50176xf32> to vector<8x16xf32>
    %swap3A_301 = arith.constant 0 : index
    %swap3A_302 = arith.constant 5 : index
    %swap3A_303 = arith.constant 32 : index
    %swap3A_304 = vector.load %arg3[%swap3A_301, %swap3A_302, %swap3A_303] : memref<8x16x128xf32, #tpu.memory_space<vmem>>, vector<8x1x16xf32>
    %swap3A_305 = vector.shape_cast %swap3A_304 : vector<8x1x16xf32> to vector<8x16xf32>
    %swap3A_306 = vector.shape_cast %slice3A_300 : vector<8x16xf32> to vector<8x1x16xf32>
    tpu.vector_store %arg3[%swap3A_301, %swap3A_302, %swap3A_303], %swap3A_306 {strides = array<i32>} : memref<8x16x128xf32, #tpu.memory_space<vmem>>, vector<8x1x16xf32>,
    %slice3A_307 = vector.extract_strided_slice %reshape3A_4 {offsets = [0, 16976], sizes = [8, 16], strides = [1, 1]} : vector<8x50176xf32> to vector<8x16xf32>
    %swap3A_308 = arith.constant 0 : index
    %swap3A_309 = arith.constant 5 : index
    %swap3A_310 = arith.constant 48 : index
    %swap3A_311 = vector.load %arg3[%swap3A_308, %swap3A_309, %swap3A_310] : memref<8x16x128xf32, #tpu.memory_space<vmem>>, vector<8x1x16xf32>
    %swap3A_312 = vector.shape_cast %swap3A_311 : vector<8x1x16xf32> to vector<8x16xf32>
    %swap3A_313 = vector.shape_cast %slice3A_307 : vector<8x16xf32> to vector<8x1x16xf32>
    tpu.vector_store %arg3[%swap3A_308, %swap3A_309, %swap3A_310], %swap3A_313 {strides = array<i32>} : memref<8x16x128xf32, #tpu.memory_space<vmem>>, vector<8x1x16xf32>,
    %slice3A_314 = vector.extract_strided_slice %reshape3A_4 {offsets = [0, 17376], sizes = [8, 16], strides = [1, 1]} : vector<8x50176xf32> to vector<8x16xf32>
    %swap3A_315 = arith.constant 0 : index
    %swap3A_316 = arith.constant 5 : index
    %swap3A_317 = arith.constant 64 : index
    %swap3A_318 = vector.load %arg3[%swap3A_315, %swap3A_316, %swap3A_317] : memref<8x16x128xf32, #tpu.memory_space<vmem>>, vector<8x1x16xf32>
    %swap3A_319 = vector.shape_cast %swap3A_318 : vector<8x1x16xf32> to vector<8x16xf32>
    %swap3A_320 = vector.shape_cast %slice3A_314 : vector<8x16xf32> to vector<8x1x16xf32>
    tpu.vector_store %arg3[%swap3A_315, %swap3A_316, %swap3A_317], %swap3A_320 {strides = array<i32>} : memref<8x16x128xf32, #tpu.memory_space<vmem>>, vector<8x1x16xf32>,
    %slice3A_321 = vector.extract_strided_slice %reshape3A_4 {offsets = [0, 17776], sizes = [8, 16], strides = [1, 1]} : vector<8x50176xf32> to vector<8x16xf32>
    %swap3A_322 = arith.constant 0 : index
    %swap3A_323 = arith.constant 5 : index
    %swap3A_324 = arith.constant 80 : index
    %swap3A_325 = vector.load %arg3[%swap3A_322, %swap3A_323, %swap3A_324] : memref<8x16x128xf32, #tpu.memory_space<vmem>>, vector<8x1x16xf32>
    %swap3A_326 = vector.shape_cast %swap3A_325 : vector<8x1x16xf32> to vector<8x16xf32>
    %swap3A_327 = vector.shape_cast %slice3A_321 : vector<8x16xf32> to vector<8x1x16xf32>
    tpu.vector_store %arg3[%swap3A_322, %swap3A_323, %swap3A_324], %swap3A_327 {strides = array<i32>} : memref<8x16x128xf32, #tpu.memory_space<vmem>>, vector<8x1x16xf32>,
    %slice3A_328 = vector.extract_strided_slice %reshape3A_4 {offsets = [0, 18160], sizes = [8, 16], strides = [1, 1]} : vector<8x50176xf32> to vector<8x16xf32>
    %swap3A_329 = arith.constant 0 : index
    %swap3A_330 = arith.constant 5 : index
    %swap3A_331 = arith.constant 96 : index
    %swap3A_332 = vector.load %arg3[%swap3A_329, %swap3A_330, %swap3A_331] : memref<8x16x128xf32, #tpu.memory_space<vmem>>, vector<8x1x16xf32>
    %swap3A_333 = vector.shape_cast %swap3A_332 : vector<8x1x16xf32> to vector<8x16xf32>
    %swap3A_334 = vector.shape_cast %slice3A_328 : vector<8x16xf32> to vector<8x1x16xf32>
    tpu.vector_store %arg3[%swap3A_329, %swap3A_330, %swap3A_331], %swap3A_334 {strides = array<i32>} : memref<8x16x128xf32, #tpu.memory_space<vmem>>, vector<8x1x16xf32>,
    %slice3A_335 = vector.extract_strided_slice %reshape3A_4 {offsets = [0, 18560], sizes = [8, 16], strides = [1, 1]} : vector<8x50176xf32> to vector<8x16xf32>
    %swap3A_336 = arith.constant 0 : index
    %swap3A_337 = arith.constant 5 : index
    %swap3A_338 = arith.constant 112 : index
    %swap3A_339 = vector.load %arg3[%swap3A_336, %swap3A_337, %swap3A_338] : memref<8x16x128xf32, #tpu.memory_space<vmem>>, vector<8x1x16xf32>
    %swap3A_340 = vector.shape_cast %swap3A_339 : vector<8x1x16xf32> to vector<8x16xf32>
    %swap3A_341 = vector.shape_cast %slice3A_335 : vector<8x16xf32> to vector<8x1x16xf32>
    tpu.vector_store %arg3[%swap3A_336, %swap3A_337, %swap3A_338], %swap3A_341 {strides = array<i32>} : memref<8x16x128xf32, #tpu.memory_space<vmem>>, vector<8x1x16xf32>,
    %slice3A_342 = vector.extract_strided_slice %reshape3A_4 {offsets = [0, 18960], sizes = [8, 16], strides = [1, 1]} : vector<8x50176xf32> to vector<8x16xf32>
    %swap3A_343 = arith.constant 0 : index
    %swap3A_344 = arith.constant 6 : index
    %swap3A_345 = arith.constant 0 : index
    %swap3A_346 = vector.load %arg3[%swap3A_343, %swap3A_344, %swap3A_345] : memref<8x16x128xf32, #tpu.memory_space<vmem>>, vector<8x1x16xf32>
    %swap3A_347 = vector.shape_cast %swap3A_346 : vector<8x1x16xf32> to vector<8x16xf32>
    %swap3A_348 = vector.shape_cast %slice3A_342 : vector<8x16xf32> to vector<8x1x16xf32>
    tpu.vector_store %arg3[%swap3A_343, %swap3A_344, %swap3A_345], %swap3A_348 {strides = array<i32>} : memref<8x16x128xf32, #tpu.memory_space<vmem>>, vector<8x1x16xf32>,
    %slice3A_349 = vector.extract_strided_slice %reshape3A_4 {offsets = [0, 19344], sizes = [8, 16], strides = [1, 1]} : vector<8x50176xf32> to vector<8x16xf32>
    %swap3A_350 = arith.constant 0 : index
    %swap3A_351 = arith.constant 6 : index
    %swap3A_352 = arith.constant 16 : index
    %swap3A_353 = vector.load %arg3[%swap3A_350, %swap3A_351, %swap3A_352] : memref<8x16x128xf32, #tpu.memory_space<vmem>>, vector<8x1x16xf32>
    %swap3A_354 = vector.shape_cast %swap3A_353 : vector<8x1x16xf32> to vector<8x16xf32>
    %swap3A_355 = vector.shape_cast %slice3A_349 : vector<8x16xf32> to vector<8x1x16xf32>
    tpu.vector_store %arg3[%swap3A_350, %swap3A_351, %swap3A_352], %swap3A_355 {strides = array<i32>} : memref<8x16x128xf32, #tpu.memory_space<vmem>>, vector<8x1x16xf32>,
    %slice3A_356 = vector.extract_strided_slice %reshape3A_4 {offsets = [0, 19744], sizes = [8, 16], strides = [1, 1]} : vector<8x50176xf32> to vector<8x16xf32>
    %swap3A_357 = arith.constant 0 : index
    %swap3A_358 = arith.constant 6 : index
    %swap3A_359 = arith.constant 32 : index
    %swap3A_360 = vector.load %arg3[%swap3A_357, %swap3A_358, %swap3A_359] : memref<8x16x128xf32, #tpu.memory_space<vmem>>, vector<8x1x16xf32>
    %swap3A_361 = vector.shape_cast %swap3A_360 : vector<8x1x16xf32> to vector<8x16xf32>
    %swap3A_362 = vector.shape_cast %slice3A_356 : vector<8x16xf32> to vector<8x1x16xf32>
    tpu.vector_store %arg3[%swap3A_357, %swap3A_358, %swap3A_359], %swap3A_362 {strides = array<i32>} : memref<8x16x128xf32, #tpu.memory_space<vmem>>, vector<8x1x16xf32>,
    %slice3A_363 = vector.extract_strided_slice %reshape3A_4 {offsets = [0, 20144], sizes = [8, 16], strides = [1, 1]} : vector<8x50176xf32> to vector<8x16xf32>
    %swap3A_364 = arith.constant 0 : index
    %swap3A_365 = arith.constant 6 : index
    %swap3A_366 = arith.constant 48 : index
    %swap3A_367 = vector.load %arg3[%swap3A_364, %swap3A_365, %swap3A_366] : memref<8x16x128xf32, #tpu.memory_space<vmem>>, vector<8x1x16xf32>
    %swap3A_368 = vector.shape_cast %swap3A_367 : vector<8x1x16xf32> to vector<8x16xf32>
    %swap3A_369 = vector.shape_cast %slice3A_363 : vector<8x16xf32> to vector<8x1x16xf32>
    tpu.vector_store %arg3[%swap3A_364, %swap3A_365, %swap3A_366], %swap3A_369 {strides = array<i32>} : memref<8x16x128xf32, #tpu.memory_space<vmem>>, vector<8x1x16xf32>,
    %slice3A_370 = vector.extract_strided_slice %reshape3A_4 {offsets = [0, 20544], sizes = [8, 16], strides = [1, 1]} : vector<8x50176xf32> to vector<8x16xf32>
    %swap3A_371 = arith.constant 0 : index
    %swap3A_372 = arith.constant 6 : index
    %swap3A_373 = arith.constant 64 : index
    %swap3A_374 = vector.load %arg3[%swap3A_371, %swap3A_372, %swap3A_373] : memref<8x16x128xf32, #tpu.memory_space<vmem>>, vector<8x1x16xf32>
    %swap3A_375 = vector.shape_cast %swap3A_374 : vector<8x1x16xf32> to vector<8x16xf32>
    %swap3A_376 = vector.shape_cast %slice3A_370 : vector<8x16xf32> to vector<8x1x16xf32>
    tpu.vector_store %arg3[%swap3A_371, %swap3A_372, %swap3A_373], %swap3A_376 {strides = array<i32>} : memref<8x16x128xf32, #tpu.memory_space<vmem>>, vector<8x1x16xf32>,
    %slice3A_377 = vector.extract_strided_slice %reshape3A_4 {offsets = [0, 20928], sizes = [8, 16], strides = [1, 1]} : vector<8x50176xf32> to vector<8x16xf32>
    %swap3A_378 = arith.constant 0 : index
    %swap3A_379 = arith.constant 6 : index
    %swap3A_380 = arith.constant 80 : index
    %swap3A_381 = vector.load %arg3[%swap3A_378, %swap3A_379, %swap3A_380] : memref<8x16x128xf32, #tpu.memory_space<vmem>>, vector<8x1x16xf32>
    %swap3A_382 = vector.shape_cast %swap3A_381 : vector<8x1x16xf32> to vector<8x16xf32>
    %swap3A_383 = vector.shape_cast %slice3A_377 : vector<8x16xf32> to vector<8x1x16xf32>
    tpu.vector_store %arg3[%swap3A_378, %swap3A_379, %swap3A_380], %swap3A_383 {strides = array<i32>} : memref<8x16x128xf32, #tpu.memory_space<vmem>>, vector<8x1x16xf32>,
    %slice3A_384 = vector.extract_strided_slice %reshape3A_4 {offsets = [0, 21328], sizes = [8, 16], strides = [1, 1]} : vector<8x50176xf32> to vector<8x16xf32>
    %swap3A_385 = arith.constant 0 : index
    %swap3A_386 = arith.constant 6 : index
    %swap3A_387 = arith.constant 96 : index
    %swap3A_388 = vector.load %arg3[%swap3A_385, %swap3A_386, %swap3A_387] : memref<8x16x128xf32, #tpu.memory_space<vmem>>, vector<8x1x16xf32>
    %swap3A_389 = vector.shape_cast %swap3A_388 : vector<8x1x16xf32> to vector<8x16xf32>
    %swap3A_390 = vector.shape_cast %slice3A_384 : vector<8x16xf32> to vector<8x1x16xf32>
    tpu.vector_store %arg3[%swap3A_385, %swap3A_386, %swap3A_387], %swap3A_390 {strides = array<i32>} : memref<8x16x128xf32, #tpu.memory_space<vmem>>, vector<8x1x16xf32>,
    %slice3A_391 = vector.extract_strided_slice %reshape3A_4 {offsets = [0, 21728], sizes = [8, 16], strides = [1, 1]} : vector<8x50176xf32> to vector<8x16xf32>
    %swap3A_392 = arith.constant 0 : index
    %swap3A_393 = arith.constant 6 : index
    %swap3A_394 = arith.constant 112 : index
    %swap3A_395 = vector.load %arg3[%swap3A_392, %swap3A_393, %swap3A_394] : memref<8x16x128xf32, #tpu.memory_space<vmem>>, vector<8x1x16xf32>
    %swap3A_396 = vector.shape_cast %swap3A_395 : vector<8x1x16xf32> to vector<8x16xf32>
    %swap3A_397 = vector.shape_cast %slice3A_391 : vector<8x16xf32> to vector<8x1x16xf32>
    tpu.vector_store %arg3[%swap3A_392, %swap3A_393, %swap3A_394], %swap3A_397 {strides = array<i32>} : memref<8x16x128xf32, #tpu.memory_space<vmem>>, vector<8x1x16xf32>,
    %slice3A_398 = vector.extract_strided_slice %reshape3A_4 {offsets = [0, 22112], sizes = [8, 16], strides = [1, 1]} : vector<8x50176xf32> to vector<8x16xf32>
    %swap3A_399 = arith.constant 0 : index
    %swap3A_400 = arith.constant 7 : index
    %swap3A_401 = arith.constant 0 : index
    %swap3A_402 = vector.load %arg3[%swap3A_399, %swap3A_400, %swap3A_401] : memref<8x16x128xf32, #tpu.memory_space<vmem>>, vector<8x1x16xf32>
    %swap3A_403 = vector.shape_cast %swap3A_402 : vector<8x1x16xf32> to vector<8x16xf32>
    %swap3A_404 = vector.shape_cast %slice3A_398 : vector<8x16xf32> to vector<8x1x16xf32>
    tpu.vector_store %arg3[%swap3A_399, %swap3A_400, %swap3A_401], %swap3A_404 {strides = array<i32>} : memref<8x16x128xf32, #tpu.memory_space<vmem>>, vector<8x1x16xf32>,
    %slice3A_405 = vector.extract_strided_slice %reshape3A_4 {offsets = [0, 22512], sizes = [8, 16], strides = [1, 1]} : vector<8x50176xf32> to vector<8x16xf32>
    %swap3A_406 = arith.constant 0 : index
    %swap3A_407 = arith.constant 7 : index
    %swap3A_408 = arith.constant 16 : index
    %swap3A_409 = vector.load %arg3[%swap3A_406, %swap3A_407, %swap3A_408] : memref<8x16x128xf32, #tpu.memory_space<vmem>>, vector<8x1x16xf32>
    %swap3A_410 = vector.shape_cast %swap3A_409 : vector<8x1x16xf32> to vector<8x16xf32>
    %swap3A_411 = vector.shape_cast %slice3A_405 : vector<8x16xf32> to vector<8x1x16xf32>
    tpu.vector_store %arg3[%swap3A_406, %swap3A_407, %swap3A_408], %swap3A_411 {strides = array<i32>} : memref<8x16x128xf32, #tpu.memory_space<vmem>>, vector<8x1x16xf32>,
    %slice3A_412 = vector.extract_strided_slice %reshape3A_4 {offsets = [0, 22912], sizes = [8, 16], strides = [1, 1]} : vector<8x50176xf32> to vector<8x16xf32>
    %swap3A_413 = arith.constant 0 : index
    %swap3A_414 = arith.constant 7 : index
    %swap3A_415 = arith.constant 32 : index
    %swap3A_416 = vector.load %arg3[%swap3A_413, %swap3A_414, %swap3A_415] : memref<8x16x128xf32, #tpu.memory_space<vmem>>, vector<8x1x16xf32>
    %swap3A_417 = vector.shape_cast %swap3A_416 : vector<8x1x16xf32> to vector<8x16xf32>
    %swap3A_418 = vector.shape_cast %slice3A_412 : vector<8x16xf32> to vector<8x1x16xf32>
    tpu.vector_store %arg3[%swap3A_413, %swap3A_414, %swap3A_415], %swap3A_418 {strides = array<i32>} : memref<8x16x128xf32, #tpu.memory_space<vmem>>, vector<8x1x16xf32>,
    %slice3A_419 = vector.extract_strided_slice %reshape3A_4 {offsets = [0, 23296], sizes = [8, 16], strides = [1, 1]} : vector<8x50176xf32> to vector<8x16xf32>
    %swap3A_420 = arith.constant 0 : index
    %swap3A_421 = arith.constant 7 : index
    %swap3A_422 = arith.constant 48 : index
    %swap3A_423 = vector.load %arg3[%swap3A_420, %swap3A_421, %swap3A_422] : memref<8x16x128xf32, #tpu.memory_space<vmem>>, vector<8x1x16xf32>
    %swap3A_424 = vector.shape_cast %swap3A_423 : vector<8x1x16xf32> to vector<8x16xf32>
    %swap3A_425 = vector.shape_cast %slice3A_419 : vector<8x16xf32> to vector<8x1x16xf32>
    tpu.vector_store %arg3[%swap3A_420, %swap3A_421, %swap3A_422], %swap3A_425 {strides = array<i32>} : memref<8x16x128xf32, #tpu.memory_space<vmem>>, vector<8x1x16xf32>,
    %slice3A_426 = vector.extract_strided_slice %reshape3A_4 {offsets = [0, 23696], sizes = [8, 16], strides = [1, 1]} : vector<8x50176xf32> to vector<8x16xf32>
    %swap3A_427 = arith.constant 0 : index
    %swap3A_428 = arith.constant 7 : index
    %swap3A_429 = arith.constant 64 : index
    %swap3A_430 = vector.load %arg3[%swap3A_427, %swap3A_428, %swap3A_429] : memref<8x16x128xf32, #tpu.memory_space<vmem>>, vector<8x1x16xf32>
    %swap3A_431 = vector.shape_cast %swap3A_430 : vector<8x1x16xf32> to vector<8x16xf32>
    %swap3A_432 = vector.shape_cast %slice3A_426 : vector<8x16xf32> to vector<8x1x16xf32>
    tpu.vector_store %arg3[%swap3A_427, %swap3A_428, %swap3A_429], %swap3A_432 {strides = array<i32>} : memref<8x16x128xf32, #tpu.memory_space<vmem>>, vector<8x1x16xf32>,
    %slice3A_433 = vector.extract_strided_slice %reshape3A_4 {offsets = [0, 24096], sizes = [8, 16], strides = [1, 1]} : vector<8x50176xf32> to vector<8x16xf32>
    %swap3A_434 = arith.constant 0 : index
    %swap3A_435 = arith.constant 7 : index
    %swap3A_436 = arith.constant 80 : index
    %swap3A_437 = vector.load %arg3[%swap3A_434, %swap3A_435, %swap3A_436] : memref<8x16x128xf32, #tpu.memory_space<vmem>>, vector<8x1x16xf32>
    %swap3A_438 = vector.shape_cast %swap3A_437 : vector<8x1x16xf32> to vector<8x16xf32>
    %swap3A_439 = vector.shape_cast %slice3A_433 : vector<8x16xf32> to vector<8x1x16xf32>
    tpu.vector_store %arg3[%swap3A_434, %swap3A_435, %swap3A_436], %swap3A_439 {strides = array<i32>} : memref<8x16x128xf32, #tpu.memory_space<vmem>>, vector<8x1x16xf32>,
    %slice3A_440 = vector.extract_strided_slice %reshape3A_4 {offsets = [0, 24480], sizes = [8, 16], strides = [1, 1]} : vector<8x50176xf32> to vector<8x16xf32>
    %swap3A_441 = arith.constant 0 : index
    %swap3A_442 = arith.constant 7 : index
    %swap3A_443 = arith.constant 96 : index
    %swap3A_444 = vector.load %arg3[%swap3A_441, %swap3A_442, %swap3A_443] : memref<8x16x128xf32, #tpu.memory_space<vmem>>, vector<8x1x16xf32>
    %swap3A_445 = vector.shape_cast %swap3A_444 : vector<8x1x16xf32> to vector<8x16xf32>
    %swap3A_446 = vector.shape_cast %slice3A_440 : vector<8x16xf32> to vector<8x1x16xf32>
    tpu.vector_store %arg3[%swap3A_441, %swap3A_442, %swap3A_443], %swap3A_446 {strides = array<i32>} : memref<8x16x128xf32, #tpu.memory_space<vmem>>, vector<8x1x16xf32>,
    %slice3A_447 = vector.extract_strided_slice %reshape3A_4 {offsets = [0, 24880], sizes = [8, 16], strides = [1, 1]} : vector<8x50176xf32> to vector<8x16xf32>
    %swap3A_448 = arith.constant 0 : index
    %swap3A_449 = arith.constant 7 : index
    %swap3A_450 = arith.constant 112 : index
    %swap3A_451 = vector.load %arg3[%swap3A_448, %swap3A_449, %swap3A_450] : memref<8x16x128xf32, #tpu.memory_space<vmem>>, vector<8x1x16xf32>
    %swap3A_452 = vector.shape_cast %swap3A_451 : vector<8x1x16xf32> to vector<8x16xf32>
    %swap3A_453 = vector.shape_cast %slice3A_447 : vector<8x16xf32> to vector<8x1x16xf32>
    tpu.vector_store %arg3[%swap3A_448, %swap3A_449, %swap3A_450], %swap3A_453 {strides = array<i32>} : memref<8x16x128xf32, #tpu.memory_space<vmem>>, vector<8x1x16xf32>,
    %slice3A_454 = vector.extract_strided_slice %reshape3A_4 {offsets = [0, 25280], sizes = [8, 16], strides = [1, 1]} : vector<8x50176xf32> to vector<8x16xf32>
    %swap3A_455 = arith.constant 0 : index
    %swap3A_456 = arith.constant 8 : index
    %swap3A_457 = arith.constant 0 : index
    %swap3A_458 = vector.load %arg3[%swap3A_455, %swap3A_456, %swap3A_457] : memref<8x16x128xf32, #tpu.memory_space<vmem>>, vector<8x1x16xf32>
    %swap3A_459 = vector.shape_cast %swap3A_458 : vector<8x1x16xf32> to vector<8x16xf32>
    %swap3A_460 = vector.shape_cast %slice3A_454 : vector<8x16xf32> to vector<8x1x16xf32>
    tpu.vector_store %arg3[%swap3A_455, %swap3A_456, %swap3A_457], %swap3A_460 {strides = array<i32>} : memref<8x16x128xf32, #tpu.memory_space<vmem>>, vector<8x1x16xf32>,
    %slice3A_461 = vector.extract_strided_slice %reshape3A_4 {offsets = [0, 25680], sizes = [8, 16], strides = [1, 1]} : vector<8x50176xf32> to vector<8x16xf32>
    %swap3A_462 = arith.constant 0 : index
    %swap3A_463 = arith.constant 8 : index
    %swap3A_464 = arith.constant 16 : index
    %swap3A_465 = vector.load %arg3[%swap3A_462, %swap3A_463, %swap3A_464] : memref<8x16x128xf32, #tpu.memory_space<vmem>>, vector<8x1x16xf32>
    %swap3A_466 = vector.shape_cast %swap3A_465 : vector<8x1x16xf32> to vector<8x16xf32>
    %swap3A_467 = vector.shape_cast %slice3A_461 : vector<8x16xf32> to vector<8x1x16xf32>
    tpu.vector_store %arg3[%swap3A_462, %swap3A_463, %swap3A_464], %swap3A_467 {strides = array<i32>} : memref<8x16x128xf32, #tpu.memory_space<vmem>>, vector<8x1x16xf32>,
    %slice3A_468 = vector.extract_strided_slice %reshape3A_4 {offsets = [0, 26064], sizes = [8, 16], strides = [1, 1]} : vector<8x50176xf32> to vector<8x16xf32>
    %swap3A_469 = arith.constant 0 : index
    %swap3A_470 = arith.constant 8 : index
    %swap3A_471 = arith.constant 32 : index
    %swap3A_472 = vector.load %arg3[%swap3A_469, %swap3A_470, %swap3A_471] : memref<8x16x128xf32, #tpu.memory_space<vmem>>, vector<8x1x16xf32>
    %swap3A_473 = vector.shape_cast %swap3A_472 : vector<8x1x16xf32> to vector<8x16xf32>
    %swap3A_474 = vector.shape_cast %slice3A_468 : vector<8x16xf32> to vector<8x1x16xf32>
    tpu.vector_store %arg3[%swap3A_469, %swap3A_470, %swap3A_471], %swap3A_474 {strides = array<i32>} : memref<8x16x128xf32, #tpu.memory_space<vmem>>, vector<8x1x16xf32>,
    %slice3A_475 = vector.extract_strided_slice %reshape3A_4 {offsets = [0, 26464], sizes = [8, 16], strides = [1, 1]} : vector<8x50176xf32> to vector<8x16xf32>
    %swap3A_476 = arith.constant 0 : index
    %swap3A_477 = arith.constant 8 : index
    %swap3A_478 = arith.constant 48 : index
    %swap3A_479 = vector.load %arg3[%swap3A_476, %swap3A_477, %swap3A_478] : memref<8x16x128xf32, #tpu.memory_space<vmem>>, vector<8x1x16xf32>
    %swap3A_480 = vector.shape_cast %swap3A_479 : vector<8x1x16xf32> to vector<8x16xf32>
    %swap3A_481 = vector.shape_cast %slice3A_475 : vector<8x16xf32> to vector<8x1x16xf32>
    tpu.vector_store %arg3[%swap3A_476, %swap3A_477, %swap3A_478], %swap3A_481 {strides = array<i32>} : memref<8x16x128xf32, #tpu.memory_space<vmem>>, vector<8x1x16xf32>,
    %slice3A_482 = vector.extract_strided_slice %reshape3A_4 {offsets = [0, 26864], sizes = [8, 16], strides = [1, 1]} : vector<8x50176xf32> to vector<8x16xf32>
    %swap3A_483 = arith.constant 0 : index
    %swap3A_484 = arith.constant 8 : index
    %swap3A_485 = arith.constant 64 : index
    %swap3A_486 = vector.load %arg3[%swap3A_483, %swap3A_484, %swap3A_485] : memref<8x16x128xf32, #tpu.memory_space<vmem>>, vector<8x1x16xf32>
    %swap3A_487 = vector.shape_cast %swap3A_486 : vector<8x1x16xf32> to vector<8x16xf32>
    %swap3A_488 = vector.shape_cast %slice3A_482 : vector<8x16xf32> to vector<8x1x16xf32>
    tpu.vector_store %arg3[%swap3A_483, %swap3A_484, %swap3A_485], %swap3A_488 {strides = array<i32>} : memref<8x16x128xf32, #tpu.memory_space<vmem>>, vector<8x1x16xf32>,
    %slice3A_489 = vector.extract_strided_slice %reshape3A_4 {offsets = [0, 27248], sizes = [8, 16], strides = [1, 1]} : vector<8x50176xf32> to vector<8x16xf32>
    %swap3A_490 = arith.constant 0 : index
    %swap3A_491 = arith.constant 8 : index
    %swap3A_492 = arith.constant 80 : index
    %swap3A_493 = vector.load %arg3[%swap3A_490, %swap3A_491, %swap3A_492] : memref<8x16x128xf32, #tpu.memory_space<vmem>>, vector<8x1x16xf32>
    %swap3A_494 = vector.shape_cast %swap3A_493 : vector<8x1x16xf32> to vector<8x16xf32>
    %swap3A_495 = vector.shape_cast %slice3A_489 : vector<8x16xf32> to vector<8x1x16xf32>
    tpu.vector_store %arg3[%swap3A_490, %swap3A_491, %swap3A_492], %swap3A_495 {strides = array<i32>} : memref<8x16x128xf32, #tpu.memory_space<vmem>>, vector<8x1x16xf32>,
    %slice3A_496 = vector.extract_strided_slice %reshape3A_4 {offsets = [0, 27648], sizes = [8, 16], strides = [1, 1]} : vector<8x50176xf32> to vector<8x16xf32>
    %swap3A_497 = arith.constant 0 : index
    %swap3A_498 = arith.constant 8 : index
    %swap3A_499 = arith.constant 96 : index
    %swap3A_500 = vector.load %arg3[%swap3A_497, %swap3A_498, %swap3A_499] : memref<8x16x128xf32, #tpu.memory_space<vmem>>, vector<8x1x16xf32>
    %swap3A_501 = vector.shape_cast %swap3A_500 : vector<8x1x16xf32> to vector<8x16xf32>
    %swap3A_502 = vector.shape_cast %slice3A_496 : vector<8x16xf32> to vector<8x1x16xf32>
    tpu.vector_store %arg3[%swap3A_497, %swap3A_498, %swap3A_499], %swap3A_502 {strides = array<i32>} : memref<8x16x128xf32, #tpu.memory_space<vmem>>, vector<8x1x16xf32>,
    %slice3A_503 = vector.extract_strided_slice %reshape3A_4 {offsets = [0, 28048], sizes = [8, 16], strides = [1, 1]} : vector<8x50176xf32> to vector<8x16xf32>
    %swap3A_504 = arith.constant 0 : index
    %swap3A_505 = arith.constant 8 : index
    %swap3A_506 = arith.constant 112 : index
    %swap3A_507 = vector.load %arg3[%swap3A_504, %swap3A_505, %swap3A_506] : memref<8x16x128xf32, #tpu.memory_space<vmem>>, vector<8x1x16xf32>
    %swap3A_508 = vector.shape_cast %swap3A_507 : vector<8x1x16xf32> to vector<8x16xf32>
    %swap3A_509 = vector.shape_cast %slice3A_503 : vector<8x16xf32> to vector<8x1x16xf32>
    tpu.vector_store %arg3[%swap3A_504, %swap3A_505, %swap3A_506], %swap3A_509 {strides = array<i32>} : memref<8x16x128xf32, #tpu.memory_space<vmem>>, vector<8x1x16xf32>,
    %slice3A_510 = vector.extract_strided_slice %reshape3A_4 {offsets = [0, 28432], sizes = [8, 16], strides = [1, 1]} : vector<8x50176xf32> to vector<8x16xf32>
    %swap3A_511 = arith.constant 0 : index
    %swap3A_512 = arith.constant 9 : index
    %swap3A_513 = arith.constant 0 : index
    %swap3A_514 = vector.load %arg3[%swap3A_511, %swap3A_512, %swap3A_513] : memref<8x16x128xf32, #tpu.memory_space<vmem>>, vector<8x1x16xf32>
    %swap3A_515 = vector.shape_cast %swap3A_514 : vector<8x1x16xf32> to vector<8x16xf32>
    %swap3A_516 = vector.shape_cast %slice3A_510 : vector<8x16xf32> to vector<8x1x16xf32>
    tpu.vector_store %arg3[%swap3A_511, %swap3A_512, %swap3A_513], %swap3A_516 {strides = array<i32>} : memref<8x16x128xf32, #tpu.memory_space<vmem>>, vector<8x1x16xf32>,
    %slice3A_517 = vector.extract_strided_slice %reshape3A_4 {offsets = [0, 28832], sizes = [8, 16], strides = [1, 1]} : vector<8x50176xf32> to vector<8x16xf32>
    %swap3A_518 = arith.constant 0 : index
    %swap3A_519 = arith.constant 9 : index
    %swap3A_520 = arith.constant 16 : index
    %swap3A_521 = vector.load %arg3[%swap3A_518, %swap3A_519, %swap3A_520] : memref<8x16x128xf32, #tpu.memory_space<vmem>>, vector<8x1x16xf32>
    %swap3A_522 = vector.shape_cast %swap3A_521 : vector<8x1x16xf32> to vector<8x16xf32>
    %swap3A_523 = vector.shape_cast %slice3A_517 : vector<8x16xf32> to vector<8x1x16xf32>
    tpu.vector_store %arg3[%swap3A_518, %swap3A_519, %swap3A_520], %swap3A_523 {strides = array<i32>} : memref<8x16x128xf32, #tpu.memory_space<vmem>>, vector<8x1x16xf32>,
    %slice3A_524 = vector.extract_strided_slice %reshape3A_4 {offsets = [0, 29232], sizes = [8, 16], strides = [1, 1]} : vector<8x50176xf32> to vector<8x16xf32>
    %swap3A_525 = arith.constant 0 : index
    %swap3A_526 = arith.constant 9 : index
    %swap3A_527 = arith.constant 32 : index
    %swap3A_528 = vector.load %arg3[%swap3A_525, %swap3A_526, %swap3A_527] : memref<8x16x128xf32, #tpu.memory_space<vmem>>, vector<8x1x16xf32>
    %swap3A_529 = vector.shape_cast %swap3A_528 : vector<8x1x16xf32> to vector<8x16xf32>
    %swap3A_530 = vector.shape_cast %slice3A_524 : vector<8x16xf32> to vector<8x1x16xf32>
    tpu.vector_store %arg3[%swap3A_525, %swap3A_526, %swap3A_527], %swap3A_530 {strides = array<i32>} : memref<8x16x128xf32, #tpu.memory_space<vmem>>, vector<8x1x16xf32>,
    %slice3A_531 = vector.extract_strided_slice %reshape3A_4 {offsets = [0, 29616], sizes = [8, 16], strides = [1, 1]} : vector<8x50176xf32> to vector<8x16xf32>
    %swap3A_532 = arith.constant 0 : index
    %swap3A_533 = arith.constant 9 : index
    %swap3A_534 = arith.constant 48 : index
    %swap3A_535 = vector.load %arg3[%swap3A_532, %swap3A_533, %swap3A_534] : memref<8x16x128xf32, #tpu.memory_space<vmem>>, vector<8x1x16xf32>
    %swap3A_536 = vector.shape_cast %swap3A_535 : vector<8x1x16xf32> to vector<8x16xf32>
    %swap3A_537 = vector.shape_cast %slice3A_531 : vector<8x16xf32> to vector<8x1x16xf32>
    tpu.vector_store %arg3[%swap3A_532, %swap3A_533, %swap3A_534], %swap3A_537 {strides = array<i32>} : memref<8x16x128xf32, #tpu.memory_space<vmem>>, vector<8x1x16xf32>,
    %slice3A_538 = vector.extract_strided_slice %reshape3A_4 {offsets = [0, 30016], sizes = [8, 16], strides = [1, 1]} : vector<8x50176xf32> to vector<8x16xf32>
    %swap3A_539 = arith.constant 0 : index
    %swap3A_540 = arith.constant 9 : index
    %swap3A_541 = arith.constant 64 : index
    %swap3A_542 = vector.load %arg3[%swap3A_539, %swap3A_540, %swap3A_541] : memref<8x16x128xf32, #tpu.memory_space<vmem>>, vector<8x1x16xf32>
    %swap3A_543 = vector.shape_cast %swap3A_542 : vector<8x1x16xf32> to vector<8x16xf32>
    %swap3A_544 = vector.shape_cast %slice3A_538 : vector<8x16xf32> to vector<8x1x16xf32>
    tpu.vector_store %arg3[%swap3A_539, %swap3A_540, %swap3A_541], %swap3A_544 {strides = array<i32>} : memref<8x16x128xf32, #tpu.memory_space<vmem>>, vector<8x1x16xf32>,
    %slice3A_545 = vector.extract_strided_slice %reshape3A_4 {offsets = [0, 30416], sizes = [8, 16], strides = [1, 1]} : vector<8x50176xf32> to vector<8x16xf32>
    %swap3A_546 = arith.constant 0 : index
    %swap3A_547 = arith.constant 9 : index
    %swap3A_548 = arith.constant 80 : index
    %swap3A_549 = vector.load %arg3[%swap3A_546, %swap3A_547, %swap3A_548] : memref<8x16x128xf32, #tpu.memory_space<vmem>>, vector<8x1x16xf32>
    %swap3A_550 = vector.shape_cast %swap3A_549 : vector<8x1x16xf32> to vector<8x16xf32>
    %swap3A_551 = vector.shape_cast %slice3A_545 : vector<8x16xf32> to vector<8x1x16xf32>
    tpu.vector_store %arg3[%swap3A_546, %swap3A_547, %swap3A_548], %swap3A_551 {strides = array<i32>} : memref<8x16x128xf32, #tpu.memory_space<vmem>>, vector<8x1x16xf32>,
    %slice3A_552 = vector.extract_strided_slice %reshape3A_4 {offsets = [0, 30816], sizes = [8, 16], strides = [1, 1]} : vector<8x50176xf32> to vector<8x16xf32>
    %swap3A_553 = arith.constant 0 : index
    %swap3A_554 = arith.constant 9 : index
    %swap3A_555 = arith.constant 96 : index
    %swap3A_556 = vector.load %arg3[%swap3A_553, %swap3A_554, %swap3A_555] : memref<8x16x128xf32, #tpu.memory_space<vmem>>, vector<8x1x16xf32>
    %swap3A_557 = vector.shape_cast %swap3A_556 : vector<8x1x16xf32> to vector<8x16xf32>
    %swap3A_558 = vector.shape_cast %slice3A_552 : vector<8x16xf32> to vector<8x1x16xf32>
    tpu.vector_store %arg3[%swap3A_553, %swap3A_554, %swap3A_555], %swap3A_558 {strides = array<i32>} : memref<8x16x128xf32, #tpu.memory_space<vmem>>, vector<8x1x16xf32>,
    %slice3A_559 = vector.extract_strided_slice %reshape3A_4 {offsets = [0, 31200], sizes = [8, 16], strides = [1, 1]} : vector<8x50176xf32> to vector<8x16xf32>
    %swap3A_560 = arith.constant 0 : index
    %swap3A_561 = arith.constant 9 : index
    %swap3A_562 = arith.constant 112 : index
    %swap3A_563 = vector.load %arg3[%swap3A_560, %swap3A_561, %swap3A_562] : memref<8x16x128xf32, #tpu.memory_space<vmem>>, vector<8x1x16xf32>
    %swap3A_564 = vector.shape_cast %swap3A_563 : vector<8x1x16xf32> to vector<8x16xf32>
    %swap3A_565 = vector.shape_cast %slice3A_559 : vector<8x16xf32> to vector<8x1x16xf32>
    tpu.vector_store %arg3[%swap3A_560, %swap3A_561, %swap3A_562], %swap3A_565 {strides = array<i32>} : memref<8x16x128xf32, #tpu.memory_space<vmem>>, vector<8x1x16xf32>,
    %slice3A_566 = vector.extract_strided_slice %reshape3A_4 {offsets = [0, 31600], sizes = [8, 16], strides = [1, 1]} : vector<8x50176xf32> to vector<8x16xf32>
    %swap3A_567 = arith.constant 0 : index
    %swap3A_568 = arith.constant 10 : index
    %swap3A_569 = arith.constant 0 : index
    %swap3A_570 = vector.load %arg3[%swap3A_567, %swap3A_568, %swap3A_569] : memref<8x16x128xf32, #tpu.memory_space<vmem>>, vector<8x1x16xf32>
    %swap3A_571 = vector.shape_cast %swap3A_570 : vector<8x1x16xf32> to vector<8x16xf32>
    %swap3A_572 = vector.shape_cast %slice3A_566 : vector<8x16xf32> to vector<8x1x16xf32>
    tpu.vector_store %arg3[%swap3A_567, %swap3A_568, %swap3A_569], %swap3A_572 {strides = array<i32>} : memref<8x16x128xf32, #tpu.memory_space<vmem>>, vector<8x1x16xf32>,
    %slice3A_573 = vector.extract_strided_slice %reshape3A_4 {offsets = [0, 32000], sizes = [8, 16], strides = [1, 1]} : vector<8x50176xf32> to vector<8x16xf32>
    %swap3A_574 = arith.constant 0 : index
    %swap3A_575 = arith.constant 10 : index
    %swap3A_576 = arith.constant 16 : index
    %swap3A_577 = vector.load %arg3[%swap3A_574, %swap3A_575, %swap3A_576] : memref<8x16x128xf32, #tpu.memory_space<vmem>>, vector<8x1x16xf32>
    %swap3A_578 = vector.shape_cast %swap3A_577 : vector<8x1x16xf32> to vector<8x16xf32>
    %swap3A_579 = vector.shape_cast %slice3A_573 : vector<8x16xf32> to vector<8x1x16xf32>
    tpu.vector_store %arg3[%swap3A_574, %swap3A_575, %swap3A_576], %swap3A_579 {strides = array<i32>} : memref<8x16x128xf32, #tpu.memory_space<vmem>>, vector<8x1x16xf32>,
    %slice3A_580 = vector.extract_strided_slice %reshape3A_4 {offsets = [0, 32384], sizes = [8, 16], strides = [1, 1]} : vector<8x50176xf32> to vector<8x16xf32>
    %swap3A_581 = arith.constant 0 : index
    %swap3A_582 = arith.constant 10 : index
    %swap3A_583 = arith.constant 32 : index
    %swap3A_584 = vector.load %arg3[%swap3A_581, %swap3A_582, %swap3A_583] : memref<8x16x128xf32, #tpu.memory_space<vmem>>, vector<8x1x16xf32>
    %swap3A_585 = vector.shape_cast %swap3A_584 : vector<8x1x16xf32> to vector<8x16xf32>
    %swap3A_586 = vector.shape_cast %slice3A_580 : vector<8x16xf32> to vector<8x1x16xf32>
    tpu.vector_store %arg3[%swap3A_581, %swap3A_582, %swap3A_583], %swap3A_586 {strides = array<i32>} : memref<8x16x128xf32, #tpu.memory_space<vmem>>, vector<8x1x16xf32>,
    %slice3A_587 = vector.extract_strided_slice %reshape3A_4 {offsets = [0, 32784], sizes = [8, 16], strides = [1, 1]} : vector<8x50176xf32> to vector<8x16xf32>
    %swap3A_588 = arith.constant 0 : index
    %swap3A_589 = arith.constant 10 : index
    %swap3A_590 = arith.constant 48 : index
    %swap3A_591 = vector.load %arg3[%swap3A_588, %swap3A_589, %swap3A_590] : memref<8x16x128xf32, #tpu.memory_space<vmem>>, vector<8x1x16xf32>
    %swap3A_592 = vector.shape_cast %swap3A_591 : vector<8x1x16xf32> to vector<8x16xf32>
    %swap3A_593 = vector.shape_cast %slice3A_587 : vector<8x16xf32> to vector<8x1x16xf32>
    tpu.vector_store %arg3[%swap3A_588, %swap3A_589, %swap3A_590], %swap3A_593 {strides = array<i32>} : memref<8x16x128xf32, #tpu.memory_space<vmem>>, vector<8x1x16xf32>,
    %slice3A_594 = vector.extract_strided_slice %reshape3A_4 {offsets = [0, 33184], sizes = [8, 16], strides = [1, 1]} : vector<8x50176xf32> to vector<8x16xf32>
    %swap3A_595 = arith.constant 0 : index
    %swap3A_596 = arith.constant 10 : index
    %swap3A_597 = arith.constant 64 : index
    %swap3A_598 = vector.load %arg3[%swap3A_595, %swap3A_596, %swap3A_597] : memref<8x16x128xf32, #tpu.memory_space<vmem>>, vector<8x1x16xf32>
    %swap3A_599 = vector.shape_cast %swap3A_598 : vector<8x1x16xf32> to vector<8x16xf32>
    %swap3A_600 = vector.shape_cast %slice3A_594 : vector<8x16xf32> to vector<8x1x16xf32>
    tpu.vector_store %arg3[%swap3A_595, %swap3A_596, %swap3A_597], %swap3A_600 {strides = array<i32>} : memref<8x16x128xf32, #tpu.memory_space<vmem>>, vector<8x1x16xf32>,
    %slice3A_601 = vector.extract_strided_slice %reshape3A_4 {offsets = [0, 33568], sizes = [8, 16], strides = [1, 1]} : vector<8x50176xf32> to vector<8x16xf32>
    %swap3A_602 = arith.constant 0 : index
    %swap3A_603 = arith.constant 10 : index
    %swap3A_604 = arith.constant 80 : index
    %swap3A_605 = vector.load %arg3[%swap3A_602, %swap3A_603, %swap3A_604] : memref<8x16x128xf32, #tpu.memory_space<vmem>>, vector<8x1x16xf32>
    %swap3A_606 = vector.shape_cast %swap3A_605 : vector<8x1x16xf32> to vector<8x16xf32>
    %swap3A_607 = vector.shape_cast %slice3A_601 : vector<8x16xf32> to vector<8x1x16xf32>
    tpu.vector_store %arg3[%swap3A_602, %swap3A_603, %swap3A_604], %swap3A_607 {strides = array<i32>} : memref<8x16x128xf32, #tpu.memory_space<vmem>>, vector<8x1x16xf32>,
    %slice3A_608 = vector.extract_strided_slice %reshape3A_4 {offsets = [0, 33968], sizes = [8, 16], strides = [1, 1]} : vector<8x50176xf32> to vector<8x16xf32>
    %swap3A_609 = arith.constant 0 : index
    %swap3A_610 = arith.constant 10 : index
    %swap3A_611 = arith.constant 96 : index
    %swap3A_612 = vector.load %arg3[%swap3A_609, %swap3A_610, %swap3A_611] : memref<8x16x128xf32, #tpu.memory_space<vmem>>, vector<8x1x16xf32>
    %swap3A_613 = vector.shape_cast %swap3A_612 : vector<8x1x16xf32> to vector<8x16xf32>
    %swap3A_614 = vector.shape_cast %slice3A_608 : vector<8x16xf32> to vector<8x1x16xf32>
    tpu.vector_store %arg3[%swap3A_609, %swap3A_610, %swap3A_611], %swap3A_614 {strides = array<i32>} : memref<8x16x128xf32, #tpu.memory_space<vmem>>, vector<8x1x16xf32>,
    %slice3A_615 = vector.extract_strided_slice %reshape3A_4 {offsets = [0, 34368], sizes = [8, 16], strides = [1, 1]} : vector<8x50176xf32> to vector<8x16xf32>
    %swap3A_616 = arith.constant 0 : index
    %swap3A_617 = arith.constant 10 : index
    %swap3A_618 = arith.constant 112 : index
    %swap3A_619 = vector.load %arg3[%swap3A_616, %swap3A_617, %swap3A_618] : memref<8x16x128xf32, #tpu.memory_space<vmem>>, vector<8x1x16xf32>
    %swap3A_620 = vector.shape_cast %swap3A_619 : vector<8x1x16xf32> to vector<8x16xf32>
    %swap3A_621 = vector.shape_cast %slice3A_615 : vector<8x16xf32> to vector<8x1x16xf32>
    tpu.vector_store %arg3[%swap3A_616, %swap3A_617, %swap3A_618], %swap3A_621 {strides = array<i32>} : memref<8x16x128xf32, #tpu.memory_space<vmem>>, vector<8x1x16xf32>,
    %slice3A_622 = vector.extract_strided_slice %reshape3A_4 {offsets = [0, 34752], sizes = [8, 16], strides = [1, 1]} : vector<8x50176xf32> to vector<8x16xf32>
    %swap3A_623 = arith.constant 0 : index
    %swap3A_624 = arith.constant 11 : index
    %swap3A_625 = arith.constant 0 : index
    %swap3A_626 = vector.load %arg3[%swap3A_623, %swap3A_624, %swap3A_625] : memref<8x16x128xf32, #tpu.memory_space<vmem>>, vector<8x1x16xf32>
    %swap3A_627 = vector.shape_cast %swap3A_626 : vector<8x1x16xf32> to vector<8x16xf32>
    %swap3A_628 = vector.shape_cast %slice3A_622 : vector<8x16xf32> to vector<8x1x16xf32>
    tpu.vector_store %arg3[%swap3A_623, %swap3A_624, %swap3A_625], %swap3A_628 {strides = array<i32>} : memref<8x16x128xf32, #tpu.memory_space<vmem>>, vector<8x1x16xf32>,
    %slice3A_629 = vector.extract_strided_slice %reshape3A_4 {offsets = [0, 35152], sizes = [8, 16], strides = [1, 1]} : vector<8x50176xf32> to vector<8x16xf32>
    %swap3A_630 = arith.constant 0 : index
    %swap3A_631 = arith.constant 11 : index
    %swap3A_632 = arith.constant 16 : index
    %swap3A_633 = vector.load %arg3[%swap3A_630, %swap3A_631, %swap3A_632] : memref<8x16x128xf32, #tpu.memory_space<vmem>>, vector<8x1x16xf32>
    %swap3A_634 = vector.shape_cast %swap3A_633 : vector<8x1x16xf32> to vector<8x16xf32>
    %swap3A_635 = vector.shape_cast %slice3A_629 : vector<8x16xf32> to vector<8x1x16xf32>
    tpu.vector_store %arg3[%swap3A_630, %swap3A_631, %swap3A_632], %swap3A_635 {strides = array<i32>} : memref<8x16x128xf32, #tpu.memory_space<vmem>>, vector<8x1x16xf32>,
    %slice3A_636 = vector.extract_strided_slice %reshape3A_4 {offsets = [0, 35552], sizes = [8, 16], strides = [1, 1]} : vector<8x50176xf32> to vector<8x16xf32>
    %swap3A_637 = arith.constant 0 : index
    %swap3A_638 = arith.constant 11 : index
    %swap3A_639 = arith.constant 32 : index
    %swap3A_640 = vector.load %arg3[%swap3A_637, %swap3A_638, %swap3A_639] : memref<8x16x128xf32, #tpu.memory_space<vmem>>, vector<8x1x16xf32>
    %swap3A_641 = vector.shape_cast %swap3A_640 : vector<8x1x16xf32> to vector<8x16xf32>
    %swap3A_642 = vector.shape_cast %slice3A_636 : vector<8x16xf32> to vector<8x1x16xf32>
    tpu.vector_store %arg3[%swap3A_637, %swap3A_638, %swap3A_639], %swap3A_642 {strides = array<i32>} : memref<8x16x128xf32, #tpu.memory_space<vmem>>, vector<8x1x16xf32>,
    %slice3A_643 = vector.extract_strided_slice %reshape3A_4 {offsets = [0, 35952], sizes = [8, 16], strides = [1, 1]} : vector<8x50176xf32> to vector<8x16xf32>
    %swap3A_644 = arith.constant 0 : index
    %swap3A_645 = arith.constant 11 : index
    %swap3A_646 = arith.constant 48 : index
    %swap3A_647 = vector.load %arg3[%swap3A_644, %swap3A_645, %swap3A_646] : memref<8x16x128xf32, #tpu.memory_space<vmem>>, vector<8x1x16xf32>
    %swap3A_648 = vector.shape_cast %swap3A_647 : vector<8x1x16xf32> to vector<8x16xf32>
    %swap3A_649 = vector.shape_cast %slice3A_643 : vector<8x16xf32> to vector<8x1x16xf32>
    tpu.vector_store %arg3[%swap3A_644, %swap3A_645, %swap3A_646], %swap3A_649 {strides = array<i32>} : memref<8x16x128xf32, #tpu.memory_space<vmem>>, vector<8x1x16xf32>,
    %slice3A_650 = vector.extract_strided_slice %reshape3A_4 {offsets = [0, 36336], sizes = [8, 16], strides = [1, 1]} : vector<8x50176xf32> to vector<8x16xf32>
    %swap3A_651 = arith.constant 0 : index
    %swap3A_652 = arith.constant 11 : index
    %swap3A_653 = arith.constant 64 : index
    %swap3A_654 = vector.load %arg3[%swap3A_651, %swap3A_652, %swap3A_653] : memref<8x16x128xf32, #tpu.memory_space<vmem>>, vector<8x1x16xf32>
    %swap3A_655 = vector.shape_cast %swap3A_654 : vector<8x1x16xf32> to vector<8x16xf32>
    %swap3A_656 = vector.shape_cast %slice3A_650 : vector<8x16xf32> to vector<8x1x16xf32>
    tpu.vector_store %arg3[%swap3A_651, %swap3A_652, %swap3A_653], %swap3A_656 {strides = array<i32>} : memref<8x16x128xf32, #tpu.memory_space<vmem>>, vector<8x1x16xf32>,
    %slice3A_657 = vector.extract_strided_slice %reshape3A_4 {offsets = [0, 36736], sizes = [8, 16], strides = [1, 1]} : vector<8x50176xf32> to vector<8x16xf32>
    %swap3A_658 = arith.constant 0 : index
    %swap3A_659 = arith.constant 11 : index
    %swap3A_660 = arith.constant 80 : index
    %swap3A_661 = vector.load %arg3[%swap3A_658, %swap3A_659, %swap3A_660] : memref<8x16x128xf32, #tpu.memory_space<vmem>>, vector<8x1x16xf32>
    %swap3A_662 = vector.shape_cast %swap3A_661 : vector<8x1x16xf32> to vector<8x16xf32>
    %swap3A_663 = vector.shape_cast %slice3A_657 : vector<8x16xf32> to vector<8x1x16xf32>
    tpu.vector_store %arg3[%swap3A_658, %swap3A_659, %swap3A_660], %swap3A_663 {strides = array<i32>} : memref<8x16x128xf32, #tpu.memory_space<vmem>>, vector<8x1x16xf32>,
    %slice3A_664 = vector.extract_strided_slice %reshape3A_4 {offsets = [0, 37136], sizes = [8, 16], strides = [1, 1]} : vector<8x50176xf32> to vector<8x16xf32>
    %swap3A_665 = arith.constant 0 : index
    %swap3A_666 = arith.constant 11 : index
    %swap3A_667 = arith.constant 96 : index
    %swap3A_668 = vector.load %arg3[%swap3A_665, %swap3A_666, %swap3A_667] : memref<8x16x128xf32, #tpu.memory_space<vmem>>, vector<8x1x16xf32>
    %swap3A_669 = vector.shape_cast %swap3A_668 : vector<8x1x16xf32> to vector<8x16xf32>
    %swap3A_670 = vector.shape_cast %slice3A_664 : vector<8x16xf32> to vector<8x1x16xf32>
    tpu.vector_store %arg3[%swap3A_665, %swap3A_666, %swap3A_667], %swap3A_670 {strides = array<i32>} : memref<8x16x128xf32, #tpu.memory_space<vmem>>, vector<8x1x16xf32>,
    %slice3A_671 = vector.extract_strided_slice %reshape3A_4 {offsets = [0, 37520], sizes = [8, 16], strides = [1, 1]} : vector<8x50176xf32> to vector<8x16xf32>
    %swap3A_672 = arith.constant 0 : index
    %swap3A_673 = arith.constant 11 : index
    %swap3A_674 = arith.constant 112 : index
    %swap3A_675 = vector.load %arg3[%swap3A_672, %swap3A_673, %swap3A_674] : memref<8x16x128xf32, #tpu.memory_space<vmem>>, vector<8x1x16xf32>
    %swap3A_676 = vector.shape_cast %swap3A_675 : vector<8x1x16xf32> to vector<8x16xf32>
    %swap3A_677 = vector.shape_cast %slice3A_671 : vector<8x16xf32> to vector<8x1x16xf32>
    tpu.vector_store %arg3[%swap3A_672, %swap3A_673, %swap3A_674], %swap3A_677 {strides = array<i32>} : memref<8x16x128xf32, #tpu.memory_space<vmem>>, vector<8x1x16xf32>,
    %slice3A_678 = vector.extract_strided_slice %reshape3A_4 {offsets = [0, 37920], sizes = [8, 16], strides = [1, 1]} : vector<8x50176xf32> to vector<8x16xf32>
    %swap3A_679 = arith.constant 0 : index
    %swap3A_680 = arith.constant 12 : index
    %swap3A_681 = arith.constant 0 : index
    %swap3A_682 = vector.load %arg3[%swap3A_679, %swap3A_680, %swap3A_681] : memref<8x16x128xf32, #tpu.memory_space<vmem>>, vector<8x1x16xf32>
    %swap3A_683 = vector.shape_cast %swap3A_682 : vector<8x1x16xf32> to vector<8x16xf32>
    %swap3A_684 = vector.shape_cast %slice3A_678 : vector<8x16xf32> to vector<8x1x16xf32>
    tpu.vector_store %arg3[%swap3A_679, %swap3A_680, %swap3A_681], %swap3A_684 {strides = array<i32>} : memref<8x16x128xf32, #tpu.memory_space<vmem>>, vector<8x1x16xf32>,
    %slice3A_685 = vector.extract_strided_slice %reshape3A_4 {offsets = [0, 38320], sizes = [8, 16], strides = [1, 1]} : vector<8x50176xf32> to vector<8x16xf32>
    %swap3A_686 = arith.constant 0 : index
    %swap3A_687 = arith.constant 12 : index
    %swap3A_688 = arith.constant 16 : index
    %swap3A_689 = vector.load %arg3[%swap3A_686, %swap3A_687, %swap3A_688] : memref<8x16x128xf32, #tpu.memory_space<vmem>>, vector<8x1x16xf32>
    %swap3A_690 = vector.shape_cast %swap3A_689 : vector<8x1x16xf32> to vector<8x16xf32>
    %swap3A_691 = vector.shape_cast %slice3A_685 : vector<8x16xf32> to vector<8x1x16xf32>
    tpu.vector_store %arg3[%swap3A_686, %swap3A_687, %swap3A_688], %swap3A_691 {strides = array<i32>} : memref<8x16x128xf32, #tpu.memory_space<vmem>>, vector<8x1x16xf32>,
    %slice3A_692 = vector.extract_strided_slice %reshape3A_4 {offsets = [0, 38704], sizes = [8, 16], strides = [1, 1]} : vector<8x50176xf32> to vector<8x16xf32>
    %swap3A_693 = arith.constant 0 : index
    %swap3A_694 = arith.constant 12 : index
    %swap3A_695 = arith.constant 32 : index
    %swap3A_696 = vector.load %arg3[%swap3A_693, %swap3A_694, %swap3A_695] : memref<8x16x128xf32, #tpu.memory_space<vmem>>, vector<8x1x16xf32>
    %swap3A_697 = vector.shape_cast %swap3A_696 : vector<8x1x16xf32> to vector<8x16xf32>
    %swap3A_698 = vector.shape_cast %slice3A_692 : vector<8x16xf32> to vector<8x1x16xf32>
    tpu.vector_store %arg3[%swap3A_693, %swap3A_694, %swap3A_695], %swap3A_698 {strides = array<i32>} : memref<8x16x128xf32, #tpu.memory_space<vmem>>, vector<8x1x16xf32>,
    %slice3A_699 = vector.extract_strided_slice %reshape3A_4 {offsets = [0, 39104], sizes = [8, 16], strides = [1, 1]} : vector<8x50176xf32> to vector<8x16xf32>
    %swap3A_700 = arith.constant 0 : index
    %swap3A_701 = arith.constant 12 : index
    %swap3A_702 = arith.constant 48 : index
    %swap3A_703 = vector.load %arg3[%swap3A_700, %swap3A_701, %swap3A_702] : memref<8x16x128xf32, #tpu.memory_space<vmem>>, vector<8x1x16xf32>
    %swap3A_704 = vector.shape_cast %swap3A_703 : vector<8x1x16xf32> to vector<8x16xf32>
    %swap3A_705 = vector.shape_cast %slice3A_699 : vector<8x16xf32> to vector<8x1x16xf32>
    tpu.vector_store %arg3[%swap3A_700, %swap3A_701, %swap3A_702], %swap3A_705 {strides = array<i32>} : memref<8x16x128xf32, #tpu.memory_space<vmem>>, vector<8x1x16xf32>,
    %slice3A_706 = vector.extract_strided_slice %reshape3A_4 {offsets = [0, 39504], sizes = [8, 16], strides = [1, 1]} : vector<8x50176xf32> to vector<8x16xf32>
    %swap3A_707 = arith.constant 0 : index
    %swap3A_708 = arith.constant 12 : index
    %swap3A_709 = arith.constant 64 : index
    %swap3A_710 = vector.load %arg3[%swap3A_707, %swap3A_708, %swap3A_709] : memref<8x16x128xf32, #tpu.memory_space<vmem>>, vector<8x1x16xf32>
    %swap3A_711 = vector.shape_cast %swap3A_710 : vector<8x1x16xf32> to vector<8x16xf32>
    %swap3A_712 = vector.shape_cast %slice3A_706 : vector<8x16xf32> to vector<8x1x16xf32>
    tpu.vector_store %arg3[%swap3A_707, %swap3A_708, %swap3A_709], %swap3A_712 {strides = array<i32>} : memref<8x16x128xf32, #tpu.memory_space<vmem>>, vector<8x1x16xf32>,
    %slice3A_713 = vector.extract_strided_slice %reshape3A_4 {offsets = [0, 39888], sizes = [8, 16], strides = [1, 1]} : vector<8x50176xf32> to vector<8x16xf32>
    %swap3A_714 = arith.constant 0 : index
    %swap3A_715 = arith.constant 12 : index
    %swap3A_716 = arith.constant 80 : index
    %swap3A_717 = vector.load %arg3[%swap3A_714, %swap3A_715, %swap3A_716] : memref<8x16x128xf32, #tpu.memory_space<vmem>>, vector<8x1x16xf32>
    %swap3A_718 = vector.shape_cast %swap3A_717 : vector<8x1x16xf32> to vector<8x16xf32>
    %swap3A_719 = vector.shape_cast %slice3A_713 : vector<8x16xf32> to vector<8x1x16xf32>
    tpu.vector_store %arg3[%swap3A_714, %swap3A_715, %swap3A_716], %swap3A_719 {strides = array<i32>} : memref<8x16x128xf32, #tpu.memory_space<vmem>>, vector<8x1x16xf32>,
    %slice3A_720 = vector.extract_strided_slice %reshape3A_4 {offsets = [0, 40288], sizes = [8, 16], strides = [1, 1]} : vector<8x50176xf32> to vector<8x16xf32>
    %swap3A_721 = arith.constant 0 : index
    %swap3A_722 = arith.constant 12 : index
    %swap3A_723 = arith.constant 96 : index
    %swap3A_724 = vector.load %arg3[%swap3A_721, %swap3A_722, %swap3A_723] : memref<8x16x128xf32, #tpu.memory_space<vmem>>, vector<8x1x16xf32>
    %swap3A_725 = vector.shape_cast %swap3A_724 : vector<8x1x16xf32> to vector<8x16xf32>
    %swap3A_726 = vector.shape_cast %slice3A_720 : vector<8x16xf32> to vector<8x1x16xf32>
    tpu.vector_store %arg3[%swap3A_721, %swap3A_722, %swap3A_723], %swap3A_726 {strides = array<i32>} : memref<8x16x128xf32, #tpu.memory_space<vmem>>, vector<8x1x16xf32>,
    %slice3A_727 = vector.extract_strided_slice %reshape3A_4 {offsets = [0, 40688], sizes = [8, 16], strides = [1, 1]} : vector<8x50176xf32> to vector<8x16xf32>
    %swap3A_728 = arith.constant 0 : index
    %swap3A_729 = arith.constant 12 : index
    %swap3A_730 = arith.constant 112 : index
    %swap3A_731 = vector.load %arg3[%swap3A_728, %swap3A_729, %swap3A_730] : memref<8x16x128xf32, #tpu.memory_space<vmem>>, vector<8x1x16xf32>
    %swap3A_732 = vector.shape_cast %swap3A_731 : vector<8x1x16xf32> to vector<8x16xf32>
    %swap3A_733 = vector.shape_cast %slice3A_727 : vector<8x16xf32> to vector<8x1x16xf32>
    tpu.vector_store %arg3[%swap3A_728, %swap3A_729, %swap3A_730], %swap3A_733 {strides = array<i32>} : memref<8x16x128xf32, #tpu.memory_space<vmem>>, vector<8x1x16xf32>,
    %slice3A_734 = vector.extract_strided_slice %reshape3A_4 {offsets = [0, 41088], sizes = [8, 16], strides = [1, 1]} : vector<8x50176xf32> to vector<8x16xf32>
    %swap3A_735 = arith.constant 0 : index
    %swap3A_736 = arith.constant 13 : index
    %swap3A_737 = arith.constant 0 : index
    %swap3A_738 = vector.load %arg3[%swap3A_735, %swap3A_736, %swap3A_737] : memref<8x16x128xf32, #tpu.memory_space<vmem>>, vector<8x1x16xf32>
    %swap3A_739 = vector.shape_cast %swap3A_738 : vector<8x1x16xf32> to vector<8x16xf32>
    %swap3A_740 = vector.shape_cast %slice3A_734 : vector<8x16xf32> to vector<8x1x16xf32>
    tpu.vector_store %arg3[%swap3A_735, %swap3A_736, %swap3A_737], %swap3A_740 {strides = array<i32>} : memref<8x16x128xf32, #tpu.memory_space<vmem>>, vector<8x1x16xf32>,
    %slice3A_741 = vector.extract_strided_slice %reshape3A_4 {offsets = [0, 41472], sizes = [8, 16], strides = [1, 1]} : vector<8x50176xf32> to vector<8x16xf32>
    %swap3A_742 = arith.constant 0 : index
    %swap3A_743 = arith.constant 13 : index
    %swap3A_744 = arith.constant 16 : index
    %swap3A_745 = vector.load %arg3[%swap3A_742, %swap3A_743, %swap3A_744] : memref<8x16x128xf32, #tpu.memory_space<vmem>>, vector<8x1x16xf32>
    %swap3A_746 = vector.shape_cast %swap3A_745 : vector<8x1x16xf32> to vector<8x16xf32>
    %swap3A_747 = vector.shape_cast %slice3A_741 : vector<8x16xf32> to vector<8x1x16xf32>
    tpu.vector_store %arg3[%swap3A_742, %swap3A_743, %swap3A_744], %swap3A_747 {strides = array<i32>} : memref<8x16x128xf32, #tpu.memory_space<vmem>>, vector<8x1x16xf32>,
    %slice3A_748 = vector.extract_strided_slice %reshape3A_4 {offsets = [0, 41872], sizes = [8, 16], strides = [1, 1]} : vector<8x50176xf32> to vector<8x16xf32>
    %swap3A_749 = arith.constant 0 : index
    %swap3A_750 = arith.constant 13 : index
    %swap3A_751 = arith.constant 32 : index
    %swap3A_752 = vector.load %arg3[%swap3A_749, %swap3A_750, %swap3A_751] : memref<8x16x128xf32, #tpu.memory_space<vmem>>, vector<8x1x16xf32>
    %swap3A_753 = vector.shape_cast %swap3A_752 : vector<8x1x16xf32> to vector<8x16xf32>
    %swap3A_754 = vector.shape_cast %slice3A_748 : vector<8x16xf32> to vector<8x1x16xf32>
    tpu.vector_store %arg3[%swap3A_749, %swap3A_750, %swap3A_751], %swap3A_754 {strides = array<i32>} : memref<8x16x128xf32, #tpu.memory_space<vmem>>, vector<8x1x16xf32>,
    %slice3A_755 = vector.extract_strided_slice %reshape3A_4 {offsets = [0, 42272], sizes = [8, 16], strides = [1, 1]} : vector<8x50176xf32> to vector<8x16xf32>
    %swap3A_756 = arith.constant 0 : index
    %swap3A_757 = arith.constant 13 : index
    %swap3A_758 = arith.constant 48 : index
    %swap3A_759 = vector.load %arg3[%swap3A_756, %swap3A_757, %swap3A_758] : memref<8x16x128xf32, #tpu.memory_space<vmem>>, vector<8x1x16xf32>
    %swap3A_760 = vector.shape_cast %swap3A_759 : vector<8x1x16xf32> to vector<8x16xf32>
    %swap3A_761 = vector.shape_cast %slice3A_755 : vector<8x16xf32> to vector<8x1x16xf32>
    tpu.vector_store %arg3[%swap3A_756, %swap3A_757, %swap3A_758], %swap3A_761 {strides = array<i32>} : memref<8x16x128xf32, #tpu.memory_space<vmem>>, vector<8x1x16xf32>,
    %slice3A_762 = vector.extract_strided_slice %reshape3A_4 {offsets = [0, 42656], sizes = [8, 16], strides = [1, 1]} : vector<8x50176xf32> to vector<8x16xf32>
    %swap3A_763 = arith.constant 0 : index
    %swap3A_764 = arith.constant 13 : index
    %swap3A_765 = arith.constant 64 : index
    %swap3A_766 = vector.load %arg3[%swap3A_763, %swap3A_764, %swap3A_765] : memref<8x16x128xf32, #tpu.memory_space<vmem>>, vector<8x1x16xf32>
    %swap3A_767 = vector.shape_cast %swap3A_766 : vector<8x1x16xf32> to vector<8x16xf32>
    %swap3A_768 = vector.shape_cast %slice3A_762 : vector<8x16xf32> to vector<8x1x16xf32>
    tpu.vector_store %arg3[%swap3A_763, %swap3A_764, %swap3A_765], %swap3A_768 {strides = array<i32>} : memref<8x16x128xf32, #tpu.memory_space<vmem>>, vector<8x1x16xf32>,
    %slice3A_769 = vector.extract_strided_slice %reshape3A_4 {offsets = [0, 43056], sizes = [8, 16], strides = [1, 1]} : vector<8x50176xf32> to vector<8x16xf32>
    %swap3A_770 = arith.constant 0 : index
    %swap3A_771 = arith.constant 13 : index
    %swap3A_772 = arith.constant 80 : index
    %swap3A_773 = vector.load %arg3[%swap3A_770, %swap3A_771, %swap3A_772] : memref<8x16x128xf32, #tpu.memory_space<vmem>>, vector<8x1x16xf32>
    %swap3A_774 = vector.shape_cast %swap3A_773 : vector<8x1x16xf32> to vector<8x16xf32>
    %swap3A_775 = vector.shape_cast %slice3A_769 : vector<8x16xf32> to vector<8x1x16xf32>
    tpu.vector_store %arg3[%swap3A_770, %swap3A_771, %swap3A_772], %swap3A_775 {strides = array<i32>} : memref<8x16x128xf32, #tpu.memory_space<vmem>>, vector<8x1x16xf32>,
    %slice3A_776 = vector.extract_strided_slice %reshape3A_4 {offsets = [0, 43456], sizes = [8, 16], strides = [1, 1]} : vector<8x50176xf32> to vector<8x16xf32>
    %swap3A_777 = arith.constant 0 : index
    %swap3A_778 = arith.constant 13 : index
    %swap3A_779 = arith.constant 96 : index
    %swap3A_780 = vector.load %arg3[%swap3A_777, %swap3A_778, %swap3A_779] : memref<8x16x128xf32, #tpu.memory_space<vmem>>, vector<8x1x16xf32>
    %swap3A_781 = vector.shape_cast %swap3A_780 : vector<8x1x16xf32> to vector<8x16xf32>
    %swap3A_782 = vector.shape_cast %slice3A_776 : vector<8x16xf32> to vector<8x1x16xf32>
    tpu.vector_store %arg3[%swap3A_777, %swap3A_778, %swap3A_779], %swap3A_782 {strides = array<i32>} : memref<8x16x128xf32, #tpu.memory_space<vmem>>, vector<8x1x16xf32>,
    %slice3A_783 = vector.extract_strided_slice %reshape3A_4 {offsets = [0, 43840], sizes = [8, 16], strides = [1, 1]} : vector<8x50176xf32> to vector<8x16xf32>
    %swap3A_784 = arith.constant 0 : index
    %swap3A_785 = arith.constant 13 : index
    %swap3A_786 = arith.constant 112 : index
    %swap3A_787 = vector.load %arg3[%swap3A_784, %swap3A_785, %swap3A_786] : memref<8x16x128xf32, #tpu.memory_space<vmem>>, vector<8x1x16xf32>
    %swap3A_788 = vector.shape_cast %swap3A_787 : vector<8x1x16xf32> to vector<8x16xf32>
    %swap3A_789 = vector.shape_cast %slice3A_783 : vector<8x16xf32> to vector<8x1x16xf32>
    tpu.vector_store %arg3[%swap3A_784, %swap3A_785, %swap3A_786], %swap3A_789 {strides = array<i32>} : memref<8x16x128xf32, #tpu.memory_space<vmem>>, vector<8x1x16xf32>,
    %slice3A_790 = vector.extract_strided_slice %reshape3A_4 {offsets = [0, 44240], sizes = [8, 16], strides = [1, 1]} : vector<8x50176xf32> to vector<8x16xf32>
    %swap3A_791 = arith.constant 0 : index
    %swap3A_792 = arith.constant 14 : index
    %swap3A_793 = arith.constant 0 : index
    %swap3A_794 = vector.load %arg3[%swap3A_791, %swap3A_792, %swap3A_793] : memref<8x16x128xf32, #tpu.memory_space<vmem>>, vector<8x1x16xf32>
    %swap3A_795 = vector.shape_cast %swap3A_794 : vector<8x1x16xf32> to vector<8x16xf32>
    %swap3A_796 = vector.shape_cast %slice3A_790 : vector<8x16xf32> to vector<8x1x16xf32>
    tpu.vector_store %arg3[%swap3A_791, %swap3A_792, %swap3A_793], %swap3A_796 {strides = array<i32>} : memref<8x16x128xf32, #tpu.memory_space<vmem>>, vector<8x1x16xf32>,
    %slice3A_797 = vector.extract_strided_slice %reshape3A_4 {offsets = [0, 44640], sizes = [8, 16], strides = [1, 1]} : vector<8x50176xf32> to vector<8x16xf32>
    %swap3A_798 = arith.constant 0 : index
    %swap3A_799 = arith.constant 14 : index
    %swap3A_800 = arith.constant 16 : index
    %swap3A_801 = vector.load %arg3[%swap3A_798, %swap3A_799, %swap3A_800] : memref<8x16x128xf32, #tpu.memory_space<vmem>>, vector<8x1x16xf32>
    %swap3A_802 = vector.shape_cast %swap3A_801 : vector<8x1x16xf32> to vector<8x16xf32>
    %swap3A_803 = vector.shape_cast %slice3A_797 : vector<8x16xf32> to vector<8x1x16xf32>
    tpu.vector_store %arg3[%swap3A_798, %swap3A_799, %swap3A_800], %swap3A_803 {strides = array<i32>} : memref<8x16x128xf32, #tpu.memory_space<vmem>>, vector<8x1x16xf32>,
    %slice3A_804 = vector.extract_strided_slice %reshape3A_4 {offsets = [0, 45024], sizes = [8, 16], strides = [1, 1]} : vector<8x50176xf32> to vector<8x16xf32>
    %swap3A_805 = arith.constant 0 : index
    %swap3A_806 = arith.constant 14 : index
    %swap3A_807 = arith.constant 32 : index
    %swap3A_808 = vector.load %arg3[%swap3A_805, %swap3A_806, %swap3A_807] : memref<8x16x128xf32, #tpu.memory_space<vmem>>, vector<8x1x16xf32>
    %swap3A_809 = vector.shape_cast %swap3A_808 : vector<8x1x16xf32> to vector<8x16xf32>
    %swap3A_810 = vector.shape_cast %slice3A_804 : vector<8x16xf32> to vector<8x1x16xf32>
    tpu.vector_store %arg3[%swap3A_805, %swap3A_806, %swap3A_807], %swap3A_810 {strides = array<i32>} : memref<8x16x128xf32, #tpu.memory_space<vmem>>, vector<8x1x16xf32>,
    %slice3A_811 = vector.extract_strided_slice %reshape3A_4 {offsets = [0, 45424], sizes = [8, 16], strides = [1, 1]} : vector<8x50176xf32> to vector<8x16xf32>
    %swap3A_812 = arith.constant 0 : index
    %swap3A_813 = arith.constant 14 : index
    %swap3A_814 = arith.constant 48 : index
    %swap3A_815 = vector.load %arg3[%swap3A_812, %swap3A_813, %swap3A_814] : memref<8x16x128xf32, #tpu.memory_space<vmem>>, vector<8x1x16xf32>
    %swap3A_816 = vector.shape_cast %swap3A_815 : vector<8x1x16xf32> to vector<8x16xf32>
    %swap3A_817 = vector.shape_cast %slice3A_811 : vector<8x16xf32> to vector<8x1x16xf32>
    tpu.vector_store %arg3[%swap3A_812, %swap3A_813, %swap3A_814], %swap3A_817 {strides = array<i32>} : memref<8x16x128xf32, #tpu.memory_space<vmem>>, vector<8x1x16xf32>,
    %slice3A_818 = vector.extract_strided_slice %reshape3A_4 {offsets = [0, 45824], sizes = [8, 16], strides = [1, 1]} : vector<8x50176xf32> to vector<8x16xf32>
    %swap3A_819 = arith.constant 0 : index
    %swap3A_820 = arith.constant 14 : index
    %swap3A_821 = arith.constant 64 : index
    %swap3A_822 = vector.load %arg3[%swap3A_819, %swap3A_820, %swap3A_821] : memref<8x16x128xf32, #tpu.memory_space<vmem>>, vector<8x1x16xf32>
    %swap3A_823 = vector.shape_cast %swap3A_822 : vector<8x1x16xf32> to vector<8x16xf32>
    %swap3A_824 = vector.shape_cast %slice3A_818 : vector<8x16xf32> to vector<8x1x16xf32>
    tpu.vector_store %arg3[%swap3A_819, %swap3A_820, %swap3A_821], %swap3A_824 {strides = array<i32>} : memref<8x16x128xf32, #tpu.memory_space<vmem>>, vector<8x1x16xf32>,
    %slice3A_825 = vector.extract_strided_slice %reshape3A_4 {offsets = [0, 46224], sizes = [8, 16], strides = [1, 1]} : vector<8x50176xf32> to vector<8x16xf32>
    %swap3A_826 = arith.constant 0 : index
    %swap3A_827 = arith.constant 14 : index
    %swap3A_828 = arith.constant 80 : index
    %swap3A_829 = vector.load %arg3[%swap3A_826, %swap3A_827, %swap3A_828] : memref<8x16x128xf32, #tpu.memory_space<vmem>>, vector<8x1x16xf32>
    %swap3A_830 = vector.shape_cast %swap3A_829 : vector<8x1x16xf32> to vector<8x16xf32>
    %swap3A_831 = vector.shape_cast %slice3A_825 : vector<8x16xf32> to vector<8x1x16xf32>
    tpu.vector_store %arg3[%swap3A_826, %swap3A_827, %swap3A_828], %swap3A_831 {strides = array<i32>} : memref<8x16x128xf32, #tpu.memory_space<vmem>>, vector<8x1x16xf32>,
    %slice3A_832 = vector.extract_strided_slice %reshape3A_4 {offsets = [0, 46608], sizes = [8, 16], strides = [1, 1]} : vector<8x50176xf32> to vector<8x16xf32>
    %swap3A_833 = arith.constant 0 : index
    %swap3A_834 = arith.constant 14 : index
    %swap3A_835 = arith.constant 96 : index
    %swap3A_836 = vector.load %arg3[%swap3A_833, %swap3A_834, %swap3A_835] : memref<8x16x128xf32, #tpu.memory_space<vmem>>, vector<8x1x16xf32>
    %swap3A_837 = vector.shape_cast %swap3A_836 : vector<8x1x16xf32> to vector<8x16xf32>
    %swap3A_838 = vector.shape_cast %slice3A_832 : vector<8x16xf32> to vector<8x1x16xf32>
    tpu.vector_store %arg3[%swap3A_833, %swap3A_834, %swap3A_835], %swap3A_838 {strides = array<i32>} : memref<8x16x128xf32, #tpu.memory_space<vmem>>, vector<8x1x16xf32>,
    %slice3A_839 = vector.extract_strided_slice %reshape3A_4 {offsets = [0, 47008], sizes = [8, 16], strides = [1, 1]} : vector<8x50176xf32> to vector<8x16xf32>
    %swap3A_840 = arith.constant 0 : index
    %swap3A_841 = arith.constant 14 : index
    %swap3A_842 = arith.constant 112 : index
    %swap3A_843 = vector.load %arg3[%swap3A_840, %swap3A_841, %swap3A_842] : memref<8x16x128xf32, #tpu.memory_space<vmem>>, vector<8x1x16xf32>
    %swap3A_844 = vector.shape_cast %swap3A_843 : vector<8x1x16xf32> to vector<8x16xf32>
    %swap3A_845 = vector.shape_cast %slice3A_839 : vector<8x16xf32> to vector<8x1x16xf32>
    tpu.vector_store %arg3[%swap3A_840, %swap3A_841, %swap3A_842], %swap3A_845 {strides = array<i32>} : memref<8x16x128xf32, #tpu.memory_space<vmem>>, vector<8x1x16xf32>,
    %slice3A_846 = vector.extract_strided_slice %reshape3A_4 {offsets = [0, 47408], sizes = [8, 16], strides = [1, 1]} : vector<8x50176xf32> to vector<8x16xf32>
    %swap3A_847 = arith.constant 0 : index
    %swap3A_848 = arith.constant 15 : index
    %swap3A_849 = arith.constant 0 : index
    %swap3A_850 = vector.load %arg3[%swap3A_847, %swap3A_848, %swap3A_849] : memref<8x16x128xf32, #tpu.memory_space<vmem>>, vector<8x1x16xf32>
    %swap3A_851 = vector.shape_cast %swap3A_850 : vector<8x1x16xf32> to vector<8x16xf32>
    %swap3A_852 = vector.shape_cast %slice3A_846 : vector<8x16xf32> to vector<8x1x16xf32>
    tpu.vector_store %arg3[%swap3A_847, %swap3A_848, %swap3A_849], %swap3A_852 {strides = array<i32>} : memref<8x16x128xf32, #tpu.memory_space<vmem>>, vector<8x1x16xf32>,
    %slice3A_853 = vector.extract_strided_slice %reshape3A_4 {offsets = [0, 47792], sizes = [8, 16], strides = [1, 1]} : vector<8x50176xf32> to vector<8x16xf32>
    %swap3A_854 = arith.constant 0 : index
    %swap3A_855 = arith.constant 15 : index
    %swap3A_856 = arith.constant 16 : index
    %swap3A_857 = vector.load %arg3[%swap3A_854, %swap3A_855, %swap3A_856] : memref<8x16x128xf32, #tpu.memory_space<vmem>>, vector<8x1x16xf32>
    %swap3A_858 = vector.shape_cast %swap3A_857 : vector<8x1x16xf32> to vector<8x16xf32>
    %swap3A_859 = vector.shape_cast %slice3A_853 : vector<8x16xf32> to vector<8x1x16xf32>
    tpu.vector_store %arg3[%swap3A_854, %swap3A_855, %swap3A_856], %swap3A_859 {strides = array<i32>} : memref<8x16x128xf32, #tpu.memory_space<vmem>>, vector<8x1x16xf32>,
    %slice3A_860 = vector.extract_strided_slice %reshape3A_4 {offsets = [0, 48192], sizes = [8, 16], strides = [1, 1]} : vector<8x50176xf32> to vector<8x16xf32>
    %swap3A_861 = arith.constant 0 : index
    %swap3A_862 = arith.constant 15 : index
    %swap3A_863 = arith.constant 32 : index
    %swap3A_864 = vector.load %arg3[%swap3A_861, %swap3A_862, %swap3A_863] : memref<8x16x128xf32, #tpu.memory_space<vmem>>, vector<8x1x16xf32>
    %swap3A_865 = vector.shape_cast %swap3A_864 : vector<8x1x16xf32> to vector<8x16xf32>
    %swap3A_866 = vector.shape_cast %slice3A_860 : vector<8x16xf32> to vector<8x1x16xf32>
    tpu.vector_store %arg3[%swap3A_861, %swap3A_862, %swap3A_863], %swap3A_866 {strides = array<i32>} : memref<8x16x128xf32, #tpu.memory_space<vmem>>, vector<8x1x16xf32>,
    %slice3A_867 = vector.extract_strided_slice %reshape3A_4 {offsets = [0, 48592], sizes = [8, 16], strides = [1, 1]} : vector<8x50176xf32> to vector<8x16xf32>
    %swap3A_868 = arith.constant 0 : index
    %swap3A_869 = arith.constant 15 : index
    %swap3A_870 = arith.constant 48 : index
    %swap3A_871 = vector.load %arg3[%swap3A_868, %swap3A_869, %swap3A_870] : memref<8x16x128xf32, #tpu.memory_space<vmem>>, vector<8x1x16xf32>
    %swap3A_872 = vector.shape_cast %swap3A_871 : vector<8x1x16xf32> to vector<8x16xf32>
    %swap3A_873 = vector.shape_cast %slice3A_867 : vector<8x16xf32> to vector<8x1x16xf32>
    tpu.vector_store %arg3[%swap3A_868, %swap3A_869, %swap3A_870], %swap3A_873 {strides = array<i32>} : memref<8x16x128xf32, #tpu.memory_space<vmem>>, vector<8x1x16xf32>,
    %slice3A_874 = vector.extract_strided_slice %reshape3A_4 {offsets = [0, 48976], sizes = [8, 16], strides = [1, 1]} : vector<8x50176xf32> to vector<8x16xf32>
    %swap3A_875 = arith.constant 0 : index
    %swap3A_876 = arith.constant 15 : index
    %swap3A_877 = arith.constant 64 : index
    %swap3A_878 = vector.load %arg3[%swap3A_875, %swap3A_876, %swap3A_877] : memref<8x16x128xf32, #tpu.memory_space<vmem>>, vector<8x1x16xf32>
    %swap3A_879 = vector.shape_cast %swap3A_878 : vector<8x1x16xf32> to vector<8x16xf32>
    %swap3A_880 = vector.shape_cast %slice3A_874 : vector<8x16xf32> to vector<8x1x16xf32>
    tpu.vector_store %arg3[%swap3A_875, %swap3A_876, %swap3A_877], %swap3A_880 {strides = array<i32>} : memref<8x16x128xf32, #tpu.memory_space<vmem>>, vector<8x1x16xf32>,
    %slice3A_881 = vector.extract_strided_slice %reshape3A_4 {offsets = [0, 49376], sizes = [8, 16], strides = [1, 1]} : vector<8x50176xf32> to vector<8x16xf32>
    %swap3A_882 = arith.constant 0 : index
    %swap3A_883 = arith.constant 15 : index
    %swap3A_884 = arith.constant 80 : index
    %swap3A_885 = vector.load %arg3[%swap3A_882, %swap3A_883, %swap3A_884] : memref<8x16x128xf32, #tpu.memory_space<vmem>>, vector<8x1x16xf32>
    %swap3A_886 = vector.shape_cast %swap3A_885 : vector<8x1x16xf32> to vector<8x16xf32>
    %swap3A_887 = vector.shape_cast %slice3A_881 : vector<8x16xf32> to vector<8x1x16xf32>
    tpu.vector_store %arg3[%swap3A_882, %swap3A_883, %swap3A_884], %swap3A_887 {strides = array<i32>} : memref<8x16x128xf32, #tpu.memory_space<vmem>>, vector<8x1x16xf32>,
    %slice3A_888 = vector.extract_strided_slice %reshape3A_4 {offsets = [0, 49776], sizes = [8, 16], strides = [1, 1]} : vector<8x50176xf32> to vector<8x16xf32>
    %swap3A_889 = arith.constant 0 : index
    %swap3A_890 = arith.constant 15 : index
    %swap3A_891 = arith.constant 96 : index
    %swap3A_892 = vector.load %arg3[%swap3A_889, %swap3A_890, %swap3A_891] : memref<8x16x128xf32, #tpu.memory_space<vmem>>, vector<8x1x16xf32>
    %swap3A_893 = vector.shape_cast %swap3A_892 : vector<8x1x16xf32> to vector<8x16xf32>
    %swap3A_894 = vector.shape_cast %slice3A_888 : vector<8x16xf32> to vector<8x1x16xf32>
    tpu.vector_store %arg3[%swap3A_889, %swap3A_890, %swap3A_891], %swap3A_894 {strides = array<i32>} : memref<8x16x128xf32, #tpu.memory_space<vmem>>, vector<8x1x16xf32>,
    %slice3A_895 = vector.extract_strided_slice %reshape3A_4 {offsets = [0, 50160], sizes = [8, 16], strides = [1, 1]} : vector<8x50176xf32> to vector<8x16xf32>
    %swap3A_896 = arith.constant 0 : index
    %swap3A_897 = arith.constant 15 : index
    %swap3A_898 = arith.constant 112 : index
    %swap3A_899 = vector.load %arg3[%swap3A_896, %swap3A_897, %swap3A_898] : memref<8x16x128xf32, #tpu.memory_space<vmem>>, vector<8x1x16xf32>
    %swap3A_900 = vector.shape_cast %swap3A_899 : vector<8x1x16xf32> to vector<8x16xf32>
    %swap3A_901 = vector.shape_cast %slice3A_895 : vector<8x16xf32> to vector<8x1x16xf32>
    tpu.vector_store %arg3[%swap3A_896, %swap3A_897, %swap3A_898], %swap3A_901 {strides = array<i32>} : memref<8x16x128xf32, #tpu.memory_space<vmem>>, vector<8x1x16xf32>,
    %reduce_sum3A = arith.constant dense<0.000000e+00> : vector<8xf32>
    %reduce_sum3A_902 = vector.multi_reduction <add>, %reshape3A_4, %reduce_sum3A [1] : vector<8x50176xf32> to vector<8xf32>
    %broadcast_in_dim3A = vector.shape_cast %reduce_sum3A_902 : vector<8xf32> to vector<8x1xf32>
    %mul3A = arith.mulf %reshape3A_4, %reshape3A_4 : vector<8x50176xf32>
    %reduce_sum3A_903 = arith.constant dense<0.000000e+00> : vector<8xf32>
    %reduce_sum3A_904 = vector.multi_reduction <add>, %mul3A, %reduce_sum3A_903 [1] : vector<8x50176xf32> to vector<8xf32>
    %broadcast_in_dim3A_905 = vector.shape_cast %reduce_sum3A_904 : vector<8xf32> to vector<8x1xf32>
    %mul3A_906 = arith.constant 1.99298465E-5 : f32
    %mul3A_907 = vector.broadcast %mul3A_906 : f32 to vector<8x1xf32>
    %mul3A_908 = arith.mulf %broadcast_in_dim3A, %mul3A_907 : vector<8x1xf32>
    %mul3A_909 = arith.constant 1.99298465E-5 : f32
    %mul3A_910 = vector.broadcast %mul3A_909 : f32 to vector<8x1xf32>
    %mul3A_911 = arith.mulf %broadcast_in_dim3A_905, %mul3A_910 : vector<8x1xf32>
    %mul3A_912 = arith.mulf %broadcast_in_dim3A, %broadcast_in_dim3A : vector<8x1xf32>
    %mul3A_913 = arith.constant 1.99298465E-5 : f32
    %mul3A_914 = vector.broadcast %mul3A_913 : f32 to vector<8x1xf32>
    %mul3A_915 = arith.mulf %mul3A_912, %mul3A_914 : vector<8x1xf32>
    %sub3A = arith.subf %broadcast_in_dim3A_905, %mul3A_915 : vector<8x1xf32>
    %mul3A_916 = arith.constant 1.99302449E-5 : f32
    %mul3A_917 = vector.broadcast %mul3A_916 : f32 to vector<8x1xf32>
    %mul3A_918 = arith.mulf %sub3A, %mul3A_917 : vector<8x1xf32>
    %sqrt3A = math.sqrt %mul3A_918 : vector<8x1xf32>
    %concatenate3A = tpu.concatenate %mul3A_908, %sqrt3A, %mul3A_911 in 1 : vector<8x1xf32>, vector<8x1xf32>, vector<8x1xf32> -> vector<8x3xf32>
    %swap3A_919 = arith.constant 0 : index
    %swap3A_920 = arith.constant 0 : index
    %swap3A_921 = vector.load %arg4[%swap3A_919, %swap3A_920] : memref<8x3xf32, #tpu.memory_space<vmem>>, vector<8x3xf32>
    tpu.vector_store %arg4[%swap3A_919, %swap3A_920], %concatenate3A {strides = array<i32>} : memref<8x3xf32, #tpu.memory_space<vmem>>, vector<8x3xf32>,
    return
  }
  func.func @transform_0(%arg0: i32) -> (i32, i32, i32, i32) {
    %c0_i32 = arith.constant 0 : i32
    %c0_i32_0 = arith.constant 0 : i32
    %c0_i32_1 = arith.constant 0 : i32
    %c0_i32_2 = arith.constant 0 : i32
    return %arg0, %c0_i32, %c0_i32_0, %c0_i32_1 : i32, i32, i32, i32
  }
  func.func @transform_1(%arg0: i32) -> (i32, i32) {
    %c0_i32 = arith.constant 0 : i32
    %c0_i32_0 = arith.constant 0 : i32
    return %arg0, %c0_i32 : i32, i32
  }
  func.func @transform_2(%arg0: i32) -> (i32, i32, i32) {
    %c0_i32 = arith.constant 0 : i32
    %c0_i32_0 = arith.constant 0 : i32
    %c0_i32_1 = arith.constant 0 : i32
    return %arg0, %c0_i32, %c0_i32_0 : i32, i32, i32
  }
  func.func @transform_3(%arg0: i32) -> (i32, i32) {
    %c0_i32 = arith.constant 0 : i32
    %c0_i32_0 = arith.constant 0 : i32
    return %arg0, %c0_i32 : i32, i32
  }
}

</mosaic_0001>

<sc_bundles>
// kernel: kernel.4.cloned.1.call-start
scs
__scs_entry_jumppad:
0x0: {  	(pc) =	sbr.rel $0x88, $3  }
0x1: {  	(tag) =	ssettag $0x0;
	lr =	simm.s32 $0x1  }
0x2: {  	[smem:$0x3FA0] =	sst lr;
	_ =	strace $0xD0000000  }
0x3: {  	_ = 	snop  }
0x4: {  	_ = 	snop  }
0x5: {  	_ = 	snop  }
0x6: {  	_ = 	snop  }
0x7: {  	_ = 	snop  }
__scs_overlays_trampoline_lowered:
0x8: {  	[smem:$0x3FAF] =	sst s0  }
0x9: {  	[smem:$0x3FB0] =	sst s1  }
0xa: {  	[smem:$0x3FB1] =	sst s2  }
0xb: {  	[smem:$0x3FB2] =	sst s3  }
0xc: {  	[smem:$0x3FB3] =	sst s4  }
0xd: {  	[smem:$0x3FB4] =	sst s5  }
0xe: {  	[smem:$0x3FB5] =	sst s6  }
0xf: {  	[smem:$0x3FB6] =	sst s7  }
0x10: {  	[smem:$0x3FB7] =	sst s8  }
0x11: {  	[smem:$0x3FB8] =	sst s9;
	s0 =	simm.s32 @!p0 $0x0  }
0x12: {  	s1 =	sld [smem:$0x3F9E];
	s0 =	simm.s32 @p0 $0x1  }
0x13: {  	[smem:$0x3FB9] =	sst s0;
	s0 =	simm.s32 @!p1 $0x0  }
0x14: {  	s2 =	sld [smem:$0x3F9D];
	s0 =	simm.s32 @p1 $0x1  }
0x15: {  	[smem:$0x3FBA] =	sst s0;
	s0 =	simm.s32 @!p2 $0x0  }
0x16: {  	s3 =	sld [smem:$0x3FDB];
	s0 =	simm.s32 @p2 $0x1  }
0x17: {  	s4 =	simm.s32 $0x1BF5;
	[smem:$0x3FBC] =	sst s0  }
0x18: {  	s0 =	sld [smem:$0x3F9F];
	_ =	swait.ge [sflag:s4], $0x0  }
0x19: {  	s7 =	sld [smem:$0x3FA0]  }
0x1a: {  	s8 =	sadd.s32 $0xFFFFE003, lr  }
0x1b: {  	s9 =	sadd.s32 $0xFFFFFEF7, lr;
	s5 =	simm.s32 $0xFFFFFFFF;
	p2 =	slt.u32 s8, $0xFFFFF086  }
0x1c: {  	p1 =	slt.u32 s9, $0xF7A;
	s5 =	simm.s32 @!p2 $0x0  }
0x1d: {  	s5 =	simm.s32 @p1 $0x1;
	p0 =	seq.s32 s7, s2  }
0x1e: {  	s7 =	smul.u32 @!p0 $0xF7A, s2;
	p2 =	seq.s32 @!p0 s5, $0x0  }
0x1f: {  	s9 =	smul.u32 $0xF7A, s1;
	s8 =	simm.s32 @!p0 $0x1BF5;
	p2 =	por !p2, p0  }
0x20: {  	[sflag:s8] =	ssyncset.s32 @!p0 $0xFFFFF086;
	s6 =	sadd.s32 @!p0 s3, s7;
	s7 =	simm.s32 @!p0 $0x108  }
0x21: {  	s3 =	sadd.s32 s3, s9;
	s6 =	sadd.s32 @!p0 $0x88, s6;
	s7 =	simm.s32 @p2 $0x1082  }
0x22: {  	[simem:s7], [sflag:s8] =	dma.local @!p0 [hbm:s6], $0xF7A  }
0x23: {  	s9 =	sor.u32 $0xD0000000, s2;
	s6 =	simm.s32 $0x108;
	_ =	swait.ge @!p0 [sflag:s8], $0x0  }
0x24: {  	s3 =	sadd.s32 $0x88, s3;
	s6 =	simm.s32 @!p1 $0x1082;
	[sflag:s4] =	ssyncset.s32 $0xFFFFF086  }
0x25: {  	[simem:s6], [sflag:s4] =	dma.local [hbm:s3], $0xF7A  }
0x26: {  	[smem:$0x3FA0] =	sst s1;
	(tag) =	ssettag s2;
	_ =	strace s9  }
0x27: {  	s1 =	sld [smem:$0x3FB0]  }
0x28: {  	s2 =	sld [smem:$0x3FB1]  }
0x29: {  	s4 =	sld [smem:$0x3FB3]  }
0x2a: {  	p0 =	seq.s32 s5, $0x0;
	s5 =	sld [smem:$0x3FB4]  }
0x2b: {  	s6 =	sld [smem:$0x3FB5]  }
0x2c: {  	s7 =	sld [smem:$0x3FB6]  }
0x2d: {  	s3 =	simm.s32 $0x108;
	s8 =	sld [smem:$0x3FB7]  }
0x2e: {  	s3 =	simm.s32 @!p0 $0x1082;
	s9 =	sld [smem:$0x3FB8]  }
0x2f: {  	lr =	sadd.s32 s0, s3;
	s0 =	sld [smem:$0x3FAF]  }
0x30: {  	s3 =	sld [smem:$0x3FB2]  }
0x31: {  	[smem:$0x3FBB] =	sst s10  }
0x32: {  	s10 =	sld [smem:$0x3FB9];
	_ =	sdelay $0x3  }
0x33: {  	p0 =	seq.s32 s10, $0x1;
	s10 =	sld [smem:$0x3FBB];
	_ =	sdelay $0x3  }
0x34: {  	[smem:$0x3FBB] =	sst s10  }
0x35: {  	s10 =	sld [smem:$0x3FBA];
	_ =	sdelay $0x3  }
0x36: {  	p1 =	seq.s32 s10, $0x1;
	s10 =	sld [smem:$0x3FBB];
	_ =	sdelay $0x3  }
0x37: {  	[smem:$0x3FBB] =	sst s10  }
0x38: {  	s10 =	sld [smem:$0x3FBC]  }
0x39: {  	_ = 	snop;
	(pc) =	sbr.ind lr, $3  }
0x3a: {  	_ = 	snop  }
0x3b: {  	_ = 	snop  }
0x3c: {  	p2 =	seq.s32 s10, $0x1;
	s10 =	sld [smem:$0x3FBB]  }
0x3d: {  	_ =	shalt  }
0x3e: {  	_ =	shalt  }
0x3f: {  	_ =	shalt  }
0x40: {  	_ =	shalt  }
0x41: {  	_ =	shalt  }
0x42: {  	_ =	shalt  }
0x43: {  	_ =	shalt  }
0x44: {  	_ =	shalt  }
0x45: {  	_ =	shalt  }
0x46: {  	_ =	shalt  }
0x47: {  	_ =	shalt  }
0x48: {  	_ =	shalt  }
0x49: {  	_ =	shalt  }
0x4a: {  	_ =	shalt  }
0x4b: {  	_ =	shalt  }
0x4c: {  	_ =	shalt  }
0x4d: {  	_ =	shalt  }
0x4e: {  	_ =	shalt  }
0x4f: {  	_ =	shalt  }
0x50: {  	_ =	shalt  }
0x51: {  	_ =	shalt  }
0x52: {  	_ =	shalt  }
0x53: {  	_ =	shalt  }
0x54: {  	_ =	shalt  }
0x55: {  	_ =	shalt  }
0x56: {  	_ =	shalt  }
0x57: {  	_ =	shalt  }
0x58: {  	_ =	shalt  }
0x59: {  	_ =	shalt  }
0x5a: {  	_ =	shalt  }
0x5b: {  	_ =	shalt  }
0x5c: {  	_ =	shalt  }
0x5d: {  	_ =	shalt  }
0x5e: {  	_ =	shalt  }
0x5f: {  	_ =	shalt  }
0x60: {  	_ =	shalt  }
0x61: {  	_ =	shalt  }
0x62: {  	_ =	shalt  }
0x63: {  	_ =	shalt  }
0x64: {  	_ =	shalt  }
0x65: {  	_ =	shalt  }
0x66: {  	_ =	shalt  }
0x67: {  	_ =	shalt  }
0x68: {  	_ =	shalt  }
0x69: {  	_ =	shalt  }
0x6a: {  	_ =	shalt  }
0x6b: {  	_ =	shalt  }
0x6c: {  	_ =	shalt  }
0x6d: {  	_ =	shalt  }
0x6e: {  	_ =	shalt  }
0x6f: {  	_ =	shalt  }
0x70: {  	_ =	shalt  }
0x71: {  	_ =	shalt  }
0x72: {  	_ =	shalt  }
0x73: {  	_ =	shalt  }
0x74: {  	_ =	shalt  }
0x75: {  	_ =	shalt  }
0x76: {  	_ =	shalt  }
0x77: {  	_ =	shalt  }
0x78: {  	_ =	shalt  }
0x79: {  	_ =	shalt  }
0x7a: {  	_ =	shalt  }
0x7b: {  	_ =	shalt  }
0x7c: {  	_ =	shalt  }
0x7d: {  	_ =	shalt  }
0x7e: {  	_ =	shalt  }
0x7f: {  	_ =	shalt  }
0x80: {  	_ =	shalt  }
0x81: {  	_ =	shalt  }
0x82: {  	_ =	shalt  }
0x83: {  	_ =	shalt  }
0x84: {  	_ =	shalt  }
0x85: {  	_ =	shalt  }
0x86: {  	_ =	shalt  }
0x87: {  	_ =	shalt  }
.Lfunc_end0:
.L_simem_size_0:
called_computation_lowered:
.L_overlay_start_0:
0x88: {  	s2 =	sld [smem:$0x3FD9]  }
0x89: {  	s3 =	sld [smem:$0x3FFE];
	_ =	sdelay $0x1  }
0x8a: {  	s1 =	srdreg.scid  }
0x8b: {  	s0 =	sand.u32 $0x1, s1  }
0x8c: {  	s14 =	sshll.u32 s0, $0xA;
	s2 =	sadd.s32 s3, s2  }
0x8d: {  	s2 =	sadd.s32 s2, s14  }
0x8e: {  	[smem:$0x3FC7] =	sst s2  }
0x8f: {  	_ = 	snop  }
0x90: {  	s2 =	sld [smem:$0x3FD0];
	_ =	sdelay $0x2  }
0x91: {  	s15 =	simm.s32 $0xA;
	s4 =	simm.s32 $0x10  }
0x92: {  	[smem:s4], [sflag:s15] =	dma.local [hbm:s2], $0x1  }
0x93: {  	_ =	swait.eq [sflag:s15], $0x1  }
0x94: {  	[sflag:s15] =	ssyncset.done $0x0  }
0x95: {  	[sflag:s15] =	ssyncadd.s32 $0xFFFFFFFF  }
0x96: {  	s16 =	sld [smem:$0x11];
	(tm) =	ssettm $0x1  }
0x97: {  	s17 =	sld [smem:$0x3FFB];
	_ =	sdelay $0x3  }
0x98: {  	_ =	strace s17  }
0x99: {  	s3 =	sld [smem:$0x3FFC];
	_ =	sdelay $0x3  }
0x9a: {  	_ =	strace s3  }
0x9b: {  	s3 =	sld [smem:$0x3FFD];
	_ =	sdelay $0x3  }
0x9c: {  	_ =	strace s3  }
0x9d: {  	_ =	strace $0x8FFFFFFF  }
0x9e: {  	s18 =	sld [smem:$0x3FDB];
	_ =	sdelay $0x1  }
0x9f: {  	s19 =	simm.s32 $_scs_section_size  }
0xa0: {  	s5 =	simm.s32 $_size__tile_overlayer_lowered;
	s6 =	simm.s32 $_tile_overlayer_lowered  }
0xa1: {  	s22 =	simm.s32 $0x1BFF;
	s21 =	sshll.u32 s6, $0x1;
	s3 =	sadd.s32 s19, s18  }
0xa2: {  	s7 =	simm.s32 $0x0;
	s20 =	sshll.u32 s5, $0x1;
	s5 =	sadd.s32 s21, s3  }
0xa3: {  	[timem:s7], [sflag:s22] =	dma.local [hbm:s5], s20  }
0xa4: {  	_ =	swait.ge [sflag:s22], s20  }
0xa5: {  	s4 =	ssub.s32 $0x0, s20;
	[sflag:s22] =	ssyncset.done $0x0  }
0xa6: {  	[sflag:s22] =	ssyncadd.s32 s4;
	_ =	sdelay $0x1  }
0xa7: {  	s23 =	simm.s32 $0x1B8B  }
0xa8: {  	_ =	swait.ge [sflag:s23], $0x1  }
0xa9: {  	[sflag:s23] =	ssyncset.done $0x0  }
0xaa: {  	s25 =	simm.s32 $0x1B8E;
	s24 =	sld [smem:$0x3FFE];
	[sflag:s23] =	ssyncadd.s32 $0xFFFFFFFF  }
0xab: {  	s26 =	simm.s32 $execute0_lowered;
	[smem:$0x3FD2] =	sst s25  }
0xac: {  	s5 =	sshll.u32 s26, $0x1;
	_ =	strace $0x80000046;
	[dreg:$0x1] =	wrdreg $0xFFFFFFFF  }
0xad: {  	s28 =	simm.s32 $_size_execute0_lowered;
	s3 =	sadd.s32 s3, s5;
	[dreg:$0x0] =	wrdreg $0x0  }
0xae: {  	s5 =	sshll.u32 s28, $0x1;
	[dreg:$0x2] =	wrdreg s3  }
0xaf: {  	[dreg:$0x3] =	wrdreg s5  }
0xb0: {  	[dreg:$0x4] =	wrdreg $0xC0  }
0xb1: {  	_ =	task [dreg:s7], $0x5FFFF  }
0xb2: {  	[dreg:$0x1] =	wrdreg $0xFFFFFFFF  }
0xb3: {  	[dreg:$0x0] =	wrdreg $0x60  }
0xb4: {  	[dreg:$0x2] =	wrdreg s24  }
0xb5: {  	[dreg:$0x3] =	wrdreg s16  }
0xb6: {  	[dreg:$0x4] =	wrdreg $0x9  }
0xb7: {  	_ =	task.clear_ibuf [dreg:s7], $0x5FFFF;
	_ =	strace $0x90000046  }
0xb8: {  	s29 =	simm.s32 $0x9;
	_ =	strace $0x80000048  }
0xb9: {  	_ =	swait.ge [sflag:s29], $0x1  }
0xba: {  	[sflag:s29] =	ssyncadd.s32 $0xFFFFFFFF  }
0xbb: {  	_ =	strace $0x90000048  }
0xbc: {  	_ =	sfence  }
0xbd: {  	s30 =	sld [smem:$0x0];
	_ =	sdelay $0x2  }
0xbe: {  	s31 =	sshll.u32 s1, $0xD;
	s1 =	sshrl.u32 s1, $0x2  }
0xbf: {  	s3 =	sand.u32 $0x4000, s31;
	s1 =	sadd.s32 s1, s30  }
0xc0: {  	s0 =	sor.u32 s3, s0;
	s1 =	sshll.u32 s1, $0x11  }
0xc1: {  	s0 =	sor.u32 s1, s0  }
0xc2: {  	s0 =	sadd.s32 $0x8F2B, s0  }
0xc3: {  	[sflag:s0] =	ssyncadd.remote.s32 $0x1  }
0xc4: {  	_ =	sfence.sel $0xFFFF  }
0xc5: {  	[dreg:$0x0] =	wrdreg $0xFFFFFFFF;
	(pc) =	sbr.abs _section_cstart, $3  }
0xc6: {  	[dreg:$0x1] =	wrdreg $0xFFFFFFFF  }
0xc7: {  	_ =	task.clear_ibuf [dreg:s7], $0x2FFFF;
	_ =	strace $0x9FFFFFFF  }
0xc8: {  	(tm) =	ssettm $0x7FFFFFFF  }
0xc9: {  	_ =	shalt  }
tec
execute0_lowered:
.L_overlay_start_1:
0x0: {  	(tag) =	ssettag $0x1  }
0x1: {  	s3 =	rddreg [dreg:$0x0]  }
0x2: {  	s4 =	rddreg [dreg:$0x1]  }
0x3: {  	s0 =	rddreg [dreg:$0x2];
	s5 =	srdreg.scid  }
0x4: {  	s2 =	simm.s32 $0x0;
	s1 =	stileid.u32;
	s5 =	sand.u32 $0x1, s5  }
0x5: {  	[smem:$0x7FF] =	sst s2;
	s7 =	sshll.u32 s1, $0x1;
	s29 =	sadd.s32 $0xA00, s3  }
0x6: {  	s31 =	sshll.u32 s1, $0x6;
	s6 =	ssub.s32 $0x2, s5;
	s5 =	sor.u32 s5, s7  }
0x7: {  	vm0 =	vcmask $0x704;
	_ =	strace $0x80000047;
	s8 =	sshrl.u32 s6, $0x1;
	s30 =	sshll.u32 s5, $0x9  }
0x8: {  	vm1 =	vmmov $0x3;
	vm2 =	vmmov $0x7;
	vm3 =	vmmov $0xf;
	s9 =	sshllo.u32 s5, $0x1;
	s5 =	sshll.u32 s5, $0x5;
	s8 =	ssub.s32 s6, s8  }
0x9: {  	vm4 =	vmmov $0x1f;
	vm5 =	vmmov $0x3f;
	vm6 =	vmmov $0x7f;
	s3 =	sadd.s32 s29, s30;
	s6 =	sand.u32 $0x380, s31;
	s10 =	sshll.u32 s9, $0x4  }
0xa: {  	vm7 =	vmmov $0xff;
	vm8 =	vmmov $0x1ff;
	vm9 =	vmmov $0x3ff;
	s9 =	sshll.u32 s9, $0x8;
	s10 =	sand.u32 $0x70, s10;
	s6 =	sadd.s32 s4, s6  }
0xb: {  	vm10 =	vmmov $0x7ff;
	vm11 =	vmmov $0xfff;
	vm12 =	vmmov $0x1fff;
	s4 =	sadd.s32 s4, s5;
	s5 =	sadd.s32 s29, s9;
	s7 =	smax.u32 s8, $0x1  }
0xc: {  	vm13 =	vmmov $0x3fff;
	vm14 =	vmmov $0x7fff;
	vm15 =	vmmov $0x1;
	s8 =	simm.s32 $0x1;
	s9 =	simm.s32 $0x800;
	s6 =	sadd.s32 s10, s6  }
.LBB2_1:
0xd: {  	[tilespmem:s2], [sflag:$0x1] =	stream.linear.gather [hbm4b:s3+s2], $0x800, $0x38;
	[tilespmem:$0x880] =	vst v63  }
0xe: {  	_ =	swait.ge [sflag:s8], $0x800  }
0xf: {  	[sflag:s8] =	ssyncset.done $0x0  }
0x10: {  	[sflag:s8] =	ssyncadd.s32 $0xFFFFF800  }
0x11: {  	v0 =	vld [tilespmem:$0x0]  }
0x12: {  	v1 =	vld [tilespmem:$0x10]  }
0x13: {  	v2 =	vld [tilespmem:$0x20]  }
0x14: {  	v3 =	vld [tilespmem:$0x30]  }
0x15: {  	v4 =	vld [tilespmem:$0x40]  }
0x16: {  	v5 =	vld [tilespmem:$0x50]  }
0x17: {  	v6 =	vld [tilespmem:$0x60]  }
0x18: {  	v7 =	vld [tilespmem:$0x70]  }
0x19: {  	v8 =	vld [tilespmem:$0x80]  }
0x1a: {  	v9 =	vld [tilespmem:$0x90]  }
0x1b: {  	v39 =	vld [tilespmem:$0xA0];
	v1 =	vbroadcast v1, $0xB  }
0x1c: {  	v41 =	vld [tilespmem:$0xB0];
	v2 =	vbroadcast v2, $0x6  }
0x1d: {  	v43 =	vld [tilespmem:$0xC0];
	v38 =	vbroadcast v3, $0x1;
	v0 =	vsel vm0, v1, v0  }
0x1e: {  	v45 =	vld.msk [tilespmem:$0xD0 ss:$0x0], $0xffff;
	v40 =	vbroadcast v4, $0xC;
	v0 =	vsel vm1, v0, v2  }
0x1f: {  	v47 =	vld [tilespmem:$0xE0];
	v42 =	vbroadcast v5, $0x7;
	v0 =	vsel vm2, v0, v38  }
0x20: {  	v48 =	vld [tilespmem:$0xF0];
	v44 =	vbroadcast v6, $0x2;
	v0 =	vsel vm3, v0, v40  }
0x21: {  	v50 =	vld [tilespmem:$0x100];
	v46 =	vbroadcast v7, $0xD;
	v0 =	vsel vm4, v0, v42  }
0x22: {  	v51 =	vld [tilespmem:$0x110];
	v0 =	vsel vm5, v0, v44  }
0x23: {  	v53 =	vld [tilespmem:$0x120];
	v49 =	vbroadcast v9, $0x3;
	v0 =	vsel vm6, v0, v46  }
0x24: {  	v55 =	vld [tilespmem:$0x130];
	v3 =	vbroadcast v39, $0xE;
	v0 =	vsel vm7, v0, v8  }
0x25: {  	v56 =	vld [tilespmem:$0x140];
	v52 =	vbroadcast v41, $0x9;
	v0 =	vsel vm8, v0, v49  }
0x26: {  	v58 =	vld [tilespmem:$0x150];
	v54 =	vbroadcast v43, $0x4;
	v0 =	vsel vm9, v0, v3  }
0x27: {  	v60 =	vld [tilespmem:$0x160];
	v57 =	vbroadcast v47, $0xB;
	v0 =	vsel vm10, v0, v52  }
0x28: {  	v62 =	vld [tilespmem:$0x170];
	v59 =	vbroadcast v50, $0x1;
	v8 =	vbroadcast v51, $0xC;
	v0 =	vsel vm11, v0, v54  }
0x29: {  	v10 =	vld [tilespmem:$0x180];
	v61 =	vbroadcast v53, $0x7;
	v2 =	vbroadcast v48, $0x6;
	v0 =	vsel vm12, v0, v45  }
0x2a: {  	v12 =	vld [tilespmem:$0x190];
	v5 =	vbroadcast v55, $0x2;
	v63 =	vsel vm15, v59, v8;
	v0 =	vsel vm13, v0, v57  }
0x2b: {  	v16 =	vld [tilespmem:$0x1B0];
	v1 =	vbroadcast v56, $0xD;
	v11 =	vsel vm1, v63, v61;
	v0 =	vsel vm14, v0, v2  }
0x2c: {  	v18 =	vld [tilespmem:$0x1C0];
	v13 =	vbroadcast v58, $0x8;
	[tilespmem:$0x800] =	vst v0;
	v0 =	vsel vm2, v11, v5  }
0x2d: {  	v20 =	vld [tilespmem:$0x1D0];
	v15 =	vbroadcast v60, $0x3;
	v0 =	vsel vm3, v0, v1  }
0x2e: {  	v17 =	vbroadcast v62, $0xE;
	v14 =	vld.msk [tilespmem:$0x1A0 ss:$0x0], $0xffff;
	v0 =	vsel vm4, v0, v13  }
0x2f: {  	v21 =	vld [tilespmem:$0x1E0];
	v19 =	vbroadcast v10, $0x9;
	v0 =	vsel vm5, v0, v15  }
0x30: {  	v22 =	vld [tilespmem:$0x1F0];
	v2 =	vbroadcast v12, $0x4;
	v0 =	vsel vm6, v0, v17  }
0x31: {  	v24 =	vld [tilespmem:$0x200];
	v0 =	vsel vm7, v0, v19  }
0x32: {  	v26 =	vld [tilespmem:$0x210];
	v0 =	vsel vm8, v0, v2  }
0x33: {  	v28 =	vld [tilespmem:$0x220];
	v23 =	vbroadcast v18, $0x6;
	v0 =	vsel vm9, v0, v14  }
0x34: {  	v29 =	vld [tilespmem:$0x230];
	v25 =	vbroadcast v20, $0x1;
	v0 =	vsel vm10, v0, v16  }
0x35: {  	v30 =	vld [tilespmem:$0x240];
	v27 =	vbroadcast v21, $0xC;
	v0 =	vsel vm11, v0, v23  }
0x36: {  	v31 =	vld [tilespmem:$0x250];
	v1 =	vbroadcast v22, $0x7;
	v0 =	vsel vm12, v0, v25  }
0x37: {  	v34 =	vld [tilespmem:$0x260];
	v32 =	vbroadcast v24, $0x2;
	v33 =	vbroadcast v26, $0xD;
	v0 =	vsel vm13, v0, v27  }
0x38: {  	v36 =	vld [tilespmem:$0x280];
	v3 =	vbroadcast v28, $0x8;
	v0 =	vsel vm14, v0, v1  }
0x39: {  	v37 =	vld [tilespmem:$0x290];
	[tilespmem:$0x810] =	vst v0;
	v0 =	vsel vm15, v32, v33  }
0x3a: {  	v2 =	vbroadcast v30, $0xE;
	v35 =	vld.msk [tilespmem:$0x270 ss:$0x0], $0xffff;
	v0 =	vsel vm1, v0, v3  }
0x3b: {  	v38 =	vld [tilespmem:$0x2A0];
	v1 =	vbroadcast v31, $0x9;
	v0 =	vsel vm2, v0, v29  }
0x3c: {  	v39 =	vbroadcast v34, $0x4;
	v40 =	vld [tilespmem:$0x2B0];
	v0 =	vsel vm3, v0, v2  }
0x3d: {  	v41 =	vld [tilespmem:$0x2C0];
	v0 =	vsel vm4, v0, v1  }
0x3e: {  	v43 =	vld [tilespmem:$0x2D0];
	v42 =	vbroadcast v36, $0xB;
	v0 =	vsel vm5, v0, v39  }
0x3f: {  	v44 =	vld [tilespmem:$0x2E0];
	v3 =	vbroadcast v37, $0x6;
	v0 =	vsel vm6, v0, v35  }
0x40: {  	v46 =	vld [tilespmem:$0x2F0];
	v45 =	vbroadcast v38, $0x1;
	v0 =	vsel vm7, v0, v42  }
0x41: {  	v47 =	vbroadcast v40, $0xC;
	v0 =	vsel vm8, v0, v3  }
0x42: {  	v53 =	vld [tilespmem:$0x320];
	v1 =	vbroadcast v41, $0x7;
	v0 =	vsel vm9, v0, v45  }
0x43: {  	v48 =	vbroadcast v43, $0x2;
	v51 =	vld [tilespmem:$0x300];
	v0 =	vsel vm10, v0, v47  }
0x44: {  	v49 =	vbroadcast v44, $0xD;
	v52 =	vld [tilespmem:$0x310];
	v0 =	vsel vm11, v0, v1  }
0x45: {  	v58 =	vld [tilespmem:$0x370];
	v50 =	vbroadcast v46, $0x8;
	v0 =	vsel vm12, v0, v48  }
0x46: {  	v54 =	vld [tilespmem:$0x330];
	v0 =	vsel vm13, v0, v49  }
0x47: {  	v60 =	vld [tilespmem:$0x390];
	v0 =	vsel vm14, v0, v50  }
0x48: {  	v56 =	vld [tilespmem:$0x350];
	[tilespmem:$0x820] =	vst v0  }
0x49: {  	v3 =	vbroadcast v51, $0x3;
	v1 =	vbroadcast v52, $0xE;
	v55 =	vld.msk [tilespmem:$0x340 ss:$0x0], $0xffff  }
0x4a: {  	v59 =	vld [tilespmem:$0x380];
	v2 =	vbroadcast v53, $0x9  }
0x4b: {  	v57 =	vld [tilespmem:$0x360];
	v1 =	vsel vm15, v3, v1;
	v0 =	vbroadcast v54, $0x5  }
0x4c: {  	v62 =	vld [tilespmem:$0x3A0];
	v1 =	vsel vm1, v1, v2  }
0x4d: {  	v10 =	vld [tilespmem:$0x3C0];
	v61 =	vbroadcast v56, $0xB;
	v0 =	vsel vm2, v1, v0  }
0x4e: {  	v63 =	vld [tilespmem:$0x3B0];
	v0 =	vsel vm3, v0, v55  }
0x4f: {  	v20 =	vld [tilespmem:$0x400];
	v9 =	vbroadcast v58, $0x1;
	v0 =	vsel vm4, v0, v61  }
0x50: {  	v11 =	vld [tilespmem:$0x3D0];
	v3 =	vbroadcast v59, $0xC;
	v0 =	vsel vm5, v0, v57  }
0x51: {  	v24 =	vld [tilespmem:$0x440];
	v12 =	vbroadcast v60, $0x7;
	v0 =	vsel vm6, v0, v9  }
0x52: {  	v13 =	vbroadcast v62, $0x2;
	v14 =	vld [tilespmem:$0x3F0];
	v0 =	vsel vm7, v0, v3  }
0x53: {  	v15 =	vbroadcast v63, $0xD;
	v16 =	vld [tilespmem:$0x3E0];
	v0 =	vsel vm8, v0, v12  }
0x54: {  	v26 =	vld [tilespmem:$0x460];
	v17 =	vbroadcast v10, $0x8;
	v0 =	vsel vm9, v0, v13  }
0x55: {  	v43 =	vld [tilespmem:$0x510];
	v18 =	vbroadcast v11, $0x3;
	v0 =	vsel vm10, v0, v15  }
0x56: {  	v28 =	vld [tilespmem:$0x480];
	v0 =	vsel vm11, v0, v17  }
0x57: {  	v56 =	vld [tilespmem:$0x570];
	v19 =	vbroadcast v14, $0x9;
	v0 =	vsel vm12, v0, v18  }
0x58: {  	v60 =	vld [tilespmem:$0x590];
	v0 =	vsel vm13, v0, v16  }
0x59: {  	v22 =	vld [tilespmem:$0x420];
	v0 =	vsel vm14, v0, v19  }
0x5a: {  	v23 =	vld [tilespmem:$0x430];
	[tilespmem:$0x830] =	vst v0  }
0x5b: {  	v21 =	vld.msk [tilespmem:$0x410 ss:$0x0], $0xffff  }
0x5c: {  	v10 =	vld [tilespmem:$0x4A0]  }
0x5d: {  	v25 =	vld [tilespmem:$0x450]  }
0x5e: {  	v27 =	vld [tilespmem:$0x470];
	v0 =	vbroadcast v20, $0x5  }
0x5f: {  	v31 =	vld [tilespmem:$0x4B0];
	v2 =	vbroadcast v22, $0xB  }
0x60: {  	v33 =	vld [tilespmem:$0x4C0];
	v30 =	vbroadcast v23, $0x6;
	v0 =	vsel vm15, v0, v21  }
0x61: {  	v32 =	vbroadcast v24, $0x1;
	v29 =	vld [tilespmem:$0x490];
	v0 =	vsel vm1, v0, v2  }
0x62: {  	v34 =	vbroadcast v25, $0xC;
	v41 =	vld [tilespmem:$0x500];
	v0 =	vsel vm2, v0, v30  }
0x63: {  	v36 =	vbroadcast v26, $0x7;
	v39 =	vld [tilespmem:$0x4F0];
	v0 =	vsel vm3, v0, v32  }
0x64: {  	v38 =	vbroadcast v27, $0x2;
	v35 =	vld [tilespmem:$0x4D0];
	v0 =	vsel vm4, v0, v34  }
0x65: {  	v40 =	vbroadcast v28, $0xD;
	v45 =	vld [tilespmem:$0x520];
	v0 =	vsel vm5, v0, v36  }
0x66: {  	v42 =	vbroadcast v29, $0x8;
	v47 =	vld [tilespmem:$0x530];
	v0 =	vsel vm6, v0, v38  }
0x67: {  	v44 =	vbroadcast v10, $0x3;
	v49 =	vld [tilespmem:$0x540];
	v0 =	vsel vm7, v0, v40  }
0x68: {  	v46 =	vbroadcast v31, $0xE;
	v37 =	vld.msk [tilespmem:$0x4E0 ss:$0x0], $0xffff;
	v0 =	vsel vm8, v0, v42  }
0x69: {  	v51 =	vld [tilespmem:$0x550];
	v48 =	vbroadcast v33, $0x9;
	v0 =	vsel vm9, v0, v44  }
0x6a: {  	v53 =	vld [tilespmem:$0x560];
	v52 =	vbroadcast v41, $0x6;
	v50 =	vbroadcast v35, $0x5;
	v0 =	vsel vm10, v0, v46  }
0x6b: {  	v63 =	vld [tilespmem:$0x5A0];
	v54 =	vbroadcast v39, $0xB;
	v55 =	vbroadcast v45, $0xC;
	v0 =	vsel vm11, v0, v48  }
0x6c: {  	v57 =	vld [tilespmem:$0x580];
	v3 =	vbroadcast v47, $0x7;
	v2 =	vsel vm15, v52, v43;
	v0 =	vsel vm12, v0, v50  }
0x6d: {  	v22 =	vld [tilespmem:$0x610];
	v59 =	vbroadcast v49, $0x2;
	v58 =	vsel vm1, v2, v55;
	v0 =	vsel vm13, v0, v37  }
0x6e: {  	v62 =	vbroadcast v51, $0xD;
	v13 =	vld [tilespmem:$0x5C0];
	v61 =	vsel vm2, v58, v3;
	v0 =	vsel vm14, v0, v54  }
0x6f: {  	v9 =	vbroadcast v53, $0x8;
	v15 =	vld [tilespmem:$0x5D0];
	[tilespmem:$0x840] =	vst v0;
	v0 =	vsel vm3, v61, v59  }
0x70: {  	v12 =	vbroadcast v56, $0x3;
	v17 =	vld [tilespmem:$0x5E0];
	v0 =	vsel vm4, v0, v62  }
0x71: {  	v14 =	vbroadcast v57, $0xE;
	v11 =	vld.msk [tilespmem:$0x5B0 ss:$0x0], $0xffff;
	v0 =	vsel vm5, v0, v9  }
0x72: {  	v16 =	vbroadcast v60, $0xA;
	v19 =	vld [tilespmem:$0x5F0];
	v0 =	vsel vm6, v0, v12  }
0x73: {  	v18 =	vbroadcast v63, $0x5;
	v20 =	vld [tilespmem:$0x600];
	v0 =	vsel vm7, v0, v14  }
0x74: {  	v24 =	vld [tilespmem:$0x620];
	v0 =	vsel vm8, v0, v16  }
0x75: {  	v26 =	vld [tilespmem:$0x630];
	v21 =	vbroadcast v13, $0xB;
	v0 =	vsel vm9, v0, v18  }
0x76: {  	v27 =	vld [tilespmem:$0x640];
	v23 =	vbroadcast v15, $0x6;
	v0 =	vsel vm10, v0, v11  }
0x77: {  	v28 =	vld [tilespmem:$0x650];
	v29 =	vbroadcast v22, $0x2;
	v25 =	vbroadcast v17, $0x1;
	v0 =	vsel vm11, v0, v21  }
0x78: {  	v1 =	vbroadcast v20, $0x7;
	v30 =	vld [tilespmem:$0x660];
	v3 =	vbroadcast v19, $0xC;
	v0 =	vsel vm12, v0, v23  }
0x79: {  	v31 =	vbroadcast v24, $0xD;
	v32 =	vld [tilespmem:$0x670];
	v0 =	vsel vm13, v0, v25  }
0x7a: {  	v33 =	vbroadcast v26, $0x8;
	v1 =	vsel vm15, v1, v29;
	v36 =	vld [tilespmem:$0x690];
	v0 =	vsel vm14, v0, v3  }
0x7b: {  	v35 =	vbroadcast v27, $0x3;
	v37 =	vld [tilespmem:$0x6A0];
	[tilespmem:$0x850] =	vst v0;
	v0 =	vsel vm1, v1, v31  }
0x7c: {  	v2 =	vbroadcast v28, $0xE;
	v34 =	vld.msk [tilespmem:$0x680 ss:$0x0], $0xffff;
	v0 =	vsel vm2, v0, v33  }
0x7d: {  	v39 =	vld [tilespmem:$0x6B0];
	v38 =	vbroadcast v30, $0xA;
	v0 =	vsel vm3, v0, v35  }
0x7e: {  	v41 =	vld [tilespmem:$0x6C0];
	v40 =	vbroadcast v32, $0x5;
	v0 =	vsel vm4, v0, v2  }
0x7f: {  	v42 =	vld [tilespmem:$0x6D0];
	v0 =	vsel vm5, v0, v38  }
0x80: {  	v44 =	vld [tilespmem:$0x6E0];
	v43 =	vbroadcast v36, $0xB;
	v0 =	vsel vm6, v0, v40  }
0x81: {  	v45 =	vld [tilespmem:$0x6F0];
	v3 =	vbroadcast v37, $0x6;
	v0 =	vsel vm7, v0, v34  }
0x82: {  	v46 =	vbroadcast v39, $0x1;
	v0 =	vsel vm8, v0, v43  }
0x83: {  	v48 =	vld [tilespmem:$0x700];
	v0 =	vsel vm9, v0, v3  }
0x84: {  	v50 =	vld [tilespmem:$0x710];
	v1 =	vbroadcast v42, $0x7;
	v0 =	vsel vm10, v0, v46  }
0x85: {  	v51 =	vld [tilespmem:$0x720];
	v47 =	vbroadcast v44, $0x2;
	v0 =	vsel vm11, v0, v41  }
0x86: {  	v49 =	vbroadcast v45, $0xD;
	v52 =	vld [tilespmem:$0x730];
	v0 =	vsel vm12, v0, v1  }
0x87: {  	v53 =	vld [tilespmem:$0x740];
	v0 =	vsel vm13, v0, v47  }
0x88: {  	v56 =	vld [tilespmem:$0x770];
	v0 =	vsel vm14, v0, v49  }
0x89: {  	v55 =	vld [tilespmem:$0x760];
	v4 =	vbroadcast v50, $0x3;
	v3 =	vbroadcast v48, $0x8;
	[tilespmem:$0x860] =	vst v0  }
0x8a: {  	v2 =	vbroadcast v51, $0xE;
	v54 =	vld.msk [tilespmem:$0x750 ss:$0x0], $0xffff  }
0x8b: {  	v57 =	vld [tilespmem:$0x780];
	v3 =	vsel vm15, v3, v4;
	v1 =	vbroadcast v52, $0xA  }
0x8c: {  	v58 =	vld [tilespmem:$0x790];
	v2 =	vsel vm1, v3, v2;
	v0 =	vbroadcast v53, $0x5  }
0x8d: {  	v59 =	vld [tilespmem:$0x7A0];
	v1 =	vsel vm2, v2, v1  }
0x8e: {  	v60 =	vbroadcast v55, $0xB;
	v61 =	vld [tilespmem:$0x7B0];
	v0 =	vsel vm3, v1, v0  }
0x8f: {  	v63 =	vld [tilespmem:$0x7C0];
	v62 =	vbroadcast v56, $0x6;
	v0 =	vsel vm4, v0, v54  }
0x90: {  	v8 =	vbroadcast v57, $0x1;
	v9 =	vld [tilespmem:$0x7D0];
	v0 =	vsel vm5, v0, v60  }
0x91: {  	v10 =	vld [tilespmem:$0x7E0];
	v3 =	vbroadcast v58, $0xC;
	v0 =	vsel vm6, v0, v62  }
0x92: {  	v11 =	vbroadcast v59, $0x7;
	v0 =	vsel vm7, v0, v8  }
0x93: {  	v12 =	vbroadcast v61, $0x2;
	v0 =	vsel vm8, v0, v3  }
0x94: {  	v13 =	vbroadcast v63, $0xD;
	v14 =	vld [tilespmem:$0x7F0];
	v0 =	vsel vm9, v0, v11  }
0x95: {  	v15 =	vbroadcast v9, $0x8;
	v0 =	vsel vm10, v0, v12  }
0x96: {  	v16 =	vbroadcast v10, $0x3;
	v0 =	vsel vm11, v0, v13  }
0x97: {  	v0 =	vsel vm12, v0, v15  }
0x98: {  	v0 =	vsel vm13, v0, v16  }
0x99: {  	v0 =	vsel vm14, v0, v14  }
0x9a: {  	[tilespmem:$0x870] =	vst v0  }
0x9b: {  	[hbm4b:s4+s2] =	stream.linear.scatter [tilespmem:s9], [sflag:$0x1], $0x80, $0x38;
	[tilespmem:$0x880] =	vst v63  }
0x9c: {  	_ =	swait.ge [sflag:s8], $0x80  }
0x9d: {  	[sflag:s8] =	ssyncset.done $0x0  }
0x9e: {  	[sflag:s8] =	ssyncadd.s32 $0xFFFFFF80  }
0x9f: {  	[tilespmem:s2], [sflag:$0x1] =	stream.linear.gather [hbm4b:s5+s2], $0x800, $0x38;
	[tilespmem:$0x880] =	vst v63  }
0xa0: {  	_ =	swait.ge [sflag:s8], $0x800  }
0xa1: {  	[sflag:s8] =	ssyncset.done $0x0  }
0xa2: {  	[sflag:s8] =	ssyncadd.s32 $0xFFFFF800  }
0xa3: {  	v17 =	vld [tilespmem:$0x0]  }
0xa4: {  	v18 =	vld [tilespmem:$0x10]  }
0xa5: {  	v19 =	vld [tilespmem:$0x20]  }
0xa6: {  	v20 =	vld [tilespmem:$0x30]  }
0xa7: {  	v21 =	vld [tilespmem:$0x40]  }
0xa8: {  	v22 =	vld [tilespmem:$0x50]  }
0xa9: {  	v23 =	vld [tilespmem:$0x60]  }
0xaa: {  	v24 =	vld [tilespmem:$0x70]  }
0xab: {  	v25 =	vld [tilespmem:$0x80]  }
0xac: {  	v26 =	vld [tilespmem:$0x90]  }
0xad: {  	v28 =	vld [tilespmem:$0xA0];
	v1 =	vbroadcast v18, $0xB  }
0xae: {  	v30 =	vld [tilespmem:$0xB0];
	v2 =	vbroadcast v19, $0x6  }
0xaf: {  	v32 =	vld [tilespmem:$0xC0];
	v27 =	vbroadcast v20, $0x1;
	v0 =	vsel vm0, v1, v17  }
0xb0: {  	v34 =	vld.msk [tilespmem:$0xD0 ss:$0x0], $0xffff;
	v29 =	vbroadcast v21, $0xC;
	v0 =	vsel vm1, v0, v2  }
0xb1: {  	v36 =	vld [tilespmem:$0xE0];
	v31 =	vbroadcast v22, $0x7;
	v0 =	vsel vm2, v0, v27  }
0xb2: {  	v37 =	vld [tilespmem:$0xF0];
	v33 =	vbroadcast v23, $0x2;
	v0 =	vsel vm3, v0, v29  }
0xb3: {  	v39 =	vld [tilespmem:$0x100];
	v35 =	vbroadcast v24, $0xD;
	v0 =	vsel vm4, v0, v31  }
0xb4: {  	v40 =	vld [tilespmem:$0x110];
	v0 =	vsel vm5, v0, v33  }
0xb5: {  	v42 =	vld [tilespmem:$0x120];
	v38 =	vbroadcast v26, $0x3;
	v0 =	vsel vm6, v0, v35  }
0xb6: {  	v44 =	vld [tilespmem:$0x130];
	v3 =	vbroadcast v28, $0xE;
	v0 =	vsel vm7, v0, v25  }
0xb7: {  	v45 =	vld [tilespmem:$0x140];
	v41 =	vbroadcast v30, $0x9;
	v0 =	vsel vm8, v0, v38  }
0xb8: {  	v47 =	vld [tilespmem:$0x150];
	v43 =	vbroadcast v32, $0x4;
	v0 =	vsel vm9, v0, v3  }
0xb9: {  	v49 =	vld [tilespmem:$0x160];
	v46 =	vbroadcast v36, $0xB;
	v0 =	vsel vm10, v0, v41  }
0xba: {  	v51 =	vld [tilespmem:$0x170];
	v48 =	vbroadcast v39, $0x1;
	v8 =	vbroadcast v40, $0xC;
	v0 =	vsel vm11, v0, v43  }
0xbb: {  	v53 =	vld [tilespmem:$0x180];
	v50 =	vbroadcast v42, $0x7;
	v2 =	vbroadcast v37, $0x6;
	v0 =	vsel vm12, v0, v34  }
0xbc: {  	v55 =	vld [tilespmem:$0x190];
	v5 =	vbroadcast v44, $0x2;
	v52 =	vsel vm15, v48, v8;
	v0 =	vsel vm13, v0, v46  }
0xbd: {  	v59 =	vld [tilespmem:$0x1B0];
	v1 =	vbroadcast v45, $0xD;
	v54 =	vsel vm1, v52, v50;
	v0 =	vsel vm14, v0, v2  }
0xbe: {  	v61 =	vld [tilespmem:$0x1C0];
	v56 =	vbroadcast v47, $0x8;
	[tilespmem:$0x800] =	vst v0;
	v0 =	vsel vm2, v54, v5  }
0xbf: {  	v63 =	vld [tilespmem:$0x1D0];
	v58 =	vbroadcast v49, $0x3;
	v0 =	vsel vm3, v0, v1  }
0xc0: {  	v60 =	vbroadcast v51, $0xE;
	v57 =	vld.msk [tilespmem:$0x1A0 ss:$0x0], $0xffff;
	v0 =	vsel vm4, v0, v56  }
0xc1: {  	v9 =	vld [tilespmem:$0x1E0];
	v62 =	vbroadcast v53, $0x9;
	v0 =	vsel vm5, v0, v58  }
0xc2: {  	v10 =	vld [tilespmem:$0x1F0];
	v2 =	vbroadcast v55, $0x4;
	v0 =	vsel vm6, v0, v60  }
0xc3: {  	v12 =	vld [tilespmem:$0x200];
	v0 =	vsel vm7, v0, v62  }
0xc4: {  	v14 =	vld [tilespmem:$0x210];
	v0 =	vsel vm8, v0, v2  }
0xc5: {  	v16 =	vld [tilespmem:$0x220];
	v11 =	vbroadcast v61, $0x6;
	v0 =	vsel vm9, v0, v57  }
0xc6: {  	v13 =	vbroadcast v63, $0x1;
	v18 =	vld [tilespmem:$0x240];
	v0 =	vsel vm10, v0, v59  }
0xc7: {  	v15 =	vbroadcast v9, $0xC;
	v19 =	vld [tilespmem:$0x250];
	v0 =	vsel vm11, v0, v11  }
0xc8: {  	v17 =	vld [tilespmem:$0x230];
	v1 =	vbroadcast v10, $0x7;
	v0 =	vsel vm12, v0, v13  }
0xc9: {  	v20 =	vbroadcast v12, $0x2;
	v21 =	vbroadcast v14, $0xD;
	v22 =	vld [tilespmem:$0x260];
	v0 =	vsel vm13, v0, v15  }
0xca: {  	v24 =	vld [tilespmem:$0x280];
	v3 =	vbroadcast v16, $0x8;
	v0 =	vsel vm14, v0, v1  }
0xcb: {  	v25 =	vld [tilespmem:$0x290];
	[tilespmem:$0x810] =	vst v0;
	v0 =	vsel vm15, v20, v21  }
0xcc: {  	v2 =	vbroadcast v18, $0xE;
	v23 =	vld.msk [tilespmem:$0x270 ss:$0x0], $0xffff;
	v0 =	vsel vm1, v0, v3  }
0xcd: {  	v26 =	vld [tilespmem:$0x2A0];
	v1 =	vbroadcast v19, $0x9;
	v0 =	vsel vm2, v0, v17  }
0xce: {  	v28 =	vld [tilespmem:$0x2B0];
	v27 =	vbroadcast v22, $0x4;
	v0 =	vsel vm3, v0, v2  }
0xcf: {  	v29 =	vld [tilespmem:$0x2C0];
	v0 =	vsel vm4, v0, v1  }
0xd0: {  	v30 =	vbroadcast v24, $0xB;
	v31 =	vld [tilespmem:$0x2D0];
	v0 =	vsel vm5, v0, v27  }
0xd1: {  	v32 =	vld [tilespmem:$0x2E0];
	v3 =	vbroadcast v25, $0x6;
	v0 =	vsel vm6, v0, v23  }
0xd2: {  	v33 =	vbroadcast v26, $0x1;
	v34 =	vld [tilespmem:$0x2F0];
	v0 =	vsel vm7, v0, v30  }
0xd3: {  	v35 =	vbroadcast v28, $0xC;
	v0 =	vsel vm8, v0, v3  }
0xd4: {  	v39 =	vld [tilespmem:$0x300];
	v1 =	vbroadcast v29, $0x7;
	v0 =	vsel vm9, v0, v33  }
0xd5: {  	v40 =	vld [tilespmem:$0x310];
	v36 =	vbroadcast v31, $0x2;
	v0 =	vsel vm10, v0, v35  }
0xd6: {  	v42 =	vld [tilespmem:$0x330];
	v37 =	vbroadcast v32, $0xD;
	v0 =	vsel vm11, v0, v1  }
0xd7: {  	v41 =	vld [tilespmem:$0x320];
	v38 =	vbroadcast v34, $0x8;
	v0 =	vsel vm12, v0, v36  }
0xd8: {  	v44 =	vld [tilespmem:$0x350];
	v0 =	vsel vm13, v0, v37  }
0xd9: {  	v47 =	vld [tilespmem:$0x380];
	v0 =	vsel vm14, v0, v38  }
0xda: {  	v51 =	vld [tilespmem:$0x3B0];
	[tilespmem:$0x820] =	vst v0  }
0xdb: {  	v3 =	vbroadcast v39, $0x3;
	v1 =	vbroadcast v40, $0xE;
	v43 =	vld.msk [tilespmem:$0x340 ss:$0x0], $0xffff  }
0xdc: {  	v46 =	vld [tilespmem:$0x370];
	v2 =	vbroadcast v41, $0x9  }
0xdd: {  	v45 =	vld [tilespmem:$0x360];
	v1 =	vsel vm15, v3, v1;
	v0 =	vbroadcast v42, $0x5  }
0xde: {  	v48 =	vld [tilespmem:$0x390];
	v1 =	vsel vm1, v1, v2  }
0xdf: {  	v50 =	vld [tilespmem:$0x3A0];
	v49 =	vbroadcast v44, $0xB;
	v0 =	vsel vm2, v1, v0  }
0xe0: {  	v53 =	vld [tilespmem:$0x3C0];
	v0 =	vsel vm3, v0, v43  }
0xe1: {  	v63 =	vld [tilespmem:$0x400];
	v52 =	vbroadcast v46, $0x1;
	v0 =	vsel vm4, v0, v49  }
0xe2: {  	v54 =	vld [tilespmem:$0x3D0];
	v3 =	vbroadcast v47, $0xC;
	v0 =	vsel vm5, v0, v45  }
0xe3: {  	v14 =	vld [tilespmem:$0x430];
	v55 =	vbroadcast v48, $0x7;
	v0 =	vsel vm6, v0, v52  }
0xe4: {  	v56 =	vbroadcast v50, $0x2;
	v57 =	vld [tilespmem:$0x3F0];
	v0 =	vsel vm7, v0, v3  }
0xe5: {  	v58 =	vbroadcast v51, $0xD;
	v59 =	vld [tilespmem:$0x3E0];
	v0 =	vsel vm8, v0, v55  }
0xe6: {  	v16 =	vld [tilespmem:$0x450];
	v60 =	vbroadcast v53, $0x8;
	v0 =	vsel vm9, v0, v56  }
0xe7: {  	v31 =	vld [tilespmem:$0x4F0];
	v61 =	vbroadcast v54, $0x3;
	v0 =	vsel vm10, v0, v58  }
0xe8: {  	v48 =	vld [tilespmem:$0x570];
	v0 =	vsel vm11, v0, v60  }
0xe9: {  	v10 =	vld [tilespmem:$0x5F0];
	v62 =	vbroadcast v57, $0x9;
	v0 =	vsel vm12, v0, v61  }
0xea: {  	v18 =	vld [tilespmem:$0x470];
	v0 =	vsel vm13, v0, v59  }
0xeb: {  	v13 =	vld [tilespmem:$0x420];
	v0 =	vsel vm14, v0, v62  }
0xec: {  	v15 =	vld [tilespmem:$0x440];
	[tilespmem:$0x830] =	vst v0  }
0xed: {  	v12 =	vld.msk [tilespmem:$0x410 ss:$0x0], $0xffff  }
0xee: {  	v19 =	vld [tilespmem:$0x480]  }
0xef: {  	v20 =	vld [tilespmem:$0x490]  }
0xf0: {  	v17 =	vld [tilespmem:$0x460];
	v0 =	vbroadcast v63, $0x5  }
0xf1: {  	v21 =	vld [tilespmem:$0x4A0];
	v2 =	vbroadcast v13, $0xB  }
0xf2: {  	v22 =	vbroadcast v14, $0x6;
	v25 =	vld [tilespmem:$0x4C0];
	v0 =	vsel vm15, v0, v12  }
0xf3: {  	v24 =	vbroadcast v15, $0x1;
	v41 =	vld [tilespmem:$0x540];
	v0 =	vsel vm1, v0, v2  }
0xf4: {  	v26 =	vbroadcast v16, $0xC;
	v27 =	vld [tilespmem:$0x4D0];
	v0 =	vsel vm2, v0, v22  }
0xf5: {  	v23 =	vld [tilespmem:$0x4B0];
	v28 =	vbroadcast v17, $0x7;
	v0 =	vsel vm3, v0, v24  }
0xf6: {  	v30 =	vbroadcast v18, $0x2;
	v39 =	vld [tilespmem:$0x530];
	v0 =	vsel vm4, v0, v26  }
0xf7: {  	v32 =	vbroadcast v19, $0xD;
	v33 =	vld [tilespmem:$0x500];
	v0 =	vsel vm5, v0, v28  }
0xf8: {  	v34 =	vbroadcast v20, $0x8;
	v37 =	vld [tilespmem:$0x520];
	v0 =	vsel vm6, v0, v30  }
0xf9: {  	v35 =	vld [tilespmem:$0x510];
	v36 =	vbroadcast v21, $0x3;
	v0 =	vsel vm7, v0, v32  }
0xfa: {  	v38 =	vbroadcast v23, $0xE;
	v29 =	vld.msk [tilespmem:$0x4E0 ss:$0x0], $0xffff;
	v0 =	vsel vm8, v0, v34  }
0xfb: {  	v40 =	vbroadcast v25, $0x9;
	v43 =	vld [tilespmem:$0x550];
	v0 =	vsel vm9, v0, v36  }
0xfc: {  	v44 =	vbroadcast v33, $0x6;
	v42 =	vbroadcast v27, $0x5;
	v45 =	vld [tilespmem:$0x560];
	v0 =	vsel vm10, v0, v38  }
0xfd: {  	v46 =	vbroadcast v31, $0xB;
	v11 =	vld [tilespmem:$0x600];
	v47 =	vbroadcast v37, $0xC;
	v0 =	vsel vm11, v0, v40  }
0xfe: {  	v49 =	vld [tilespmem:$0x580];
	v3 =	vbroadcast v39, $0x7;
	v2 =	vsel vm15, v44, v35;
	v0 =	vsel vm12, v0, v42  }
0xff: {  	v51 =	vbroadcast v41, $0x2;
	v52 =	vld [tilespmem:$0x590];
	v50 =	vsel vm1, v2, v47;
	v0 =	vsel vm13, v0, v29  }
0x100: {  	v54 =	vbroadcast v43, $0xD;
	v55 =	vld [tilespmem:$0x5A0];
	v53 =	vsel vm2, v50, v3;
	v0 =	vsel vm14, v0, v46  }
0x101: {  	v56 =	vbroadcast v45, $0x8;
	v61 =	vld [tilespmem:$0x5D0];
	[tilespmem:$0x840] =	vst v0;
	v0 =	vsel vm3, v53, v51  }
0x102: {  	v58 =	vbroadcast v48, $0x3;
	v59 =	vld [tilespmem:$0x5C0];
	v0 =	vsel vm4, v0, v54  }
0x103: {  	v60 =	vbroadcast v49, $0xE;
	v57 =	vld.msk [tilespmem:$0x5B0 ss:$0x0], $0xffff;
	v0 =	vsel vm5, v0, v56  }
0x104: {  	v62 =	vbroadcast v52, $0xA;
	v63 =	vld [tilespmem:$0x5E0];
	v0 =	vsel vm6, v0, v58  }
0x105: {  	v13 =	vld [tilespmem:$0x610];
	v9 =	vbroadcast v55, $0x5;
	v0 =	vsel vm7, v0, v60  }
0x106: {  	v15 =	vld [tilespmem:$0x620];
	v0 =	vsel vm8, v0, v62  }
0x107: {  	v17 =	vld [tilespmem:$0x630];
	v12 =	vbroadcast v59, $0xB;
	v0 =	vsel vm9, v0, v9  }
0x108: {  	v18 =	vld [tilespmem:$0x640];
	v14 =	vbroadcast v61, $0x6;
	v0 =	vsel vm10, v0, v57  }
0x109: {  	v19 =	vld [tilespmem:$0x650];
	v1 =	vbroadcast v11, $0x7;
	v16 =	vbroadcast v63, $0x1;
	v0 =	vsel vm11, v0, v12  }
0x10a: {  	v21 =	vld [tilespmem:$0x660];
	v20 =	vbroadcast v13, $0x2;
	v3 =	vbroadcast v10, $0xC;
	v0 =	vsel vm12, v0, v14  }
0x10b: {  	v23 =	vld [tilespmem:$0x670];
	v22 =	vbroadcast v15, $0xD;
	v0 =	vsel vm13, v0, v16  }
0x10c: {  	v27 =	vld [tilespmem:$0x690];
	v1 =	vsel vm15, v1, v20;
	v24 =	vbroadcast v17, $0x8;
	v0 =	vsel vm14, v0, v3  }
0x10d: {  	v26 =	vbroadcast v18, $0x3;
	v28 =	vld [tilespmem:$0x6A0];
	[tilespmem:$0x850] =	vst v0;
	v0 =	vsel vm1, v1, v22  }
0x10e: {  	v2 =	vbroadcast v19, $0xE;
	v25 =	vld.msk [tilespmem:$0x680 ss:$0x0], $0xffff;
	v0 =	vsel vm2, v0, v24  }
0x10f: {  	v30 =	vld [tilespmem:$0x6B0];
	v29 =	vbroadcast v21, $0xA;
	v0 =	vsel vm3, v0, v26  }
0x110: {  	v33 =	vld [tilespmem:$0x6D0];
	v31 =	vbroadcast v23, $0x5;
	v0 =	vsel vm4, v0, v2  }
0x111: {  	v35 =	vld [tilespmem:$0x6E0];
	v0 =	vsel vm5, v0, v29  }
0x112: {  	v32 =	vld [tilespmem:$0x6C0];
	v34 =	vbroadcast v27, $0xB;
	v0 =	vsel vm6, v0, v31  }
0x113: {  	v36 =	vld [tilespmem:$0x6F0];
	v3 =	vbroadcast v28, $0x6;
	v0 =	vsel vm7, v0, v25  }
0x114: {  	v37 =	vbroadcast v30, $0x1;
	v0 =	vsel vm8, v0, v34  }
0x115: {  	v41 =	vld [tilespmem:$0x710];
	v0 =	vsel vm9, v0, v3  }
0x116: {  	v39 =	vld [tilespmem:$0x700];
	v1 =	vbroadcast v33, $0x7;
	v0 =	vsel vm10, v0, v37  }
0x117: {  	v38 =	vbroadcast v35, $0x2;
	v42 =	vld [tilespmem:$0x720];
	v0 =	vsel vm11, v0, v32  }
0x118: {  	v43 =	vld [tilespmem:$0x730];
	v40 =	vbroadcast v36, $0xD;
	v0 =	vsel vm12, v0, v1  }
0x119: {  	v44 =	vld [tilespmem:$0x740];
	v0 =	vsel vm13, v0, v38  }
0x11a: {  	v47 =	vld [tilespmem:$0x770];
	v0 =	vsel vm14, v0, v40  }
0x11b: {  	v4 =	vbroadcast v41, $0x3;
	v46 =	vld [tilespmem:$0x760];
	v3 =	vbroadcast v39, $0x8;
	[tilespmem:$0x860] =	vst v0  }
0x11c: {  	v2 =	vbroadcast v42, $0xE;
	v45 =	vld.msk [tilespmem:$0x750 ss:$0x0], $0xffff  }
0x11d: {  	v48 =	vld [tilespmem:$0x780];
	v3 =	vsel vm15, v3, v4;
	v1 =	vbroadcast v43, $0xA  }
0x11e: {  	v49 =	vld [tilespmem:$0x790];
	v2 =	vsel vm1, v3, v2;
	v0 =	vbroadcast v44, $0x5  }
0x11f: {  	v50 =	vld [tilespmem:$0x7A0];
	v1 =	vsel vm2, v2, v1  }
0x120: {  	v52 =	vld [tilespmem:$0x7B0];
	v51 =	vbroadcast v46, $0xB;
	v0 =	vsel vm3, v1, v0  }
0x121: {  	v53 =	vbroadcast v47, $0x6;
	v54 =	vld [tilespmem:$0x7C0];
	v0 =	vsel vm4, v0, v45  }
0x122: {  	v55 =	vbroadcast v48, $0x1;
	v56 =	vld [tilespmem:$0x7D0];
	v0 =	vsel vm5, v0, v51  }
0x123: {  	v57 =	vld [tilespmem:$0x7E0];
	v3 =	vbroadcast v49, $0xC;
	v0 =	vsel vm6, v0, v53  }
0x124: {  	v58 =	vbroadcast v50, $0x7;
	v0 =	vsel vm7, v0, v55  }
0x125: {  	v59 =	vbroadcast v52, $0x2;
	v0 =	vsel vm8, v0, v3  }
0x126: {  	v61 =	vld [tilespmem:$0x7F0];
	v60 =	vbroadcast v54, $0xD;
	v0 =	vsel vm9, v0, v58  }
0x127: {  	v62 =	vbroadcast v56, $0x8;
	v0 =	vsel vm10, v0, v59  }
0x128: {  	v63 =	vbroadcast v57, $0x3;
	v0 =	vsel vm11, v0, v60  }
0x129: {  	v0 =	vsel vm12, v0, v62  }
0x12a: {  	v0 =	vsel vm13, v0, v63  }
0x12b: {  	p0 =	sne.s32 s7, $0x1;
	v0 =	vsel vm14, v0, v61  }
.Ltmp0:
0x12c: {  	[tilespmem:$0x870] =	vst v0;
	(pc) =	sbr.rel @p0 .LBB2_1-.Ltmp0, $4  }
0x12d: {  	[hbm4b:s6+s2] =	stream.linear.scatter [tilespmem:s9], [sflag:$0x1], $0x80, $0x38;
	[tilespmem:$0x880] =	vst v63  }
0x12e: {  	_ =	swait.ge [sflag:s8], $0x80  }
0x12f: {  	[sflag:s8] =	ssyncset.done $0x0  }
0x130: {  	s7 =	sadd.s32 $0xFFFFFFFF, s7;
	[sflag:s8] =	ssyncadd.s32 $0xFFFFFF80  }
0x131: {  	_ =	sfence.sel $0x180000  }
0x132: {  	[bflag:$0x0] =	sbarrier.arrive $0xFFFF  }
0x133: {  	p0 =	sne.s32 s1, $0x0;
	_ =	strace $0x90000047  }
0x134: {  	s0 =	sadd.s32 @!p0 $0x100000, s0;
	[bflag:$0x2] =	sbarrier.arrive $0xFFFF  }
0x135: {  	[sflag:s0] =	ssyncadd.tile.s32 @!p0 $0x1;
	_ =	shalt  }
.Lfunc_end2:
_tile_overlayer_lowered:
.L_overlay_start_2:
0x136: {  	(tag) =	ssettag $0x2  }
0x137: {  	s0 =	rddreg [dreg:$0x0];
	s2 =	stileid.u32  }
0x138: {  	s1 =	rddreg [dreg:$0x1];
	p0 =	sne.s32 s2, $0x0  }
0x139: {  	s3 =	rddreg [dreg:$0x2];
	[bflag:$0x3] =	sbarrier.arrive $0xFFFF;
	s2 =	simm.s32 @!p0 $0x1C01  }
0x13a: {  	[timem:s3], [sflag:s2] =	dma.local @!p0 [hbm:s0], s1  }
0x13b: {  	s0 =	simm.s32 @!p0 $0x1  }
0x13c: {  	_ =	swait.ge @!p0 [sflag:s0], s1  }
0x13d: {  	s1 =	ssub.s32 @!p0 $0x0, s1;
	[sflag:s0] =	ssyncset.done @!p0 $0x0  }
0x13e: {  	[sflag:s0] =	ssyncadd.s32 @!p0 s1  }
0x13f: {  	[bflag:$0x3] =	sbarrier.arrive $0xFFFF  }
0x140: {  	_ =	shalt  }

</sc_bundles>
